<compile_context>
chip_gen: v7x
topology: tpu7x:2x2x1
jax: 0.10.2.dev20260603
libtpu: 0.0.44.dev20260713+nightly
codegen_flags: <defaults>
</compile_context>

<pallas_src>
import functools

import jax
import jax.numpy as jnp
from jax import lax
from jax.experimental import pallas as pl
from jax.experimental.pallas import tpu as pltpu
from jax.experimental.pallas import tpu_sc as plsc

NC = 2
NS = 16
NW = NC * NS
LANES = 16
EB = 128
PF = 4
RB = 1280
F32 = jnp.float32
HIGH = lax.Precision.HIGHEST


def _mesh():
    return plsc.VectorSubcoreMesh(
        core_axis_name="c", subcore_axis_name="s", num_cores=NC, num_subcores=NS
    )



def _sc_deg_body(dst3_hbm, out_hbm, idx_v, deg_v, sem):
    c = lax.axis_index("c")
    s = lax.axis_index("s")
    wid = c * NS + s
    npad = deg_v.shape[0]
    nblk = dst3_hbm.shape[1]

    pltpu.async_copy(dst3_hbm.at[wid], idx_v, sem)

    zeros16 = jnp.zeros((LANES,), F32)
    def zero_body(i, carry):
        deg_v[pl.ds(i * LANES, LANES)] = zeros16
        return carry
    lax.fori_loop(0, npad // LANES, zero_body, 0)

    pltpu.make_async_copy(dst3_hbm.at[wid], idx_v, sem).wait()
    ones16 = jnp.ones((LANES,), F32)

    def body(j, carry):
        for k in range(EB // LANES):
            d = idx_v[j, pl.ds(k * LANES, LANES)]
            plsc.addupdate_scatter(deg_v, [d], ones16)
        return carry
    lax.fori_loop(0, nblk, body, 0)

    pltpu.sync_copy(deg_v, out_hbm.at[wid])


def _sc_agg_body(m_hbm, ei5_hbm, out_hbm, pa_v, pb_v, rows_a, rows_b,
                 sem_pa, sem_pb, sem_a0, sem_b0, acc_sh, *, gi=0, si=1):
    c = lax.axis_index("c")
    s = lax.axis_index("s")
    wid = c * NS + s
    npad = m_hbm.shape[0]
    width = m_hbm.shape[1]
    npanel = ei5_hbm.shape[1]
    rpt = npad // NS
    row0 = s * rpt

    pltpu.async_copy(ei5_hbm.at[wid, 0], pa_v, sem_pa)

    zeros16 = jnp.zeros((LANES,), F32)
    def zero_body(i, carry):
        for k in range(width // LANES):
            rows_a[i, pl.ds(k * LANES, LANES)] = zeros16
        return carry
    lax.fori_loop(0, EB, zero_body, 0)
    for q in range(rpt // EB):
        pltpu.async_copy(rows_a, acc_sh.at[pl.ds(row0 + q * EB, EB)], sem_a0)
    for q in range(rpt // EB):
        pltpu.make_async_copy(rows_a, acc_sh.at[pl.ds(row0 + q * EB, EB)],
                              sem_a0).wait()
    plsc.subcore_barrier()

    slots = (rows_a, rows_b)
    sems = (sem_a0, sem_b0)

    def start_gather(panel, b, sl):
        pltpu.async_copy(m_hbm.at[panel.at[b, gi]], slots[sl], sems[sl])

    def wait_scat(panel, b, sl):
        pltpu.make_async_copy(m_hbm.at[panel.at[b, gi]], slots[sl],
                              sems[sl]).wait()
        pltpu.sync_copy(slots[sl], acc_sh.at[panel.at[b, si]], add=True)

    def load_panel(p_idx, panel, sem):
        pltpu.async_copy(ei5_hbm.at[wid, p_idx], panel, sem)

    def wait_panel(panel, sem):
        pltpu.make_async_copy(ei5_hbm.at[wid, 0], panel, sem).wait()

    wait_panel(pa_v, sem_pa)
    start_gather(pa_v, 0, 0)
    load_panel(1, pb_v, sem_pb)

    npq = npanel // 2

    def body(q, carry):
        for b in range(PF):
            if b < PF - 1:
                start_gather(pa_v, b + 1, (b + 1) % 2)
            else:
                wait_panel(pb_v, sem_pb)
                start_gather(pb_v, 0, 0)
            wait_scat(pa_v, b, b % 2)

        @pl.when(q < npq - 1)
        def _():
            load_panel(2 * q + 2, pa_v, sem_pa)

        for b in range(PF):
            if b < PF - 1:
                start_gather(pb_v, b + 1, (b + 1) % 2)
            else:
                @pl.when(q < npq - 1)
                def _():
                    wait_panel(pa_v, sem_pa)
                    start_gather(pa_v, 0, 0)
            wait_scat(pb_v, b, b % 2)

        @pl.when(q < npq - 1)
        def _():
            load_panel(2 * q + 3, pb_v, sem_pb)
        return carry
    lax.fori_loop(0, npq, body, 0)
    plsc.subcore_barrier()

    pltpu.sync_copy(acc_sh.at[pl.ds(row0, rpt)], out_hbm.at[c, pl.ds(row0, rpt)])


def _sc_deg(dst3, npad):
    nblk = dst3.shape[1]
    fn = pl.kernel(
        _sc_deg_body,
        out_type=jax.ShapeDtypeStruct((NW, npad), F32),
        mesh=_mesh(),
        compiler_params=pltpu.CompilerParams(needs_layout_passes=False),
        scratch_types=[
            pltpu.VMEM((nblk, EB), jnp.int32),
            pltpu.VMEM((npad,), F32),
            pltpu.SemaphoreType.DMA,
        ],
    )
    return fn(dst3)


def _sc_agg(m, ei5, swap=False):
    npad, width = m.shape
    fn = pl.kernel(
        functools.partial(_sc_agg_body, gi=1 if swap else 0,
                          si=0 if swap else 1),
        out_type=jax.ShapeDtypeStruct((NC, npad, width), F32),
        mesh=_mesh(),
        compiler_params=pltpu.CompilerParams(needs_layout_passes=False,
                                             use_tc_tiling_on_sc=False),
        scratch_types=[
            pltpu.VMEM((PF, 2, EB), jnp.int32),
            pltpu.VMEM((PF, 2, EB), jnp.int32),
            pltpu.VMEM((EB, width), F32),
            pltpu.VMEM((EB, width), F32),
            pltpu.SemaphoreType.DMA,
            pltpu.SemaphoreType.DMA,
            pltpu.SemaphoreType.DMA,
            pltpu.SemaphoreType.DMA,
            pltpu.VMEM_SHARED((npad, width), F32),
        ],
    )
    return fn(m, ei5)



def _tc0_body(degp_ref, x_ref, w_ref, batch_ref, dinv_ref, m_ref, r_ref):
    deg = jnp.sum(degp_ref[...], axis=0) + 1.0
    dinv = lax.rsqrt(deg)[:, None]
    dinv_ref[...] = dinv
    t = jnp.dot(x_ref[...], w_ref[...], precision=HIGH,
                preferred_element_type=F32)
    m_ref[...] = t * dinv
    g = lax.broadcasted_iota(jnp.int32, (1, 64), 1)
    r_ref[...] = (batch_ref[...] == g).astype(F32) * dinv


def _tc_layer_body(p_ref, m_ref, dinv_ref, b_ref, w_ref, out_ref):
    dinv = dinv_ref[...]
    h = jnp.maximum((p_ref[0] + p_ref[1] + m_ref[...]) * dinv + b_ref[...],
                    0.0)
    t = jnp.dot(h, w_ref[...], precision=HIGH, preferred_element_type=F32)
    out_ref[...] = t * dinv


def _tc_final_body(cp_ref, m_ref, dinv_ref, b_ref, batch_ref, wl_ref, bl_ref,
                   out_ref, pool_s, agg_s, cnt_s):
    i = pl.program_id(0)

    @pl.when(i == 0)
    def _init():
        pool_s[...] = jnp.zeros_like(pool_s)
        agg_s[...] = jnp.zeros_like(agg_s)
        cnt_s[...] = jnp.zeros_like(cnt_s)

    dinv = dinv_ref[...]
    m3 = m_ref[...]
    h3self = m3 * dinv
    g = lax.broadcasted_iota(jnp.int32, (1, 128), 1)
    oh = (batch_ref[...] == g).astype(F32)
    pool_s[...] += lax.dot_general(oh, h3self, (((0,), (0,)), ((), ())),
                                   precision=HIGH, preferred_element_type=F32)
    cb = cp_ref[0] + cp_ref[1]
    agg_s[...] += lax.dot_general(cb, m3, (((0,), (0,)), ((), ())),
                                  precision=HIGH, preferred_element_type=F32)
    cnt_s[...] += jnp.sum(oh, axis=0)[None, :]

    @pl.when(i == pl.num_programs(0) - 1)
    def _fin():
        cnt = jnp.maximum(cnt_s[...], 1.0)
        c64 = cnt[0, :64][:, None]
        total = pool_s[...][:64] + agg_s[...] + c64 * b_ref[...]
        pooled = total / c64
        out_ref[...] = jnp.dot(pooled, wl_ref[...], precision=HIGH,
                               preferred_element_type=F32) + bl_ref[...]


def _tc0(degp, xp, w1, batch2d):
    npad, f = xp.shape
    h = w1.shape[1]
    return pl.pallas_call(
        _tc0_body,
        grid=(npad // RB,),
        in_specs=[
            pl.BlockSpec((NW, RB), lambda i: (0, i)),
            pl.BlockSpec((RB, f), lambda i: (i, 0)),
            pl.BlockSpec((f, h), lambda i: (0, 0)),
            pl.BlockSpec((RB, 1), lambda i: (i, 0)),
        ],
        out_specs=[
            pl.BlockSpec((RB, 1), lambda i: (i, 0)),
            pl.BlockSpec((RB, h), lambda i: (i, 0)),
            pl.BlockSpec((RB, 64), lambda i: (i, 0)),
        ],
        out_shape=[
            jax.ShapeDtypeStruct((npad, 1), F32),
            jax.ShapeDtypeStruct((npad, h), F32),
            jax.ShapeDtypeStruct((npad, 64), F32),
        ],
    )(degp, xp, w1, batch2d)


def _tc_layer(p, m, dinv, b, w):
    npad, h = m.shape
    return pl.pallas_call(
        _tc_layer_body,
        grid=(npad // RB,),
        in_specs=[
            pl.BlockSpec((NC, RB, h), lambda i: (0, i, 0)),
            pl.BlockSpec((RB, h), lambda i: (i, 0)),
            pl.BlockSpec((RB, 1), lambda i: (i, 0)),
            pl.BlockSpec((1, h), lambda i: (0, 0)),
            pl.BlockSpec((h, h), lambda i: (0, 0)),
        ],
        out_specs=pl.BlockSpec((RB, h), lambda i: (i, 0)),
        out_shape=jax.ShapeDtypeStruct((npad, h), F32),
    )(p, m, dinv, b, w)


def _tc_final(cp, m, dinv, b, batch2d, wlp, blp):
    npad, h = m.shape
    return pl.pallas_call(
        _tc_final_body,
        grid=(npad // RB,),
        in_specs=[
            pl.BlockSpec((NC, RB, 64), lambda i: (0, i, 0)),
            pl.BlockSpec((RB, h), lambda i: (i, 0)),
            pl.BlockSpec((RB, 1), lambda i: (i, 0)),
            pl.BlockSpec((1, h), lambda i: (0, 0)),
            pl.BlockSpec((RB, 1), lambda i: (i, 0)),
            pl.BlockSpec((h, 128), lambda i: (0, 0)),
            pl.BlockSpec((1, 128), lambda i: (0, 0)),
        ],
        out_specs=pl.BlockSpec((64, 128), lambda i: (0, 0)),
        out_shape=jax.ShapeDtypeStruct((64, 128), F32),
        scratch_shapes=[
            pltpu.VMEM((128, 128), F32),
            pltpu.VMEM((64, 128), F32),
            pltpu.VMEM((1, 128), F32),
        ],
    )(cp, m, dinv, b, batch2d, wlp, blp)



def kernel(x, edge_index, batch, W1, b1, W2, b2, W3, b3, Wl, bl):
    n, f = x.shape
    h = W1.shape[1]
    c = Wl.shape[1]
    e = edge_index.shape[1]
    npad = ((n + RB - 1) // RB) * RB

    xp = jnp.pad(x, ((0, npad - n), (0, 0)))
    batch2d = jnp.pad(batch, (0, npad - n), constant_values=127)[:, None]
    b1r = b1[None, :]
    b2r = b2[None, :]
    b3r = b3[None, :]
    wlp = jnp.pad(Wl, ((0, 0), (0, 128 - c)))
    blp = jnp.pad(bl, (0, 128 - c))[None, :]

    chunk = NW * PF * EB * 2
    ep = ((e + chunk - 1) // chunk) * chunk
    pad = ep - e
    pidx = jnp.arange(pad, dtype=edge_index.dtype)
    srcp = jnp.concatenate([edge_index[0], pidx % n])
    dstp = jnp.concatenate([edge_index[1], n + pidx % (npad - n)])
    ei5 = jnp.concatenate(
        [srcp.reshape(NW, -1, PF, 1, EB), dstp.reshape(NW, -1, PF, 1, EB)],
        axis=3)
    dst3 = dstp.reshape(NW, -1, EB)

    degp = _sc_deg(dst3, npad)
    dinv, m1, r = _tc0(degp, xp, W1, batch2d)
    p1 = _sc_agg(m1, ei5)
    cp = _sc_agg(r, ei5, swap=True)
    m2 = _tc_layer(p1, m1, dinv, b1r, W2)
    p2 = _sc_agg(m2, ei5)
    m3 = _tc_layer(p2, m2, dinv, b2r, W3)
    out = _tc_final(cp, m3, dinv, b3r, batch2d, wlp, blp)
    return out[:, :c]

# --- scband reference (transcript-rebuilt; emitter-appended) ---
"""Pipeline reference for scband-protein-gcn-40518721470743 (READ-ONLY COPY).

The authoritative reference and input builder live on the scoring server;
editing this copy changes nothing except your own understanding.
"""

import jax, jax.numpy as jnp
import numpy as np

N = 10000
E = 320000
F_IN = 128
H = 128
C = 10
G = 64


def setup_inputs(seed: int = 0) -> dict:
    key = jax.random.key(seed)
    ks = jax.random.split(key, 12)
    x = jax.random.normal(ks[0], (N, F_IN), dtype=jnp.float32)
    edge_index = jax.random.randint(ks[1], (2, E), 0, N, dtype=jnp.int32)
    batch = jnp.sort(jax.random.randint(ks[2], (N,), 0, G, dtype=jnp.int32))
    s = 0.05
    W1 = jax.random.normal(ks[3], (F_IN, H), dtype=jnp.float32) * s
    b1 = jnp.zeros((H,), dtype=jnp.float32)
    W2 = jax.random.normal(ks[4], (H, H), dtype=jnp.float32) * s
    b2 = jnp.zeros((H,), dtype=jnp.float32)
    W3 = jax.random.normal(ks[5], (H, H), dtype=jnp.float32) * s
    b3 = jnp.zeros((H,), dtype=jnp.float32)
    Wl = jax.random.normal(ks[6], (H, C), dtype=jnp.float32) * s
    bl = jnp.zeros((C,), dtype=jnp.float32)
    return {"x": x, "edge_index": edge_index, "batch": batch,
            "W1": W1, "b1": b1, "W2": W2, "b2": b2, "W3": W3, "b3": b3,
            "Wl": Wl, "bl": bl}


def _gcn_conv(h, W, b, src, dst, deg_inv):
    # PyG GCNConv: linear transform, then sym-normalized aggregation (self-loops added), then bias
    h = h @ W
    norm = deg_inv[src] * deg_inv[dst]
    msg = h[src] * norm[:, None]
    out = jax.ops.segment_sum(msg, dst, num_segments=N)
    return out + b


def reference(x, edge_index, batch, W1, b1, W2, b2, W3, b3, Wl, bl):
    loop = jnp.arange(N, dtype=edge_index.dtype)
    src = jnp.concatenate([edge_index[0], loop])
    dst = jnp.concatenate([edge_index[1], loop])
    deg = jax.ops.segment_sum(jnp.ones((src.shape[0],), dtype=x.dtype), dst, num_segments=N)
    deg_inv = jnp.where(deg > 0, jax.lax.rsqrt(deg), 0.0)

    h = jax.nn.relu(_gcn_conv(x, W1, b1, src, dst, deg_inv))
    h = jax.nn.relu(_gcn_conv(h, W2, b2, src, dst, deg_inv))
    h = _gcn_conv(h, W3, b3, src, dst, deg_inv)

    # global_mean_pool over batch ids
    counts = jax.ops.segment_sum(jnp.ones((N,), dtype=h.dtype), batch, num_segments=G)
    pooled = jax.ops.segment_sum(h, batch, num_segments=G)
    pooled = pooled / jnp.clip(counts, 1.0)[:, None]

    # dropout is identity in eval mode
    out = pooled @ Wl + bl
    return out

if __name__ == "__main__":
    import jax
    _d = setup_inputs()
    print(jax.jit(kernel)(*tuple(_d.values())))

</pallas_src>

<mosaic_0001>
#map = affine_map<(d0, d1) -> (0, 0, 0)>
#map1 = affine_map<(d0, d1) -> (0, 0)>
module attributes {stable_mosaic.version = 14 : i64} {
  func.func @_sc_deg_body(%arg0: i32, %arg1: i32, %arg2: memref<32x80x128xi32, #tpu.memory_space<hbm>>, %arg3: memref<32x10240xf32, #tpu.memory_space<hbm>>, %arg4: memref<80x128xi32, #tpu.memory_space<vmem>>, %arg5: memref<10240xf32, #tpu.memory_space<vmem>>, %arg6: memref<!tpu.dma_semaphore, #tpu.memory_space<semaphore_mem>>) attributes {dimension_semantics = [#tpu.dimension_semantics<core_parallel>, #tpu.dimension_semantics<subcore_parallel>], iteration_bounds = array<i64: 2, 16>, scalar_prefetch = 0 : i64, scratch_operands = 3 : i64, tpu.core_type = #tpu.core_type<sc_vector_subcore>, window_params = [{transform_indices = #map}, {transform_indices = #map1}]} {
    %mul3A = arith.constant 16 : i32
    %mul3A_0 = arith.muli %arg0, %mul3A : i32
    %add3A = arith.addi %mul3A_0, %arg1 : i32
    %dma_start3A = arith.constant 0 : i32
    %dma_start3A_1 = arith.constant 0 : i32
    %dma_start3A_2 = tpu.memref_slice %arg2[%add3A, %dma_start3A, %dma_start3A_1] : memref<32x80x128xi32, #tpu.memory_space<hbm>> -> memref<1x80x128xi32, #tpu.memory_space<hbm>>
    %dma_start3A_3 = tpu.memref_squeeze %dma_start3A_2 : memref<1x80x128xi32, #tpu.memory_space<hbm>> -> memref<80x128xi32, #tpu.memory_space<hbm>>
    %dma_start3A_4 = arith.constant 0 : i32
    %dma_start3A_5 = arith.constant 0 : i32
    %dma_start3A_6 = tpu.memref_slice %arg2[%add3A, %dma_start3A_4, %dma_start3A_5] : memref<32x80x128xi32, #tpu.memory_space<hbm>> -> memref<1x80x128xi32, #tpu.memory_space<hbm>>
    %dma_start3A_7 = tpu.memref_squeeze %dma_start3A_6 : memref<1x80x128xi32, #tpu.memory_space<hbm>> -> memref<80x128xi32, #tpu.memory_space<hbm>>
    tpu.enqueue_dma source(%dma_start3A_7 : memref<80x128xi32, #tpu.memory_space<hbm>>) target(%arg4 : memref<80x128xi32, #tpu.memory_space<vmem>>) target_semaphore(%arg6 : memref<!tpu.dma_semaphore, #tpu.memory_space<semaphore_mem>>)
    %broadcast_in_dim3A = arith.constant 0.000000e+00 : f32
    %broadcast_in_dim3A_8 = vector.broadcast %broadcast_in_dim3A : f32 to vector<16xf32>
    %scan3A = arith.constant 0 : i32
    %scan3A_9 = arith.constant 0 : i32
    %scan3A_10 = arith.constant 640 : i32
    %scan3A_11 = arith.addi %scan3A_9, %scan3A_10 : i32
    %scan3A_12 = arith.constant 1 : i32
    scf.for %scan3A_29 = %scan3A_9 to %scan3A_11 step %scan3A_12  : i32 {
      %mul3A_30 = arith.constant 16 : i32
      %mul3A_31 = arith.muli %scan3A_29, %mul3A_30 : i32
      %swap3A = arith.index_cast %mul3A_31 : i32 to index
      %swap3A_32 = tpu.vector_load %arg5[%swap3A] {strides = array<i32>} : memref<10240xf32, #tpu.memory_space<vmem>>, vector<16xf32>,
      tpu.vector_store %arg5[%swap3A], %broadcast_in_dim3A_8 {strides = array<i32>} : memref<10240xf32, #tpu.memory_space<vmem>>, vector<16xf32>,
    }
    %scan3A_13 = arith.constant 640 : i32
    %dma_wait3A = arith.constant 0 : i32
    %dma_wait3A_14 = arith.constant 0 : i32
    %dma_wait3A_15 = tpu.memref_slice %arg2[%add3A, %dma_wait3A, %dma_wait3A_14] : memref<32x80x128xi32, #tpu.memory_space<hbm>> -> memref<1x80x128xi32, #tpu.memory_space<hbm>>
    %dma_wait3A_16 = tpu.memref_squeeze %dma_wait3A_15 : memref<1x80x128xi32, #tpu.memory_space<hbm>> -> memref<80x128xi32, #tpu.memory_space<hbm>>
    %dma_wait3A_17 = arith.constant 0 : i32
    %dma_wait3A_18 = arith.constant 0 : i32
    %dma_wait3A_19 = tpu.memref_slice %arg2[%add3A, %dma_wait3A_17, %dma_wait3A_18] : memref<32x80x128xi32, #tpu.memory_space<hbm>> -> memref<1x80x128xi32, #tpu.memory_space<hbm>>
    %dma_wait3A_20 = tpu.memref_squeeze %dma_wait3A_19 : memref<1x80x128xi32, #tpu.memory_space<hbm>> -> memref<80x128xi32, #tpu.memory_space<hbm>>
    tpu.wait_dma2 semaphore(%arg6 : memref<!tpu.dma_semaphore, #tpu.memory_space<semaphore_mem>>) src(%dma_wait3A_20 : memref<80x128xi32, #tpu.memory_space<hbm>>) dst(%arg4 : memref<80x128xi32, #tpu.memory_space<vmem>>)
    %broadcast_in_dim3A_21 = arith.constant 1.000000e+00 : f32
    %broadcast_in_dim3A_22 = vector.broadcast %broadcast_in_dim3A_21 : f32 to vector<16xf32>
    %scan3A_23 = arith.constant 0 : i32
    %scan3A_24 = arith.constant 0 : i32
    %scan3A_25 = arith.constant 80 : i32
    %scan3A_26 = arith.addi %scan3A_24, %scan3A_25 : i32
    %scan3A_27 = arith.constant 1 : i32
    scf.for %scan3A_29 = %scan3A_24 to %scan3A_26 step %scan3A_27  : i32 {
      %get3A = arith.index_cast %scan3A_29 : i32 to index
      %get3A_30 = arith.constant 0 : index
      %get3A_31 = tpu.vector_load %arg4[%get3A, %get3A_30] {strides = array<i32>} : memref<80x128xi32, #tpu.memory_space<vmem>>, vector<16xi32>,
      tpu.vector_store_idx %arg5[%get3A_31], %broadcast_in_dim3A_22 {add = true} : memref<10240xf32, #tpu.memory_space<vmem>>[vector<16xi32>], vector<16xf32>,
      %get3A_32 = arith.index_cast %scan3A_29 : i32 to index
      %get3A_33 = arith.constant 16 : index
      %get3A_34 = tpu.vector_load %arg4[%get3A_32, %get3A_33] {strides = array<i32>} : memref<80x128xi32, #tpu.memory_space<vmem>>, vector<16xi32>,
      tpu.vector_store_idx %arg5[%get3A_34], %broadcast_in_dim3A_22 {add = true} : memref<10240xf32, #tpu.memory_space<vmem>>[vector<16xi32>], vector<16xf32>,
      %get3A_35 = arith.index_cast %scan3A_29 : i32 to index
      %get3A_36 = arith.constant 32 : index
      %get3A_37 = tpu.vector_load %arg4[%get3A_35, %get3A_36] {strides = array<i32>} : memref<80x128xi32, #tpu.memory_space<vmem>>, vector<16xi32>,
      tpu.vector_store_idx %arg5[%get3A_37], %broadcast_in_dim3A_22 {add = true} : memref<10240xf32, #tpu.memory_space<vmem>>[vector<16xi32>], vector<16xf32>,
      %get3A_38 = arith.index_cast %scan3A_29 : i32 to index
      %get3A_39 = arith.constant 48 : index
      %get3A_40 = tpu.vector_load %arg4[%get3A_38, %get3A_39] {strides = array<i32>} : memref<80x128xi32, #tpu.memory_space<vmem>>, vector<16xi32>,
      tpu.vector_store_idx %arg5[%get3A_40], %broadcast_in_dim3A_22 {add = true} : memref<10240xf32, #tpu.memory_space<vmem>>[vector<16xi32>], vector<16xf32>,
      %get3A_41 = arith.index_cast %scan3A_29 : i32 to index
      %get3A_42 = arith.constant 64 : index
      %get3A_43 = tpu.vector_load %arg4[%get3A_41, %get3A_42] {strides = array<i32>} : memref<80x128xi32, #tpu.memory_space<vmem>>, vector<16xi32>,
      tpu.vector_store_idx %arg5[%get3A_43], %broadcast_in_dim3A_22 {add = true} : memref<10240xf32, #tpu.memory_space<vmem>>[vector<16xi32>], vector<16xf32>,
      %get3A_44 = arith.index_cast %scan3A_29 : i32 to index
      %get3A_45 = arith.constant 80 : index
      %get3A_46 = tpu.vector_load %arg4[%get3A_44, %get3A_45] {strides = array<i32>} : memref<80x128xi32, #tpu.memory_space<vmem>>, vector<16xi32>,
      tpu.vector_store_idx %arg5[%get3A_46], %broadcast_in_dim3A_22 {add = true} : memref<10240xf32, #tpu.memory_space<vmem>>[vector<16xi32>], vector<16xf32>,
      %get3A_47 = arith.index_cast %scan3A_29 : i32 to index
      %get3A_48 = arith.constant 96 : index
      %get3A_49 = tpu.vector_load %arg4[%get3A_47, %get3A_48] {strides = array<i32>} : memref<80x128xi32, #tpu.memory_space<vmem>>, vector<16xi32>,
      tpu.vector_store_idx %arg5[%get3A_49], %broadcast_in_dim3A_22 {add = true} : memref<10240xf32, #tpu.memory_space<vmem>>[vector<16xi32>], vector<16xf32>,
      %get3A_50 = arith.index_cast %scan3A_29 : i32 to index
      %get3A_51 = arith.constant 112 : index
      %get3A_52 = tpu.vector_load %arg4[%get3A_50, %get3A_51] {strides = array<i32>} : memref<80x128xi32, #tpu.memory_space<vmem>>, vector<16xi32>,
      tpu.vector_store_idx %arg5[%get3A_52], %broadcast_in_dim3A_22 {add = true} : memref<10240xf32, #tpu.memory_space<vmem>>[vector<16xi32>], vector<16xf32>,
    }
    %scan3A_28 = arith.constant 80 : i32
    "tpu.region"() ({
      %run_scoped3A = tpu.sem_alloc : memref<!tpu.dma_semaphore, #tpu.memory_space<semaphore_mem>>
      %dma_start3A_29 = arith.constant 0 : i32
      %dma_start3A_30 = tpu.memref_slice %arg3[%add3A, %dma_start3A_29] : memref<32x10240xf32, #tpu.memory_space<hbm>> -> memref<1x10240xf32, #tpu.memory_space<hbm>>
      %dma_start3A_31 = tpu.memref_squeeze %dma_start3A_30 : memref<1x10240xf32, #tpu.memory_space<hbm>> -> memref<10240xf32, #tpu.memory_space<hbm>>
      %dma_start3A_32 = arith.constant 0 : i32
      %dma_start3A_33 = tpu.memref_slice %arg3[%add3A, %dma_start3A_32] : memref<32x10240xf32, #tpu.memory_space<hbm>> -> memref<1x10240xf32, #tpu.memory_space<hbm>>
      %dma_start3A_34 = tpu.memref_squeeze %dma_start3A_33 : memref<1x10240xf32, #tpu.memory_space<hbm>> -> memref<10240xf32, #tpu.memory_space<hbm>>
      tpu.enqueue_dma source(%arg5 : memref<10240xf32, #tpu.memory_space<vmem>>) target(%dma_start3A_34 : memref<10240xf32, #tpu.memory_space<hbm>>) target_semaphore(%run_scoped3A : memref<!tpu.dma_semaphore, #tpu.memory_space<semaphore_mem>>)
      %dma_wait3A_35 = arith.constant 0 : i32
      %dma_wait3A_36 = tpu.memref_slice %arg3[%add3A, %dma_wait3A_35] : memref<32x10240xf32, #tpu.memory_space<hbm>> -> memref<1x10240xf32, #tpu.memory_space<hbm>>
      %dma_wait3A_37 = tpu.memref_squeeze %dma_wait3A_36 : memref<1x10240xf32, #tpu.memory_space<hbm>> -> memref<10240xf32, #tpu.memory_space<hbm>>
      %dma_wait3A_38 = arith.constant 0 : i32
      %dma_wait3A_39 = tpu.memref_slice %arg3[%add3A, %dma_wait3A_38] : memref<32x10240xf32, #tpu.memory_space<hbm>> -> memref<1x10240xf32, #tpu.memory_space<hbm>>
      %dma_wait3A_40 = tpu.memref_squeeze %dma_wait3A_39 : memref<1x10240xf32, #tpu.memory_space<hbm>> -> memref<10240xf32, #tpu.memory_space<hbm>>
      tpu.wait_dma2 semaphore(%run_scoped3A : memref<!tpu.dma_semaphore, #tpu.memory_space<semaphore_mem>>) src(%arg5 : memref<10240xf32, #tpu.memory_space<vmem>>) dst(%dma_wait3A_40 : memref<10240xf32, #tpu.memory_space<hbm>>)
      tpu.yield
    }) : () -> ()
    return
  }
}

#map = affine_map<(d0, d1) -> (0, 0)>
#map1 = affine_map<(d0, d1) -> (0, 0, 0, 0, 0)>
#map2 = affine_map<(d0, d1) -> (0, 0, 0)>
module attributes {stable_mosaic.version = 14 : i64} {
  func.func @_sc_agg_body(%arg0: i32, %arg1: i32, %arg2: memref<10240x128xf32, #tpu.memory_space<hbm>>, %arg3: memref<32x20x4x2x128xi32, #tpu.memory_space<hbm>>, %arg4: memref<2x10240x128xf32, #tpu.memory_space<hbm>>, %arg5: memref<4x2x128xi32, #tpu.memory_space<vmem>>, %arg6: memref<4x2x128xi32, #tpu.memory_space<vmem>>, %arg7: memref<128x128xf32, #tpu.memory_space<vmem>>, %arg8: memref<128x128xf32, #tpu.memory_space<vmem>>, %arg9: memref<!tpu.dma_semaphore, #tpu.memory_space<semaphore_mem>>, %arg10: memref<!tpu.dma_semaphore, #tpu.memory_space<semaphore_mem>>, %arg11: memref<!tpu.dma_semaphore, #tpu.memory_space<semaphore_mem>>, %arg12: memref<!tpu.dma_semaphore, #tpu.memory_space<semaphore_mem>>, %arg13: memref<10240x128xf32, #tpu.memory_space<vmem_shared>>) attributes {dimension_semantics = [#tpu.dimension_semantics<core_parallel>, #tpu.dimension_semantics<subcore_parallel>], iteration_bounds = array<i64: 2, 16>, scalar_prefetch = 0 : i64, scratch_operands = 9 : i64, tpu.core_type = #tpu.core_type<sc_vector_subcore>, window_params = [{transform_indices = #map}, {transform_indices = #map1}, {transform_indices = #map2}]} {
    %mul3A = arith.constant 16 : i32
    %mul3A_0 = arith.muli %arg0, %mul3A : i32
    %add3A = arith.addi %mul3A_0, %arg1 : i32
    %mul3A_1 = arith.constant 640 : i32
    %mul3A_2 = arith.muli %arg1, %mul3A_1 : i32
    %dma_start3A = arith.constant 0 : i32
    %dma_start3A_3 = arith.constant 0 : i32
    %dma_start3A_4 = arith.constant 0 : i32
    %dma_start3A_5 = arith.constant 0 : i32
    %dma_start3A_6 = tpu.memref_slice %arg3[%add3A, %dma_start3A, %dma_start3A_3, %dma_start3A_4, %dma_start3A_5] : memref<32x20x4x2x128xi32, #tpu.memory_space<hbm>> -> memref<1x1x4x2x128xi32, #tpu.memory_space<hbm>>
    %dma_start3A_7 = tpu.memref_squeeze %dma_start3A_6 : memref<1x1x4x2x128xi32, #tpu.memory_space<hbm>> -> memref<4x2x128xi32, #tpu.memory_space<hbm>>
    %dma_start3A_8 = arith.constant 0 : i32
    %dma_start3A_9 = arith.constant 0 : i32
    %dma_start3A_10 = arith.constant 0 : i32
    %dma_start3A_11 = tpu.memref_slice %arg3[%add3A, %dma_start3A, %dma_start3A_8, %dma_start3A_9, %dma_start3A_10] : memref<32x20x4x2x128xi32, #tpu.memory_space<hbm>> -> memref<1x1x4x2x128xi32, #tpu.memory_space<hbm>>
    %dma_start3A_12 = tpu.memref_squeeze %dma_start3A_11 : memref<1x1x4x2x128xi32, #tpu.memory_space<hbm>> -> memref<4x2x128xi32, #tpu.memory_space<hbm>>
    tpu.enqueue_dma source(%dma_start3A_12 : memref<4x2x128xi32, #tpu.memory_space<hbm>>) target(%arg5 : memref<4x2x128xi32, #tpu.memory_space<vmem>>) target_semaphore(%arg9 : memref<!tpu.dma_semaphore, #tpu.memory_space<semaphore_mem>>)
    %broadcast_in_dim3A = arith.constant 0.000000e+00 : f32
    %broadcast_in_dim3A_13 = vector.broadcast %broadcast_in_dim3A : f32 to vector<16xf32>
    %scan3A = arith.constant 0 : i32
    %scan3A_14 = arith.constant 0 : i32
    %scan3A_15 = arith.constant 128 : i32
    %scan3A_16 = arith.addi %scan3A_14, %scan3A_15 : i32
    %scan3A_17 = arith.constant 1 : i32
    scf.for %scan3A_115 = %scan3A_14 to %scan3A_16 step %scan3A_17  : i32 {
      %swap3A = arith.index_cast %scan3A_115 : i32 to index
      %swap3A_116 = arith.constant 0 : index
      %swap3A_117 = tpu.vector_load %arg7[%swap3A, %swap3A_116] {strides = array<i32>} : memref<128x128xf32, #tpu.memory_space<vmem>>, vector<16xf32>,
      tpu.vector_store %arg7[%swap3A, %swap3A_116], %broadcast_in_dim3A_13 {strides = array<i32>} : memref<128x128xf32, #tpu.memory_space<vmem>>, vector<16xf32>,
      %swap3A_118 = arith.index_cast %scan3A_115 : i32 to index
      %swap3A_119 = arith.constant 16 : index
      %swap3A_120 = tpu.vector_load %arg7[%swap3A_118, %swap3A_119] {strides = array<i32>} : memref<128x128xf32, #tpu.memory_space<vmem>>, vector<16xf32>,
      tpu.vector_store %arg7[%swap3A_118, %swap3A_119], %broadcast_in_dim3A_13 {strides = array<i32>} : memref<128x128xf32, #tpu.memory_space<vmem>>, vector<16xf32>,
      %swap3A_121 = arith.index_cast %scan3A_115 : i32 to index
      %swap3A_122 = arith.constant 32 : index
      %swap3A_123 = tpu.vector_load %arg7[%swap3A_121, %swap3A_122] {strides = array<i32>} : memref<128x128xf32, #tpu.memory_space<vmem>>, vector<16xf32>,
      tpu.vector_store %arg7[%swap3A_121, %swap3A_122], %broadcast_in_dim3A_13 {strides = array<i32>} : memref<128x128xf32, #tpu.memory_space<vmem>>, vector<16xf32>,
      %swap3A_124 = arith.index_cast %scan3A_115 : i32 to index
      %swap3A_125 = arith.constant 48 : index
      %swap3A_126 = tpu.vector_load %arg7[%swap3A_124, %swap3A_125] {strides = array<i32>} : memref<128x128xf32, #tpu.memory_space<vmem>>, vector<16xf32>,
      tpu.vector_store %arg7[%swap3A_124, %swap3A_125], %broadcast_in_dim3A_13 {strides = array<i32>} : memref<128x128xf32, #tpu.memory_space<vmem>>, vector<16xf32>,
      %swap3A_127 = arith.index_cast %scan3A_115 : i32 to index
      %swap3A_128 = arith.constant 64 : index
      %swap3A_129 = tpu.vector_load %arg7[%swap3A_127, %swap3A_128] {strides = array<i32>} : memref<128x128xf32, #tpu.memory_space<vmem>>, vector<16xf32>,
      tpu.vector_store %arg7[%swap3A_127, %swap3A_128], %broadcast_in_dim3A_13 {strides = array<i32>} : memref<128x128xf32, #tpu.memory_space<vmem>>, vector<16xf32>,
      %swap3A_130 = arith.index_cast %scan3A_115 : i32 to index
      %swap3A_131 = arith.constant 80 : index
      %swap3A_132 = tpu.vector_load %arg7[%swap3A_130, %swap3A_131] {strides = array<i32>} : memref<128x128xf32, #tpu.memory_space<vmem>>, vector<16xf32>,
      tpu.vector_store %arg7[%swap3A_130, %swap3A_131], %broadcast_in_dim3A_13 {strides = array<i32>} : memref<128x128xf32, #tpu.memory_space<vmem>>, vector<16xf32>,
      %swap3A_133 = arith.index_cast %scan3A_115 : i32 to index
      %swap3A_134 = arith.constant 96 : index
      %swap3A_135 = tpu.vector_load %arg7[%swap3A_133, %swap3A_134] {strides = array<i32>} : memref<128x128xf32, #tpu.memory_space<vmem>>, vector<16xf32>,
      tpu.vector_store %arg7[%swap3A_133, %swap3A_134], %broadcast_in_dim3A_13 {strides = array<i32>} : memref<128x128xf32, #tpu.memory_space<vmem>>, vector<16xf32>,
      %swap3A_136 = arith.index_cast %scan3A_115 : i32 to index
      %swap3A_137 = arith.constant 112 : index
      %swap3A_138 = tpu.vector_load %arg7[%swap3A_136, %swap3A_137] {strides = array<i32>} : memref<128x128xf32, #tpu.memory_space<vmem>>, vector<16xf32>,
      tpu.vector_store %arg7[%swap3A_136, %swap3A_137], %broadcast_in_dim3A_13 {strides = array<i32>} : memref<128x128xf32, #tpu.memory_space<vmem>>, vector<16xf32>,
    }
    %scan3A_18 = arith.constant 128 : i32
    %add3A_19 = arith.constant 0 : i32
    %add3A_20 = arith.addi %mul3A_2, %add3A_19 : i32
    %dma_start3A_21 = arith.constant 0 : i32
    %dma_start3A_22 = tpu.memref_slice %arg13[%add3A_20, %dma_start3A_21] : memref<10240x128xf32, #tpu.memory_space<vmem_shared>> -> memref<128x128xf32, #tpu.memory_space<vmem_shared>>
    %dma_start3A_23 = arith.constant 0 : i32
    %dma_start3A_24 = tpu.memref_slice %arg13[%add3A_20, %dma_start3A_23] : memref<10240x128xf32, #tpu.memory_space<vmem_shared>> -> memref<128x128xf32, #tpu.memory_space<vmem_shared>>
    tpu.enqueue_dma source(%arg7 : memref<128x128xf32, #tpu.memory_space<vmem>>) target(%dma_start3A_24 : memref<128x128xf32, #tpu.memory_space<vmem_shared>>) target_semaphore(%arg11 : memref<!tpu.dma_semaphore, #tpu.memory_space<semaphore_mem>>)
    %add3A_25 = arith.constant 128 : i32
    %add3A_26 = arith.addi %mul3A_2, %add3A_25 : i32
    %dma_start3A_27 = arith.constant 0 : i32
    %dma_start3A_28 = tpu.memref_slice %arg13[%add3A_26, %dma_start3A_27] : memref<10240x128xf32, #tpu.memory_space<vmem_shared>> -> memref<128x128xf32, #tpu.memory_space<vmem_shared>>
    %dma_start3A_29 = arith.constant 0 : i32
    %dma_start3A_30 = tpu.memref_slice %arg13[%add3A_26, %dma_start3A_29] : memref<10240x128xf32, #tpu.memory_space<vmem_shared>> -> memref<128x128xf32, #tpu.memory_space<vmem_shared>>
    tpu.enqueue_dma source(%arg7 : memref<128x128xf32, #tpu.memory_space<vmem>>) target(%dma_start3A_30 : memref<128x128xf32, #tpu.memory_space<vmem_shared>>) target_semaphore(%arg11 : memref<!tpu.dma_semaphore, #tpu.memory_space<semaphore_mem>>)
    %add3A_31 = arith.constant 256 : i32
    %add3A_32 = arith.addi %mul3A_2, %add3A_31 : i32
    %dma_start3A_33 = arith.constant 0 : i32
    %dma_start3A_34 = tpu.memref_slice %arg13[%add3A_32, %dma_start3A_33] : memref<10240x128xf32, #tpu.memory_space<vmem_shared>> -> memref<128x128xf32, #tpu.memory_space<vmem_shared>>
    %dma_start3A_35 = arith.constant 0 : i32
    %dma_start3A_36 = tpu.memref_slice %arg13[%add3A_32, %dma_start3A_35] : memref<10240x128xf32, #tpu.memory_space<vmem_shared>> -> memref<128x128xf32, #tpu.memory_space<vmem_shared>>
    tpu.enqueue_dma source(%arg7 : memref<128x128xf32, #tpu.memory_space<vmem>>) target(%dma_start3A_36 : memref<128x128xf32, #tpu.memory_space<vmem_shared>>) target_semaphore(%arg11 : memref<!tpu.dma_semaphore, #tpu.memory_space<semaphore_mem>>)
    %add3A_37 = arith.constant 384 : i32
    %add3A_38 = arith.addi %mul3A_2, %add3A_37 : i32
    %dma_start3A_39 = arith.constant 0 : i32
    %dma_start3A_40 = tpu.memref_slice %arg13[%add3A_38, %dma_start3A_39] : memref<10240x128xf32, #tpu.memory_space<vmem_shared>> -> memref<128x128xf32, #tpu.memory_space<vmem_shared>>
    %dma_start3A_41 = arith.constant 0 : i32
    %dma_start3A_42 = tpu.memref_slice %arg13[%add3A_38, %dma_start3A_41] : memref<10240x128xf32, #tpu.memory_space<vmem_shared>> -> memref<128x128xf32, #tpu.memory_space<vmem_shared>>
    tpu.enqueue_dma source(%arg7 : memref<128x128xf32, #tpu.memory_space<vmem>>) target(%dma_start3A_42 : memref<128x128xf32, #tpu.memory_space<vmem_shared>>) target_semaphore(%arg11 : memref<!tpu.dma_semaphore, #tpu.memory_space<semaphore_mem>>)
    %add3A_43 = arith.constant 512 : i32
    %add3A_44 = arith.addi %mul3A_2, %add3A_43 : i32
    %dma_start3A_45 = arith.constant 0 : i32
    %dma_start3A_46 = tpu.memref_slice %arg13[%add3A_44, %dma_start3A_45] : memref<10240x128xf32, #tpu.memory_space<vmem_shared>> -> memref<128x128xf32, #tpu.memory_space<vmem_shared>>
    %dma_start3A_47 = arith.constant 0 : i32
    %dma_start3A_48 = tpu.memref_slice %arg13[%add3A_44, %dma_start3A_47] : memref<10240x128xf32, #tpu.memory_space<vmem_shared>> -> memref<128x128xf32, #tpu.memory_space<vmem_shared>>
    tpu.enqueue_dma source(%arg7 : memref<128x128xf32, #tpu.memory_space<vmem>>) target(%dma_start3A_48 : memref<128x128xf32, #tpu.memory_space<vmem_shared>>) target_semaphore(%arg11 : memref<!tpu.dma_semaphore, #tpu.memory_space<semaphore_mem>>)
    %add3A_49 = arith.constant 0 : i32
    %add3A_50 = arith.addi %mul3A_2, %add3A_49 : i32
    %dma_wait3A = arith.constant 0 : i32
    %dma_wait3A_51 = tpu.memref_slice %arg13[%add3A_50, %dma_wait3A] : memref<10240x128xf32, #tpu.memory_space<vmem_shared>> -> memref<128x128xf32, #tpu.memory_space<vmem_shared>>
    %dma_wait3A_52 = arith.constant 0 : i32
    %dma_wait3A_53 = tpu.memref_slice %arg13[%add3A_50, %dma_wait3A_52] : memref<10240x128xf32, #tpu.memory_space<vmem_shared>> -> memref<128x128xf32, #tpu.memory_space<vmem_shared>>
    tpu.wait_dma2 semaphore(%arg11 : memref<!tpu.dma_semaphore, #tpu.memory_space<semaphore_mem>>) src(%arg7 : memref<128x128xf32, #tpu.memory_space<vmem>>) dst(%dma_wait3A_53 : memref<128x128xf32, #tpu.memory_space<vmem_shared>>)
    %add3A_54 = arith.constant 128 : i32
    %add3A_55 = arith.addi %mul3A_2, %add3A_54 : i32
    %dma_wait3A_56 = arith.constant 0 : i32
    %dma_wait3A_57 = tpu.memref_slice %arg13[%add3A_55, %dma_wait3A_56] : memref<10240x128xf32, #tpu.memory_space<vmem_shared>> -> memref<128x128xf32, #tpu.memory_space<vmem_shared>>
    %dma_wait3A_58 = arith.constant 0 : i32
    %dma_wait3A_59 = tpu.memref_slice %arg13[%add3A_55, %dma_wait3A_58] : memref<10240x128xf32, #tpu.memory_space<vmem_shared>> -> memref<128x128xf32, #tpu.memory_space<vmem_shared>>
    tpu.wait_dma2 semaphore(%arg11 : memref<!tpu.dma_semaphore, #tpu.memory_space<semaphore_mem>>) src(%arg7 : memref<128x128xf32, #tpu.memory_space<vmem>>) dst(%dma_wait3A_59 : memref<128x128xf32, #tpu.memory_space<vmem_shared>>)
    %add3A_60 = arith.constant 256 : i32
    %add3A_61 = arith.addi %mul3A_2, %add3A_60 : i32
    %dma_wait3A_62 = arith.constant 0 : i32
    %dma_wait3A_63 = tpu.memref_slice %arg13[%add3A_61, %dma_wait3A_62] : memref<10240x128xf32, #tpu.memory_space<vmem_shared>> -> memref<128x128xf32, #tpu.memory_space<vmem_shared>>
    %dma_wait3A_64 = arith.constant 0 : i32
    %dma_wait3A_65 = tpu.memref_slice %arg13[%add3A_61, %dma_wait3A_64] : memref<10240x128xf32, #tpu.memory_space<vmem_shared>> -> memref<128x128xf32, #tpu.memory_space<vmem_shared>>
    tpu.wait_dma2 semaphore(%arg11 : memref<!tpu.dma_semaphore, #tpu.memory_space<semaphore_mem>>) src(%arg7 : memref<128x128xf32, #tpu.memory_space<vmem>>) dst(%dma_wait3A_65 : memref<128x128xf32, #tpu.memory_space<vmem_shared>>)
    %add3A_66 = arith.constant 384 : i32
    %add3A_67 = arith.addi %mul3A_2, %add3A_66 : i32
    %dma_wait3A_68 = arith.constant 0 : i32
    %dma_wait3A_69 = tpu.memref_slice %arg13[%add3A_67, %dma_wait3A_68] : memref<10240x128xf32, #tpu.memory_space<vmem_shared>> -> memref<128x128xf32, #tpu.memory_space<vmem_shared>>
    %dma_wait3A_70 = arith.constant 0 : i32
    %dma_wait3A_71 = tpu.memref_slice %arg13[%add3A_67, %dma_wait3A_70] : memref<10240x128xf32, #tpu.memory_space<vmem_shared>> -> memref<128x128xf32, #tpu.memory_space<vmem_shared>>
    tpu.wait_dma2 semaphore(%arg11 : memref<!tpu.dma_semaphore, #tpu.memory_space<semaphore_mem>>) src(%arg7 : memref<128x128xf32, #tpu.memory_space<vmem>>) dst(%dma_wait3A_71 : memref<128x128xf32, #tpu.memory_space<vmem_shared>>)
    %add3A_72 = arith.constant 512 : i32
    %add3A_73 = arith.addi %mul3A_2, %add3A_72 : i32
    %dma_wait3A_74 = arith.constant 0 : i32
    %dma_wait3A_75 = tpu.memref_slice %arg13[%add3A_73, %dma_wait3A_74] : memref<10240x128xf32, #tpu.memory_space<vmem_shared>> -> memref<128x128xf32, #tpu.memory_space<vmem_shared>>
    %dma_wait3A_76 = arith.constant 0 : i32
    %dma_wait3A_77 = tpu.memref_slice %arg13[%add3A_73, %dma_wait3A_76] : memref<10240x128xf32, #tpu.memory_space<vmem_shared>> -> memref<128x128xf32, #tpu.memory_space<vmem_shared>>
    tpu.wait_dma2 semaphore(%arg11 : memref<!tpu.dma_semaphore, #tpu.memory_space<semaphore_mem>>) src(%arg7 : memref<128x128xf32, #tpu.memory_space<vmem>>) dst(%dma_wait3A_77 : memref<128x128xf32, #tpu.memory_space<vmem_shared>>)
    %barrier3A = arith.constant 0 : index
    tpu.barrier barrier_id(%barrier3A)
    %dma_wait3A_78 = arith.constant 0 : i32
    %dma_wait3A_79 = arith.constant 0 : i32
    %dma_wait3A_80 = arith.constant 0 : i32
    %dma_wait3A_81 = arith.constant 0 : i32
    %dma_wait3A_82 = tpu.memref_slice %arg3[%add3A, %dma_wait3A_78, %dma_wait3A_79, %dma_wait3A_80, %dma_wait3A_81] : memref<32x20x4x2x128xi32, #tpu.memory_space<hbm>> -> memref<1x1x4x2x128xi32, #tpu.memory_space<hbm>>
    %dma_wait3A_83 = tpu.memref_squeeze %dma_wait3A_82 : memref<1x1x4x2x128xi32, #tpu.memory_space<hbm>> -> memref<4x2x128xi32, #tpu.memory_space<hbm>>
    %dma_wait3A_84 = arith.constant 0 : i32
    %dma_wait3A_85 = arith.constant 0 : i32
    %dma_wait3A_86 = arith.constant 0 : i32
    %dma_wait3A_87 = tpu.memref_slice %arg3[%add3A, %dma_wait3A_78, %dma_wait3A_84, %dma_wait3A_85, %dma_wait3A_86] : memref<32x20x4x2x128xi32, #tpu.memory_space<hbm>> -> memref<1x1x4x2x128xi32, #tpu.memory_space<hbm>>
    %dma_wait3A_88 = tpu.memref_squeeze %dma_wait3A_87 : memref<1x1x4x2x128xi32, #tpu.memory_space<hbm>> -> memref<4x2x128xi32, #tpu.memory_space<hbm>>
    tpu.wait_dma2 semaphore(%arg9 : memref<!tpu.dma_semaphore, #tpu.memory_space<semaphore_mem>>) src(%dma_wait3A_88 : memref<4x2x128xi32, #tpu.memory_space<hbm>>) dst(%arg5 : memref<4x2x128xi32, #tpu.memory_space<vmem>>)
    %dma_start3A_89 = arith.constant 0 : i32
    %dma_start3A_90 = arith.constant 0 : i32
    %dma_start3A_91 = arith.constant 0 : i32
    %dma_start3A_92 = tpu.memref_slice %arg5[%dma_start3A_89, %dma_start3A_90, %dma_start3A_91] : memref<4x2x128xi32, #tpu.memory_space<vmem>> -> memref<1x1x128xi32, #tpu.memory_space<vmem>>
    %dma_start3A_93 = tpu.memref_squeeze %dma_start3A_92 : memref<1x1x128xi32, #tpu.memory_space<vmem>> -> memref<128xi32, #tpu.memory_space<vmem>>
    %dma_start3A_94 = arith.constant 0 : i32
    %dma_start3A_95 = arith.constant 0 : i32
    %dma_start3A_96 = tpu.memref_slice %arg2[%dma_start3A_94, %dma_start3A_95] : memref<10240x128xf32, #tpu.memory_space<hbm>> -> memref<10240x128xf32, #tpu.memory_space<hbm>>
    tpu.enqueue_indirect_dma source(%dma_start3A_96 : memref<10240x128xf32, #tpu.memory_space<hbm>>) target(%arg7 : memref<128x128xf32, #tpu.memory_space<vmem>>) offsets(%dma_start3A_93 : memref<128xi32, #tpu.memory_space<vmem>>) semaphore(%arg11 : memref<!tpu.dma_semaphore, #tpu.memory_space<semaphore_mem>>)
    %dma_start3A_97 = arith.constant 1 : i32
    %dma_start3A_98 = arith.constant 0 : i32
    %dma_start3A_99 = arith.constant 0 : i32
    %dma_start3A_100 = arith.constant 0 : i32
    %dma_start3A_101 = tpu.memref_slice %arg3[%add3A, %dma_start3A_97, %dma_start3A_98, %dma_start3A_99, %dma_start3A_100] : memref<32x20x4x2x128xi32, #tpu.memory_space<hbm>> -> memref<1x1x4x2x128xi32, #tpu.memory_space<hbm>>
    %dma_start3A_102 = tpu.memref_squeeze %dma_start3A_101 : memref<1x1x4x2x128xi32, #tpu.memory_space<hbm>> -> memref<4x2x128xi32, #tpu.memory_space<hbm>>
    %dma_start3A_103 = arith.constant 0 : i32
    %dma_start3A_104 = arith.constant 0 : i32
    %dma_start3A_105 = arith.constant 0 : i32
    %dma_start3A_106 = tpu.memref_slice %arg3[%add3A, %dma_start3A_97, %dma_start3A_103, %dma_start3A_104, %dma_start3A_105] : memref<32x20x4x2x128xi32, #tpu.memory_space<hbm>> -> memref<1x1x4x2x128xi32, #tpu.memory_space<hbm>>
    %dma_start3A_107 = tpu.memref_squeeze %dma_start3A_106 : memref<1x1x4x2x128xi32, #tpu.memory_space<hbm>> -> memref<4x2x128xi32, #tpu.memory_space<hbm>>
    tpu.enqueue_dma source(%dma_start3A_107 : memref<4x2x128xi32, #tpu.memory_space<hbm>>) target(%arg6 : memref<4x2x128xi32, #tpu.memory_space<vmem>>) target_semaphore(%arg10 : memref<!tpu.dma_semaphore, #tpu.memory_space<semaphore_mem>>)
    %scan3A_108 = arith.constant 0 : i32
    %scan3A_109 = arith.constant 0 : i32
    %scan3A_110 = arith.constant 10 : i32
    %scan3A_111 = arith.addi %scan3A_109, %scan3A_110 : i32
    %scan3A_112 = arith.constant 1 : i32
    scf.for %scan3A_115 = %scan3A_109 to %scan3A_111 step %scan3A_112  : i32 {
      %dma_start3A_116 = arith.constant 1 : i32
      %dma_start3A_117 = arith.constant 0 : i32
      %dma_start3A_118 = arith.constant 0 : i32
      %dma_start3A_119 = tpu.memref_slice %arg5[%dma_start3A_116, %dma_start3A_117, %dma_start3A_118] : memref<4x2x128xi32, #tpu.memory_space<vmem>> -> memref<1x1x128xi32, #tpu.memory_space<vmem>>
      %dma_start3A_120 = tpu.memref_squeeze %dma_start3A_119 : memref<1x1x128xi32, #tpu.memory_space<vmem>> -> memref<128xi32, #tpu.memory_space<vmem>>
      %dma_start3A_121 = arith.constant 0 : i32
      %dma_start3A_122 = arith.constant 0 : i32
      %dma_start3A_123 = tpu.memref_slice %arg2[%dma_start3A_121, %dma_start3A_122] : memref<10240x128xf32, #tpu.memory_space<hbm>> -> memref<10240x128xf32, #tpu.memory_space<hbm>>
      tpu.enqueue_indirect_dma source(%dma_start3A_123 : memref<10240x128xf32, #tpu.memory_space<hbm>>) target(%arg8 : memref<128x128xf32, #tpu.memory_space<vmem>>) offsets(%dma_start3A_120 : memref<128xi32, #tpu.memory_space<vmem>>) semaphore(%arg12 : memref<!tpu.dma_semaphore, #tpu.memory_space<semaphore_mem>>)
      %dma_wait3A_124 = arith.constant 0 : i32
      %dma_wait3A_125 = arith.constant 0 : i32
      %dma_wait3A_126 = arith.constant 0 : i32
      %dma_wait3A_127 = tpu.memref_slice %arg5[%dma_wait3A_124, %dma_wait3A_125, %dma_wait3A_126] : memref<4x2x128xi32, #tpu.memory_space<vmem>> -> memref<1x1x128xi32, #tpu.memory_space<vmem>>
      %dma_wait3A_128 = tpu.memref_squeeze %dma_wait3A_127 : memref<1x1x128xi32, #tpu.memory_space<vmem>> -> memref<128xi32, #tpu.memory_space<vmem>>
      %dma_wait3A_129 = arith.constant 0 : i32
      %dma_wait3A_130 = arith.constant 0 : i32
      %dma_wait3A_131 = tpu.memref_slice %arg2[%dma_wait3A_129, %dma_wait3A_130] : memref<10240x128xf32, #tpu.memory_space<hbm>> -> memref<10240x128xf32, #tpu.memory_space<hbm>>
      tpu.wait_indirect_dma semaphore(%arg11 : memref<!tpu.dma_semaphore, #tpu.memory_space<semaphore_mem>>) src(%dma_wait3A_131 : memref<10240x128xf32, #tpu.memory_space<hbm>>) dst(%arg7 : memref<128x128xf32, #tpu.memory_space<vmem>>)
      %run_scoped3A = arith.constant 0 : i32
      %run_scoped3A_132 = arith.constant 1 : i32
      "tpu.region"() ({
        %run_scoped3A_274 = tpu.sem_alloc : memref<!tpu.dma_semaphore, #tpu.memory_space<semaphore_mem>>
        %dma_start3A_275 = arith.constant 0 : i32
        %dma_start3A_276 = tpu.memref_slice %arg5[%run_scoped3A, %run_scoped3A_132, %dma_start3A_275] : memref<4x2x128xi32, #tpu.memory_space<vmem>> -> memref<1x1x128xi32, #tpu.memory_space<vmem>>
        %dma_start3A_277 = tpu.memref_squeeze %dma_start3A_276 : memref<1x1x128xi32, #tpu.memory_space<vmem>> -> memref<128xi32, #tpu.memory_space<vmem>>
        %dma_start3A_278 = arith.constant 0 : i32
        %dma_start3A_279 = arith.constant 0 : i32
        %dma_start3A_280 = tpu.memref_slice %arg13[%dma_start3A_278, %dma_start3A_279] : memref<10240x128xf32, #tpu.memory_space<vmem_shared>> -> memref<10240x128xf32, #tpu.memory_space<vmem_shared>>
        tpu.enqueue_indirect_dma source(%arg7 : memref<128x128xf32, #tpu.memory_space<vmem>>) target(%dma_start3A_280 : memref<10240x128xf32, #tpu.memory_space<vmem_shared>>) offsets(%dma_start3A_277 : memref<128xi32, #tpu.memory_space<vmem>>) semaphore(%run_scoped3A_274 : memref<!tpu.dma_semaphore, #tpu.memory_space<semaphore_mem>>) {add = true}
        %dma_wait3A_281 = arith.constant 0 : i32
        %dma_wait3A_282 = tpu.memref_slice %arg5[%run_scoped3A, %run_scoped3A_132, %dma_wait3A_281] : memref<4x2x128xi32, #tpu.memory_space<vmem>> -> memref<1x1x128xi32, #tpu.memory_space<vmem>>
        %dma_wait3A_283 = tpu.memref_squeeze %dma_wait3A_282 : memref<1x1x128xi32, #tpu.memory_space<vmem>> -> memref<128xi32, #tpu.memory_space<vmem>>
        %dma_wait3A_284 = arith.constant 0 : i32
        %dma_wait3A_285 = arith.constant 0 : i32
        %dma_wait3A_286 = tpu.memref_slice %arg13[%dma_wait3A_284, %dma_wait3A_285] : memref<10240x128xf32, #tpu.memory_space<vmem_shared>> -> memref<10240x128xf32, #tpu.memory_space<vmem_shared>>
        tpu.wait_indirect_dma semaphore(%run_scoped3A_274 : memref<!tpu.dma_semaphore, #tpu.memory_space<semaphore_mem>>) src(%arg7 : memref<128x128xf32, #tpu.memory_space<vmem>>) dst(%dma_wait3A_286 : memref<10240x128xf32, #tpu.memory_space<vmem_shared>>)
        tpu.yield
      }) : () -> ()
      %dma_start3A_133 = arith.constant 2 : i32
      %dma_start3A_134 = arith.constant 0 : i32
      %dma_start3A_135 = arith.constant 0 : i32
      %dma_start3A_136 = tpu.memref_slice %arg5[%dma_start3A_133, %dma_start3A_134, %dma_start3A_135] : memref<4x2x128xi32, #tpu.memory_space<vmem>> -> memref<1x1x128xi32, #tpu.memory_space<vmem>>
      %dma_start3A_137 = tpu.memref_squeeze %dma_start3A_136 : memref<1x1x128xi32, #tpu.memory_space<vmem>> -> memref<128xi32, #tpu.memory_space<vmem>>
      %dma_start3A_138 = arith.constant 0 : i32
      %dma_start3A_139 = arith.constant 0 : i32
      %dma_start3A_140 = tpu.memref_slice %arg2[%dma_start3A_138, %dma_start3A_139] : memref<10240x128xf32, #tpu.memory_space<hbm>> -> memref<10240x128xf32, #tpu.memory_space<hbm>>
      tpu.enqueue_indirect_dma source(%dma_start3A_140 : memref<10240x128xf32, #tpu.memory_space<hbm>>) target(%arg7 : memref<128x128xf32, #tpu.memory_space<vmem>>) offsets(%dma_start3A_137 : memref<128xi32, #tpu.memory_space<vmem>>) semaphore(%arg11 : memref<!tpu.dma_semaphore, #tpu.memory_space<semaphore_mem>>)
      %dma_wait3A_141 = arith.constant 1 : i32
      %dma_wait3A_142 = arith.constant 0 : i32
      %dma_wait3A_143 = arith.constant 0 : i32
      %dma_wait3A_144 = tpu.memref_slice %arg5[%dma_wait3A_141, %dma_wait3A_142, %dma_wait3A_143] : memref<4x2x128xi32, #tpu.memory_space<vmem>> -> memref<1x1x128xi32, #tpu.memory_space<vmem>>
      %dma_wait3A_145 = tpu.memref_squeeze %dma_wait3A_144 : memref<1x1x128xi32, #tpu.memory_space<vmem>> -> memref<128xi32, #tpu.memory_space<vmem>>
      %dma_wait3A_146 = arith.constant 0 : i32
      %dma_wait3A_147 = arith.constant 0 : i32
      %dma_wait3A_148 = tpu.memref_slice %arg2[%dma_wait3A_146, %dma_wait3A_147] : memref<10240x128xf32, #tpu.memory_space<hbm>> -> memref<10240x128xf32, #tpu.memory_space<hbm>>
      tpu.wait_indirect_dma semaphore(%arg12 : memref<!tpu.dma_semaphore, #tpu.memory_space<semaphore_mem>>) src(%dma_wait3A_148 : memref<10240x128xf32, #tpu.memory_space<hbm>>) dst(%arg8 : memref<128x128xf32, #tpu.memory_space<vmem>>)
      %run_scoped3A_149 = arith.constant 1 : i32
      %run_scoped3A_150 = arith.constant 1 : i32
      "tpu.region"() ({
        %run_scoped3A_274 = tpu.sem_alloc : memref<!tpu.dma_semaphore, #tpu.memory_space<semaphore_mem>>
        %dma_start3A_275 = arith.constant 0 : i32
        %dma_start3A_276 = tpu.memref_slice %arg5[%run_scoped3A_149, %run_scoped3A_150, %dma_start3A_275] : memref<4x2x128xi32, #tpu.memory_space<vmem>> -> memref<1x1x128xi32, #tpu.memory_space<vmem>>
        %dma_start3A_277 = tpu.memref_squeeze %dma_start3A_276 : memref<1x1x128xi32, #tpu.memory_space<vmem>> -> memref<128xi32, #tpu.memory_space<vmem>>
        %dma_start3A_278 = arith.constant 0 : i32
        %dma_start3A_279 = arith.constant 0 : i32
        %dma_start3A_280 = tpu.memref_slice %arg13[%dma_start3A_278, %dma_start3A_279] : memref<10240x128xf32, #tpu.memory_space<vmem_shared>> -> memref<10240x128xf32, #tpu.memory_space<vmem_shared>>
        tpu.enqueue_indirect_dma source(%arg8 : memref<128x128xf32, #tpu.memory_space<vmem>>) target(%dma_start3A_280 : memref<10240x128xf32, #tpu.memory_space<vmem_shared>>) offsets(%dma_start3A_277 : memref<128xi32, #tpu.memory_space<vmem>>) semaphore(%run_scoped3A_274 : memref<!tpu.dma_semaphore, #tpu.memory_space<semaphore_mem>>) {add = true}
        %dma_wait3A_281 = arith.constant 0 : i32
        %dma_wait3A_282 = tpu.memref_slice %arg5[%run_scoped3A_149, %run_scoped3A_150, %dma_wait3A_281] : memref<4x2x128xi32, #tpu.memory_space<vmem>> -> memref<1x1x128xi32, #tpu.memory_space<vmem>>
        %dma_wait3A_283 = tpu.memref_squeeze %dma_wait3A_282 : memref<1x1x128xi32, #tpu.memory_space<vmem>> -> memref<128xi32, #tpu.memory_space<vmem>>
        %dma_wait3A_284 = arith.constant 0 : i32
        %dma_wait3A_285 = arith.constant 0 : i32
        %dma_wait3A_286 = tpu.memref_slice %arg13[%dma_wait3A_284, %dma_wait3A_285] : memref<10240x128xf32, #tpu.memory_space<vmem_shared>> -> memref<10240x128xf32, #tpu.memory_space<vmem_shared>>
        tpu.wait_indirect_dma semaphore(%run_scoped3A_274 : memref<!tpu.dma_semaphore, #tpu.memory_space<semaphore_mem>>) src(%arg8 : memref<128x128xf32, #tpu.memory_space<vmem>>) dst(%dma_wait3A_286 : memref<10240x128xf32, #tpu.memory_space<vmem_shared>>)
        tpu.yield
      }) : () -> ()
      %dma_start3A_151 = arith.constant 3 : i32
      %dma_start3A_152 = arith.constant 0 : i32
      %dma_start3A_153 = arith.constant 0 : i32
      %dma_start3A_154 = tpu.memref_slice %arg5[%dma_start3A_151, %dma_start3A_152, %dma_start3A_153] : memref<4x2x128xi32, #tpu.memory_space<vmem>> -> memref<1x1x128xi32, #tpu.memory_space<vmem>>
      %dma_start3A_155 = tpu.memref_squeeze %dma_start3A_154 : memref<1x1x128xi32, #tpu.memory_space<vmem>> -> memref<128xi32, #tpu.memory_space<vmem>>
      %dma_start3A_156 = arith.constant 0 : i32
      %dma_start3A_157 = arith.constant 0 : i32
      %dma_start3A_158 = tpu.memref_slice %arg2[%dma_start3A_156, %dma_start3A_157] : memref<10240x128xf32, #tpu.memory_space<hbm>> -> memref<10240x128xf32, #tpu.memory_space<hbm>>
      tpu.enqueue_indirect_dma source(%dma_start3A_158 : memref<10240x128xf32, #tpu.memory_space<hbm>>) target(%arg8 : memref<128x128xf32, #tpu.memory_space<vmem>>) offsets(%dma_start3A_155 : memref<128xi32, #tpu.memory_space<vmem>>) semaphore(%arg12 : memref<!tpu.dma_semaphore, #tpu.memory_space<semaphore_mem>>)
      %dma_wait3A_159 = arith.constant 2 : i32
      %dma_wait3A_160 = arith.constant 0 : i32
      %dma_wait3A_161 = arith.constant 0 : i32
      %dma_wait3A_162 = tpu.memref_slice %arg5[%dma_wait3A_159, %dma_wait3A_160, %dma_wait3A_161] : memref<4x2x128xi32, #tpu.memory_space<vmem>> -> memref<1x1x128xi32, #tpu.memory_space<vmem>>
      %dma_wait3A_163 = tpu.memref_squeeze %dma_wait3A_162 : memref<1x1x128xi32, #tpu.memory_space<vmem>> -> memref<128xi32, #tpu.memory_space<vmem>>
      %dma_wait3A_164 = arith.constant 0 : i32
      %dma_wait3A_165 = arith.constant 0 : i32
      %dma_wait3A_166 = tpu.memref_slice %arg2[%dma_wait3A_164, %dma_wait3A_165] : memref<10240x128xf32, #tpu.memory_space<hbm>> -> memref<10240x128xf32, #tpu.memory_space<hbm>>
      tpu.wait_indirect_dma semaphore(%arg11 : memref<!tpu.dma_semaphore, #tpu.memory_space<semaphore_mem>>) src(%dma_wait3A_166 : memref<10240x128xf32, #tpu.memory_space<hbm>>) dst(%arg7 : memref<128x128xf32, #tpu.memory_space<vmem>>)
      %run_scoped3A_167 = arith.constant 2 : i32
      %run_scoped3A_168 = arith.constant 1 : i32
      "tpu.region"() ({
        %run_scoped3A_274 = tpu.sem_alloc : memref<!tpu.dma_semaphore, #tpu.memory_space<semaphore_mem>>
        %dma_start3A_275 = arith.constant 0 : i32
        %dma_start3A_276 = tpu.memref_slice %arg5[%run_scoped3A_167, %run_scoped3A_168, %dma_start3A_275] : memref<4x2x128xi32, #tpu.memory_space<vmem>> -> memref<1x1x128xi32, #tpu.memory_space<vmem>>
        %dma_start3A_277 = tpu.memref_squeeze %dma_start3A_276 : memref<1x1x128xi32, #tpu.memory_space<vmem>> -> memref<128xi32, #tpu.memory_space<vmem>>
        %dma_start3A_278 = arith.constant 0 : i32
        %dma_start3A_279 = arith.constant 0 : i32
        %dma_start3A_280 = tpu.memref_slice %arg13[%dma_start3A_278, %dma_start3A_279] : memref<10240x128xf32, #tpu.memory_space<vmem_shared>> -> memref<10240x128xf32, #tpu.memory_space<vmem_shared>>
        tpu.enqueue_indirect_dma source(%arg7 : memref<128x128xf32, #tpu.memory_space<vmem>>) target(%dma_start3A_280 : memref<10240x128xf32, #tpu.memory_space<vmem_shared>>) offsets(%dma_start3A_277 : memref<128xi32, #tpu.memory_space<vmem>>) semaphore(%run_scoped3A_274 : memref<!tpu.dma_semaphore, #tpu.memory_space<semaphore_mem>>) {add = true}
        %dma_wait3A_281 = arith.constant 0 : i32
        %dma_wait3A_282 = tpu.memref_slice %arg5[%run_scoped3A_167, %run_scoped3A_168, %dma_wait3A_281] : memref<4x2x128xi32, #tpu.memory_space<vmem>> -> memref<1x1x128xi32, #tpu.memory_space<vmem>>
        %dma_wait3A_283 = tpu.memref_squeeze %dma_wait3A_282 : memref<1x1x128xi32, #tpu.memory_space<vmem>> -> memref<128xi32, #tpu.memory_space<vmem>>
        %dma_wait3A_284 = arith.constant 0 : i32
        %dma_wait3A_285 = arith.constant 0 : i32
        %dma_wait3A_286 = tpu.memref_slice %arg13[%dma_wait3A_284, %dma_wait3A_285] : memref<10240x128xf32, #tpu.memory_space<vmem_shared>> -> memref<10240x128xf32, #tpu.memory_space<vmem_shared>>
        tpu.wait_indirect_dma semaphore(%run_scoped3A_274 : memref<!tpu.dma_semaphore, #tpu.memory_space<semaphore_mem>>) src(%arg7 : memref<128x128xf32, #tpu.memory_space<vmem>>) dst(%dma_wait3A_286 : memref<10240x128xf32, #tpu.memory_space<vmem_shared>>)
        tpu.yield
      }) : () -> ()
      %dma_wait3A_169 = arith.constant 0 : i32
      %dma_wait3A_170 = arith.constant 0 : i32
      %dma_wait3A_171 = arith.constant 0 : i32
      %dma_wait3A_172 = arith.constant 0 : i32
      %dma_wait3A_173 = tpu.memref_slice %arg3[%add3A, %dma_wait3A_169, %dma_wait3A_170, %dma_wait3A_171, %dma_wait3A_172] : memref<32x20x4x2x128xi32, #tpu.memory_space<hbm>> -> memref<1x1x4x2x128xi32, #tpu.memory_space<hbm>>
      %dma_wait3A_174 = tpu.memref_squeeze %dma_wait3A_173 : memref<1x1x4x2x128xi32, #tpu.memory_space<hbm>> -> memref<4x2x128xi32, #tpu.memory_space<hbm>>
      %dma_wait3A_175 = arith.constant 0 : i32
      %dma_wait3A_176 = arith.constant 0 : i32
      %dma_wait3A_177 = arith.constant 0 : i32
      %dma_wait3A_178 = tpu.memref_slice %arg3[%add3A, %dma_wait3A_169, %dma_wait3A_175, %dma_wait3A_176, %dma_wait3A_177] : memref<32x20x4x2x128xi32, #tpu.memory_space<hbm>> -> memref<1x1x4x2x128xi32, #tpu.memory_space<hbm>>
      %dma_wait3A_179 = tpu.memref_squeeze %dma_wait3A_178 : memref<1x1x4x2x128xi32, #tpu.memory_space<hbm>> -> memref<4x2x128xi32, #tpu.memory_space<hbm>>
      tpu.wait_dma2 semaphore(%arg10 : memref<!tpu.dma_semaphore, #tpu.memory_space<semaphore_mem>>) src(%dma_wait3A_179 : memref<4x2x128xi32, #tpu.memory_space<hbm>>) dst(%arg6 : memref<4x2x128xi32, #tpu.memory_space<vmem>>)
      %dma_start3A_180 = arith.constant 0 : i32
      %dma_start3A_181 = arith.constant 0 : i32
      %dma_start3A_182 = arith.constant 0 : i32
      %dma_start3A_183 = tpu.memref_slice %arg6[%dma_start3A_180, %dma_start3A_181, %dma_start3A_182] : memref<4x2x128xi32, #tpu.memory_space<vmem>> -> memref<1x1x128xi32, #tpu.memory_space<vmem>>
      %dma_start3A_184 = tpu.memref_squeeze %dma_start3A_183 : memref<1x1x128xi32, #tpu.memory_space<vmem>> -> memref<128xi32, #tpu.memory_space<vmem>>
      %dma_start3A_185 = arith.constant 0 : i32
      %dma_start3A_186 = arith.constant 0 : i32
      %dma_start3A_187 = tpu.memref_slice %arg2[%dma_start3A_185, %dma_start3A_186] : memref<10240x128xf32, #tpu.memory_space<hbm>> -> memref<10240x128xf32, #tpu.memory_space<hbm>>
      tpu.enqueue_indirect_dma source(%dma_start3A_187 : memref<10240x128xf32, #tpu.memory_space<hbm>>) target(%arg7 : memref<128x128xf32, #tpu.memory_space<vmem>>) offsets(%dma_start3A_184 : memref<128xi32, #tpu.memory_space<vmem>>) semaphore(%arg11 : memref<!tpu.dma_semaphore, #tpu.memory_space<semaphore_mem>>)
      %dma_wait3A_188 = arith.constant 3 : i32
      %dma_wait3A_189 = arith.constant 0 : i32
      %dma_wait3A_190 = arith.constant 0 : i32
      %dma_wait3A_191 = tpu.memref_slice %arg5[%dma_wait3A_188, %dma_wait3A_189, %dma_wait3A_190] : memref<4x2x128xi32, #tpu.memory_space<vmem>> -> memref<1x1x128xi32, #tpu.memory_space<vmem>>
      %dma_wait3A_192 = tpu.memref_squeeze %dma_wait3A_191 : memref<1x1x128xi32, #tpu.memory_space<vmem>> -> memref<128xi32, #tpu.memory_space<vmem>>
      %dma_wait3A_193 = arith.constant 0 : i32
      %dma_wait3A_194 = arith.constant 0 : i32
      %dma_wait3A_195 = tpu.memref_slice %arg2[%dma_wait3A_193, %dma_wait3A_194] : memref<10240x128xf32, #tpu.memory_space<hbm>> -> memref<10240x128xf32, #tpu.memory_space<hbm>>
      tpu.wait_indirect_dma semaphore(%arg12 : memref<!tpu.dma_semaphore, #tpu.memory_space<semaphore_mem>>) src(%dma_wait3A_195 : memref<10240x128xf32, #tpu.memory_space<hbm>>) dst(%arg8 : memref<128x128xf32, #tpu.memory_space<vmem>>)
      %run_scoped3A_196 = arith.constant 3 : i32
      %run_scoped3A_197 = arith.constant 1 : i32
      "tpu.region"() ({
        %run_scoped3A_274 = tpu.sem_alloc : memref<!tpu.dma_semaphore, #tpu.memory_space<semaphore_mem>>
        %dma_start3A_275 = arith.constant 0 : i32
        %dma_start3A_276 = tpu.memref_slice %arg5[%run_scoped3A_196, %run_scoped3A_197, %dma_start3A_275] : memref<4x2x128xi32, #tpu.memory_space<vmem>> -> memref<1x1x128xi32, #tpu.memory_space<vmem>>
        %dma_start3A_277 = tpu.memref_squeeze %dma_start3A_276 : memref<1x1x128xi32, #tpu.memory_space<vmem>> -> memref<128xi32, #tpu.memory_space<vmem>>
        %dma_start3A_278 = arith.constant 0 : i32
        %dma_start3A_279 = arith.constant 0 : i32
        %dma_start3A_280 = tpu.memref_slice %arg13[%dma_start3A_278, %dma_start3A_279] : memref<10240x128xf32, #tpu.memory_space<vmem_shared>> -> memref<10240x128xf32, #tpu.memory_space<vmem_shared>>
        tpu.enqueue_indirect_dma source(%arg8 : memref<128x128xf32, #tpu.memory_space<vmem>>) target(%dma_start3A_280 : memref<10240x128xf32, #tpu.memory_space<vmem_shared>>) offsets(%dma_start3A_277 : memref<128xi32, #tpu.memory_space<vmem>>) semaphore(%run_scoped3A_274 : memref<!tpu.dma_semaphore, #tpu.memory_space<semaphore_mem>>) {add = true}
        %dma_wait3A_281 = arith.constant 0 : i32
        %dma_wait3A_282 = tpu.memref_slice %arg5[%run_scoped3A_196, %run_scoped3A_197, %dma_wait3A_281] : memref<4x2x128xi32, #tpu.memory_space<vmem>> -> memref<1x1x128xi32, #tpu.memory_space<vmem>>
        %dma_wait3A_283 = tpu.memref_squeeze %dma_wait3A_282 : memref<1x1x128xi32, #tpu.memory_space<vmem>> -> memref<128xi32, #tpu.memory_space<vmem>>
        %dma_wait3A_284 = arith.constant 0 : i32
        %dma_wait3A_285 = arith.constant 0 : i32
        %dma_wait3A_286 = tpu.memref_slice %arg13[%dma_wait3A_284, %dma_wait3A_285] : memref<10240x128xf32, #tpu.memory_space<vmem_shared>> -> memref<10240x128xf32, #tpu.memory_space<vmem_shared>>
        tpu.wait_indirect_dma semaphore(%run_scoped3A_274 : memref<!tpu.dma_semaphore, #tpu.memory_space<semaphore_mem>>) src(%arg8 : memref<128x128xf32, #tpu.memory_space<vmem>>) dst(%dma_wait3A_286 : memref<10240x128xf32, #tpu.memory_space<vmem_shared>>)
        tpu.yield
      }) : () -> ()
      %lt3A = arith.constant 9 : i32
      %lt3A_198 = arith.cmpi slt, %scan3A_115, %lt3A : i32
      %convert_element_type3A = arith.extui %lt3A_198 : i1 to i32
      %cond3A = arith.constant 0 : i32
      %cond3A_199 = arith.cmpi ne, %convert_element_type3A, %cond3A : i32
      scf.if %cond3A_199 {
        %mul3A_274 = arith.constant 2 : i32
        %mul3A_275 = arith.muli %mul3A_274, %scan3A_115 : i32
        %add3A_276 = arith.constant 2 : i32
        %add3A_277 = arith.addi %mul3A_275, %add3A_276 : i32
        %dma_start3A_278 = arith.constant 0 : i32
        %dma_start3A_279 = arith.constant 0 : i32
        %dma_start3A_280 = arith.constant 0 : i32
        %dma_start3A_281 = tpu.memref_slice %arg3[%add3A, %add3A_277, %dma_start3A_278, %dma_start3A_279, %dma_start3A_280] : memref<32x20x4x2x128xi32, #tpu.memory_space<hbm>> -> memref<1x1x4x2x128xi32, #tpu.memory_space<hbm>>
        %dma_start3A_282 = tpu.memref_squeeze %dma_start3A_281 : memref<1x1x4x2x128xi32, #tpu.memory_space<hbm>> -> memref<4x2x128xi32, #tpu.memory_space<hbm>>
        %dma_start3A_283 = arith.constant 0 : i32
        %dma_start3A_284 = arith.constant 0 : i32
        %dma_start3A_285 = arith.constant 0 : i32
        %dma_start3A_286 = tpu.memref_slice %arg3[%add3A, %add3A_277, %dma_start3A_283, %dma_start3A_284, %dma_start3A_285] : memref<32x20x4x2x128xi32, #tpu.memory_space<hbm>> -> memref<1x1x4x2x128xi32, #tpu.memory_space<hbm>>
        %dma_start3A_287 = tpu.memref_squeeze %dma_start3A_286 : memref<1x1x4x2x128xi32, #tpu.memory_space<hbm>> -> memref<4x2x128xi32, #tpu.memory_space<hbm>>
        tpu.enqueue_dma source(%dma_start3A_287 : memref<4x2x128xi32, #tpu.memory_space<hbm>>) target(%arg5 : memref<4x2x128xi32, #tpu.memory_space<vmem>>) target_semaphore(%arg9 : memref<!tpu.dma_semaphore, #tpu.memory_space<semaphore_mem>>)
      } else {
      }
      %dma_start3A_200 = arith.constant 1 : i32
      %dma_start3A_201 = arith.constant 0 : i32
      %dma_start3A_202 = arith.constant 0 : i32
      %dma_start3A_203 = tpu.memref_slice %arg6[%dma_start3A_200, %dma_start3A_201, %dma_start3A_202] : memref<4x2x128xi32, #tpu.memory_space<vmem>> -> memref<1x1x128xi32, #tpu.memory_space<vmem>>
      %dma_start3A_204 = tpu.memref_squeeze %dma_start3A_203 : memref<1x1x128xi32, #tpu.memory_space<vmem>> -> memref<128xi32, #tpu.memory_space<vmem>>
      %dma_start3A_205 = arith.constant 0 : i32
      %dma_start3A_206 = arith.constant 0 : i32
      %dma_start3A_207 = tpu.memref_slice %arg2[%dma_start3A_205, %dma_start3A_206] : memref<10240x128xf32, #tpu.memory_space<hbm>> -> memref<10240x128xf32, #tpu.memory_space<hbm>>
      tpu.enqueue_indirect_dma source(%dma_start3A_207 : memref<10240x128xf32, #tpu.memory_space<hbm>>) target(%arg8 : memref<128x128xf32, #tpu.memory_space<vmem>>) offsets(%dma_start3A_204 : memref<128xi32, #tpu.memory_space<vmem>>) semaphore(%arg12 : memref<!tpu.dma_semaphore, #tpu.memory_space<semaphore_mem>>)
      %dma_wait3A_208 = arith.constant 0 : i32
      %dma_wait3A_209 = arith.constant 0 : i32
      %dma_wait3A_210 = arith.constant 0 : i32
      %dma_wait3A_211 = tpu.memref_slice %arg6[%dma_wait3A_208, %dma_wait3A_209, %dma_wait3A_210] : memref<4x2x128xi32, #tpu.memory_space<vmem>> -> memref<1x1x128xi32, #tpu.memory_space<vmem>>
      %dma_wait3A_212 = tpu.memref_squeeze %dma_wait3A_211 : memref<1x1x128xi32, #tpu.memory_space<vmem>> -> memref<128xi32, #tpu.memory_space<vmem>>
      %dma_wait3A_213 = arith.constant 0 : i32
      %dma_wait3A_214 = arith.constant 0 : i32
      %dma_wait3A_215 = tpu.memref_slice %arg2[%dma_wait3A_213, %dma_wait3A_214] : memref<10240x128xf32, #tpu.memory_space<hbm>> -> memref<10240x128xf32, #tpu.memory_space<hbm>>
      tpu.wait_indirect_dma semaphore(%arg11 : memref<!tpu.dma_semaphore, #tpu.memory_space<semaphore_mem>>) src(%dma_wait3A_215 : memref<10240x128xf32, #tpu.memory_space<hbm>>) dst(%arg7 : memref<128x128xf32, #tpu.memory_space<vmem>>)
      %run_scoped3A_216 = arith.constant 0 : i32
      %run_scoped3A_217 = arith.constant 1 : i32
      "tpu.region"() ({
        %run_scoped3A_274 = tpu.sem_alloc : memref<!tpu.dma_semaphore, #tpu.memory_space<semaphore_mem>>
        %dma_start3A_275 = arith.constant 0 : i32
        %dma_start3A_276 = tpu.memref_slice %arg6[%run_scoped3A_216, %run_scoped3A_217, %dma_start3A_275] : memref<4x2x128xi32, #tpu.memory_space<vmem>> -> memref<1x1x128xi32, #tpu.memory_space<vmem>>
        %dma_start3A_277 = tpu.memref_squeeze %dma_start3A_276 : memref<1x1x128xi32, #tpu.memory_space<vmem>> -> memref<128xi32, #tpu.memory_space<vmem>>
        %dma_start3A_278 = arith.constant 0 : i32
        %dma_start3A_279 = arith.constant 0 : i32
        %dma_start3A_280 = tpu.memref_slice %arg13[%dma_start3A_278, %dma_start3A_279] : memref<10240x128xf32, #tpu.memory_space<vmem_shared>> -> memref<10240x128xf32, #tpu.memory_space<vmem_shared>>
        tpu.enqueue_indirect_dma source(%arg7 : memref<128x128xf32, #tpu.memory_space<vmem>>) target(%dma_start3A_280 : memref<10240x128xf32, #tpu.memory_space<vmem_shared>>) offsets(%dma_start3A_277 : memref<128xi32, #tpu.memory_space<vmem>>) semaphore(%run_scoped3A_274 : memref<!tpu.dma_semaphore, #tpu.memory_space<semaphore_mem>>) {add = true}
        %dma_wait3A_281 = arith.constant 0 : i32
        %dma_wait3A_282 = tpu.memref_slice %arg6[%run_scoped3A_216, %run_scoped3A_217, %dma_wait3A_281] : memref<4x2x128xi32, #tpu.memory_space<vmem>> -> memref<1x1x128xi32, #tpu.memory_space<vmem>>
        %dma_wait3A_283 = tpu.memref_squeeze %dma_wait3A_282 : memref<1x1x128xi32, #tpu.memory_space<vmem>> -> memref<128xi32, #tpu.memory_space<vmem>>
        %dma_wait3A_284 = arith.constant 0 : i32
        %dma_wait3A_285 = arith.constant 0 : i32
        %dma_wait3A_286 = tpu.memref_slice %arg13[%dma_wait3A_284, %dma_wait3A_285] : memref<10240x128xf32, #tpu.memory_space<vmem_shared>> -> memref<10240x128xf32, #tpu.memory_space<vmem_shared>>
        tpu.wait_indirect_dma semaphore(%run_scoped3A_274 : memref<!tpu.dma_semaphore, #tpu.memory_space<semaphore_mem>>) src(%arg7 : memref<128x128xf32, #tpu.memory_space<vmem>>) dst(%dma_wait3A_286 : memref<10240x128xf32, #tpu.memory_space<vmem_shared>>)
        tpu.yield
      }) : () -> ()
      %dma_start3A_218 = arith.constant 2 : i32
      %dma_start3A_219 = arith.constant 0 : i32
      %dma_start3A_220 = arith.constant 0 : i32
      %dma_start3A_221 = tpu.memref_slice %arg6[%dma_start3A_218, %dma_start3A_219, %dma_start3A_220] : memref<4x2x128xi32, #tpu.memory_space<vmem>> -> memref<1x1x128xi32, #tpu.memory_space<vmem>>
      %dma_start3A_222 = tpu.memref_squeeze %dma_start3A_221 : memref<1x1x128xi32, #tpu.memory_space<vmem>> -> memref<128xi32, #tpu.memory_space<vmem>>
      %dma_start3A_223 = arith.constant 0 : i32
      %dma_start3A_224 = arith.constant 0 : i32
      %dma_start3A_225 = tpu.memref_slice %arg2[%dma_start3A_223, %dma_start3A_224] : memref<10240x128xf32, #tpu.memory_space<hbm>> -> memref<10240x128xf32, #tpu.memory_space<hbm>>
      tpu.enqueue_indirect_dma source(%dma_start3A_225 : memref<10240x128xf32, #tpu.memory_space<hbm>>) target(%arg7 : memref<128x128xf32, #tpu.memory_space<vmem>>) offsets(%dma_start3A_222 : memref<128xi32, #tpu.memory_space<vmem>>) semaphore(%arg11 : memref<!tpu.dma_semaphore, #tpu.memory_space<semaphore_mem>>)
      %dma_wait3A_226 = arith.constant 1 : i32
      %dma_wait3A_227 = arith.constant 0 : i32
      %dma_wait3A_228 = arith.constant 0 : i32
      %dma_wait3A_229 = tpu.memref_slice %arg6[%dma_wait3A_226, %dma_wait3A_227, %dma_wait3A_228] : memref<4x2x128xi32, #tpu.memory_space<vmem>> -> memref<1x1x128xi32, #tpu.memory_space<vmem>>
      %dma_wait3A_230 = tpu.memref_squeeze %dma_wait3A_229 : memref<1x1x128xi32, #tpu.memory_space<vmem>> -> memref<128xi32, #tpu.memory_space<vmem>>
      %dma_wait3A_231 = arith.constant 0 : i32
      %dma_wait3A_232 = arith.constant 0 : i32
      %dma_wait3A_233 = tpu.memref_slice %arg2[%dma_wait3A_231, %dma_wait3A_232] : memref<10240x128xf32, #tpu.memory_space<hbm>> -> memref<10240x128xf32, #tpu.memory_space<hbm>>
      tpu.wait_indirect_dma semaphore(%arg12 : memref<!tpu.dma_semaphore, #tpu.memory_space<semaphore_mem>>) src(%dma_wait3A_233 : memref<10240x128xf32, #tpu.memory_space<hbm>>) dst(%arg8 : memref<128x128xf32, #tpu.memory_space<vmem>>)
      %run_scoped3A_234 = arith.constant 1 : i32
      %run_scoped3A_235 = arith.constant 1 : i32
      "tpu.region"() ({
        %run_scoped3A_274 = tpu.sem_alloc : memref<!tpu.dma_semaphore, #tpu.memory_space<semaphore_mem>>
        %dma_start3A_275 = arith.constant 0 : i32
        %dma_start3A_276 = tpu.memref_slice %arg6[%run_scoped3A_234, %run_scoped3A_235, %dma_start3A_275] : memref<4x2x128xi32, #tpu.memory_space<vmem>> -> memref<1x1x128xi32, #tpu.memory_space<vmem>>
        %dma_start3A_277 = tpu.memref_squeeze %dma_start3A_276 : memref<1x1x128xi32, #tpu.memory_space<vmem>> -> memref<128xi32, #tpu.memory_space<vmem>>
        %dma_start3A_278 = arith.constant 0 : i32
        %dma_start3A_279 = arith.constant 0 : i32
        %dma_start3A_280 = tpu.memref_slice %arg13[%dma_start3A_278, %dma_start3A_279] : memref<10240x128xf32, #tpu.memory_space<vmem_shared>> -> memref<10240x128xf32, #tpu.memory_space<vmem_shared>>
        tpu.enqueue_indirect_dma source(%arg8 : memref<128x128xf32, #tpu.memory_space<vmem>>) target(%dma_start3A_280 : memref<10240x128xf32, #tpu.memory_space<vmem_shared>>) offsets(%dma_start3A_277 : memref<128xi32, #tpu.memory_space<vmem>>) semaphore(%run_scoped3A_274 : memref<!tpu.dma_semaphore, #tpu.memory_space<semaphore_mem>>) {add = true}
        %dma_wait3A_281 = arith.constant 0 : i32
        %dma_wait3A_282 = tpu.memref_slice %arg6[%run_scoped3A_234, %run_scoped3A_235, %dma_wait3A_281] : memref<4x2x128xi32, #tpu.memory_space<vmem>> -> memref<1x1x128xi32, #tpu.memory_space<vmem>>
        %dma_wait3A_283 = tpu.memref_squeeze %dma_wait3A_282 : memref<1x1x128xi32, #tpu.memory_space<vmem>> -> memref<128xi32, #tpu.memory_space<vmem>>
        %dma_wait3A_284 = arith.constant 0 : i32
        %dma_wait3A_285 = arith.constant 0 : i32
        %dma_wait3A_286 = tpu.memref_slice %arg13[%dma_wait3A_284, %dma_wait3A_285] : memref<10240x128xf32, #tpu.memory_space<vmem_shared>> -> memref<10240x128xf32, #tpu.memory_space<vmem_shared>>
        tpu.wait_indirect_dma semaphore(%run_scoped3A_274 : memref<!tpu.dma_semaphore, #tpu.memory_space<semaphore_mem>>) src(%arg8 : memref<128x128xf32, #tpu.memory_space<vmem>>) dst(%dma_wait3A_286 : memref<10240x128xf32, #tpu.memory_space<vmem_shared>>)
        tpu.yield
      }) : () -> ()
      %dma_start3A_236 = arith.constant 3 : i32
      %dma_start3A_237 = arith.constant 0 : i32
      %dma_start3A_238 = arith.constant 0 : i32
      %dma_start3A_239 = tpu.memref_slice %arg6[%dma_start3A_236, %dma_start3A_237, %dma_start3A_238] : memref<4x2x128xi32, #tpu.memory_space<vmem>> -> memref<1x1x128xi32, #tpu.memory_space<vmem>>
      %dma_start3A_240 = tpu.memref_squeeze %dma_start3A_239 : memref<1x1x128xi32, #tpu.memory_space<vmem>> -> memref<128xi32, #tpu.memory_space<vmem>>
      %dma_start3A_241 = arith.constant 0 : i32
      %dma_start3A_242 = arith.constant 0 : i32
      %dma_start3A_243 = tpu.memref_slice %arg2[%dma_start3A_241, %dma_start3A_242] : memref<10240x128xf32, #tpu.memory_space<hbm>> -> memref<10240x128xf32, #tpu.memory_space<hbm>>
      tpu.enqueue_indirect_dma source(%dma_start3A_243 : memref<10240x128xf32, #tpu.memory_space<hbm>>) target(%arg8 : memref<128x128xf32, #tpu.memory_space<vmem>>) offsets(%dma_start3A_240 : memref<128xi32, #tpu.memory_space<vmem>>) semaphore(%arg12 : memref<!tpu.dma_semaphore, #tpu.memory_space<semaphore_mem>>)
      %dma_wait3A_244 = arith.constant 2 : i32
      %dma_wait3A_245 = arith.constant 0 : i32
      %dma_wait3A_246 = arith.constant 0 : i32
      %dma_wait3A_247 = tpu.memref_slice %arg6[%dma_wait3A_244, %dma_wait3A_245, %dma_wait3A_246] : memref<4x2x128xi32, #tpu.memory_space<vmem>> -> memref<1x1x128xi32, #tpu.memory_space<vmem>>
      %dma_wait3A_248 = tpu.memref_squeeze %dma_wait3A_247 : memref<1x1x128xi32, #tpu.memory_space<vmem>> -> memref<128xi32, #tpu.memory_space<vmem>>
      %dma_wait3A_249 = arith.constant 0 : i32
      %dma_wait3A_250 = arith.constant 0 : i32
      %dma_wait3A_251 = tpu.memref_slice %arg2[%dma_wait3A_249, %dma_wait3A_250] : memref<10240x128xf32, #tpu.memory_space<hbm>> -> memref<10240x128xf32, #tpu.memory_space<hbm>>
      tpu.wait_indirect_dma semaphore(%arg11 : memref<!tpu.dma_semaphore, #tpu.memory_space<semaphore_mem>>) src(%dma_wait3A_251 : memref<10240x128xf32, #tpu.memory_space<hbm>>) dst(%arg7 : memref<128x128xf32, #tpu.memory_space<vmem>>)
      %run_scoped3A_252 = arith.constant 2 : i32
      %run_scoped3A_253 = arith.constant 1 : i32
      "tpu.region"() ({
        %run_scoped3A_274 = tpu.sem_alloc : memref<!tpu.dma_semaphore, #tpu.memory_space<semaphore_mem>>
        %dma_start3A_275 = arith.constant 0 : i32
        %dma_start3A_276 = tpu.memref_slice %arg6[%run_scoped3A_252, %run_scoped3A_253, %dma_start3A_275] : memref<4x2x128xi32, #tpu.memory_space<vmem>> -> memref<1x1x128xi32, #tpu.memory_space<vmem>>
        %dma_start3A_277 = tpu.memref_squeeze %dma_start3A_276 : memref<1x1x128xi32, #tpu.memory_space<vmem>> -> memref<128xi32, #tpu.memory_space<vmem>>
        %dma_start3A_278 = arith.constant 0 : i32
        %dma_start3A_279 = arith.constant 0 : i32
        %dma_start3A_280 = tpu.memref_slice %arg13[%dma_start3A_278, %dma_start3A_279] : memref<10240x128xf32, #tpu.memory_space<vmem_shared>> -> memref<10240x128xf32, #tpu.memory_space<vmem_shared>>
        tpu.enqueue_indirect_dma source(%arg7 : memref<128x128xf32, #tpu.memory_space<vmem>>) target(%dma_start3A_280 : memref<10240x128xf32, #tpu.memory_space<vmem_shared>>) offsets(%dma_start3A_277 : memref<128xi32, #tpu.memory_space<vmem>>) semaphore(%run_scoped3A_274 : memref<!tpu.dma_semaphore, #tpu.memory_space<semaphore_mem>>) {add = true}
        %dma_wait3A_281 = arith.constant 0 : i32
        %dma_wait3A_282 = tpu.memref_slice %arg6[%run_scoped3A_252, %run_scoped3A_253, %dma_wait3A_281] : memref<4x2x128xi32, #tpu.memory_space<vmem>> -> memref<1x1x128xi32, #tpu.memory_space<vmem>>
        %dma_wait3A_283 = tpu.memref_squeeze %dma_wait3A_282 : memref<1x1x128xi32, #tpu.memory_space<vmem>> -> memref<128xi32, #tpu.memory_space<vmem>>
        %dma_wait3A_284 = arith.constant 0 : i32
        %dma_wait3A_285 = arith.constant 0 : i32
        %dma_wait3A_286 = tpu.memref_slice %arg13[%dma_wait3A_284, %dma_wait3A_285] : memref<10240x128xf32, #tpu.memory_space<vmem_shared>> -> memref<10240x128xf32, #tpu.memory_space<vmem_shared>>
        tpu.wait_indirect_dma semaphore(%run_scoped3A_274 : memref<!tpu.dma_semaphore, #tpu.memory_space<semaphore_mem>>) src(%arg7 : memref<128x128xf32, #tpu.memory_space<vmem>>) dst(%dma_wait3A_286 : memref<10240x128xf32, #tpu.memory_space<vmem_shared>>)
        tpu.yield
      }) : () -> ()
      %lt3A_254 = arith.constant 9 : i32
      %lt3A_255 = arith.cmpi slt, %scan3A_115, %lt3A_254 : i32
      %convert_element_type3A_256 = arith.extui %lt3A_255 : i1 to i32
      %cond3A_257 = arith.constant 0 : i32
      %cond3A_258 = arith.cmpi ne, %convert_element_type3A_256, %cond3A_257 : i32
      scf.if %cond3A_258 {
        %dma_wait3A_274 = arith.constant 0 : i32
        %dma_wait3A_275 = arith.constant 0 : i32
        %dma_wait3A_276 = arith.constant 0 : i32
        %dma_wait3A_277 = arith.constant 0 : i32
        %dma_wait3A_278 = tpu.memref_slice %arg3[%add3A, %dma_wait3A_274, %dma_wait3A_275, %dma_wait3A_276, %dma_wait3A_277] : memref<32x20x4x2x128xi32, #tpu.memory_space<hbm>> -> memref<1x1x4x2x128xi32, #tpu.memory_space<hbm>>
        %dma_wait3A_279 = tpu.memref_squeeze %dma_wait3A_278 : memref<1x1x4x2x128xi32, #tpu.memory_space<hbm>> -> memref<4x2x128xi32, #tpu.memory_space<hbm>>
        %dma_wait3A_280 = arith.constant 0 : i32
        %dma_wait3A_281 = arith.constant 0 : i32
        %dma_wait3A_282 = arith.constant 0 : i32
        %dma_wait3A_283 = tpu.memref_slice %arg3[%add3A, %dma_wait3A_274, %dma_wait3A_280, %dma_wait3A_281, %dma_wait3A_282] : memref<32x20x4x2x128xi32, #tpu.memory_space<hbm>> -> memref<1x1x4x2x128xi32, #tpu.memory_space<hbm>>
        %dma_wait3A_284 = tpu.memref_squeeze %dma_wait3A_283 : memref<1x1x4x2x128xi32, #tpu.memory_space<hbm>> -> memref<4x2x128xi32, #tpu.memory_space<hbm>>
        tpu.wait_dma2 semaphore(%arg9 : memref<!tpu.dma_semaphore, #tpu.memory_space<semaphore_mem>>) src(%dma_wait3A_284 : memref<4x2x128xi32, #tpu.memory_space<hbm>>) dst(%arg5 : memref<4x2x128xi32, #tpu.memory_space<vmem>>)
        %dma_start3A_285 = arith.constant 0 : i32
        %dma_start3A_286 = arith.constant 0 : i32
        %dma_start3A_287 = arith.constant 0 : i32
        %dma_start3A_288 = tpu.memref_slice %arg5[%dma_start3A_285, %dma_start3A_286, %dma_start3A_287] : memref<4x2x128xi32, #tpu.memory_space<vmem>> -> memref<1x1x128xi32, #tpu.memory_space<vmem>>
        %dma_start3A_289 = tpu.memref_squeeze %dma_start3A_288 : memref<1x1x128xi32, #tpu.memory_space<vmem>> -> memref<128xi32, #tpu.memory_space<vmem>>
        %dma_start3A_290 = arith.constant 0 : i32
        %dma_start3A_291 = arith.constant 0 : i32
        %dma_start3A_292 = tpu.memref_slice %arg2[%dma_start3A_290, %dma_start3A_291] : memref<10240x128xf32, #tpu.memory_space<hbm>> -> memref<10240x128xf32, #tpu.memory_space<hbm>>
        tpu.enqueue_indirect_dma source(%dma_start3A_292 : memref<10240x128xf32, #tpu.memory_space<hbm>>) target(%arg7 : memref<128x128xf32, #tpu.memory_space<vmem>>) offsets(%dma_start3A_289 : memref<128xi32, #tpu.memory_space<vmem>>) semaphore(%arg11 : memref<!tpu.dma_semaphore, #tpu.memory_space<semaphore_mem>>)
      } else {
      }
      %dma_wait3A_259 = arith.constant 3 : i32
      %dma_wait3A_260 = arith.constant 0 : i32
      %dma_wait3A_261 = arith.constant 0 : i32
      %dma_wait3A_262 = tpu.memref_slice %arg6[%dma_wait3A_259, %dma_wait3A_260, %dma_wait3A_261] : memref<4x2x128xi32, #tpu.memory_space<vmem>> -> memref<1x1x128xi32, #tpu.memory_space<vmem>>
      %dma_wait3A_263 = tpu.memref_squeeze %dma_wait3A_262 : memref<1x1x128xi32, #tpu.memory_space<vmem>> -> memref<128xi32, #tpu.memory_space<vmem>>
      %dma_wait3A_264 = arith.constant 0 : i32
      %dma_wait3A_265 = arith.constant 0 : i32
      %dma_wait3A_266 = tpu.memref_slice %arg2[%dma_wait3A_264, %dma_wait3A_265] : memref<10240x128xf32, #tpu.memory_space<hbm>> -> memref<10240x128xf32, #tpu.memory_space<hbm>>
      tpu.wait_indirect_dma semaphore(%arg12 : memref<!tpu.dma_semaphore, #tpu.memory_space<semaphore_mem>>) src(%dma_wait3A_266 : memref<10240x128xf32, #tpu.memory_space<hbm>>) dst(%arg8 : memref<128x128xf32, #tpu.memory_space<vmem>>)
      %run_scoped3A_267 = arith.constant 3 : i32
      %run_scoped3A_268 = arith.constant 1 : i32
      "tpu.region"() ({
        %run_scoped3A_274 = tpu.sem_alloc : memref<!tpu.dma_semaphore, #tpu.memory_space<semaphore_mem>>
        %dma_start3A_275 = arith.constant 0 : i32
        %dma_start3A_276 = tpu.memref_slice %arg6[%run_scoped3A_267, %run_scoped3A_268, %dma_start3A_275] : memref<4x2x128xi32, #tpu.memory_space<vmem>> -> memref<1x1x128xi32, #tpu.memory_space<vmem>>
        %dma_start3A_277 = tpu.memref_squeeze %dma_start3A_276 : memref<1x1x128xi32, #tpu.memory_space<vmem>> -> memref<128xi32, #tpu.memory_space<vmem>>
        %dma_start3A_278 = arith.constant 0 : i32
        %dma_start3A_279 = arith.constant 0 : i32
        %dma_start3A_280 = tpu.memref_slice %arg13[%dma_start3A_278, %dma_start3A_279] : memref<10240x128xf32, #tpu.memory_space<vmem_shared>> -> memref<10240x128xf32, #tpu.memory_space<vmem_shared>>
        tpu.enqueue_indirect_dma source(%arg8 : memref<128x128xf32, #tpu.memory_space<vmem>>) target(%dma_start3A_280 : memref<10240x128xf32, #tpu.memory_space<vmem_shared>>) offsets(%dma_start3A_277 : memref<128xi32, #tpu.memory_space<vmem>>) semaphore(%run_scoped3A_274 : memref<!tpu.dma_semaphore, #tpu.memory_space<semaphore_mem>>) {add = true}
        %dma_wait3A_281 = arith.constant 0 : i32
        %dma_wait3A_282 = tpu.memref_slice %arg6[%run_scoped3A_267, %run_scoped3A_268, %dma_wait3A_281] : memref<4x2x128xi32, #tpu.memory_space<vmem>> -> memref<1x1x128xi32, #tpu.memory_space<vmem>>
        %dma_wait3A_283 = tpu.memref_squeeze %dma_wait3A_282 : memref<1x1x128xi32, #tpu.memory_space<vmem>> -> memref<128xi32, #tpu.memory_space<vmem>>
        %dma_wait3A_284 = arith.constant 0 : i32
        %dma_wait3A_285 = arith.constant 0 : i32
        %dma_wait3A_286 = tpu.memref_slice %arg13[%dma_wait3A_284, %dma_wait3A_285] : memref<10240x128xf32, #tpu.memory_space<vmem_shared>> -> memref<10240x128xf32, #tpu.memory_space<vmem_shared>>
        tpu.wait_indirect_dma semaphore(%run_scoped3A_274 : memref<!tpu.dma_semaphore, #tpu.memory_space<semaphore_mem>>) src(%arg8 : memref<128x128xf32, #tpu.memory_space<vmem>>) dst(%dma_wait3A_286 : memref<10240x128xf32, #tpu.memory_space<vmem_shared>>)
        tpu.yield
      }) : () -> ()
      %lt3A_269 = arith.constant 9 : i32
      %lt3A_270 = arith.cmpi slt, %scan3A_115, %lt3A_269 : i32
      %convert_element_type3A_271 = arith.extui %lt3A_270 : i1 to i32
      %cond3A_272 = arith.constant 0 : i32
      %cond3A_273 = arith.cmpi ne, %convert_element_type3A_271, %cond3A_272 : i32
      scf.if %cond3A_273 {
        %mul3A_274 = arith.constant 2 : i32
        %mul3A_275 = arith.muli %mul3A_274, %scan3A_115 : i32
        %add3A_276 = arith.constant 3 : i32
        %add3A_277 = arith.addi %mul3A_275, %add3A_276 : i32
        %dma_start3A_278 = arith.constant 0 : i32
        %dma_start3A_279 = arith.constant 0 : i32
        %dma_start3A_280 = arith.constant 0 : i32
        %dma_start3A_281 = tpu.memref_slice %arg3[%add3A, %add3A_277, %dma_start3A_278, %dma_start3A_279, %dma_start3A_280] : memref<32x20x4x2x128xi32, #tpu.memory_space<hbm>> -> memref<1x1x4x2x128xi32, #tpu.memory_space<hbm>>
        %dma_start3A_282 = tpu.memref_squeeze %dma_start3A_281 : memref<1x1x4x2x128xi32, #tpu.memory_space<hbm>> -> memref<4x2x128xi32, #tpu.memory_space<hbm>>
        %dma_start3A_283 = arith.constant 0 : i32
        %dma_start3A_284 = arith.constant 0 : i32
        %dma_start3A_285 = arith.constant 0 : i32
        %dma_start3A_286 = tpu.memref_slice %arg3[%add3A, %add3A_277, %dma_start3A_283, %dma_start3A_284, %dma_start3A_285] : memref<32x20x4x2x128xi32, #tpu.memory_space<hbm>> -> memref<1x1x4x2x128xi32, #tpu.memory_space<hbm>>
        %dma_start3A_287 = tpu.memref_squeeze %dma_start3A_286 : memref<1x1x4x2x128xi32, #tpu.memory_space<hbm>> -> memref<4x2x128xi32, #tpu.memory_space<hbm>>
        tpu.enqueue_dma source(%dma_start3A_287 : memref<4x2x128xi32, #tpu.memory_space<hbm>>) target(%arg6 : memref<4x2x128xi32, #tpu.memory_space<vmem>>) target_semaphore(%arg10 : memref<!tpu.dma_semaphore, #tpu.memory_space<semaphore_mem>>)
      } else {
      }
    }
    %scan3A_113 = arith.constant 10 : i32
    %barrier3A_114 = arith.constant 0 : index
    tpu.barrier barrier_id(%barrier3A_114)
    "tpu.region"() ({
      %run_scoped3A = tpu.sem_alloc : memref<!tpu.dma_semaphore, #tpu.memory_space<semaphore_mem>>
      %dma_start3A_115 = arith.constant 0 : i32
      %dma_start3A_116 = tpu.memref_slice %arg4[%arg0, %mul3A_2, %dma_start3A_115] : memref<2x10240x128xf32, #tpu.memory_space<hbm>> -> memref<1x640x128xf32, #tpu.memory_space<hbm>>
      %dma_start3A_117 = tpu.memref_squeeze %dma_start3A_116 : memref<1x640x128xf32, #tpu.memory_space<hbm>> -> memref<640x128xf32, #tpu.memory_space<hbm>>
      %dma_start3A_118 = arith.constant 0 : i32
      %dma_start3A_119 = tpu.memref_slice %arg13[%mul3A_2, %dma_start3A_118] : memref<10240x128xf32, #tpu.memory_space<vmem_shared>> -> memref<640x128xf32, #tpu.memory_space<vmem_shared>>
      tpu.enqueue_dma source(%dma_start3A_119 : memref<640x128xf32, #tpu.memory_space<vmem_shared>>) target(%dma_start3A_117 : memref<640x128xf32, #tpu.memory_space<hbm>>) target_semaphore(%run_scoped3A : memref<!tpu.dma_semaphore, #tpu.memory_space<semaphore_mem>>)
      %dma_wait3A_120 = arith.constant 0 : i32
      %dma_wait3A_121 = tpu.memref_slice %arg4[%arg0, %mul3A_2, %dma_wait3A_120] : memref<2x10240x128xf32, #tpu.memory_space<hbm>> -> memref<1x640x128xf32, #tpu.memory_space<hbm>>
      %dma_wait3A_122 = tpu.memref_squeeze %dma_wait3A_121 : memref<1x640x128xf32, #tpu.memory_space<hbm>> -> memref<640x128xf32, #tpu.memory_space<hbm>>
      %dma_wait3A_123 = arith.constant 0 : i32
      %dma_wait3A_124 = tpu.memref_slice %arg13[%mul3A_2, %dma_wait3A_123] : memref<10240x128xf32, #tpu.memory_space<vmem_shared>> -> memref<640x128xf32, #tpu.memory_space<vmem_shared>>
      tpu.wait_dma2 semaphore(%run_scoped3A : memref<!tpu.dma_semaphore, #tpu.memory_space<semaphore_mem>>) src(%dma_wait3A_124 : memref<640x128xf32, #tpu.memory_space<vmem_shared>>) dst(%dma_wait3A_122 : memref<640x128xf32, #tpu.memory_space<hbm>>)
      tpu.yield
    }) : () -> ()
    return
  }
}

#map = affine_map<(d0, d1) -> (0, 0)>
#map1 = affine_map<(d0, d1) -> (0, 0, 0, 0, 0)>
#map2 = affine_map<(d0, d1) -> (0, 0, 0)>
module attributes {stable_mosaic.version = 14 : i64} {
  func.func @_sc_agg_body(%arg0: i32, %arg1: i32, %arg2: memref<10240x64xf32, #tpu.memory_space<hbm>>, %arg3: memref<32x20x4x2x128xi32, #tpu.memory_space<hbm>>, %arg4: memref<2x10240x64xf32, #tpu.memory_space<hbm>>, %arg5: memref<4x2x128xi32, #tpu.memory_space<vmem>>, %arg6: memref<4x2x128xi32, #tpu.memory_space<vmem>>, %arg7: memref<128x64xf32, #tpu.memory_space<vmem>>, %arg8: memref<128x64xf32, #tpu.memory_space<vmem>>, %arg9: memref<!tpu.dma_semaphore, #tpu.memory_space<semaphore_mem>>, %arg10: memref<!tpu.dma_semaphore, #tpu.memory_space<semaphore_mem>>, %arg11: memref<!tpu.dma_semaphore, #tpu.memory_space<semaphore_mem>>, %arg12: memref<!tpu.dma_semaphore, #tpu.memory_space<semaphore_mem>>, %arg13: memref<10240x64xf32, #tpu.memory_space<vmem_shared>>) attributes {dimension_semantics = [#tpu.dimension_semantics<core_parallel>, #tpu.dimension_semantics<subcore_parallel>], iteration_bounds = array<i64: 2, 16>, scalar_prefetch = 0 : i64, scratch_operands = 9 : i64, tpu.core_type = #tpu.core_type<sc_vector_subcore>, window_params = [{transform_indices = #map}, {transform_indices = #map1}, {transform_indices = #map2}]} {
    %mul3A = arith.constant 16 : i32
    %mul3A_0 = arith.muli %arg0, %mul3A : i32
    %add3A = arith.addi %mul3A_0, %arg1 : i32
    %mul3A_1 = arith.constant 640 : i32
    %mul3A_2 = arith.muli %arg1, %mul3A_1 : i32
    %dma_start3A = arith.constant 0 : i32
    %dma_start3A_3 = arith.constant 0 : i32
    %dma_start3A_4 = arith.constant 0 : i32
    %dma_start3A_5 = arith.constant 0 : i32
    %dma_start3A_6 = tpu.memref_slice %arg3[%add3A, %dma_start3A, %dma_start3A_3, %dma_start3A_4, %dma_start3A_5] : memref<32x20x4x2x128xi32, #tpu.memory_space<hbm>> -> memref<1x1x4x2x128xi32, #tpu.memory_space<hbm>>
    %dma_start3A_7 = tpu.memref_squeeze %dma_start3A_6 : memref<1x1x4x2x128xi32, #tpu.memory_space<hbm>> -> memref<4x2x128xi32, #tpu.memory_space<hbm>>
    %dma_start3A_8 = arith.constant 0 : i32
    %dma_start3A_9 = arith.constant 0 : i32
    %dma_start3A_10 = arith.constant 0 : i32
    %dma_start3A_11 = tpu.memref_slice %arg3[%add3A, %dma_start3A, %dma_start3A_8, %dma_start3A_9, %dma_start3A_10] : memref<32x20x4x2x128xi32, #tpu.memory_space<hbm>> -> memref<1x1x4x2x128xi32, #tpu.memory_space<hbm>>
    %dma_start3A_12 = tpu.memref_squeeze %dma_start3A_11 : memref<1x1x4x2x128xi32, #tpu.memory_space<hbm>> -> memref<4x2x128xi32, #tpu.memory_space<hbm>>
    tpu.enqueue_dma source(%dma_start3A_12 : memref<4x2x128xi32, #tpu.memory_space<hbm>>) target(%arg5 : memref<4x2x128xi32, #tpu.memory_space<vmem>>) target_semaphore(%arg9 : memref<!tpu.dma_semaphore, #tpu.memory_space<semaphore_mem>>)
    %broadcast_in_dim3A = arith.constant 0.000000e+00 : f32
    %broadcast_in_dim3A_13 = vector.broadcast %broadcast_in_dim3A : f32 to vector<16xf32>
    %scan3A = arith.constant 0 : i32
    %scan3A_14 = arith.constant 0 : i32
    %scan3A_15 = arith.constant 128 : i32
    %scan3A_16 = arith.addi %scan3A_14, %scan3A_15 : i32
    %scan3A_17 = arith.constant 1 : i32
    scf.for %scan3A_115 = %scan3A_14 to %scan3A_16 step %scan3A_17  : i32 {
      %swap3A = arith.index_cast %scan3A_115 : i32 to index
      %swap3A_116 = arith.constant 0 : index
      %swap3A_117 = tpu.vector_load %arg7[%swap3A, %swap3A_116] {strides = array<i32>} : memref<128x64xf32, #tpu.memory_space<vmem>>, vector<16xf32>,
      tpu.vector_store %arg7[%swap3A, %swap3A_116], %broadcast_in_dim3A_13 {strides = array<i32>} : memref<128x64xf32, #tpu.memory_space<vmem>>, vector<16xf32>,
      %swap3A_118 = arith.index_cast %scan3A_115 : i32 to index
      %swap3A_119 = arith.constant 16 : index
      %swap3A_120 = tpu.vector_load %arg7[%swap3A_118, %swap3A_119] {strides = array<i32>} : memref<128x64xf32, #tpu.memory_space<vmem>>, vector<16xf32>,
      tpu.vector_store %arg7[%swap3A_118, %swap3A_119], %broadcast_in_dim3A_13 {strides = array<i32>} : memref<128x64xf32, #tpu.memory_space<vmem>>, vector<16xf32>,
      %swap3A_121 = arith.index_cast %scan3A_115 : i32 to index
      %swap3A_122 = arith.constant 32 : index
      %swap3A_123 = tpu.vector_load %arg7[%swap3A_121, %swap3A_122] {strides = array<i32>} : memref<128x64xf32, #tpu.memory_space<vmem>>, vector<16xf32>,
      tpu.vector_store %arg7[%swap3A_121, %swap3A_122], %broadcast_in_dim3A_13 {strides = array<i32>} : memref<128x64xf32, #tpu.memory_space<vmem>>, vector<16xf32>,
      %swap3A_124 = arith.index_cast %scan3A_115 : i32 to index
      %swap3A_125 = arith.constant 48 : index
      %swap3A_126 = tpu.vector_load %arg7[%swap3A_124, %swap3A_125] {strides = array<i32>} : memref<128x64xf32, #tpu.memory_space<vmem>>, vector<16xf32>,
      tpu.vector_store %arg7[%swap3A_124, %swap3A_125], %broadcast_in_dim3A_13 {strides = array<i32>} : memref<128x64xf32, #tpu.memory_space<vmem>>, vector<16xf32>,
    }
    %scan3A_18 = arith.constant 128 : i32
    %add3A_19 = arith.constant 0 : i32
    %add3A_20 = arith.addi %mul3A_2, %add3A_19 : i32
    %dma_start3A_21 = arith.constant 0 : i32
    %dma_start3A_22 = tpu.memref_slice %arg13[%add3A_20, %dma_start3A_21] : memref<10240x64xf32, #tpu.memory_space<vmem_shared>> -> memref<128x64xf32, #tpu.memory_space<vmem_shared>>
    %dma_start3A_23 = arith.constant 0 : i32
    %dma_start3A_24 = tpu.memref_slice %arg13[%add3A_20, %dma_start3A_23] : memref<10240x64xf32, #tpu.memory_space<vmem_shared>> -> memref<128x64xf32, #tpu.memory_space<vmem_shared>>
    tpu.enqueue_dma source(%arg7 : memref<128x64xf32, #tpu.memory_space<vmem>>) target(%dma_start3A_24 : memref<128x64xf32, #tpu.memory_space<vmem_shared>>) target_semaphore(%arg11 : memref<!tpu.dma_semaphore, #tpu.memory_space<semaphore_mem>>)
    %add3A_25 = arith.constant 128 : i32
    %add3A_26 = arith.addi %mul3A_2, %add3A_25 : i32
    %dma_start3A_27 = arith.constant 0 : i32
    %dma_start3A_28 = tpu.memref_slice %arg13[%add3A_26, %dma_start3A_27] : memref<10240x64xf32, #tpu.memory_space<vmem_shared>> -> memref<128x64xf32, #tpu.memory_space<vmem_shared>>
    %dma_start3A_29 = arith.constant 0 : i32
    %dma_start3A_30 = tpu.memref_slice %arg13[%add3A_26, %dma_start3A_29] : memref<10240x64xf32, #tpu.memory_space<vmem_shared>> -> memref<128x64xf32, #tpu.memory_space<vmem_shared>>
    tpu.enqueue_dma source(%arg7 : memref<128x64xf32, #tpu.memory_space<vmem>>) target(%dma_start3A_30 : memref<128x64xf32, #tpu.memory_space<vmem_shared>>) target_semaphore(%arg11 : memref<!tpu.dma_semaphore, #tpu.memory_space<semaphore_mem>>)
    %add3A_31 = arith.constant 256 : i32
    %add3A_32 = arith.addi %mul3A_2, %add3A_31 : i32
    %dma_start3A_33 = arith.constant 0 : i32
    %dma_start3A_34 = tpu.memref_slice %arg13[%add3A_32, %dma_start3A_33] : memref<10240x64xf32, #tpu.memory_space<vmem_shared>> -> memref<128x64xf32, #tpu.memory_space<vmem_shared>>
    %dma_start3A_35 = arith.constant 0 : i32
    %dma_start3A_36 = tpu.memref_slice %arg13[%add3A_32, %dma_start3A_35] : memref<10240x64xf32, #tpu.memory_space<vmem_shared>> -> memref<128x64xf32, #tpu.memory_space<vmem_shared>>
    tpu.enqueue_dma source(%arg7 : memref<128x64xf32, #tpu.memory_space<vmem>>) target(%dma_start3A_36 : memref<128x64xf32, #tpu.memory_space<vmem_shared>>) target_semaphore(%arg11 : memref<!tpu.dma_semaphore, #tpu.memory_space<semaphore_mem>>)
    %add3A_37 = arith.constant 384 : i32
    %add3A_38 = arith.addi %mul3A_2, %add3A_37 : i32
    %dma_start3A_39 = arith.constant 0 : i32
    %dma_start3A_40 = tpu.memref_slice %arg13[%add3A_38, %dma_start3A_39] : memref<10240x64xf32, #tpu.memory_space<vmem_shared>> -> memref<128x64xf32, #tpu.memory_space<vmem_shared>>
    %dma_start3A_41 = arith.constant 0 : i32
    %dma_start3A_42 = tpu.memref_slice %arg13[%add3A_38, %dma_start3A_41] : memref<10240x64xf32, #tpu.memory_space<vmem_shared>> -> memref<128x64xf32, #tpu.memory_space<vmem_shared>>
    tpu.enqueue_dma source(%arg7 : memref<128x64xf32, #tpu.memory_space<vmem>>) target(%dma_start3A_42 : memref<128x64xf32, #tpu.memory_space<vmem_shared>>) target_semaphore(%arg11 : memref<!tpu.dma_semaphore, #tpu.memory_space<semaphore_mem>>)
    %add3A_43 = arith.constant 512 : i32
    %add3A_44 = arith.addi %mul3A_2, %add3A_43 : i32
    %dma_start3A_45 = arith.constant 0 : i32
    %dma_start3A_46 = tpu.memref_slice %arg13[%add3A_44, %dma_start3A_45] : memref<10240x64xf32, #tpu.memory_space<vmem_shared>> -> memref<128x64xf32, #tpu.memory_space<vmem_shared>>
    %dma_start3A_47 = arith.constant 0 : i32
    %dma_start3A_48 = tpu.memref_slice %arg13[%add3A_44, %dma_start3A_47] : memref<10240x64xf32, #tpu.memory_space<vmem_shared>> -> memref<128x64xf32, #tpu.memory_space<vmem_shared>>
    tpu.enqueue_dma source(%arg7 : memref<128x64xf32, #tpu.memory_space<vmem>>) target(%dma_start3A_48 : memref<128x64xf32, #tpu.memory_space<vmem_shared>>) target_semaphore(%arg11 : memref<!tpu.dma_semaphore, #tpu.memory_space<semaphore_mem>>)
    %add3A_49 = arith.constant 0 : i32
    %add3A_50 = arith.addi %mul3A_2, %add3A_49 : i32
    %dma_wait3A = arith.constant 0 : i32
    %dma_wait3A_51 = tpu.memref_slice %arg13[%add3A_50, %dma_wait3A] : memref<10240x64xf32, #tpu.memory_space<vmem_shared>> -> memref<128x64xf32, #tpu.memory_space<vmem_shared>>
    %dma_wait3A_52 = arith.constant 0 : i32
    %dma_wait3A_53 = tpu.memref_slice %arg13[%add3A_50, %dma_wait3A_52] : memref<10240x64xf32, #tpu.memory_space<vmem_shared>> -> memref<128x64xf32, #tpu.memory_space<vmem_shared>>
    tpu.wait_dma2 semaphore(%arg11 : memref<!tpu.dma_semaphore, #tpu.memory_space<semaphore_mem>>) src(%arg7 : memref<128x64xf32, #tpu.memory_space<vmem>>) dst(%dma_wait3A_53 : memref<128x64xf32, #tpu.memory_space<vmem_shared>>)
    %add3A_54 = arith.constant 128 : i32
    %add3A_55 = arith.addi %mul3A_2, %add3A_54 : i32
    %dma_wait3A_56 = arith.constant 0 : i32
    %dma_wait3A_57 = tpu.memref_slice %arg13[%add3A_55, %dma_wait3A_56] : memref<10240x64xf32, #tpu.memory_space<vmem_shared>> -> memref<128x64xf32, #tpu.memory_space<vmem_shared>>
    %dma_wait3A_58 = arith.constant 0 : i32
    %dma_wait3A_59 = tpu.memref_slice %arg13[%add3A_55, %dma_wait3A_58] : memref<10240x64xf32, #tpu.memory_space<vmem_shared>> -> memref<128x64xf32, #tpu.memory_space<vmem_shared>>
    tpu.wait_dma2 semaphore(%arg11 : memref<!tpu.dma_semaphore, #tpu.memory_space<semaphore_mem>>) src(%arg7 : memref<128x64xf32, #tpu.memory_space<vmem>>) dst(%dma_wait3A_59 : memref<128x64xf32, #tpu.memory_space<vmem_shared>>)
    %add3A_60 = arith.constant 256 : i32
    %add3A_61 = arith.addi %mul3A_2, %add3A_60 : i32
    %dma_wait3A_62 = arith.constant 0 : i32
    %dma_wait3A_63 = tpu.memref_slice %arg13[%add3A_61, %dma_wait3A_62] : memref<10240x64xf32, #tpu.memory_space<vmem_shared>> -> memref<128x64xf32, #tpu.memory_space<vmem_shared>>
    %dma_wait3A_64 = arith.constant 0 : i32
    %dma_wait3A_65 = tpu.memref_slice %arg13[%add3A_61, %dma_wait3A_64] : memref<10240x64xf32, #tpu.memory_space<vmem_shared>> -> memref<128x64xf32, #tpu.memory_space<vmem_shared>>
    tpu.wait_dma2 semaphore(%arg11 : memref<!tpu.dma_semaphore, #tpu.memory_space<semaphore_mem>>) src(%arg7 : memref<128x64xf32, #tpu.memory_space<vmem>>) dst(%dma_wait3A_65 : memref<128x64xf32, #tpu.memory_space<vmem_shared>>)
    %add3A_66 = arith.constant 384 : i32
    %add3A_67 = arith.addi %mul3A_2, %add3A_66 : i32
    %dma_wait3A_68 = arith.constant 0 : i32
    %dma_wait3A_69 = tpu.memref_slice %arg13[%add3A_67, %dma_wait3A_68] : memref<10240x64xf32, #tpu.memory_space<vmem_shared>> -> memref<128x64xf32, #tpu.memory_space<vmem_shared>>
    %dma_wait3A_70 = arith.constant 0 : i32
    %dma_wait3A_71 = tpu.memref_slice %arg13[%add3A_67, %dma_wait3A_70] : memref<10240x64xf32, #tpu.memory_space<vmem_shared>> -> memref<128x64xf32, #tpu.memory_space<vmem_shared>>
    tpu.wait_dma2 semaphore(%arg11 : memref<!tpu.dma_semaphore, #tpu.memory_space<semaphore_mem>>) src(%arg7 : memref<128x64xf32, #tpu.memory_space<vmem>>) dst(%dma_wait3A_71 : memref<128x64xf32, #tpu.memory_space<vmem_shared>>)
    %add3A_72 = arith.constant 512 : i32
    %add3A_73 = arith.addi %mul3A_2, %add3A_72 : i32
    %dma_wait3A_74 = arith.constant 0 : i32
    %dma_wait3A_75 = tpu.memref_slice %arg13[%add3A_73, %dma_wait3A_74] : memref<10240x64xf32, #tpu.memory_space<vmem_shared>> -> memref<128x64xf32, #tpu.memory_space<vmem_shared>>
    %dma_wait3A_76 = arith.constant 0 : i32
    %dma_wait3A_77 = tpu.memref_slice %arg13[%add3A_73, %dma_wait3A_76] : memref<10240x64xf32, #tpu.memory_space<vmem_shared>> -> memref<128x64xf32, #tpu.memory_space<vmem_shared>>
    tpu.wait_dma2 semaphore(%arg11 : memref<!tpu.dma_semaphore, #tpu.memory_space<semaphore_mem>>) src(%arg7 : memref<128x64xf32, #tpu.memory_space<vmem>>) dst(%dma_wait3A_77 : memref<128x64xf32, #tpu.memory_space<vmem_shared>>)
    %barrier3A = arith.constant 0 : index
    tpu.barrier barrier_id(%barrier3A)
    %dma_wait3A_78 = arith.constant 0 : i32
    %dma_wait3A_79 = arith.constant 0 : i32
    %dma_wait3A_80 = arith.constant 0 : i32
    %dma_wait3A_81 = arith.constant 0 : i32
    %dma_wait3A_82 = tpu.memref_slice %arg3[%add3A, %dma_wait3A_78, %dma_wait3A_79, %dma_wait3A_80, %dma_wait3A_81] : memref<32x20x4x2x128xi32, #tpu.memory_space<hbm>> -> memref<1x1x4x2x128xi32, #tpu.memory_space<hbm>>
    %dma_wait3A_83 = tpu.memref_squeeze %dma_wait3A_82 : memref<1x1x4x2x128xi32, #tpu.memory_space<hbm>> -> memref<4x2x128xi32, #tpu.memory_space<hbm>>
    %dma_wait3A_84 = arith.constant 0 : i32
    %dma_wait3A_85 = arith.constant 0 : i32
    %dma_wait3A_86 = arith.constant 0 : i32
    %dma_wait3A_87 = tpu.memref_slice %arg3[%add3A, %dma_wait3A_78, %dma_wait3A_84, %dma_wait3A_85, %dma_wait3A_86] : memref<32x20x4x2x128xi32, #tpu.memory_space<hbm>> -> memref<1x1x4x2x128xi32, #tpu.memory_space<hbm>>
    %dma_wait3A_88 = tpu.memref_squeeze %dma_wait3A_87 : memref<1x1x4x2x128xi32, #tpu.memory_space<hbm>> -> memref<4x2x128xi32, #tpu.memory_space<hbm>>
    tpu.wait_dma2 semaphore(%arg9 : memref<!tpu.dma_semaphore, #tpu.memory_space<semaphore_mem>>) src(%dma_wait3A_88 : memref<4x2x128xi32, #tpu.memory_space<hbm>>) dst(%arg5 : memref<4x2x128xi32, #tpu.memory_space<vmem>>)
    %dma_start3A_89 = arith.constant 0 : i32
    %dma_start3A_90 = arith.constant 1 : i32
    %dma_start3A_91 = arith.constant 0 : i32
    %dma_start3A_92 = tpu.memref_slice %arg5[%dma_start3A_89, %dma_start3A_90, %dma_start3A_91] : memref<4x2x128xi32, #tpu.memory_space<vmem>> -> memref<1x1x128xi32, #tpu.memory_space<vmem>>
    %dma_start3A_93 = tpu.memref_squeeze %dma_start3A_92 : memref<1x1x128xi32, #tpu.memory_space<vmem>> -> memref<128xi32, #tpu.memory_space<vmem>>
    %dma_start3A_94 = arith.constant 0 : i32
    %dma_start3A_95 = arith.constant 0 : i32
    %dma_start3A_96 = tpu.memref_slice %arg2[%dma_start3A_94, %dma_start3A_95] : memref<10240x64xf32, #tpu.memory_space<hbm>> -> memref<10240x64xf32, #tpu.memory_space<hbm>>
    tpu.enqueue_indirect_dma source(%dma_start3A_96 : memref<10240x64xf32, #tpu.memory_space<hbm>>) target(%arg7 : memref<128x64xf32, #tpu.memory_space<vmem>>) offsets(%dma_start3A_93 : memref<128xi32, #tpu.memory_space<vmem>>) semaphore(%arg11 : memref<!tpu.dma_semaphore, #tpu.memory_space<semaphore_mem>>)
    %dma_start3A_97 = arith.constant 1 : i32
    %dma_start3A_98 = arith.constant 0 : i32
    %dma_start3A_99 = arith.constant 0 : i32
    %dma_start3A_100 = arith.constant 0 : i32
    %dma_start3A_101 = tpu.memref_slice %arg3[%add3A, %dma_start3A_97, %dma_start3A_98, %dma_start3A_99, %dma_start3A_100] : memref<32x20x4x2x128xi32, #tpu.memory_space<hbm>> -> memref<1x1x4x2x128xi32, #tpu.memory_space<hbm>>
    %dma_start3A_102 = tpu.memref_squeeze %dma_start3A_101 : memref<1x1x4x2x128xi32, #tpu.memory_space<hbm>> -> memref<4x2x128xi32, #tpu.memory_space<hbm>>
    %dma_start3A_103 = arith.constant 0 : i32
    %dma_start3A_104 = arith.constant 0 : i32
    %dma_start3A_105 = arith.constant 0 : i32
    %dma_start3A_106 = tpu.memref_slice %arg3[%add3A, %dma_start3A_97, %dma_start3A_103, %dma_start3A_104, %dma_start3A_105] : memref<32x20x4x2x128xi32, #tpu.memory_space<hbm>> -> memref<1x1x4x2x128xi32, #tpu.memory_space<hbm>>
    %dma_start3A_107 = tpu.memref_squeeze %dma_start3A_106 : memref<1x1x4x2x128xi32, #tpu.memory_space<hbm>> -> memref<4x2x128xi32, #tpu.memory_space<hbm>>
    tpu.enqueue_dma source(%dma_start3A_107 : memref<4x2x128xi32, #tpu.memory_space<hbm>>) target(%arg6 : memref<4x2x128xi32, #tpu.memory_space<vmem>>) target_semaphore(%arg10 : memref<!tpu.dma_semaphore, #tpu.memory_space<semaphore_mem>>)
    %scan3A_108 = arith.constant 0 : i32
    %scan3A_109 = arith.constant 0 : i32
    %scan3A_110 = arith.constant 10 : i32
    %scan3A_111 = arith.addi %scan3A_109, %scan3A_110 : i32
    %scan3A_112 = arith.constant 1 : i32
    scf.for %scan3A_115 = %scan3A_109 to %scan3A_111 step %scan3A_112  : i32 {
      %dma_start3A_116 = arith.constant 1 : i32
      %dma_start3A_117 = arith.constant 1 : i32
      %dma_start3A_118 = arith.constant 0 : i32
      %dma_start3A_119 = tpu.memref_slice %arg5[%dma_start3A_116, %dma_start3A_117, %dma_start3A_118] : memref<4x2x128xi32, #tpu.memory_space<vmem>> -> memref<1x1x128xi32, #tpu.memory_space<vmem>>
      %dma_start3A_120 = tpu.memref_squeeze %dma_start3A_119 : memref<1x1x128xi32, #tpu.memory_space<vmem>> -> memref<128xi32, #tpu.memory_space<vmem>>
      %dma_start3A_121 = arith.constant 0 : i32
      %dma_start3A_122 = arith.constant 0 : i32
      %dma_start3A_123 = tpu.memref_slice %arg2[%dma_start3A_121, %dma_start3A_122] : memref<10240x64xf32, #tpu.memory_space<hbm>> -> memref<10240x64xf32, #tpu.memory_space<hbm>>
      tpu.enqueue_indirect_dma source(%dma_start3A_123 : memref<10240x64xf32, #tpu.memory_space<hbm>>) target(%arg8 : memref<128x64xf32, #tpu.memory_space<vmem>>) offsets(%dma_start3A_120 : memref<128xi32, #tpu.memory_space<vmem>>) semaphore(%arg12 : memref<!tpu.dma_semaphore, #tpu.memory_space<semaphore_mem>>)
      %dma_wait3A_124 = arith.constant 0 : i32
      %dma_wait3A_125 = arith.constant 1 : i32
      %dma_wait3A_126 = arith.constant 0 : i32
      %dma_wait3A_127 = tpu.memref_slice %arg5[%dma_wait3A_124, %dma_wait3A_125, %dma_wait3A_126] : memref<4x2x128xi32, #tpu.memory_space<vmem>> -> memref<1x1x128xi32, #tpu.memory_space<vmem>>
      %dma_wait3A_128 = tpu.memref_squeeze %dma_wait3A_127 : memref<1x1x128xi32, #tpu.memory_space<vmem>> -> memref<128xi32, #tpu.memory_space<vmem>>
      %dma_wait3A_129 = arith.constant 0 : i32
      %dma_wait3A_130 = arith.constant 0 : i32
      %dma_wait3A_131 = tpu.memref_slice %arg2[%dma_wait3A_129, %dma_wait3A_130] : memref<10240x64xf32, #tpu.memory_space<hbm>> -> memref<10240x64xf32, #tpu.memory_space<hbm>>
      tpu.wait_indirect_dma semaphore(%arg11 : memref<!tpu.dma_semaphore, #tpu.memory_space<semaphore_mem>>) src(%dma_wait3A_131 : memref<10240x64xf32, #tpu.memory_space<hbm>>) dst(%arg7 : memref<128x64xf32, #tpu.memory_space<vmem>>)
      %run_scoped3A = arith.constant 0 : i32
      %run_scoped3A_132 = arith.constant 0 : i32
      "tpu.region"() ({
        %run_scoped3A_274 = tpu.sem_alloc : memref<!tpu.dma_semaphore, #tpu.memory_space<semaphore_mem>>
        %dma_start3A_275 = arith.constant 0 : i32
        %dma_start3A_276 = tpu.memref_slice %arg5[%run_scoped3A, %run_scoped3A_132, %dma_start3A_275] : memref<4x2x128xi32, #tpu.memory_space<vmem>> -> memref<1x1x128xi32, #tpu.memory_space<vmem>>
        %dma_start3A_277 = tpu.memref_squeeze %dma_start3A_276 : memref<1x1x128xi32, #tpu.memory_space<vmem>> -> memref<128xi32, #tpu.memory_space<vmem>>
        %dma_start3A_278 = arith.constant 0 : i32
        %dma_start3A_279 = arith.constant 0 : i32
        %dma_start3A_280 = tpu.memref_slice %arg13[%dma_start3A_278, %dma_start3A_279] : memref<10240x64xf32, #tpu.memory_space<vmem_shared>> -> memref<10240x64xf32, #tpu.memory_space<vmem_shared>>
        tpu.enqueue_indirect_dma source(%arg7 : memref<128x64xf32, #tpu.memory_space<vmem>>) target(%dma_start3A_280 : memref<10240x64xf32, #tpu.memory_space<vmem_shared>>) offsets(%dma_start3A_277 : memref<128xi32, #tpu.memory_space<vmem>>) semaphore(%run_scoped3A_274 : memref<!tpu.dma_semaphore, #tpu.memory_space<semaphore_mem>>) {add = true}
        %dma_wait3A_281 = arith.constant 0 : i32
        %dma_wait3A_282 = tpu.memref_slice %arg5[%run_scoped3A, %run_scoped3A_132, %dma_wait3A_281] : memref<4x2x128xi32, #tpu.memory_space<vmem>> -> memref<1x1x128xi32, #tpu.memory_space<vmem>>
        %dma_wait3A_283 = tpu.memref_squeeze %dma_wait3A_282 : memref<1x1x128xi32, #tpu.memory_space<vmem>> -> memref<128xi32, #tpu.memory_space<vmem>>
        %dma_wait3A_284 = arith.constant 0 : i32
        %dma_wait3A_285 = arith.constant 0 : i32
        %dma_wait3A_286 = tpu.memref_slice %arg13[%dma_wait3A_284, %dma_wait3A_285] : memref<10240x64xf32, #tpu.memory_space<vmem_shared>> -> memref<10240x64xf32, #tpu.memory_space<vmem_shared>>
        tpu.wait_indirect_dma semaphore(%run_scoped3A_274 : memref<!tpu.dma_semaphore, #tpu.memory_space<semaphore_mem>>) src(%arg7 : memref<128x64xf32, #tpu.memory_space<vmem>>) dst(%dma_wait3A_286 : memref<10240x64xf32, #tpu.memory_space<vmem_shared>>)
        tpu.yield
      }) : () -> ()
      %dma_start3A_133 = arith.constant 2 : i32
      %dma_start3A_134 = arith.constant 1 : i32
      %dma_start3A_135 = arith.constant 0 : i32
      %dma_start3A_136 = tpu.memref_slice %arg5[%dma_start3A_133, %dma_start3A_134, %dma_start3A_135] : memref<4x2x128xi32, #tpu.memory_space<vmem>> -> memref<1x1x128xi32, #tpu.memory_space<vmem>>
      %dma_start3A_137 = tpu.memref_squeeze %dma_start3A_136 : memref<1x1x128xi32, #tpu.memory_space<vmem>> -> memref<128xi32, #tpu.memory_space<vmem>>
      %dma_start3A_138 = arith.constant 0 : i32
      %dma_start3A_139 = arith.constant 0 : i32
      %dma_start3A_140 = tpu.memref_slice %arg2[%dma_start3A_138, %dma_start3A_139] : memref<10240x64xf32, #tpu.memory_space<hbm>> -> memref<10240x64xf32, #tpu.memory_space<hbm>>
      tpu.enqueue_indirect_dma source(%dma_start3A_140 : memref<10240x64xf32, #tpu.memory_space<hbm>>) target(%arg7 : memref<128x64xf32, #tpu.memory_space<vmem>>) offsets(%dma_start3A_137 : memref<128xi32, #tpu.memory_space<vmem>>) semaphore(%arg11 : memref<!tpu.dma_semaphore, #tpu.memory_space<semaphore_mem>>)
      %dma_wait3A_141 = arith.constant 1 : i32
      %dma_wait3A_142 = arith.constant 1 : i32
      %dma_wait3A_143 = arith.constant 0 : i32
      %dma_wait3A_144 = tpu.memref_slice %arg5[%dma_wait3A_141, %dma_wait3A_142, %dma_wait3A_143] : memref<4x2x128xi32, #tpu.memory_space<vmem>> -> memref<1x1x128xi32, #tpu.memory_space<vmem>>
      %dma_wait3A_145 = tpu.memref_squeeze %dma_wait3A_144 : memref<1x1x128xi32, #tpu.memory_space<vmem>> -> memref<128xi32, #tpu.memory_space<vmem>>
      %dma_wait3A_146 = arith.constant 0 : i32
      %dma_wait3A_147 = arith.constant 0 : i32
      %dma_wait3A_148 = tpu.memref_slice %arg2[%dma_wait3A_146, %dma_wait3A_147] : memref<10240x64xf32, #tpu.memory_space<hbm>> -> memref<10240x64xf32, #tpu.memory_space<hbm>>
      tpu.wait_indirect_dma semaphore(%arg12 : memref<!tpu.dma_semaphore, #tpu.memory_space<semaphore_mem>>) src(%dma_wait3A_148 : memref<10240x64xf32, #tpu.memory_space<hbm>>) dst(%arg8 : memref<128x64xf32, #tpu.memory_space<vmem>>)
      %run_scoped3A_149 = arith.constant 1 : i32
      %run_scoped3A_150 = arith.constant 0 : i32
      "tpu.region"() ({
        %run_scoped3A_274 = tpu.sem_alloc : memref<!tpu.dma_semaphore, #tpu.memory_space<semaphore_mem>>
        %dma_start3A_275 = arith.constant 0 : i32
        %dma_start3A_276 = tpu.memref_slice %arg5[%run_scoped3A_149, %run_scoped3A_150, %dma_start3A_275] : memref<4x2x128xi32, #tpu.memory_space<vmem>> -> memref<1x1x128xi32, #tpu.memory_space<vmem>>
        %dma_start3A_277 = tpu.memref_squeeze %dma_start3A_276 : memref<1x1x128xi32, #tpu.memory_space<vmem>> -> memref<128xi32, #tpu.memory_space<vmem>>
        %dma_start3A_278 = arith.constant 0 : i32
        %dma_start3A_279 = arith.constant 0 : i32
        %dma_start3A_280 = tpu.memref_slice %arg13[%dma_start3A_278, %dma_start3A_279] : memref<10240x64xf32, #tpu.memory_space<vmem_shared>> -> memref<10240x64xf32, #tpu.memory_space<vmem_shared>>
        tpu.enqueue_indirect_dma source(%arg8 : memref<128x64xf32, #tpu.memory_space<vmem>>) target(%dma_start3A_280 : memref<10240x64xf32, #tpu.memory_space<vmem_shared>>) offsets(%dma_start3A_277 : memref<128xi32, #tpu.memory_space<vmem>>) semaphore(%run_scoped3A_274 : memref<!tpu.dma_semaphore, #tpu.memory_space<semaphore_mem>>) {add = true}
        %dma_wait3A_281 = arith.constant 0 : i32
        %dma_wait3A_282 = tpu.memref_slice %arg5[%run_scoped3A_149, %run_scoped3A_150, %dma_wait3A_281] : memref<4x2x128xi32, #tpu.memory_space<vmem>> -> memref<1x1x128xi32, #tpu.memory_space<vmem>>
        %dma_wait3A_283 = tpu.memref_squeeze %dma_wait3A_282 : memref<1x1x128xi32, #tpu.memory_space<vmem>> -> memref<128xi32, #tpu.memory_space<vmem>>
        %dma_wait3A_284 = arith.constant 0 : i32
        %dma_wait3A_285 = arith.constant 0 : i32
        %dma_wait3A_286 = tpu.memref_slice %arg13[%dma_wait3A_284, %dma_wait3A_285] : memref<10240x64xf32, #tpu.memory_space<vmem_shared>> -> memref<10240x64xf32, #tpu.memory_space<vmem_shared>>
        tpu.wait_indirect_dma semaphore(%run_scoped3A_274 : memref<!tpu.dma_semaphore, #tpu.memory_space<semaphore_mem>>) src(%arg8 : memref<128x64xf32, #tpu.memory_space<vmem>>) dst(%dma_wait3A_286 : memref<10240x64xf32, #tpu.memory_space<vmem_shared>>)
        tpu.yield
      }) : () -> ()
      %dma_start3A_151 = arith.constant 3 : i32
      %dma_start3A_152 = arith.constant 1 : i32
      %dma_start3A_153 = arith.constant 0 : i32
      %dma_start3A_154 = tpu.memref_slice %arg5[%dma_start3A_151, %dma_start3A_152, %dma_start3A_153] : memref<4x2x128xi32, #tpu.memory_space<vmem>> -> memref<1x1x128xi32, #tpu.memory_space<vmem>>
      %dma_start3A_155 = tpu.memref_squeeze %dma_start3A_154 : memref<1x1x128xi32, #tpu.memory_space<vmem>> -> memref<128xi32, #tpu.memory_space<vmem>>
      %dma_start3A_156 = arith.constant 0 : i32
      %dma_start3A_157 = arith.constant 0 : i32
      %dma_start3A_158 = tpu.memref_slice %arg2[%dma_start3A_156, %dma_start3A_157] : memref<10240x64xf32, #tpu.memory_space<hbm>> -> memref<10240x64xf32, #tpu.memory_space<hbm>>
      tpu.enqueue_indirect_dma source(%dma_start3A_158 : memref<10240x64xf32, #tpu.memory_space<hbm>>) target(%arg8 : memref<128x64xf32, #tpu.memory_space<vmem>>) offsets(%dma_start3A_155 : memref<128xi32, #tpu.memory_space<vmem>>) semaphore(%arg12 : memref<!tpu.dma_semaphore, #tpu.memory_space<semaphore_mem>>)
      %dma_wait3A_159 = arith.constant 2 : i32
      %dma_wait3A_160 = arith.constant 1 : i32
      %dma_wait3A_161 = arith.constant 0 : i32
      %dma_wait3A_162 = tpu.memref_slice %arg5[%dma_wait3A_159, %dma_wait3A_160, %dma_wait3A_161] : memref<4x2x128xi32, #tpu.memory_space<vmem>> -> memref<1x1x128xi32, #tpu.memory_space<vmem>>
      %dma_wait3A_163 = tpu.memref_squeeze %dma_wait3A_162 : memref<1x1x128xi32, #tpu.memory_space<vmem>> -> memref<128xi32, #tpu.memory_space<vmem>>
      %dma_wait3A_164 = arith.constant 0 : i32
      %dma_wait3A_165 = arith.constant 0 : i32
      %dma_wait3A_166 = tpu.memref_slice %arg2[%dma_wait3A_164, %dma_wait3A_165] : memref<10240x64xf32, #tpu.memory_space<hbm>> -> memref<10240x64xf32, #tpu.memory_space<hbm>>
      tpu.wait_indirect_dma semaphore(%arg11 : memref<!tpu.dma_semaphore, #tpu.memory_space<semaphore_mem>>) src(%dma_wait3A_166 : memref<10240x64xf32, #tpu.memory_space<hbm>>) dst(%arg7 : memref<128x64xf32, #tpu.memory_space<vmem>>)
      %run_scoped3A_167 = arith.constant 2 : i32
      %run_scoped3A_168 = arith.constant 0 : i32
      "tpu.region"() ({
        %run_scoped3A_274 = tpu.sem_alloc : memref<!tpu.dma_semaphore, #tpu.memory_space<semaphore_mem>>
        %dma_start3A_275 = arith.constant 0 : i32
        %dma_start3A_276 = tpu.memref_slice %arg5[%run_scoped3A_167, %run_scoped3A_168, %dma_start3A_275] : memref<4x2x128xi32, #tpu.memory_space<vmem>> -> memref<1x1x128xi32, #tpu.memory_space<vmem>>
        %dma_start3A_277 = tpu.memref_squeeze %dma_start3A_276 : memref<1x1x128xi32, #tpu.memory_space<vmem>> -> memref<128xi32, #tpu.memory_space<vmem>>
        %dma_start3A_278 = arith.constant 0 : i32
        %dma_start3A_279 = arith.constant 0 : i32
        %dma_start3A_280 = tpu.memref_slice %arg13[%dma_start3A_278, %dma_start3A_279] : memref<10240x64xf32, #tpu.memory_space<vmem_shared>> -> memref<10240x64xf32, #tpu.memory_space<vmem_shared>>
        tpu.enqueue_indirect_dma source(%arg7 : memref<128x64xf32, #tpu.memory_space<vmem>>) target(%dma_start3A_280 : memref<10240x64xf32, #tpu.memory_space<vmem_shared>>) offsets(%dma_start3A_277 : memref<128xi32, #tpu.memory_space<vmem>>) semaphore(%run_scoped3A_274 : memref<!tpu.dma_semaphore, #tpu.memory_space<semaphore_mem>>) {add = true}
        %dma_wait3A_281 = arith.constant 0 : i32
        %dma_wait3A_282 = tpu.memref_slice %arg5[%run_scoped3A_167, %run_scoped3A_168, %dma_wait3A_281] : memref<4x2x128xi32, #tpu.memory_space<vmem>> -> memref<1x1x128xi32, #tpu.memory_space<vmem>>
        %dma_wait3A_283 = tpu.memref_squeeze %dma_wait3A_282 : memref<1x1x128xi32, #tpu.memory_space<vmem>> -> memref<128xi32, #tpu.memory_space<vmem>>
        %dma_wait3A_284 = arith.constant 0 : i32
        %dma_wait3A_285 = arith.constant 0 : i32
        %dma_wait3A_286 = tpu.memref_slice %arg13[%dma_wait3A_284, %dma_wait3A_285] : memref<10240x64xf32, #tpu.memory_space<vmem_shared>> -> memref<10240x64xf32, #tpu.memory_space<vmem_shared>>
        tpu.wait_indirect_dma semaphore(%run_scoped3A_274 : memref<!tpu.dma_semaphore, #tpu.memory_space<semaphore_mem>>) src(%arg7 : memref<128x64xf32, #tpu.memory_space<vmem>>) dst(%dma_wait3A_286 : memref<10240x64xf32, #tpu.memory_space<vmem_shared>>)
        tpu.yield
      }) : () -> ()
      %dma_wait3A_169 = arith.constant 0 : i32
      %dma_wait3A_170 = arith.constant 0 : i32
      %dma_wait3A_171 = arith.constant 0 : i32
      %dma_wait3A_172 = arith.constant 0 : i32
      %dma_wait3A_173 = tpu.memref_slice %arg3[%add3A, %dma_wait3A_169, %dma_wait3A_170, %dma_wait3A_171, %dma_wait3A_172] : memref<32x20x4x2x128xi32, #tpu.memory_space<hbm>> -> memref<1x1x4x2x128xi32, #tpu.memory_space<hbm>>
      %dma_wait3A_174 = tpu.memref_squeeze %dma_wait3A_173 : memref<1x1x4x2x128xi32, #tpu.memory_space<hbm>> -> memref<4x2x128xi32, #tpu.memory_space<hbm>>
      %dma_wait3A_175 = arith.constant 0 : i32
      %dma_wait3A_176 = arith.constant 0 : i32
      %dma_wait3A_177 = arith.constant 0 : i32
      %dma_wait3A_178 = tpu.memref_slice %arg3[%add3A, %dma_wait3A_169, %dma_wait3A_175, %dma_wait3A_176, %dma_wait3A_177] : memref<32x20x4x2x128xi32, #tpu.memory_space<hbm>> -> memref<1x1x4x2x128xi32, #tpu.memory_space<hbm>>
      %dma_wait3A_179 = tpu.memref_squeeze %dma_wait3A_178 : memref<1x1x4x2x128xi32, #tpu.memory_space<hbm>> -> memref<4x2x128xi32, #tpu.memory_space<hbm>>
      tpu.wait_dma2 semaphore(%arg10 : memref<!tpu.dma_semaphore, #tpu.memory_space<semaphore_mem>>) src(%dma_wait3A_179 : memref<4x2x128xi32, #tpu.memory_space<hbm>>) dst(%arg6 : memref<4x2x128xi32, #tpu.memory_space<vmem>>)
      %dma_start3A_180 = arith.constant 0 : i32
      %dma_start3A_181 = arith.constant 1 : i32
      %dma_start3A_182 = arith.constant 0 : i32
      %dma_start3A_183 = tpu.memref_slice %arg6[%dma_start3A_180, %dma_start3A_181, %dma_start3A_182] : memref<4x2x128xi32, #tpu.memory_space<vmem>> -> memref<1x1x128xi32, #tpu.memory_space<vmem>>
      %dma_start3A_184 = tpu.memref_squeeze %dma_start3A_183 : memref<1x1x128xi32, #tpu.memory_space<vmem>> -> memref<128xi32, #tpu.memory_space<vmem>>
      %dma_start3A_185 = arith.constant 0 : i32
      %dma_start3A_186 = arith.constant 0 : i32
      %dma_start3A_187 = tpu.memref_slice %arg2[%dma_start3A_185, %dma_start3A_186] : memref<10240x64xf32, #tpu.memory_space<hbm>> -> memref<10240x64xf32, #tpu.memory_space<hbm>>
      tpu.enqueue_indirect_dma source(%dma_start3A_187 : memref<10240x64xf32, #tpu.memory_space<hbm>>) target(%arg7 : memref<128x64xf32, #tpu.memory_space<vmem>>) offsets(%dma_start3A_184 : memref<128xi32, #tpu.memory_space<vmem>>) semaphore(%arg11 : memref<!tpu.dma_semaphore, #tpu.memory_space<semaphore_mem>>)
      %dma_wait3A_188 = arith.constant 3 : i32
      %dma_wait3A_189 = arith.constant 1 : i32
      %dma_wait3A_190 = arith.constant 0 : i32
      %dma_wait3A_191 = tpu.memref_slice %arg5[%dma_wait3A_188, %dma_wait3A_189, %dma_wait3A_190] : memref<4x2x128xi32, #tpu.memory_space<vmem>> -> memref<1x1x128xi32, #tpu.memory_space<vmem>>
      %dma_wait3A_192 = tpu.memref_squeeze %dma_wait3A_191 : memref<1x1x128xi32, #tpu.memory_space<vmem>> -> memref<128xi32, #tpu.memory_space<vmem>>
      %dma_wait3A_193 = arith.constant 0 : i32
      %dma_wait3A_194 = arith.constant 0 : i32
      %dma_wait3A_195 = tpu.memref_slice %arg2[%dma_wait3A_193, %dma_wait3A_194] : memref<10240x64xf32, #tpu.memory_space<hbm>> -> memref<10240x64xf32, #tpu.memory_space<hbm>>
      tpu.wait_indirect_dma semaphore(%arg12 : memref<!tpu.dma_semaphore, #tpu.memory_space<semaphore_mem>>) src(%dma_wait3A_195 : memref<10240x64xf32, #tpu.memory_space<hbm>>) dst(%arg8 : memref<128x64xf32, #tpu.memory_space<vmem>>)
      %run_scoped3A_196 = arith.constant 3 : i32
      %run_scoped3A_197 = arith.constant 0 : i32
      "tpu.region"() ({
        %run_scoped3A_274 = tpu.sem_alloc : memref<!tpu.dma_semaphore, #tpu.memory_space<semaphore_mem>>
        %dma_start3A_275 = arith.constant 0 : i32
        %dma_start3A_276 = tpu.memref_slice %arg5[%run_scoped3A_196, %run_scoped3A_197, %dma_start3A_275] : memref<4x2x128xi32, #tpu.memory_space<vmem>> -> memref<1x1x128xi32, #tpu.memory_space<vmem>>
        %dma_start3A_277 = tpu.memref_squeeze %dma_start3A_276 : memref<1x1x128xi32, #tpu.memory_space<vmem>> -> memref<128xi32, #tpu.memory_space<vmem>>
        %dma_start3A_278 = arith.constant 0 : i32
        %dma_start3A_279 = arith.constant 0 : i32
        %dma_start3A_280 = tpu.memref_slice %arg13[%dma_start3A_278, %dma_start3A_279] : memref<10240x64xf32, #tpu.memory_space<vmem_shared>> -> memref<10240x64xf32, #tpu.memory_space<vmem_shared>>
        tpu.enqueue_indirect_dma source(%arg8 : memref<128x64xf32, #tpu.memory_space<vmem>>) target(%dma_start3A_280 : memref<10240x64xf32, #tpu.memory_space<vmem_shared>>) offsets(%dma_start3A_277 : memref<128xi32, #tpu.memory_space<vmem>>) semaphore(%run_scoped3A_274 : memref<!tpu.dma_semaphore, #tpu.memory_space<semaphore_mem>>) {add = true}
        %dma_wait3A_281 = arith.constant 0 : i32
        %dma_wait3A_282 = tpu.memref_slice %arg5[%run_scoped3A_196, %run_scoped3A_197, %dma_wait3A_281] : memref<4x2x128xi32, #tpu.memory_space<vmem>> -> memref<1x1x128xi32, #tpu.memory_space<vmem>>
        %dma_wait3A_283 = tpu.memref_squeeze %dma_wait3A_282 : memref<1x1x128xi32, #tpu.memory_space<vmem>> -> memref<128xi32, #tpu.memory_space<vmem>>
        %dma_wait3A_284 = arith.constant 0 : i32
        %dma_wait3A_285 = arith.constant 0 : i32
        %dma_wait3A_286 = tpu.memref_slice %arg13[%dma_wait3A_284, %dma_wait3A_285] : memref<10240x64xf32, #tpu.memory_space<vmem_shared>> -> memref<10240x64xf32, #tpu.memory_space<vmem_shared>>
        tpu.wait_indirect_dma semaphore(%run_scoped3A_274 : memref<!tpu.dma_semaphore, #tpu.memory_space<semaphore_mem>>) src(%arg8 : memref<128x64xf32, #tpu.memory_space<vmem>>) dst(%dma_wait3A_286 : memref<10240x64xf32, #tpu.memory_space<vmem_shared>>)
        tpu.yield
      }) : () -> ()
      %lt3A = arith.constant 9 : i32
      %lt3A_198 = arith.cmpi slt, %scan3A_115, %lt3A : i32
      %convert_element_type3A = arith.extui %lt3A_198 : i1 to i32
      %cond3A = arith.constant 0 : i32
      %cond3A_199 = arith.cmpi ne, %convert_element_type3A, %cond3A : i32
      scf.if %cond3A_199 {
        %mul3A_274 = arith.constant 2 : i32
        %mul3A_275 = arith.muli %mul3A_274, %scan3A_115 : i32
        %add3A_276 = arith.constant 2 : i32
        %add3A_277 = arith.addi %mul3A_275, %add3A_276 : i32
        %dma_start3A_278 = arith.constant 0 : i32
        %dma_start3A_279 = arith.constant 0 : i32
        %dma_start3A_280 = arith.constant 0 : i32
        %dma_start3A_281 = tpu.memref_slice %arg3[%add3A, %add3A_277, %dma_start3A_278, %dma_start3A_279, %dma_start3A_280] : memref<32x20x4x2x128xi32, #tpu.memory_space<hbm>> -> memref<1x1x4x2x128xi32, #tpu.memory_space<hbm>>
        %dma_start3A_282 = tpu.memref_squeeze %dma_start3A_281 : memref<1x1x4x2x128xi32, #tpu.memory_space<hbm>> -> memref<4x2x128xi32, #tpu.memory_space<hbm>>
        %dma_start3A_283 = arith.constant 0 : i32
        %dma_start3A_284 = arith.constant 0 : i32
        %dma_start3A_285 = arith.constant 0 : i32
        %dma_start3A_286 = tpu.memref_slice %arg3[%add3A, %add3A_277, %dma_start3A_283, %dma_start3A_284, %dma_start3A_285] : memref<32x20x4x2x128xi32, #tpu.memory_space<hbm>> -> memref<1x1x4x2x128xi32, #tpu.memory_space<hbm>>
        %dma_start3A_287 = tpu.memref_squeeze %dma_start3A_286 : memref<1x1x4x2x128xi32, #tpu.memory_space<hbm>> -> memref<4x2x128xi32, #tpu.memory_space<hbm>>
        tpu.enqueue_dma source(%dma_start3A_287 : memref<4x2x128xi32, #tpu.memory_space<hbm>>) target(%arg5 : memref<4x2x128xi32, #tpu.memory_space<vmem>>) target_semaphore(%arg9 : memref<!tpu.dma_semaphore, #tpu.memory_space<semaphore_mem>>)
      } else {
      }
      %dma_start3A_200 = arith.constant 1 : i32
      %dma_start3A_201 = arith.constant 1 : i32
      %dma_start3A_202 = arith.constant 0 : i32
      %dma_start3A_203 = tpu.memref_slice %arg6[%dma_start3A_200, %dma_start3A_201, %dma_start3A_202] : memref<4x2x128xi32, #tpu.memory_space<vmem>> -> memref<1x1x128xi32, #tpu.memory_space<vmem>>
      %dma_start3A_204 = tpu.memref_squeeze %dma_start3A_203 : memref<1x1x128xi32, #tpu.memory_space<vmem>> -> memref<128xi32, #tpu.memory_space<vmem>>
      %dma_start3A_205 = arith.constant 0 : i32
      %dma_start3A_206 = arith.constant 0 : i32
      %dma_start3A_207 = tpu.memref_slice %arg2[%dma_start3A_205, %dma_start3A_206] : memref<10240x64xf32, #tpu.memory_space<hbm>> -> memref<10240x64xf32, #tpu.memory_space<hbm>>
      tpu.enqueue_indirect_dma source(%dma_start3A_207 : memref<10240x64xf32, #tpu.memory_space<hbm>>) target(%arg8 : memref<128x64xf32, #tpu.memory_space<vmem>>) offsets(%dma_start3A_204 : memref<128xi32, #tpu.memory_space<vmem>>) semaphore(%arg12 : memref<!tpu.dma_semaphore, #tpu.memory_space<semaphore_mem>>)
      %dma_wait3A_208 = arith.constant 0 : i32
      %dma_wait3A_209 = arith.constant 1 : i32
      %dma_wait3A_210 = arith.constant 0 : i32
      %dma_wait3A_211 = tpu.memref_slice %arg6[%dma_wait3A_208, %dma_wait3A_209, %dma_wait3A_210] : memref<4x2x128xi32, #tpu.memory_space<vmem>> -> memref<1x1x128xi32, #tpu.memory_space<vmem>>
      %dma_wait3A_212 = tpu.memref_squeeze %dma_wait3A_211 : memref<1x1x128xi32, #tpu.memory_space<vmem>> -> memref<128xi32, #tpu.memory_space<vmem>>
      %dma_wait3A_213 = arith.constant 0 : i32
      %dma_wait3A_214 = arith.constant 0 : i32
      %dma_wait3A_215 = tpu.memref_slice %arg2[%dma_wait3A_213, %dma_wait3A_214] : memref<10240x64xf32, #tpu.memory_space<hbm>> -> memref<10240x64xf32, #tpu.memory_space<hbm>>
      tpu.wait_indirect_dma semaphore(%arg11 : memref<!tpu.dma_semaphore, #tpu.memory_space<semaphore_mem>>) src(%dma_wait3A_215 : memref<10240x64xf32, #tpu.memory_space<hbm>>) dst(%arg7 : memref<128x64xf32, #tpu.memory_space<vmem>>)
      %run_scoped3A_216 = arith.constant 0 : i32
      %run_scoped3A_217 = arith.constant 0 : i32
      "tpu.region"() ({
        %run_scoped3A_274 = tpu.sem_alloc : memref<!tpu.dma_semaphore, #tpu.memory_space<semaphore_mem>>
        %dma_start3A_275 = arith.constant 0 : i32
        %dma_start3A_276 = tpu.memref_slice %arg6[%run_scoped3A_216, %run_scoped3A_217, %dma_start3A_275] : memref<4x2x128xi32, #tpu.memory_space<vmem>> -> memref<1x1x128xi32, #tpu.memory_space<vmem>>
        %dma_start3A_277 = tpu.memref_squeeze %dma_start3A_276 : memref<1x1x128xi32, #tpu.memory_space<vmem>> -> memref<128xi32, #tpu.memory_space<vmem>>
        %dma_start3A_278 = arith.constant 0 : i32
        %dma_start3A_279 = arith.constant 0 : i32
        %dma_start3A_280 = tpu.memref_slice %arg13[%dma_start3A_278, %dma_start3A_279] : memref<10240x64xf32, #tpu.memory_space<vmem_shared>> -> memref<10240x64xf32, #tpu.memory_space<vmem_shared>>
        tpu.enqueue_indirect_dma source(%arg7 : memref<128x64xf32, #tpu.memory_space<vmem>>) target(%dma_start3A_280 : memref<10240x64xf32, #tpu.memory_space<vmem_shared>>) offsets(%dma_start3A_277 : memref<128xi32, #tpu.memory_space<vmem>>) semaphore(%run_scoped3A_274 : memref<!tpu.dma_semaphore, #tpu.memory_space<semaphore_mem>>) {add = true}
        %dma_wait3A_281 = arith.constant 0 : i32
        %dma_wait3A_282 = tpu.memref_slice %arg6[%run_scoped3A_216, %run_scoped3A_217, %dma_wait3A_281] : memref<4x2x128xi32, #tpu.memory_space<vmem>> -> memref<1x1x128xi32, #tpu.memory_space<vmem>>
        %dma_wait3A_283 = tpu.memref_squeeze %dma_wait3A_282 : memref<1x1x128xi32, #tpu.memory_space<vmem>> -> memref<128xi32, #tpu.memory_space<vmem>>
        %dma_wait3A_284 = arith.constant 0 : i32
        %dma_wait3A_285 = arith.constant 0 : i32
        %dma_wait3A_286 = tpu.memref_slice %arg13[%dma_wait3A_284, %dma_wait3A_285] : memref<10240x64xf32, #tpu.memory_space<vmem_shared>> -> memref<10240x64xf32, #tpu.memory_space<vmem_shared>>
        tpu.wait_indirect_dma semaphore(%run_scoped3A_274 : memref<!tpu.dma_semaphore, #tpu.memory_space<semaphore_mem>>) src(%arg7 : memref<128x64xf32, #tpu.memory_space<vmem>>) dst(%dma_wait3A_286 : memref<10240x64xf32, #tpu.memory_space<vmem_shared>>)
        tpu.yield
      }) : () -> ()
      %dma_start3A_218 = arith.constant 2 : i32
      %dma_start3A_219 = arith.constant 1 : i32
      %dma_start3A_220 = arith.constant 0 : i32
      %dma_start3A_221 = tpu.memref_slice %arg6[%dma_start3A_218, %dma_start3A_219, %dma_start3A_220] : memref<4x2x128xi32, #tpu.memory_space<vmem>> -> memref<1x1x128xi32, #tpu.memory_space<vmem>>
      %dma_start3A_222 = tpu.memref_squeeze %dma_start3A_221 : memref<1x1x128xi32, #tpu.memory_space<vmem>> -> memref<128xi32, #tpu.memory_space<vmem>>
      %dma_start3A_223 = arith.constant 0 : i32
      %dma_start3A_224 = arith.constant 0 : i32
      %dma_start3A_225 = tpu.memref_slice %arg2[%dma_start3A_223, %dma_start3A_224] : memref<10240x64xf32, #tpu.memory_space<hbm>> -> memref<10240x64xf32, #tpu.memory_space<hbm>>
      tpu.enqueue_indirect_dma source(%dma_start3A_225 : memref<10240x64xf32, #tpu.memory_space<hbm>>) target(%arg7 : memref<128x64xf32, #tpu.memory_space<vmem>>) offsets(%dma_start3A_222 : memref<128xi32, #tpu.memory_space<vmem>>) semaphore(%arg11 : memref<!tpu.dma_semaphore, #tpu.memory_space<semaphore_mem>>)
      %dma_wait3A_226 = arith.constant 1 : i32
      %dma_wait3A_227 = arith.constant 1 : i32
      %dma_wait3A_228 = arith.constant 0 : i32
      %dma_wait3A_229 = tpu.memref_slice %arg6[%dma_wait3A_226, %dma_wait3A_227, %dma_wait3A_228] : memref<4x2x128xi32, #tpu.memory_space<vmem>> -> memref<1x1x128xi32, #tpu.memory_space<vmem>>
      %dma_wait3A_230 = tpu.memref_squeeze %dma_wait3A_229 : memref<1x1x128xi32, #tpu.memory_space<vmem>> -> memref<128xi32, #tpu.memory_space<vmem>>
      %dma_wait3A_231 = arith.constant 0 : i32
      %dma_wait3A_232 = arith.constant 0 : i32
      %dma_wait3A_233 = tpu.memref_slice %arg2[%dma_wait3A_231, %dma_wait3A_232] : memref<10240x64xf32, #tpu.memory_space<hbm>> -> memref<10240x64xf32, #tpu.memory_space<hbm>>
      tpu.wait_indirect_dma semaphore(%arg12 : memref<!tpu.dma_semaphore, #tpu.memory_space<semaphore_mem>>) src(%dma_wait3A_233 : memref<10240x64xf32, #tpu.memory_space<hbm>>) dst(%arg8 : memref<128x64xf32, #tpu.memory_space<vmem>>)
      %run_scoped3A_234 = arith.constant 1 : i32
      %run_scoped3A_235 = arith.constant 0 : i32
      "tpu.region"() ({
        %run_scoped3A_274 = tpu.sem_alloc : memref<!tpu.dma_semaphore, #tpu.memory_space<semaphore_mem>>
        %dma_start3A_275 = arith.constant 0 : i32
        %dma_start3A_276 = tpu.memref_slice %arg6[%run_scoped3A_234, %run_scoped3A_235, %dma_start3A_275] : memref<4x2x128xi32, #tpu.memory_space<vmem>> -> memref<1x1x128xi32, #tpu.memory_space<vmem>>
        %dma_start3A_277 = tpu.memref_squeeze %dma_start3A_276 : memref<1x1x128xi32, #tpu.memory_space<vmem>> -> memref<128xi32, #tpu.memory_space<vmem>>
        %dma_start3A_278 = arith.constant 0 : i32
        %dma_start3A_279 = arith.constant 0 : i32
        %dma_start3A_280 = tpu.memref_slice %arg13[%dma_start3A_278, %dma_start3A_279] : memref<10240x64xf32, #tpu.memory_space<vmem_shared>> -> memref<10240x64xf32, #tpu.memory_space<vmem_shared>>
        tpu.enqueue_indirect_dma source(%arg8 : memref<128x64xf32, #tpu.memory_space<vmem>>) target(%dma_start3A_280 : memref<10240x64xf32, #tpu.memory_space<vmem_shared>>) offsets(%dma_start3A_277 : memref<128xi32, #tpu.memory_space<vmem>>) semaphore(%run_scoped3A_274 : memref<!tpu.dma_semaphore, #tpu.memory_space<semaphore_mem>>) {add = true}
        %dma_wait3A_281 = arith.constant 0 : i32
        %dma_wait3A_282 = tpu.memref_slice %arg6[%run_scoped3A_234, %run_scoped3A_235, %dma_wait3A_281] : memref<4x2x128xi32, #tpu.memory_space<vmem>> -> memref<1x1x128xi32, #tpu.memory_space<vmem>>
        %dma_wait3A_283 = tpu.memref_squeeze %dma_wait3A_282 : memref<1x1x128xi32, #tpu.memory_space<vmem>> -> memref<128xi32, #tpu.memory_space<vmem>>
        %dma_wait3A_284 = arith.constant 0 : i32
        %dma_wait3A_285 = arith.constant 0 : i32
        %dma_wait3A_286 = tpu.memref_slice %arg13[%dma_wait3A_284, %dma_wait3A_285] : memref<10240x64xf32, #tpu.memory_space<vmem_shared>> -> memref<10240x64xf32, #tpu.memory_space<vmem_shared>>
        tpu.wait_indirect_dma semaphore(%run_scoped3A_274 : memref<!tpu.dma_semaphore, #tpu.memory_space<semaphore_mem>>) src(%arg8 : memref<128x64xf32, #tpu.memory_space<vmem>>) dst(%dma_wait3A_286 : memref<10240x64xf32, #tpu.memory_space<vmem_shared>>)
        tpu.yield
      }) : () -> ()
      %dma_start3A_236 = arith.constant 3 : i32
      %dma_start3A_237 = arith.constant 1 : i32
      %dma_start3A_238 = arith.constant 0 : i32
      %dma_start3A_239 = tpu.memref_slice %arg6[%dma_start3A_236, %dma_start3A_237, %dma_start3A_238] : memref<4x2x128xi32, #tpu.memory_space<vmem>> -> memref<1x1x128xi32, #tpu.memory_space<vmem>>
      %dma_start3A_240 = tpu.memref_squeeze %dma_start3A_239 : memref<1x1x128xi32, #tpu.memory_space<vmem>> -> memref<128xi32, #tpu.memory_space<vmem>>
      %dma_start3A_241 = arith.constant 0 : i32
      %dma_start3A_242 = arith.constant 0 : i32
      %dma_start3A_243 = tpu.memref_slice %arg2[%dma_start3A_241, %dma_start3A_242] : memref<10240x64xf32, #tpu.memory_space<hbm>> -> memref<10240x64xf32, #tpu.memory_space<hbm>>
      tpu.enqueue_indirect_dma source(%dma_start3A_243 : memref<10240x64xf32, #tpu.memory_space<hbm>>) target(%arg8 : memref<128x64xf32, #tpu.memory_space<vmem>>) offsets(%dma_start3A_240 : memref<128xi32, #tpu.memory_space<vmem>>) semaphore(%arg12 : memref<!tpu.dma_semaphore, #tpu.memory_space<semaphore_mem>>)
      %dma_wait3A_244 = arith.constant 2 : i32
      %dma_wait3A_245 = arith.constant 1 : i32
      %dma_wait3A_246 = arith.constant 0 : i32
      %dma_wait3A_247 = tpu.memref_slice %arg6[%dma_wait3A_244, %dma_wait3A_245, %dma_wait3A_246] : memref<4x2x128xi32, #tpu.memory_space<vmem>> -> memref<1x1x128xi32, #tpu.memory_space<vmem>>
      %dma_wait3A_248 = tpu.memref_squeeze %dma_wait3A_247 : memref<1x1x128xi32, #tpu.memory_space<vmem>> -> memref<128xi32, #tpu.memory_space<vmem>>
      %dma_wait3A_249 = arith.constant 0 : i32
      %dma_wait3A_250 = arith.constant 0 : i32
      %dma_wait3A_251 = tpu.memref_slice %arg2[%dma_wait3A_249, %dma_wait3A_250] : memref<10240x64xf32, #tpu.memory_space<hbm>> -> memref<10240x64xf32, #tpu.memory_space<hbm>>
      tpu.wait_indirect_dma semaphore(%arg11 : memref<!tpu.dma_semaphore, #tpu.memory_space<semaphore_mem>>) src(%dma_wait3A_251 : memref<10240x64xf32, #tpu.memory_space<hbm>>) dst(%arg7 : memref<128x64xf32, #tpu.memory_space<vmem>>)
      %run_scoped3A_252 = arith.constant 2 : i32
      %run_scoped3A_253 = arith.constant 0 : i32
      "tpu.region"() ({
        %run_scoped3A_274 = tpu.sem_alloc : memref<!tpu.dma_semaphore, #tpu.memory_space<semaphore_mem>>
        %dma_start3A_275 = arith.constant 0 : i32
        %dma_start3A_276 = tpu.memref_slice %arg6[%run_scoped3A_252, %run_scoped3A_253, %dma_start3A_275] : memref<4x2x128xi32, #tpu.memory_space<vmem>> -> memref<1x1x128xi32, #tpu.memory_space<vmem>>
        %dma_start3A_277 = tpu.memref_squeeze %dma_start3A_276 : memref<1x1x128xi32, #tpu.memory_space<vmem>> -> memref<128xi32, #tpu.memory_space<vmem>>
        %dma_start3A_278 = arith.constant 0 : i32
        %dma_start3A_279 = arith.constant 0 : i32
        %dma_start3A_280 = tpu.memref_slice %arg13[%dma_start3A_278, %dma_start3A_279] : memref<10240x64xf32, #tpu.memory_space<vmem_shared>> -> memref<10240x64xf32, #tpu.memory_space<vmem_shared>>
        tpu.enqueue_indirect_dma source(%arg7 : memref<128x64xf32, #tpu.memory_space<vmem>>) target(%dma_start3A_280 : memref<10240x64xf32, #tpu.memory_space<vmem_shared>>) offsets(%dma_start3A_277 : memref<128xi32, #tpu.memory_space<vmem>>) semaphore(%run_scoped3A_274 : memref<!tpu.dma_semaphore, #tpu.memory_space<semaphore_mem>>) {add = true}
        %dma_wait3A_281 = arith.constant 0 : i32
        %dma_wait3A_282 = tpu.memref_slice %arg6[%run_scoped3A_252, %run_scoped3A_253, %dma_wait3A_281] : memref<4x2x128xi32, #tpu.memory_space<vmem>> -> memref<1x1x128xi32, #tpu.memory_space<vmem>>
        %dma_wait3A_283 = tpu.memref_squeeze %dma_wait3A_282 : memref<1x1x128xi32, #tpu.memory_space<vmem>> -> memref<128xi32, #tpu.memory_space<vmem>>
        %dma_wait3A_284 = arith.constant 0 : i32
        %dma_wait3A_285 = arith.constant 0 : i32
        %dma_wait3A_286 = tpu.memref_slice %arg13[%dma_wait3A_284, %dma_wait3A_285] : memref<10240x64xf32, #tpu.memory_space<vmem_shared>> -> memref<10240x64xf32, #tpu.memory_space<vmem_shared>>
        tpu.wait_indirect_dma semaphore(%run_scoped3A_274 : memref<!tpu.dma_semaphore, #tpu.memory_space<semaphore_mem>>) src(%arg7 : memref<128x64xf32, #tpu.memory_space<vmem>>) dst(%dma_wait3A_286 : memref<10240x64xf32, #tpu.memory_space<vmem_shared>>)
        tpu.yield
      }) : () -> ()
      %lt3A_254 = arith.constant 9 : i32
      %lt3A_255 = arith.cmpi slt, %scan3A_115, %lt3A_254 : i32
      %convert_element_type3A_256 = arith.extui %lt3A_255 : i1 to i32
      %cond3A_257 = arith.constant 0 : i32
      %cond3A_258 = arith.cmpi ne, %convert_element_type3A_256, %cond3A_257 : i32
      scf.if %cond3A_258 {
        %dma_wait3A_274 = arith.constant 0 : i32
        %dma_wait3A_275 = arith.constant 0 : i32
        %dma_wait3A_276 = arith.constant 0 : i32
        %dma_wait3A_277 = arith.constant 0 : i32
        %dma_wait3A_278 = tpu.memref_slice %arg3[%add3A, %dma_wait3A_274, %dma_wait3A_275, %dma_wait3A_276, %dma_wait3A_277] : memref<32x20x4x2x128xi32, #tpu.memory_space<hbm>> -> memref<1x1x4x2x128xi32, #tpu.memory_space<hbm>>
        %dma_wait3A_279 = tpu.memref_squeeze %dma_wait3A_278 : memref<1x1x4x2x128xi32, #tpu.memory_space<hbm>> -> memref<4x2x128xi32, #tpu.memory_space<hbm>>
        %dma_wait3A_280 = arith.constant 0 : i32
        %dma_wait3A_281 = arith.constant 0 : i32
        %dma_wait3A_282 = arith.constant 0 : i32
        %dma_wait3A_283 = tpu.memref_slice %arg3[%add3A, %dma_wait3A_274, %dma_wait3A_280, %dma_wait3A_281, %dma_wait3A_282] : memref<32x20x4x2x128xi32, #tpu.memory_space<hbm>> -> memref<1x1x4x2x128xi32, #tpu.memory_space<hbm>>
        %dma_wait3A_284 = tpu.memref_squeeze %dma_wait3A_283 : memref<1x1x4x2x128xi32, #tpu.memory_space<hbm>> -> memref<4x2x128xi32, #tpu.memory_space<hbm>>
        tpu.wait_dma2 semaphore(%arg9 : memref<!tpu.dma_semaphore, #tpu.memory_space<semaphore_mem>>) src(%dma_wait3A_284 : memref<4x2x128xi32, #tpu.memory_space<hbm>>) dst(%arg5 : memref<4x2x128xi32, #tpu.memory_space<vmem>>)
        %dma_start3A_285 = arith.constant 0 : i32
        %dma_start3A_286 = arith.constant 1 : i32
        %dma_start3A_287 = arith.constant 0 : i32
        %dma_start3A_288 = tpu.memref_slice %arg5[%dma_start3A_285, %dma_start3A_286, %dma_start3A_287] : memref<4x2x128xi32, #tpu.memory_space<vmem>> -> memref<1x1x128xi32, #tpu.memory_space<vmem>>
        %dma_start3A_289 = tpu.memref_squeeze %dma_start3A_288 : memref<1x1x128xi32, #tpu.memory_space<vmem>> -> memref<128xi32, #tpu.memory_space<vmem>>
        %dma_start3A_290 = arith.constant 0 : i32
        %dma_start3A_291 = arith.constant 0 : i32
        %dma_start3A_292 = tpu.memref_slice %arg2[%dma_start3A_290, %dma_start3A_291] : memref<10240x64xf32, #tpu.memory_space<hbm>> -> memref<10240x64xf32, #tpu.memory_space<hbm>>
        tpu.enqueue_indirect_dma source(%dma_start3A_292 : memref<10240x64xf32, #tpu.memory_space<hbm>>) target(%arg7 : memref<128x64xf32, #tpu.memory_space<vmem>>) offsets(%dma_start3A_289 : memref<128xi32, #tpu.memory_space<vmem>>) semaphore(%arg11 : memref<!tpu.dma_semaphore, #tpu.memory_space<semaphore_mem>>)
      } else {
      }
      %dma_wait3A_259 = arith.constant 3 : i32
      %dma_wait3A_260 = arith.constant 1 : i32
      %dma_wait3A_261 = arith.constant 0 : i32
      %dma_wait3A_262 = tpu.memref_slice %arg6[%dma_wait3A_259, %dma_wait3A_260, %dma_wait3A_261] : memref<4x2x128xi32, #tpu.memory_space<vmem>> -> memref<1x1x128xi32, #tpu.memory_space<vmem>>
      %dma_wait3A_263 = tpu.memref_squeeze %dma_wait3A_262 : memref<1x1x128xi32, #tpu.memory_space<vmem>> -> memref<128xi32, #tpu.memory_space<vmem>>
      %dma_wait3A_264 = arith.constant 0 : i32
      %dma_wait3A_265 = arith.constant 0 : i32
      %dma_wait3A_266 = tpu.memref_slice %arg2[%dma_wait3A_264, %dma_wait3A_265] : memref<10240x64xf32, #tpu.memory_space<hbm>> -> memref<10240x64xf32, #tpu.memory_space<hbm>>
      tpu.wait_indirect_dma semaphore(%arg12 : memref<!tpu.dma_semaphore, #tpu.memory_space<semaphore_mem>>) src(%dma_wait3A_266 : memref<10240x64xf32, #tpu.memory_space<hbm>>) dst(%arg8 : memref<128x64xf32, #tpu.memory_space<vmem>>)
      %run_scoped3A_267 = arith.constant 3 : i32
      %run_scoped3A_268 = arith.constant 0 : i32
      "tpu.region"() ({
        %run_scoped3A_274 = tpu.sem_alloc : memref<!tpu.dma_semaphore, #tpu.memory_space<semaphore_mem>>
        %dma_start3A_275 = arith.constant 0 : i32
        %dma_start3A_276 = tpu.memref_slice %arg6[%run_scoped3A_267, %run_scoped3A_268, %dma_start3A_275] : memref<4x2x128xi32, #tpu.memory_space<vmem>> -> memref<1x1x128xi32, #tpu.memory_space<vmem>>
        %dma_start3A_277 = tpu.memref_squeeze %dma_start3A_276 : memref<1x1x128xi32, #tpu.memory_space<vmem>> -> memref<128xi32, #tpu.memory_space<vmem>>
        %dma_start3A_278 = arith.constant 0 : i32
        %dma_start3A_279 = arith.constant 0 : i32
        %dma_start3A_280 = tpu.memref_slice %arg13[%dma_start3A_278, %dma_start3A_279] : memref<10240x64xf32, #tpu.memory_space<vmem_shared>> -> memref<10240x64xf32, #tpu.memory_space<vmem_shared>>
        tpu.enqueue_indirect_dma source(%arg8 : memref<128x64xf32, #tpu.memory_space<vmem>>) target(%dma_start3A_280 : memref<10240x64xf32, #tpu.memory_space<vmem_shared>>) offsets(%dma_start3A_277 : memref<128xi32, #tpu.memory_space<vmem>>) semaphore(%run_scoped3A_274 : memref<!tpu.dma_semaphore, #tpu.memory_space<semaphore_mem>>) {add = true}
        %dma_wait3A_281 = arith.constant 0 : i32
        %dma_wait3A_282 = tpu.memref_slice %arg6[%run_scoped3A_267, %run_scoped3A_268, %dma_wait3A_281] : memref<4x2x128xi32, #tpu.memory_space<vmem>> -> memref<1x1x128xi32, #tpu.memory_space<vmem>>
        %dma_wait3A_283 = tpu.memref_squeeze %dma_wait3A_282 : memref<1x1x128xi32, #tpu.memory_space<vmem>> -> memref<128xi32, #tpu.memory_space<vmem>>
        %dma_wait3A_284 = arith.constant 0 : i32
        %dma_wait3A_285 = arith.constant 0 : i32
        %dma_wait3A_286 = tpu.memref_slice %arg13[%dma_wait3A_284, %dma_wait3A_285] : memref<10240x64xf32, #tpu.memory_space<vmem_shared>> -> memref<10240x64xf32, #tpu.memory_space<vmem_shared>>
        tpu.wait_indirect_dma semaphore(%run_scoped3A_274 : memref<!tpu.dma_semaphore, #tpu.memory_space<semaphore_mem>>) src(%arg8 : memref<128x64xf32, #tpu.memory_space<vmem>>) dst(%dma_wait3A_286 : memref<10240x64xf32, #tpu.memory_space<vmem_shared>>)
        tpu.yield
      }) : () -> ()
      %lt3A_269 = arith.constant 9 : i32
      %lt3A_270 = arith.cmpi slt, %scan3A_115, %lt3A_269 : i32
      %convert_element_type3A_271 = arith.extui %lt3A_270 : i1 to i32
      %cond3A_272 = arith.constant 0 : i32
      %cond3A_273 = arith.cmpi ne, %convert_element_type3A_271, %cond3A_272 : i32
      scf.if %cond3A_273 {
        %mul3A_274 = arith.constant 2 : i32
        %mul3A_275 = arith.muli %mul3A_274, %scan3A_115 : i32
        %add3A_276 = arith.constant 3 : i32
        %add3A_277 = arith.addi %mul3A_275, %add3A_276 : i32
        %dma_start3A_278 = arith.constant 0 : i32
        %dma_start3A_279 = arith.constant 0 : i32
        %dma_start3A_280 = arith.constant 0 : i32
        %dma_start3A_281 = tpu.memref_slice %arg3[%add3A, %add3A_277, %dma_start3A_278, %dma_start3A_279, %dma_start3A_280] : memref<32x20x4x2x128xi32, #tpu.memory_space<hbm>> -> memref<1x1x4x2x128xi32, #tpu.memory_space<hbm>>
        %dma_start3A_282 = tpu.memref_squeeze %dma_start3A_281 : memref<1x1x4x2x128xi32, #tpu.memory_space<hbm>> -> memref<4x2x128xi32, #tpu.memory_space<hbm>>
        %dma_start3A_283 = arith.constant 0 : i32
        %dma_start3A_284 = arith.constant 0 : i32
        %dma_start3A_285 = arith.constant 0 : i32
        %dma_start3A_286 = tpu.memref_slice %arg3[%add3A, %add3A_277, %dma_start3A_283, %dma_start3A_284, %dma_start3A_285] : memref<32x20x4x2x128xi32, #tpu.memory_space<hbm>> -> memref<1x1x4x2x128xi32, #tpu.memory_space<hbm>>
        %dma_start3A_287 = tpu.memref_squeeze %dma_start3A_286 : memref<1x1x4x2x128xi32, #tpu.memory_space<hbm>> -> memref<4x2x128xi32, #tpu.memory_space<hbm>>
        tpu.enqueue_dma source(%dma_start3A_287 : memref<4x2x128xi32, #tpu.memory_space<hbm>>) target(%arg6 : memref<4x2x128xi32, #tpu.memory_space<vmem>>) target_semaphore(%arg10 : memref<!tpu.dma_semaphore, #tpu.memory_space<semaphore_mem>>)
      } else {
      }
    }
    %scan3A_113 = arith.constant 10 : i32
    %barrier3A_114 = arith.constant 0 : index
    tpu.barrier barrier_id(%barrier3A_114)
    "tpu.region"() ({
      %run_scoped3A = tpu.sem_alloc : memref<!tpu.dma_semaphore, #tpu.memory_space<semaphore_mem>>
      %dma_start3A_115 = arith.constant 0 : i32
      %dma_start3A_116 = tpu.memref_slice %arg4[%arg0, %mul3A_2, %dma_start3A_115] : memref<2x10240x64xf32, #tpu.memory_space<hbm>> -> memref<1x640x64xf32, #tpu.memory_space<hbm>>
      %dma_start3A_117 = tpu.memref_squeeze %dma_start3A_116 : memref<1x640x64xf32, #tpu.memory_space<hbm>> -> memref<640x64xf32, #tpu.memory_space<hbm>>
      %dma_start3A_118 = arith.constant 0 : i32
      %dma_start3A_119 = tpu.memref_slice %arg13[%mul3A_2, %dma_start3A_118] : memref<10240x64xf32, #tpu.memory_space<vmem_shared>> -> memref<640x64xf32, #tpu.memory_space<vmem_shared>>
      tpu.enqueue_dma source(%dma_start3A_119 : memref<640x64xf32, #tpu.memory_space<vmem_shared>>) target(%dma_start3A_117 : memref<640x64xf32, #tpu.memory_space<hbm>>) target_semaphore(%run_scoped3A : memref<!tpu.dma_semaphore, #tpu.memory_space<semaphore_mem>>)
      %dma_wait3A_120 = arith.constant 0 : i32
      %dma_wait3A_121 = tpu.memref_slice %arg4[%arg0, %mul3A_2, %dma_wait3A_120] : memref<2x10240x64xf32, #tpu.memory_space<hbm>> -> memref<1x640x64xf32, #tpu.memory_space<hbm>>
      %dma_wait3A_122 = tpu.memref_squeeze %dma_wait3A_121 : memref<1x640x64xf32, #tpu.memory_space<hbm>> -> memref<640x64xf32, #tpu.memory_space<hbm>>
      %dma_wait3A_123 = arith.constant 0 : i32
      %dma_wait3A_124 = tpu.memref_slice %arg13[%mul3A_2, %dma_wait3A_123] : memref<10240x64xf32, #tpu.memory_space<vmem_shared>> -> memref<640x64xf32, #tpu.memory_space<vmem_shared>>
      tpu.wait_dma2 semaphore(%run_scoped3A : memref<!tpu.dma_semaphore, #tpu.memory_space<semaphore_mem>>) src(%dma_wait3A_124 : memref<640x64xf32, #tpu.memory_space<vmem_shared>>) dst(%dma_wait3A_122 : memref<640x64xf32, #tpu.memory_space<hbm>>)
      tpu.yield
    }) : () -> ()
    return
  }
}

#map = affine_map<(d0, d1) -> (0, 0)>
#map1 = affine_map<(d0, d1) -> (0, 0, 0, 0, 0)>
#map2 = affine_map<(d0, d1) -> (0, 0, 0)>
module attributes {stable_mosaic.version = 14 : i64} {
  func.func @_sc_agg_body(%arg0: i32, %arg1: i32, %arg2: memref<10240x128xf32, #tpu.memory_space<hbm>>, %arg3: memref<32x20x4x2x128xi32, #tpu.memory_space<hbm>>, %arg4: memref<2x10240x128xf32, #tpu.memory_space<hbm>>, %arg5: memref<4x2x128xi32, #tpu.memory_space<vmem>>, %arg6: memref<4x2x128xi32, #tpu.memory_space<vmem>>, %arg7: memref<128x128xf32, #tpu.memory_space<vmem>>, %arg8: memref<128x128xf32, #tpu.memory_space<vmem>>, %arg9: memref<!tpu.dma_semaphore, #tpu.memory_space<semaphore_mem>>, %arg10: memref<!tpu.dma_semaphore, #tpu.memory_space<semaphore_mem>>, %arg11: memref<!tpu.dma_semaphore, #tpu.memory_space<semaphore_mem>>, %arg12: memref<!tpu.dma_semaphore, #tpu.memory_space<semaphore_mem>>, %arg13: memref<10240x128xf32, #tpu.memory_space<vmem_shared>>) attributes {dimension_semantics = [#tpu.dimension_semantics<core_parallel>, #tpu.dimension_semantics<subcore_parallel>], iteration_bounds = array<i64: 2, 16>, scalar_prefetch = 0 : i64, scratch_operands = 9 : i64, tpu.core_type = #tpu.core_type<sc_vector_subcore>, window_params = [{transform_indices = #map}, {transform_indices = #map1}, {transform_indices = #map2}]} {
    %mul3A = arith.constant 16 : i32
    %mul3A_0 = arith.muli %arg0, %mul3A : i32
    %add3A = arith.addi %mul3A_0, %arg1 : i32
    %mul3A_1 = arith.constant 640 : i32
    %mul3A_2 = arith.muli %arg1, %mul3A_1 : i32
    %dma_start3A = arith.constant 0 : i32
    %dma_start3A_3 = arith.constant 0 : i32
    %dma_start3A_4 = arith.constant 0 : i32
    %dma_start3A_5 = arith.constant 0 : i32
    %dma_start3A_6 = tpu.memref_slice %arg3[%add3A, %dma_start3A, %dma_start3A_3, %dma_start3A_4, %dma_start3A_5] : memref<32x20x4x2x128xi32, #tpu.memory_space<hbm>> -> memref<1x1x4x2x128xi32, #tpu.memory_space<hbm>>
    %dma_start3A_7 = tpu.memref_squeeze %dma_start3A_6 : memref<1x1x4x2x128xi32, #tpu.memory_space<hbm>> -> memref<4x2x128xi32, #tpu.memory_space<hbm>>
    %dma_start3A_8 = arith.constant 0 : i32
    %dma_start3A_9 = arith.constant 0 : i32
    %dma_start3A_10 = arith.constant 0 : i32
    %dma_start3A_11 = tpu.memref_slice %arg3[%add3A, %dma_start3A, %dma_start3A_8, %dma_start3A_9, %dma_start3A_10] : memref<32x20x4x2x128xi32, #tpu.memory_space<hbm>> -> memref<1x1x4x2x128xi32, #tpu.memory_space<hbm>>
    %dma_start3A_12 = tpu.memref_squeeze %dma_start3A_11 : memref<1x1x4x2x128xi32, #tpu.memory_space<hbm>> -> memref<4x2x128xi32, #tpu.memory_space<hbm>>
    tpu.enqueue_dma source(%dma_start3A_12 : memref<4x2x128xi32, #tpu.memory_space<hbm>>) target(%arg5 : memref<4x2x128xi32, #tpu.memory_space<vmem>>) target_semaphore(%arg9 : memref<!tpu.dma_semaphore, #tpu.memory_space<semaphore_mem>>)
    %broadcast_in_dim3A = arith.constant 0.000000e+00 : f32
    %broadcast_in_dim3A_13 = vector.broadcast %broadcast_in_dim3A : f32 to vector<16xf32>
    %scan3A = arith.constant 0 : i32
    %scan3A_14 = arith.constant 0 : i32
    %scan3A_15 = arith.constant 128 : i32
    %scan3A_16 = arith.addi %scan3A_14, %scan3A_15 : i32
    %scan3A_17 = arith.constant 1 : i32
    scf.for %scan3A_115 = %scan3A_14 to %scan3A_16 step %scan3A_17  : i32 {
      %swap3A = arith.index_cast %scan3A_115 : i32 to index
      %swap3A_116 = arith.constant 0 : index
      %swap3A_117 = tpu.vector_load %arg7[%swap3A, %swap3A_116] {strides = array<i32>} : memref<128x128xf32, #tpu.memory_space<vmem>>, vector<16xf32>,
      tpu.vector_store %arg7[%swap3A, %swap3A_116], %broadcast_in_dim3A_13 {strides = array<i32>} : memref<128x128xf32, #tpu.memory_space<vmem>>, vector<16xf32>,
      %swap3A_118 = arith.index_cast %scan3A_115 : i32 to index
      %swap3A_119 = arith.constant 16 : index
      %swap3A_120 = tpu.vector_load %arg7[%swap3A_118, %swap3A_119] {strides = array<i32>} : memref<128x128xf32, #tpu.memory_space<vmem>>, vector<16xf32>,
      tpu.vector_store %arg7[%swap3A_118, %swap3A_119], %broadcast_in_dim3A_13 {strides = array<i32>} : memref<128x128xf32, #tpu.memory_space<vmem>>, vector<16xf32>,
      %swap3A_121 = arith.index_cast %scan3A_115 : i32 to index
      %swap3A_122 = arith.constant 32 : index
      %swap3A_123 = tpu.vector_load %arg7[%swap3A_121, %swap3A_122] {strides = array<i32>} : memref<128x128xf32, #tpu.memory_space<vmem>>, vector<16xf32>,
      tpu.vector_store %arg7[%swap3A_121, %swap3A_122], %broadcast_in_dim3A_13 {strides = array<i32>} : memref<128x128xf32, #tpu.memory_space<vmem>>, vector<16xf32>,
      %swap3A_124 = arith.index_cast %scan3A_115 : i32 to index
      %swap3A_125 = arith.constant 48 : index
      %swap3A_126 = tpu.vector_load %arg7[%swap3A_124, %swap3A_125] {strides = array<i32>} : memref<128x128xf32, #tpu.memory_space<vmem>>, vector<16xf32>,
      tpu.vector_store %arg7[%swap3A_124, %swap3A_125], %broadcast_in_dim3A_13 {strides = array<i32>} : memref<128x128xf32, #tpu.memory_space<vmem>>, vector<16xf32>,
      %swap3A_127 = arith.index_cast %scan3A_115 : i32 to index
      %swap3A_128 = arith.constant 64 : index
      %swap3A_129 = tpu.vector_load %arg7[%swap3A_127, %swap3A_128] {strides = array<i32>} : memref<128x128xf32, #tpu.memory_space<vmem>>, vector<16xf32>,
      tpu.vector_store %arg7[%swap3A_127, %swap3A_128], %broadcast_in_dim3A_13 {strides = array<i32>} : memref<128x128xf32, #tpu.memory_space<vmem>>, vector<16xf32>,
      %swap3A_130 = arith.index_cast %scan3A_115 : i32 to index
      %swap3A_131 = arith.constant 80 : index
      %swap3A_132 = tpu.vector_load %arg7[%swap3A_130, %swap3A_131] {strides = array<i32>} : memref<128x128xf32, #tpu.memory_space<vmem>>, vector<16xf32>,
      tpu.vector_store %arg7[%swap3A_130, %swap3A_131], %broadcast_in_dim3A_13 {strides = array<i32>} : memref<128x128xf32, #tpu.memory_space<vmem>>, vector<16xf32>,
      %swap3A_133 = arith.index_cast %scan3A_115 : i32 to index
      %swap3A_134 = arith.constant 96 : index
      %swap3A_135 = tpu.vector_load %arg7[%swap3A_133, %swap3A_134] {strides = array<i32>} : memref<128x128xf32, #tpu.memory_space<vmem>>, vector<16xf32>,
      tpu.vector_store %arg7[%swap3A_133, %swap3A_134], %broadcast_in_dim3A_13 {strides = array<i32>} : memref<128x128xf32, #tpu.memory_space<vmem>>, vector<16xf32>,
      %swap3A_136 = arith.index_cast %scan3A_115 : i32 to index
      %swap3A_137 = arith.constant 112 : index
      %swap3A_138 = tpu.vector_load %arg7[%swap3A_136, %swap3A_137] {strides = array<i32>} : memref<128x128xf32, #tpu.memory_space<vmem>>, vector<16xf32>,
      tpu.vector_store %arg7[%swap3A_136, %swap3A_137], %broadcast_in_dim3A_13 {strides = array<i32>} : memref<128x128xf32, #tpu.memory_space<vmem>>, vector<16xf32>,
    }
    %scan3A_18 = arith.constant 128 : i32
    %add3A_19 = arith.constant 0 : i32
    %add3A_20 = arith.addi %mul3A_2, %add3A_19 : i32
    %dma_start3A_21 = arith.constant 0 : i32
    %dma_start3A_22 = tpu.memref_slice %arg13[%add3A_20, %dma_start3A_21] : memref<10240x128xf32, #tpu.memory_space<vmem_shared>> -> memref<128x128xf32, #tpu.memory_space<vmem_shared>>
    %dma_start3A_23 = arith.constant 0 : i32
    %dma_start3A_24 = tpu.memref_slice %arg13[%add3A_20, %dma_start3A_23] : memref<10240x128xf32, #tpu.memory_space<vmem_shared>> -> memref<128x128xf32, #tpu.memory_space<vmem_shared>>
    tpu.enqueue_dma source(%arg7 : memref<128x128xf32, #tpu.memory_space<vmem>>) target(%dma_start3A_24 : memref<128x128xf32, #tpu.memory_space<vmem_shared>>) target_semaphore(%arg11 : memref<!tpu.dma_semaphore, #tpu.memory_space<semaphore_mem>>)
    %add3A_25 = arith.constant 128 : i32
    %add3A_26 = arith.addi %mul3A_2, %add3A_25 : i32
    %dma_start3A_27 = arith.constant 0 : i32
    %dma_start3A_28 = tpu.memref_slice %arg13[%add3A_26, %dma_start3A_27] : memref<10240x128xf32, #tpu.memory_space<vmem_shared>> -> memref<128x128xf32, #tpu.memory_space<vmem_shared>>
    %dma_start3A_29 = arith.constant 0 : i32
    %dma_start3A_30 = tpu.memref_slice %arg13[%add3A_26, %dma_start3A_29] : memref<10240x128xf32, #tpu.memory_space<vmem_shared>> -> memref<128x128xf32, #tpu.memory_space<vmem_shared>>
    tpu.enqueue_dma source(%arg7 : memref<128x128xf32, #tpu.memory_space<vmem>>) target(%dma_start3A_30 : memref<128x128xf32, #tpu.memory_space<vmem_shared>>) target_semaphore(%arg11 : memref<!tpu.dma_semaphore, #tpu.memory_space<semaphore_mem>>)
    %add3A_31 = arith.constant 256 : i32
    %add3A_32 = arith.addi %mul3A_2, %add3A_31 : i32
    %dma_start3A_33 = arith.constant 0 : i32
    %dma_start3A_34 = tpu.memref_slice %arg13[%add3A_32, %dma_start3A_33] : memref<10240x128xf32, #tpu.memory_space<vmem_shared>> -> memref<128x128xf32, #tpu.memory_space<vmem_shared>>
    %dma_start3A_35 = arith.constant 0 : i32
    %dma_start3A_36 = tpu.memref_slice %arg13[%add3A_32, %dma_start3A_35] : memref<10240x128xf32, #tpu.memory_space<vmem_shared>> -> memref<128x128xf32, #tpu.memory_space<vmem_shared>>
    tpu.enqueue_dma source(%arg7 : memref<128x128xf32, #tpu.memory_space<vmem>>) target(%dma_start3A_36 : memref<128x128xf32, #tpu.memory_space<vmem_shared>>) target_semaphore(%arg11 : memref<!tpu.dma_semaphore, #tpu.memory_space<semaphore_mem>>)
    %add3A_37 = arith.constant 384 : i32
    %add3A_38 = arith.addi %mul3A_2, %add3A_37 : i32
    %dma_start3A_39 = arith.constant 0 : i32
    %dma_start3A_40 = tpu.memref_slice %arg13[%add3A_38, %dma_start3A_39] : memref<10240x128xf32, #tpu.memory_space<vmem_shared>> -> memref<128x128xf32, #tpu.memory_space<vmem_shared>>
    %dma_start3A_41 = arith.constant 0 : i32
    %dma_start3A_42 = tpu.memref_slice %arg13[%add3A_38, %dma_start3A_41] : memref<10240x128xf32, #tpu.memory_space<vmem_shared>> -> memref<128x128xf32, #tpu.memory_space<vmem_shared>>
    tpu.enqueue_dma source(%arg7 : memref<128x128xf32, #tpu.memory_space<vmem>>) target(%dma_start3A_42 : memref<128x128xf32, #tpu.memory_space<vmem_shared>>) target_semaphore(%arg11 : memref<!tpu.dma_semaphore, #tpu.memory_space<semaphore_mem>>)
    %add3A_43 = arith.constant 512 : i32
    %add3A_44 = arith.addi %mul3A_2, %add3A_43 : i32
    %dma_start3A_45 = arith.constant 0 : i32
    %dma_start3A_46 = tpu.memref_slice %arg13[%add3A_44, %dma_start3A_45] : memref<10240x128xf32, #tpu.memory_space<vmem_shared>> -> memref<128x128xf32, #tpu.memory_space<vmem_shared>>
    %dma_start3A_47 = arith.constant 0 : i32
    %dma_start3A_48 = tpu.memref_slice %arg13[%add3A_44, %dma_start3A_47] : memref<10240x128xf32, #tpu.memory_space<vmem_shared>> -> memref<128x128xf32, #tpu.memory_space<vmem_shared>>
    tpu.enqueue_dma source(%arg7 : memref<128x128xf32, #tpu.memory_space<vmem>>) target(%dma_start3A_48 : memref<128x128xf32, #tpu.memory_space<vmem_shared>>) target_semaphore(%arg11 : memref<!tpu.dma_semaphore, #tpu.memory_space<semaphore_mem>>)
    %add3A_49 = arith.constant 0 : i32
    %add3A_50 = arith.addi %mul3A_2, %add3A_49 : i32
    %dma_wait3A = arith.constant 0 : i32
    %dma_wait3A_51 = tpu.memref_slice %arg13[%add3A_50, %dma_wait3A] : memref<10240x128xf32, #tpu.memory_space<vmem_shared>> -> memref<128x128xf32, #tpu.memory_space<vmem_shared>>
    %dma_wait3A_52 = arith.constant 0 : i32
    %dma_wait3A_53 = tpu.memref_slice %arg13[%add3A_50, %dma_wait3A_52] : memref<10240x128xf32, #tpu.memory_space<vmem_shared>> -> memref<128x128xf32, #tpu.memory_space<vmem_shared>>
    tpu.wait_dma2 semaphore(%arg11 : memref<!tpu.dma_semaphore, #tpu.memory_space<semaphore_mem>>) src(%arg7 : memref<128x128xf32, #tpu.memory_space<vmem>>) dst(%dma_wait3A_53 : memref<128x128xf32, #tpu.memory_space<vmem_shared>>)
    %add3A_54 = arith.constant 128 : i32
    %add3A_55 = arith.addi %mul3A_2, %add3A_54 : i32
    %dma_wait3A_56 = arith.constant 0 : i32
    %dma_wait3A_57 = tpu.memref_slice %arg13[%add3A_55, %dma_wait3A_56] : memref<10240x128xf32, #tpu.memory_space<vmem_shared>> -> memref<128x128xf32, #tpu.memory_space<vmem_shared>>
    %dma_wait3A_58 = arith.constant 0 : i32
    %dma_wait3A_59 = tpu.memref_slice %arg13[%add3A_55, %dma_wait3A_58] : memref<10240x128xf32, #tpu.memory_space<vmem_shared>> -> memref<128x128xf32, #tpu.memory_space<vmem_shared>>
    tpu.wait_dma2 semaphore(%arg11 : memref<!tpu.dma_semaphore, #tpu.memory_space<semaphore_mem>>) src(%arg7 : memref<128x128xf32, #tpu.memory_space<vmem>>) dst(%dma_wait3A_59 : memref<128x128xf32, #tpu.memory_space<vmem_shared>>)
    %add3A_60 = arith.constant 256 : i32
    %add3A_61 = arith.addi %mul3A_2, %add3A_60 : i32
    %dma_wait3A_62 = arith.constant 0 : i32
    %dma_wait3A_63 = tpu.memref_slice %arg13[%add3A_61, %dma_wait3A_62] : memref<10240x128xf32, #tpu.memory_space<vmem_shared>> -> memref<128x128xf32, #tpu.memory_space<vmem_shared>>
    %dma_wait3A_64 = arith.constant 0 : i32
    %dma_wait3A_65 = tpu.memref_slice %arg13[%add3A_61, %dma_wait3A_64] : memref<10240x128xf32, #tpu.memory_space<vmem_shared>> -> memref<128x128xf32, #tpu.memory_space<vmem_shared>>
    tpu.wait_dma2 semaphore(%arg11 : memref<!tpu.dma_semaphore, #tpu.memory_space<semaphore_mem>>) src(%arg7 : memref<128x128xf32, #tpu.memory_space<vmem>>) dst(%dma_wait3A_65 : memref<128x128xf32, #tpu.memory_space<vmem_shared>>)
    %add3A_66 = arith.constant 384 : i32
    %add3A_67 = arith.addi %mul3A_2, %add3A_66 : i32
    %dma_wait3A_68 = arith.constant 0 : i32
    %dma_wait3A_69 = tpu.memref_slice %arg13[%add3A_67, %dma_wait3A_68] : memref<10240x128xf32, #tpu.memory_space<vmem_shared>> -> memref<128x128xf32, #tpu.memory_space<vmem_shared>>
    %dma_wait3A_70 = arith.constant 0 : i32
    %dma_wait3A_71 = tpu.memref_slice %arg13[%add3A_67, %dma_wait3A_70] : memref<10240x128xf32, #tpu.memory_space<vmem_shared>> -> memref<128x128xf32, #tpu.memory_space<vmem_shared>>
    tpu.wait_dma2 semaphore(%arg11 : memref<!tpu.dma_semaphore, #tpu.memory_space<semaphore_mem>>) src(%arg7 : memref<128x128xf32, #tpu.memory_space<vmem>>) dst(%dma_wait3A_71 : memref<128x128xf32, #tpu.memory_space<vmem_shared>>)
    %add3A_72 = arith.constant 512 : i32
    %add3A_73 = arith.addi %mul3A_2, %add3A_72 : i32
    %dma_wait3A_74 = arith.constant 0 : i32
    %dma_wait3A_75 = tpu.memref_slice %arg13[%add3A_73, %dma_wait3A_74] : memref<10240x128xf32, #tpu.memory_space<vmem_shared>> -> memref<128x128xf32, #tpu.memory_space<vmem_shared>>
    %dma_wait3A_76 = arith.constant 0 : i32
    %dma_wait3A_77 = tpu.memref_slice %arg13[%add3A_73, %dma_wait3A_76] : memref<10240x128xf32, #tpu.memory_space<vmem_shared>> -> memref<128x128xf32, #tpu.memory_space<vmem_shared>>
    tpu.wait_dma2 semaphore(%arg11 : memref<!tpu.dma_semaphore, #tpu.memory_space<semaphore_mem>>) src(%arg7 : memref<128x128xf32, #tpu.memory_space<vmem>>) dst(%dma_wait3A_77 : memref<128x128xf32, #tpu.memory_space<vmem_shared>>)
    %barrier3A = arith.constant 0 : index
    tpu.barrier barrier_id(%barrier3A)
    %dma_wait3A_78 = arith.constant 0 : i32
    %dma_wait3A_79 = arith.constant 0 : i32
    %dma_wait3A_80 = arith.constant 0 : i32
    %dma_wait3A_81 = arith.constant 0 : i32
    %dma_wait3A_82 = tpu.memref_slice %arg3[%add3A, %dma_wait3A_78, %dma_wait3A_79, %dma_wait3A_80, %dma_wait3A_81] : memref<32x20x4x2x128xi32, #tpu.memory_space<hbm>> -> memref<1x1x4x2x128xi32, #tpu.memory_space<hbm>>
    %dma_wait3A_83 = tpu.memref_squeeze %dma_wait3A_82 : memref<1x1x4x2x128xi32, #tpu.memory_space<hbm>> -> memref<4x2x128xi32, #tpu.memory_space<hbm>>
    %dma_wait3A_84 = arith.constant 0 : i32
    %dma_wait3A_85 = arith.constant 0 : i32
    %dma_wait3A_86 = arith.constant 0 : i32
    %dma_wait3A_87 = tpu.memref_slice %arg3[%add3A, %dma_wait3A_78, %dma_wait3A_84, %dma_wait3A_85, %dma_wait3A_86] : memref<32x20x4x2x128xi32, #tpu.memory_space<hbm>> -> memref<1x1x4x2x128xi32, #tpu.memory_space<hbm>>
    %dma_wait3A_88 = tpu.memref_squeeze %dma_wait3A_87 : memref<1x1x4x2x128xi32, #tpu.memory_space<hbm>> -> memref<4x2x128xi32, #tpu.memory_space<hbm>>
    tpu.wait_dma2 semaphore(%arg9 : memref<!tpu.dma_semaphore, #tpu.memory_space<semaphore_mem>>) src(%dma_wait3A_88 : memref<4x2x128xi32, #tpu.memory_space<hbm>>) dst(%arg5 : memref<4x2x128xi32, #tpu.memory_space<vmem>>)
    %dma_start3A_89 = arith.constant 0 : i32
    %dma_start3A_90 = arith.constant 0 : i32
    %dma_start3A_91 = arith.constant 0 : i32
    %dma_start3A_92 = tpu.memref_slice %arg5[%dma_start3A_89, %dma_start3A_90, %dma_start3A_91] : memref<4x2x128xi32, #tpu.memory_space<vmem>> -> memref<1x1x128xi32, #tpu.memory_space<vmem>>
    %dma_start3A_93 = tpu.memref_squeeze %dma_start3A_92 : memref<1x1x128xi32, #tpu.memory_space<vmem>> -> memref<128xi32, #tpu.memory_space<vmem>>
    %dma_start3A_94 = arith.constant 0 : i32
    %dma_start3A_95 = arith.constant 0 : i32
    %dma_start3A_96 = tpu.memref_slice %arg2[%dma_start3A_94, %dma_start3A_95] : memref<10240x128xf32, #tpu.memory_space<hbm>> -> memref<10240x128xf32, #tpu.memory_space<hbm>>
    tpu.enqueue_indirect_dma source(%dma_start3A_96 : memref<10240x128xf32, #tpu.memory_space<hbm>>) target(%arg7 : memref<128x128xf32, #tpu.memory_space<vmem>>) offsets(%dma_start3A_93 : memref<128xi32, #tpu.memory_space<vmem>>) semaphore(%arg11 : memref<!tpu.dma_semaphore, #tpu.memory_space<semaphore_mem>>)
    %dma_start3A_97 = arith.constant 1 : i32
    %dma_start3A_98 = arith.constant 0 : i32
    %dma_start3A_99 = arith.constant 0 : i32
    %dma_start3A_100 = arith.constant 0 : i32
    %dma_start3A_101 = tpu.memref_slice %arg3[%add3A, %dma_start3A_97, %dma_start3A_98, %dma_start3A_99, %dma_start3A_100] : memref<32x20x4x2x128xi32, #tpu.memory_space<hbm>> -> memref<1x1x4x2x128xi32, #tpu.memory_space<hbm>>
    %dma_start3A_102 = tpu.memref_squeeze %dma_start3A_101 : memref<1x1x4x2x128xi32, #tpu.memory_space<hbm>> -> memref<4x2x128xi32, #tpu.memory_space<hbm>>
    %dma_start3A_103 = arith.constant 0 : i32
    %dma_start3A_104 = arith.constant 0 : i32
    %dma_start3A_105 = arith.constant 0 : i32
    %dma_start3A_106 = tpu.memref_slice %arg3[%add3A, %dma_start3A_97, %dma_start3A_103, %dma_start3A_104, %dma_start3A_105] : memref<32x20x4x2x128xi32, #tpu.memory_space<hbm>> -> memref<1x1x4x2x128xi32, #tpu.memory_space<hbm>>
    %dma_start3A_107 = tpu.memref_squeeze %dma_start3A_106 : memref<1x1x4x2x128xi32, #tpu.memory_space<hbm>> -> memref<4x2x128xi32, #tpu.memory_space<hbm>>
    tpu.enqueue_dma source(%dma_start3A_107 : memref<4x2x128xi32, #tpu.memory_space<hbm>>) target(%arg6 : memref<4x2x128xi32, #tpu.memory_space<vmem>>) target_semaphore(%arg10 : memref<!tpu.dma_semaphore, #tpu.memory_space<semaphore_mem>>)
    %scan3A_108 = arith.constant 0 : i32
    %scan3A_109 = arith.constant 0 : i32
    %scan3A_110 = arith.constant 10 : i32
    %scan3A_111 = arith.addi %scan3A_109, %scan3A_110 : i32
    %scan3A_112 = arith.constant 1 : i32
    scf.for %scan3A_115 = %scan3A_109 to %scan3A_111 step %scan3A_112  : i32 {
      %dma_start3A_116 = arith.constant 1 : i32
      %dma_start3A_117 = arith.constant 0 : i32
      %dma_start3A_118 = arith.constant 0 : i32
      %dma_start3A_119 = tpu.memref_slice %arg5[%dma_start3A_116, %dma_start3A_117, %dma_start3A_118] : memref<4x2x128xi32, #tpu.memory_space<vmem>> -> memref<1x1x128xi32, #tpu.memory_space<vmem>>
      %dma_start3A_120 = tpu.memref_squeeze %dma_start3A_119 : memref<1x1x128xi32, #tpu.memory_space<vmem>> -> memref<128xi32, #tpu.memory_space<vmem>>
      %dma_start3A_121 = arith.constant 0 : i32
      %dma_start3A_122 = arith.constant 0 : i32
      %dma_start3A_123 = tpu.memref_slice %arg2[%dma_start3A_121, %dma_start3A_122] : memref<10240x128xf32, #tpu.memory_space<hbm>> -> memref<10240x128xf32, #tpu.memory_space<hbm>>
      tpu.enqueue_indirect_dma source(%dma_start3A_123 : memref<10240x128xf32, #tpu.memory_space<hbm>>) target(%arg8 : memref<128x128xf32, #tpu.memory_space<vmem>>) offsets(%dma_start3A_120 : memref<128xi32, #tpu.memory_space<vmem>>) semaphore(%arg12 : memref<!tpu.dma_semaphore, #tpu.memory_space<semaphore_mem>>)
      %dma_wait3A_124 = arith.constant 0 : i32
      %dma_wait3A_125 = arith.constant 0 : i32
      %dma_wait3A_126 = arith.constant 0 : i32
      %dma_wait3A_127 = tpu.memref_slice %arg5[%dma_wait3A_124, %dma_wait3A_125, %dma_wait3A_126] : memref<4x2x128xi32, #tpu.memory_space<vmem>> -> memref<1x1x128xi32, #tpu.memory_space<vmem>>
      %dma_wait3A_128 = tpu.memref_squeeze %dma_wait3A_127 : memref<1x1x128xi32, #tpu.memory_space<vmem>> -> memref<128xi32, #tpu.memory_space<vmem>>
      %dma_wait3A_129 = arith.constant 0 : i32
      %dma_wait3A_130 = arith.constant 0 : i32
      %dma_wait3A_131 = tpu.memref_slice %arg2[%dma_wait3A_129, %dma_wait3A_130] : memref<10240x128xf32, #tpu.memory_space<hbm>> -> memref<10240x128xf32, #tpu.memory_space<hbm>>
      tpu.wait_indirect_dma semaphore(%arg11 : memref<!tpu.dma_semaphore, #tpu.memory_space<semaphore_mem>>) src(%dma_wait3A_131 : memref<10240x128xf32, #tpu.memory_space<hbm>>) dst(%arg7 : memref<128x128xf32, #tpu.memory_space<vmem>>)
      %run_scoped3A = arith.constant 0 : i32
      %run_scoped3A_132 = arith.constant 1 : i32
      "tpu.region"() ({
        %run_scoped3A_274 = tpu.sem_alloc : memref<!tpu.dma_semaphore, #tpu.memory_space<semaphore_mem>>
        %dma_start3A_275 = arith.constant 0 : i32
        %dma_start3A_276 = tpu.memref_slice %arg5[%run_scoped3A, %run_scoped3A_132, %dma_start3A_275] : memref<4x2x128xi32, #tpu.memory_space<vmem>> -> memref<1x1x128xi32, #tpu.memory_space<vmem>>
        %dma_start3A_277 = tpu.memref_squeeze %dma_start3A_276 : memref<1x1x128xi32, #tpu.memory_space<vmem>> -> memref<128xi32, #tpu.memory_space<vmem>>
        %dma_start3A_278 = arith.constant 0 : i32
        %dma_start3A_279 = arith.constant 0 : i32
        %dma_start3A_280 = tpu.memref_slice %arg13[%dma_start3A_278, %dma_start3A_279] : memref<10240x128xf32, #tpu.memory_space<vmem_shared>> -> memref<10240x128xf32, #tpu.memory_space<vmem_shared>>
        tpu.enqueue_indirect_dma source(%arg7 : memref<128x128xf32, #tpu.memory_space<vmem>>) target(%dma_start3A_280 : memref<10240x128xf32, #tpu.memory_space<vmem_shared>>) offsets(%dma_start3A_277 : memref<128xi32, #tpu.memory_space<vmem>>) semaphore(%run_scoped3A_274 : memref<!tpu.dma_semaphore, #tpu.memory_space<semaphore_mem>>) {add = true}
        %dma_wait3A_281 = arith.constant 0 : i32
        %dma_wait3A_282 = tpu.memref_slice %arg5[%run_scoped3A, %run_scoped3A_132, %dma_wait3A_281] : memref<4x2x128xi32, #tpu.memory_space<vmem>> -> memref<1x1x128xi32, #tpu.memory_space<vmem>>
        %dma_wait3A_283 = tpu.memref_squeeze %dma_wait3A_282 : memref<1x1x128xi32, #tpu.memory_space<vmem>> -> memref<128xi32, #tpu.memory_space<vmem>>
        %dma_wait3A_284 = arith.constant 0 : i32
        %dma_wait3A_285 = arith.constant 0 : i32
        %dma_wait3A_286 = tpu.memref_slice %arg13[%dma_wait3A_284, %dma_wait3A_285] : memref<10240x128xf32, #tpu.memory_space<vmem_shared>> -> memref<10240x128xf32, #tpu.memory_space<vmem_shared>>
        tpu.wait_indirect_dma semaphore(%run_scoped3A_274 : memref<!tpu.dma_semaphore, #tpu.memory_space<semaphore_mem>>) src(%arg7 : memref<128x128xf32, #tpu.memory_space<vmem>>) dst(%dma_wait3A_286 : memref<10240x128xf32, #tpu.memory_space<vmem_shared>>)
        tpu.yield
      }) : () -> ()
      %dma_start3A_133 = arith.constant 2 : i32
      %dma_start3A_134 = arith.constant 0 : i32
      %dma_start3A_135 = arith.constant 0 : i32
      %dma_start3A_136 = tpu.memref_slice %arg5[%dma_start3A_133, %dma_start3A_134, %dma_start3A_135] : memref<4x2x128xi32, #tpu.memory_space<vmem>> -> memref<1x1x128xi32, #tpu.memory_space<vmem>>
      %dma_start3A_137 = tpu.memref_squeeze %dma_start3A_136 : memref<1x1x128xi32, #tpu.memory_space<vmem>> -> memref<128xi32, #tpu.memory_space<vmem>>
      %dma_start3A_138 = arith.constant 0 : i32
      %dma_start3A_139 = arith.constant 0 : i32
      %dma_start3A_140 = tpu.memref_slice %arg2[%dma_start3A_138, %dma_start3A_139] : memref<10240x128xf32, #tpu.memory_space<hbm>> -> memref<10240x128xf32, #tpu.memory_space<hbm>>
      tpu.enqueue_indirect_dma source(%dma_start3A_140 : memref<10240x128xf32, #tpu.memory_space<hbm>>) target(%arg7 : memref<128x128xf32, #tpu.memory_space<vmem>>) offsets(%dma_start3A_137 : memref<128xi32, #tpu.memory_space<vmem>>) semaphore(%arg11 : memref<!tpu.dma_semaphore, #tpu.memory_space<semaphore_mem>>)
      %dma_wait3A_141 = arith.constant 1 : i32
      %dma_wait3A_142 = arith.constant 0 : i32
      %dma_wait3A_143 = arith.constant 0 : i32
      %dma_wait3A_144 = tpu.memref_slice %arg5[%dma_wait3A_141, %dma_wait3A_142, %dma_wait3A_143] : memref<4x2x128xi32, #tpu.memory_space<vmem>> -> memref<1x1x128xi32, #tpu.memory_space<vmem>>
      %dma_wait3A_145 = tpu.memref_squeeze %dma_wait3A_144 : memref<1x1x128xi32, #tpu.memory_space<vmem>> -> memref<128xi32, #tpu.memory_space<vmem>>
      %dma_wait3A_146 = arith.constant 0 : i32
      %dma_wait3A_147 = arith.constant 0 : i32
      %dma_wait3A_148 = tpu.memref_slice %arg2[%dma_wait3A_146, %dma_wait3A_147] : memref<10240x128xf32, #tpu.memory_space<hbm>> -> memref<10240x128xf32, #tpu.memory_space<hbm>>
      tpu.wait_indirect_dma semaphore(%arg12 : memref<!tpu.dma_semaphore, #tpu.memory_space<semaphore_mem>>) src(%dma_wait3A_148 : memref<10240x128xf32, #tpu.memory_space<hbm>>) dst(%arg8 : memref<128x128xf32, #tpu.memory_space<vmem>>)
      %run_scoped3A_149 = arith.constant 1 : i32
      %run_scoped3A_150 = arith.constant 1 : i32
      "tpu.region"() ({
        %run_scoped3A_274 = tpu.sem_alloc : memref<!tpu.dma_semaphore, #tpu.memory_space<semaphore_mem>>
        %dma_start3A_275 = arith.constant 0 : i32
        %dma_start3A_276 = tpu.memref_slice %arg5[%run_scoped3A_149, %run_scoped3A_150, %dma_start3A_275] : memref<4x2x128xi32, #tpu.memory_space<vmem>> -> memref<1x1x128xi32, #tpu.memory_space<vmem>>
        %dma_start3A_277 = tpu.memref_squeeze %dma_start3A_276 : memref<1x1x128xi32, #tpu.memory_space<vmem>> -> memref<128xi32, #tpu.memory_space<vmem>>
        %dma_start3A_278 = arith.constant 0 : i32
        %dma_start3A_279 = arith.constant 0 : i32
        %dma_start3A_280 = tpu.memref_slice %arg13[%dma_start3A_278, %dma_start3A_279] : memref<10240x128xf32, #tpu.memory_space<vmem_shared>> -> memref<10240x128xf32, #tpu.memory_space<vmem_shared>>
        tpu.enqueue_indirect_dma source(%arg8 : memref<128x128xf32, #tpu.memory_space<vmem>>) target(%dma_start3A_280 : memref<10240x128xf32, #tpu.memory_space<vmem_shared>>) offsets(%dma_start3A_277 : memref<128xi32, #tpu.memory_space<vmem>>) semaphore(%run_scoped3A_274 : memref<!tpu.dma_semaphore, #tpu.memory_space<semaphore_mem>>) {add = true}
        %dma_wait3A_281 = arith.constant 0 : i32
        %dma_wait3A_282 = tpu.memref_slice %arg5[%run_scoped3A_149, %run_scoped3A_150, %dma_wait3A_281] : memref<4x2x128xi32, #tpu.memory_space<vmem>> -> memref<1x1x128xi32, #tpu.memory_space<vmem>>
        %dma_wait3A_283 = tpu.memref_squeeze %dma_wait3A_282 : memref<1x1x128xi32, #tpu.memory_space<vmem>> -> memref<128xi32, #tpu.memory_space<vmem>>
        %dma_wait3A_284 = arith.constant 0 : i32
        %dma_wait3A_285 = arith.constant 0 : i32
        %dma_wait3A_286 = tpu.memref_slice %arg13[%dma_wait3A_284, %dma_wait3A_285] : memref<10240x128xf32, #tpu.memory_space<vmem_shared>> -> memref<10240x128xf32, #tpu.memory_space<vmem_shared>>
        tpu.wait_indirect_dma semaphore(%run_scoped3A_274 : memref<!tpu.dma_semaphore, #tpu.memory_space<semaphore_mem>>) src(%arg8 : memref<128x128xf32, #tpu.memory_space<vmem>>) dst(%dma_wait3A_286 : memref<10240x128xf32, #tpu.memory_space<vmem_shared>>)
        tpu.yield
      }) : () -> ()
      %dma_start3A_151 = arith.constant 3 : i32
      %dma_start3A_152 = arith.constant 0 : i32
      %dma_start3A_153 = arith.constant 0 : i32
      %dma_start3A_154 = tpu.memref_slice %arg5[%dma_start3A_151, %dma_start3A_152, %dma_start3A_153] : memref<4x2x128xi32, #tpu.memory_space<vmem>> -> memref<1x1x128xi32, #tpu.memory_space<vmem>>
      %dma_start3A_155 = tpu.memref_squeeze %dma_start3A_154 : memref<1x1x128xi32, #tpu.memory_space<vmem>> -> memref<128xi32, #tpu.memory_space<vmem>>
      %dma_start3A_156 = arith.constant 0 : i32
      %dma_start3A_157 = arith.constant 0 : i32
      %dma_start3A_158 = tpu.memref_slice %arg2[%dma_start3A_156, %dma_start3A_157] : memref<10240x128xf32, #tpu.memory_space<hbm>> -> memref<10240x128xf32, #tpu.memory_space<hbm>>
      tpu.enqueue_indirect_dma source(%dma_start3A_158 : memref<10240x128xf32, #tpu.memory_space<hbm>>) target(%arg8 : memref<128x128xf32, #tpu.memory_space<vmem>>) offsets(%dma_start3A_155 : memref<128xi32, #tpu.memory_space<vmem>>) semaphore(%arg12 : memref<!tpu.dma_semaphore, #tpu.memory_space<semaphore_mem>>)
      %dma_wait3A_159 = arith.constant 2 : i32
      %dma_wait3A_160 = arith.constant 0 : i32
      %dma_wait3A_161 = arith.constant 0 : i32
      %dma_wait3A_162 = tpu.memref_slice %arg5[%dma_wait3A_159, %dma_wait3A_160, %dma_wait3A_161] : memref<4x2x128xi32, #tpu.memory_space<vmem>> -> memref<1x1x128xi32, #tpu.memory_space<vmem>>
      %dma_wait3A_163 = tpu.memref_squeeze %dma_wait3A_162 : memref<1x1x128xi32, #tpu.memory_space<vmem>> -> memref<128xi32, #tpu.memory_space<vmem>>
      %dma_wait3A_164 = arith.constant 0 : i32
      %dma_wait3A_165 = arith.constant 0 : i32
      %dma_wait3A_166 = tpu.memref_slice %arg2[%dma_wait3A_164, %dma_wait3A_165] : memref<10240x128xf32, #tpu.memory_space<hbm>> -> memref<10240x128xf32, #tpu.memory_space<hbm>>
      tpu.wait_indirect_dma semaphore(%arg11 : memref<!tpu.dma_semaphore, #tpu.memory_space<semaphore_mem>>) src(%dma_wait3A_166 : memref<10240x128xf32, #tpu.memory_space<hbm>>) dst(%arg7 : memref<128x128xf32, #tpu.memory_space<vmem>>)
      %run_scoped3A_167 = arith.constant 2 : i32
      %run_scoped3A_168 = arith.constant 1 : i32
      "tpu.region"() ({
        %run_scoped3A_274 = tpu.sem_alloc : memref<!tpu.dma_semaphore, #tpu.memory_space<semaphore_mem>>
        %dma_start3A_275 = arith.constant 0 : i32
        %dma_start3A_276 = tpu.memref_slice %arg5[%run_scoped3A_167, %run_scoped3A_168, %dma_start3A_275] : memref<4x2x128xi32, #tpu.memory_space<vmem>> -> memref<1x1x128xi32, #tpu.memory_space<vmem>>
        %dma_start3A_277 = tpu.memref_squeeze %dma_start3A_276 : memref<1x1x128xi32, #tpu.memory_space<vmem>> -> memref<128xi32, #tpu.memory_space<vmem>>
        %dma_start3A_278 = arith.constant 0 : i32
        %dma_start3A_279 = arith.constant 0 : i32
        %dma_start3A_280 = tpu.memref_slice %arg13[%dma_start3A_278, %dma_start3A_279] : memref<10240x128xf32, #tpu.memory_space<vmem_shared>> -> memref<10240x128xf32, #tpu.memory_space<vmem_shared>>
        tpu.enqueue_indirect_dma source(%arg7 : memref<128x128xf32, #tpu.memory_space<vmem>>) target(%dma_start3A_280 : memref<10240x128xf32, #tpu.memory_space<vmem_shared>>) offsets(%dma_start3A_277 : memref<128xi32, #tpu.memory_space<vmem>>) semaphore(%run_scoped3A_274 : memref<!tpu.dma_semaphore, #tpu.memory_space<semaphore_mem>>) {add = true}
        %dma_wait3A_281 = arith.constant 0 : i32
        %dma_wait3A_282 = tpu.memref_slice %arg5[%run_scoped3A_167, %run_scoped3A_168, %dma_wait3A_281] : memref<4x2x128xi32, #tpu.memory_space<vmem>> -> memref<1x1x128xi32, #tpu.memory_space<vmem>>
        %dma_wait3A_283 = tpu.memref_squeeze %dma_wait3A_282 : memref<1x1x128xi32, #tpu.memory_space<vmem>> -> memref<128xi32, #tpu.memory_space<vmem>>
        %dma_wait3A_284 = arith.constant 0 : i32
        %dma_wait3A_285 = arith.constant 0 : i32
        %dma_wait3A_286 = tpu.memref_slice %arg13[%dma_wait3A_284, %dma_wait3A_285] : memref<10240x128xf32, #tpu.memory_space<vmem_shared>> -> memref<10240x128xf32, #tpu.memory_space<vmem_shared>>
        tpu.wait_indirect_dma semaphore(%run_scoped3A_274 : memref<!tpu.dma_semaphore, #tpu.memory_space<semaphore_mem>>) src(%arg7 : memref<128x128xf32, #tpu.memory_space<vmem>>) dst(%dma_wait3A_286 : memref<10240x128xf32, #tpu.memory_space<vmem_shared>>)
        tpu.yield
      }) : () -> ()
      %dma_wait3A_169 = arith.constant 0 : i32
      %dma_wait3A_170 = arith.constant 0 : i32
      %dma_wait3A_171 = arith.constant 0 : i32
      %dma_wait3A_172 = arith.constant 0 : i32
      %dma_wait3A_173 = tpu.memref_slice %arg3[%add3A, %dma_wait3A_169, %dma_wait3A_170, %dma_wait3A_171, %dma_wait3A_172] : memref<32x20x4x2x128xi32, #tpu.memory_space<hbm>> -> memref<1x1x4x2x128xi32, #tpu.memory_space<hbm>>
      %dma_wait3A_174 = tpu.memref_squeeze %dma_wait3A_173 : memref<1x1x4x2x128xi32, #tpu.memory_space<hbm>> -> memref<4x2x128xi32, #tpu.memory_space<hbm>>
      %dma_wait3A_175 = arith.constant 0 : i32
      %dma_wait3A_176 = arith.constant 0 : i32
      %dma_wait3A_177 = arith.constant 0 : i32
      %dma_wait3A_178 = tpu.memref_slice %arg3[%add3A, %dma_wait3A_169, %dma_wait3A_175, %dma_wait3A_176, %dma_wait3A_177] : memref<32x20x4x2x128xi32, #tpu.memory_space<hbm>> -> memref<1x1x4x2x128xi32, #tpu.memory_space<hbm>>
      %dma_wait3A_179 = tpu.memref_squeeze %dma_wait3A_178 : memref<1x1x4x2x128xi32, #tpu.memory_space<hbm>> -> memref<4x2x128xi32, #tpu.memory_space<hbm>>
      tpu.wait_dma2 semaphore(%arg10 : memref<!tpu.dma_semaphore, #tpu.memory_space<semaphore_mem>>) src(%dma_wait3A_179 : memref<4x2x128xi32, #tpu.memory_space<hbm>>) dst(%arg6 : memref<4x2x128xi32, #tpu.memory_space<vmem>>)
      %dma_start3A_180 = arith.constant 0 : i32
      %dma_start3A_181 = arith.constant 0 : i32
      %dma_start3A_182 = arith.constant 0 : i32
      %dma_start3A_183 = tpu.memref_slice %arg6[%dma_start3A_180, %dma_start3A_181, %dma_start3A_182] : memref<4x2x128xi32, #tpu.memory_space<vmem>> -> memref<1x1x128xi32, #tpu.memory_space<vmem>>
      %dma_start3A_184 = tpu.memref_squeeze %dma_start3A_183 : memref<1x1x128xi32, #tpu.memory_space<vmem>> -> memref<128xi32, #tpu.memory_space<vmem>>
      %dma_start3A_185 = arith.constant 0 : i32
      %dma_start3A_186 = arith.constant 0 : i32
      %dma_start3A_187 = tpu.memref_slice %arg2[%dma_start3A_185, %dma_start3A_186] : memref<10240x128xf32, #tpu.memory_space<hbm>> -> memref<10240x128xf32, #tpu.memory_space<hbm>>
      tpu.enqueue_indirect_dma source(%dma_start3A_187 : memref<10240x128xf32, #tpu.memory_space<hbm>>) target(%arg7 : memref<128x128xf32, #tpu.memory_space<vmem>>) offsets(%dma_start3A_184 : memref<128xi32, #tpu.memory_space<vmem>>) semaphore(%arg11 : memref<!tpu.dma_semaphore, #tpu.memory_space<semaphore_mem>>)
      %dma_wait3A_188 = arith.constant 3 : i32
      %dma_wait3A_189 = arith.constant 0 : i32
      %dma_wait3A_190 = arith.constant 0 : i32
      %dma_wait3A_191 = tpu.memref_slice %arg5[%dma_wait3A_188, %dma_wait3A_189, %dma_wait3A_190] : memref<4x2x128xi32, #tpu.memory_space<vmem>> -> memref<1x1x128xi32, #tpu.memory_space<vmem>>
      %dma_wait3A_192 = tpu.memref_squeeze %dma_wait3A_191 : memref<1x1x128xi32, #tpu.memory_space<vmem>> -> memref<128xi32, #tpu.memory_space<vmem>>
      %dma_wait3A_193 = arith.constant 0 : i32
      %dma_wait3A_194 = arith.constant 0 : i32
      %dma_wait3A_195 = tpu.memref_slice %arg2[%dma_wait3A_193, %dma_wait3A_194] : memref<10240x128xf32, #tpu.memory_space<hbm>> -> memref<10240x128xf32, #tpu.memory_space<hbm>>
      tpu.wait_indirect_dma semaphore(%arg12 : memref<!tpu.dma_semaphore, #tpu.memory_space<semaphore_mem>>) src(%dma_wait3A_195 : memref<10240x128xf32, #tpu.memory_space<hbm>>) dst(%arg8 : memref<128x128xf32, #tpu.memory_space<vmem>>)
      %run_scoped3A_196 = arith.constant 3 : i32
      %run_scoped3A_197 = arith.constant 1 : i32
      "tpu.region"() ({
        %run_scoped3A_274 = tpu.sem_alloc : memref<!tpu.dma_semaphore, #tpu.memory_space<semaphore_mem>>
        %dma_start3A_275 = arith.constant 0 : i32
        %dma_start3A_276 = tpu.memref_slice %arg5[%run_scoped3A_196, %run_scoped3A_197, %dma_start3A_275] : memref<4x2x128xi32, #tpu.memory_space<vmem>> -> memref<1x1x128xi32, #tpu.memory_space<vmem>>
        %dma_start3A_277 = tpu.memref_squeeze %dma_start3A_276 : memref<1x1x128xi32, #tpu.memory_space<vmem>> -> memref<128xi32, #tpu.memory_space<vmem>>
        %dma_start3A_278 = arith.constant 0 : i32
        %dma_start3A_279 = arith.constant 0 : i32
        %dma_start3A_280 = tpu.memref_slice %arg13[%dma_start3A_278, %dma_start3A_279] : memref<10240x128xf32, #tpu.memory_space<vmem_shared>> -> memref<10240x128xf32, #tpu.memory_space<vmem_shared>>
        tpu.enqueue_indirect_dma source(%arg8 : memref<128x128xf32, #tpu.memory_space<vmem>>) target(%dma_start3A_280 : memref<10240x128xf32, #tpu.memory_space<vmem_shared>>) offsets(%dma_start3A_277 : memref<128xi32, #tpu.memory_space<vmem>>) semaphore(%run_scoped3A_274 : memref<!tpu.dma_semaphore, #tpu.memory_space<semaphore_mem>>) {add = true}
        %dma_wait3A_281 = arith.constant 0 : i32
        %dma_wait3A_282 = tpu.memref_slice %arg5[%run_scoped3A_196, %run_scoped3A_197, %dma_wait3A_281] : memref<4x2x128xi32, #tpu.memory_space<vmem>> -> memref<1x1x128xi32, #tpu.memory_space<vmem>>
        %dma_wait3A_283 = tpu.memref_squeeze %dma_wait3A_282 : memref<1x1x128xi32, #tpu.memory_space<vmem>> -> memref<128xi32, #tpu.memory_space<vmem>>
        %dma_wait3A_284 = arith.constant 0 : i32
        %dma_wait3A_285 = arith.constant 0 : i32
        %dma_wait3A_286 = tpu.memref_slice %arg13[%dma_wait3A_284, %dma_wait3A_285] : memref<10240x128xf32, #tpu.memory_space<vmem_shared>> -> memref<10240x128xf32, #tpu.memory_space<vmem_shared>>
        tpu.wait_indirect_dma semaphore(%run_scoped3A_274 : memref<!tpu.dma_semaphore, #tpu.memory_space<semaphore_mem>>) src(%arg8 : memref<128x128xf32, #tpu.memory_space<vmem>>) dst(%dma_wait3A_286 : memref<10240x128xf32, #tpu.memory_space<vmem_shared>>)
        tpu.yield
      }) : () -> ()
      %lt3A = arith.constant 9 : i32
      %lt3A_198 = arith.cmpi slt, %scan3A_115, %lt3A : i32
      %convert_element_type3A = arith.extui %lt3A_198 : i1 to i32
      %cond3A = arith.constant 0 : i32
      %cond3A_199 = arith.cmpi ne, %convert_element_type3A, %cond3A : i32
      scf.if %cond3A_199 {
        %mul3A_274 = arith.constant 2 : i32
        %mul3A_275 = arith.muli %mul3A_274, %scan3A_115 : i32
        %add3A_276 = arith.constant 2 : i32
        %add3A_277 = arith.addi %mul3A_275, %add3A_276 : i32
        %dma_start3A_278 = arith.constant 0 : i32
        %dma_start3A_279 = arith.constant 0 : i32
        %dma_start3A_280 = arith.constant 0 : i32
        %dma_start3A_281 = tpu.memref_slice %arg3[%add3A, %add3A_277, %dma_start3A_278, %dma_start3A_279, %dma_start3A_280] : memref<32x20x4x2x128xi32, #tpu.memory_space<hbm>> -> memref<1x1x4x2x128xi32, #tpu.memory_space<hbm>>
        %dma_start3A_282 = tpu.memref_squeeze %dma_start3A_281 : memref<1x1x4x2x128xi32, #tpu.memory_space<hbm>> -> memref<4x2x128xi32, #tpu.memory_space<hbm>>
        %dma_start3A_283 = arith.constant 0 : i32
        %dma_start3A_284 = arith.constant 0 : i32
        %dma_start3A_285 = arith.constant 0 : i32
        %dma_start3A_286 = tpu.memref_slice %arg3[%add3A, %add3A_277, %dma_start3A_283, %dma_start3A_284, %dma_start3A_285] : memref<32x20x4x2x128xi32, #tpu.memory_space<hbm>> -> memref<1x1x4x2x128xi32, #tpu.memory_space<hbm>>
        %dma_start3A_287 = tpu.memref_squeeze %dma_start3A_286 : memref<1x1x4x2x128xi32, #tpu.memory_space<hbm>> -> memref<4x2x128xi32, #tpu.memory_space<hbm>>
        tpu.enqueue_dma source(%dma_start3A_287 : memref<4x2x128xi32, #tpu.memory_space<hbm>>) target(%arg5 : memref<4x2x128xi32, #tpu.memory_space<vmem>>) target_semaphore(%arg9 : memref<!tpu.dma_semaphore, #tpu.memory_space<semaphore_mem>>)
      } else {
      }
      %dma_start3A_200 = arith.constant 1 : i32
      %dma_start3A_201 = arith.constant 0 : i32
      %dma_start3A_202 = arith.constant 0 : i32
      %dma_start3A_203 = tpu.memref_slice %arg6[%dma_start3A_200, %dma_start3A_201, %dma_start3A_202] : memref<4x2x128xi32, #tpu.memory_space<vmem>> -> memref<1x1x128xi32, #tpu.memory_space<vmem>>
      %dma_start3A_204 = tpu.memref_squeeze %dma_start3A_203 : memref<1x1x128xi32, #tpu.memory_space<vmem>> -> memref<128xi32, #tpu.memory_space<vmem>>
      %dma_start3A_205 = arith.constant 0 : i32
      %dma_start3A_206 = arith.constant 0 : i32
      %dma_start3A_207 = tpu.memref_slice %arg2[%dma_start3A_205, %dma_start3A_206] : memref<10240x128xf32, #tpu.memory_space<hbm>> -> memref<10240x128xf32, #tpu.memory_space<hbm>>
      tpu.enqueue_indirect_dma source(%dma_start3A_207 : memref<10240x128xf32, #tpu.memory_space<hbm>>) target(%arg8 : memref<128x128xf32, #tpu.memory_space<vmem>>) offsets(%dma_start3A_204 : memref<128xi32, #tpu.memory_space<vmem>>) semaphore(%arg12 : memref<!tpu.dma_semaphore, #tpu.memory_space<semaphore_mem>>)
      %dma_wait3A_208 = arith.constant 0 : i32
      %dma_wait3A_209 = arith.constant 0 : i32
      %dma_wait3A_210 = arith.constant 0 : i32
      %dma_wait3A_211 = tpu.memref_slice %arg6[%dma_wait3A_208, %dma_wait3A_209, %dma_wait3A_210] : memref<4x2x128xi32, #tpu.memory_space<vmem>> -> memref<1x1x128xi32, #tpu.memory_space<vmem>>
      %dma_wait3A_212 = tpu.memref_squeeze %dma_wait3A_211 : memref<1x1x128xi32, #tpu.memory_space<vmem>> -> memref<128xi32, #tpu.memory_space<vmem>>
      %dma_wait3A_213 = arith.constant 0 : i32
      %dma_wait3A_214 = arith.constant 0 : i32
      %dma_wait3A_215 = tpu.memref_slice %arg2[%dma_wait3A_213, %dma_wait3A_214] : memref<10240x128xf32, #tpu.memory_space<hbm>> -> memref<10240x128xf32, #tpu.memory_space<hbm>>
      tpu.wait_indirect_dma semaphore(%arg11 : memref<!tpu.dma_semaphore, #tpu.memory_space<semaphore_mem>>) src(%dma_wait3A_215 : memref<10240x128xf32, #tpu.memory_space<hbm>>) dst(%arg7 : memref<128x128xf32, #tpu.memory_space<vmem>>)
      %run_scoped3A_216 = arith.constant 0 : i32
      %run_scoped3A_217 = arith.constant 1 : i32
      "tpu.region"() ({
        %run_scoped3A_274 = tpu.sem_alloc : memref<!tpu.dma_semaphore, #tpu.memory_space<semaphore_mem>>
        %dma_start3A_275 = arith.constant 0 : i32
        %dma_start3A_276 = tpu.memref_slice %arg6[%run_scoped3A_216, %run_scoped3A_217, %dma_start3A_275] : memref<4x2x128xi32, #tpu.memory_space<vmem>> -> memref<1x1x128xi32, #tpu.memory_space<vmem>>
        %dma_start3A_277 = tpu.memref_squeeze %dma_start3A_276 : memref<1x1x128xi32, #tpu.memory_space<vmem>> -> memref<128xi32, #tpu.memory_space<vmem>>
        %dma_start3A_278 = arith.constant 0 : i32
        %dma_start3A_279 = arith.constant 0 : i32
        %dma_start3A_280 = tpu.memref_slice %arg13[%dma_start3A_278, %dma_start3A_279] : memref<10240x128xf32, #tpu.memory_space<vmem_shared>> -> memref<10240x128xf32, #tpu.memory_space<vmem_shared>>
        tpu.enqueue_indirect_dma source(%arg7 : memref<128x128xf32, #tpu.memory_space<vmem>>) target(%dma_start3A_280 : memref<10240x128xf32, #tpu.memory_space<vmem_shared>>) offsets(%dma_start3A_277 : memref<128xi32, #tpu.memory_space<vmem>>) semaphore(%run_scoped3A_274 : memref<!tpu.dma_semaphore, #tpu.memory_space<semaphore_mem>>) {add = true}
        %dma_wait3A_281 = arith.constant 0 : i32
        %dma_wait3A_282 = tpu.memref_slice %arg6[%run_scoped3A_216, %run_scoped3A_217, %dma_wait3A_281] : memref<4x2x128xi32, #tpu.memory_space<vmem>> -> memref<1x1x128xi32, #tpu.memory_space<vmem>>
        %dma_wait3A_283 = tpu.memref_squeeze %dma_wait3A_282 : memref<1x1x128xi32, #tpu.memory_space<vmem>> -> memref<128xi32, #tpu.memory_space<vmem>>
        %dma_wait3A_284 = arith.constant 0 : i32
        %dma_wait3A_285 = arith.constant 0 : i32
        %dma_wait3A_286 = tpu.memref_slice %arg13[%dma_wait3A_284, %dma_wait3A_285] : memref<10240x128xf32, #tpu.memory_space<vmem_shared>> -> memref<10240x128xf32, #tpu.memory_space<vmem_shared>>
        tpu.wait_indirect_dma semaphore(%run_scoped3A_274 : memref<!tpu.dma_semaphore, #tpu.memory_space<semaphore_mem>>) src(%arg7 : memref<128x128xf32, #tpu.memory_space<vmem>>) dst(%dma_wait3A_286 : memref<10240x128xf32, #tpu.memory_space<vmem_shared>>)
        tpu.yield
      }) : () -> ()
      %dma_start3A_218 = arith.constant 2 : i32
      %dma_start3A_219 = arith.constant 0 : i32
      %dma_start3A_220 = arith.constant 0 : i32
      %dma_start3A_221 = tpu.memref_slice %arg6[%dma_start3A_218, %dma_start3A_219, %dma_start3A_220] : memref<4x2x128xi32, #tpu.memory_space<vmem>> -> memref<1x1x128xi32, #tpu.memory_space<vmem>>
      %dma_start3A_222 = tpu.memref_squeeze %dma_start3A_221 : memref<1x1x128xi32, #tpu.memory_space<vmem>> -> memref<128xi32, #tpu.memory_space<vmem>>
      %dma_start3A_223 = arith.constant 0 : i32
      %dma_start3A_224 = arith.constant 0 : i32
      %dma_start3A_225 = tpu.memref_slice %arg2[%dma_start3A_223, %dma_start3A_224] : memref<10240x128xf32, #tpu.memory_space<hbm>> -> memref<10240x128xf32, #tpu.memory_space<hbm>>
      tpu.enqueue_indirect_dma source(%dma_start3A_225 : memref<10240x128xf32, #tpu.memory_space<hbm>>) target(%arg7 : memref<128x128xf32, #tpu.memory_space<vmem>>) offsets(%dma_start3A_222 : memref<128xi32, #tpu.memory_space<vmem>>) semaphore(%arg11 : memref<!tpu.dma_semaphore, #tpu.memory_space<semaphore_mem>>)
      %dma_wait3A_226 = arith.constant 1 : i32
      %dma_wait3A_227 = arith.constant 0 : i32
      %dma_wait3A_228 = arith.constant 0 : i32
      %dma_wait3A_229 = tpu.memref_slice %arg6[%dma_wait3A_226, %dma_wait3A_227, %dma_wait3A_228] : memref<4x2x128xi32, #tpu.memory_space<vmem>> -> memref<1x1x128xi32, #tpu.memory_space<vmem>>
      %dma_wait3A_230 = tpu.memref_squeeze %dma_wait3A_229 : memref<1x1x128xi32, #tpu.memory_space<vmem>> -> memref<128xi32, #tpu.memory_space<vmem>>
      %dma_wait3A_231 = arith.constant 0 : i32
      %dma_wait3A_232 = arith.constant 0 : i32
      %dma_wait3A_233 = tpu.memref_slice %arg2[%dma_wait3A_231, %dma_wait3A_232] : memref<10240x128xf32, #tpu.memory_space<hbm>> -> memref<10240x128xf32, #tpu.memory_space<hbm>>
      tpu.wait_indirect_dma semaphore(%arg12 : memref<!tpu.dma_semaphore, #tpu.memory_space<semaphore_mem>>) src(%dma_wait3A_233 : memref<10240x128xf32, #tpu.memory_space<hbm>>) dst(%arg8 : memref<128x128xf32, #tpu.memory_space<vmem>>)
      %run_scoped3A_234 = arith.constant 1 : i32
      %run_scoped3A_235 = arith.constant 1 : i32
      "tpu.region"() ({
        %run_scoped3A_274 = tpu.sem_alloc : memref<!tpu.dma_semaphore, #tpu.memory_space<semaphore_mem>>
        %dma_start3A_275 = arith.constant 0 : i32
        %dma_start3A_276 = tpu.memref_slice %arg6[%run_scoped3A_234, %run_scoped3A_235, %dma_start3A_275] : memref<4x2x128xi32, #tpu.memory_space<vmem>> -> memref<1x1x128xi32, #tpu.memory_space<vmem>>
        %dma_start3A_277 = tpu.memref_squeeze %dma_start3A_276 : memref<1x1x128xi32, #tpu.memory_space<vmem>> -> memref<128xi32, #tpu.memory_space<vmem>>
        %dma_start3A_278 = arith.constant 0 : i32
        %dma_start3A_279 = arith.constant 0 : i32
        %dma_start3A_280 = tpu.memref_slice %arg13[%dma_start3A_278, %dma_start3A_279] : memref<10240x128xf32, #tpu.memory_space<vmem_shared>> -> memref<10240x128xf32, #tpu.memory_space<vmem_shared>>
        tpu.enqueue_indirect_dma source(%arg8 : memref<128x128xf32, #tpu.memory_space<vmem>>) target(%dma_start3A_280 : memref<10240x128xf32, #tpu.memory_space<vmem_shared>>) offsets(%dma_start3A_277 : memref<128xi32, #tpu.memory_space<vmem>>) semaphore(%run_scoped3A_274 : memref<!tpu.dma_semaphore, #tpu.memory_space<semaphore_mem>>) {add = true}
        %dma_wait3A_281 = arith.constant 0 : i32
        %dma_wait3A_282 = tpu.memref_slice %arg6[%run_scoped3A_234, %run_scoped3A_235, %dma_wait3A_281] : memref<4x2x128xi32, #tpu.memory_space<vmem>> -> memref<1x1x128xi32, #tpu.memory_space<vmem>>
        %dma_wait3A_283 = tpu.memref_squeeze %dma_wait3A_282 : memref<1x1x128xi32, #tpu.memory_space<vmem>> -> memref<128xi32, #tpu.memory_space<vmem>>
        %dma_wait3A_284 = arith.constant 0 : i32
        %dma_wait3A_285 = arith.constant 0 : i32
        %dma_wait3A_286 = tpu.memref_slice %arg13[%dma_wait3A_284, %dma_wait3A_285] : memref<10240x128xf32, #tpu.memory_space<vmem_shared>> -> memref<10240x128xf32, #tpu.memory_space<vmem_shared>>
        tpu.wait_indirect_dma semaphore(%run_scoped3A_274 : memref<!tpu.dma_semaphore, #tpu.memory_space<semaphore_mem>>) src(%arg8 : memref<128x128xf32, #tpu.memory_space<vmem>>) dst(%dma_wait3A_286 : memref<10240x128xf32, #tpu.memory_space<vmem_shared>>)
        tpu.yield
      }) : () -> ()
      %dma_start3A_236 = arith.constant 3 : i32
      %dma_start3A_237 = arith.constant 0 : i32
      %dma_start3A_238 = arith.constant 0 : i32
      %dma_start3A_239 = tpu.memref_slice %arg6[%dma_start3A_236, %dma_start3A_237, %dma_start3A_238] : memref<4x2x128xi32, #tpu.memory_space<vmem>> -> memref<1x1x128xi32, #tpu.memory_space<vmem>>
      %dma_start3A_240 = tpu.memref_squeeze %dma_start3A_239 : memref<1x1x128xi32, #tpu.memory_space<vmem>> -> memref<128xi32, #tpu.memory_space<vmem>>
      %dma_start3A_241 = arith.constant 0 : i32
      %dma_start3A_242 = arith.constant 0 : i32
      %dma_start3A_243 = tpu.memref_slice %arg2[%dma_start3A_241, %dma_start3A_242] : memref<10240x128xf32, #tpu.memory_space<hbm>> -> memref<10240x128xf32, #tpu.memory_space<hbm>>
      tpu.enqueue_indirect_dma source(%dma_start3A_243 : memref<10240x128xf32, #tpu.memory_space<hbm>>) target(%arg8 : memref<128x128xf32, #tpu.memory_space<vmem>>) offsets(%dma_start3A_240 : memref<128xi32, #tpu.memory_space<vmem>>) semaphore(%arg12 : memref<!tpu.dma_semaphore, #tpu.memory_space<semaphore_mem>>)
      %dma_wait3A_244 = arith.constant 2 : i32
      %dma_wait3A_245 = arith.constant 0 : i32
      %dma_wait3A_246 = arith.constant 0 : i32
      %dma_wait3A_247 = tpu.memref_slice %arg6[%dma_wait3A_244, %dma_wait3A_245, %dma_wait3A_246] : memref<4x2x128xi32, #tpu.memory_space<vmem>> -> memref<1x1x128xi32, #tpu.memory_space<vmem>>
      %dma_wait3A_248 = tpu.memref_squeeze %dma_wait3A_247 : memref<1x1x128xi32, #tpu.memory_space<vmem>> -> memref<128xi32, #tpu.memory_space<vmem>>
      %dma_wait3A_249 = arith.constant 0 : i32
      %dma_wait3A_250 = arith.constant 0 : i32
      %dma_wait3A_251 = tpu.memref_slice %arg2[%dma_wait3A_249, %dma_wait3A_250] : memref<10240x128xf32, #tpu.memory_space<hbm>> -> memref<10240x128xf32, #tpu.memory_space<hbm>>
      tpu.wait_indirect_dma semaphore(%arg11 : memref<!tpu.dma_semaphore, #tpu.memory_space<semaphore_mem>>) src(%dma_wait3A_251 : memref<10240x128xf32, #tpu.memory_space<hbm>>) dst(%arg7 : memref<128x128xf32, #tpu.memory_space<vmem>>)
      %run_scoped3A_252 = arith.constant 2 : i32
      %run_scoped3A_253 = arith.constant 1 : i32
      "tpu.region"() ({
        %run_scoped3A_274 = tpu.sem_alloc : memref<!tpu.dma_semaphore, #tpu.memory_space<semaphore_mem>>
        %dma_start3A_275 = arith.constant 0 : i32
        %dma_start3A_276 = tpu.memref_slice %arg6[%run_scoped3A_252, %run_scoped3A_253, %dma_start3A_275] : memref<4x2x128xi32, #tpu.memory_space<vmem>> -> memref<1x1x128xi32, #tpu.memory_space<vmem>>
        %dma_start3A_277 = tpu.memref_squeeze %dma_start3A_276 : memref<1x1x128xi32, #tpu.memory_space<vmem>> -> memref<128xi32, #tpu.memory_space<vmem>>
        %dma_start3A_278 = arith.constant 0 : i32
        %dma_start3A_279 = arith.constant 0 : i32
        %dma_start3A_280 = tpu.memref_slice %arg13[%dma_start3A_278, %dma_start3A_279] : memref<10240x128xf32, #tpu.memory_space<vmem_shared>> -> memref<10240x128xf32, #tpu.memory_space<vmem_shared>>
        tpu.enqueue_indirect_dma source(%arg7 : memref<128x128xf32, #tpu.memory_space<vmem>>) target(%dma_start3A_280 : memref<10240x128xf32, #tpu.memory_space<vmem_shared>>) offsets(%dma_start3A_277 : memref<128xi32, #tpu.memory_space<vmem>>) semaphore(%run_scoped3A_274 : memref<!tpu.dma_semaphore, #tpu.memory_space<semaphore_mem>>) {add = true}
        %dma_wait3A_281 = arith.constant 0 : i32
        %dma_wait3A_282 = tpu.memref_slice %arg6[%run_scoped3A_252, %run_scoped3A_253, %dma_wait3A_281] : memref<4x2x128xi32, #tpu.memory_space<vmem>> -> memref<1x1x128xi32, #tpu.memory_space<vmem>>
        %dma_wait3A_283 = tpu.memref_squeeze %dma_wait3A_282 : memref<1x1x128xi32, #tpu.memory_space<vmem>> -> memref<128xi32, #tpu.memory_space<vmem>>
        %dma_wait3A_284 = arith.constant 0 : i32
        %dma_wait3A_285 = arith.constant 0 : i32
        %dma_wait3A_286 = tpu.memref_slice %arg13[%dma_wait3A_284, %dma_wait3A_285] : memref<10240x128xf32, #tpu.memory_space<vmem_shared>> -> memref<10240x128xf32, #tpu.memory_space<vmem_shared>>
        tpu.wait_indirect_dma semaphore(%run_scoped3A_274 : memref<!tpu.dma_semaphore, #tpu.memory_space<semaphore_mem>>) src(%arg7 : memref<128x128xf32, #tpu.memory_space<vmem>>) dst(%dma_wait3A_286 : memref<10240x128xf32, #tpu.memory_space<vmem_shared>>)
        tpu.yield
      }) : () -> ()
      %lt3A_254 = arith.constant 9 : i32
      %lt3A_255 = arith.cmpi slt, %scan3A_115, %lt3A_254 : i32
      %convert_element_type3A_256 = arith.extui %lt3A_255 : i1 to i32
      %cond3A_257 = arith.constant 0 : i32
      %cond3A_258 = arith.cmpi ne, %convert_element_type3A_256, %cond3A_257 : i32
      scf.if %cond3A_258 {
        %dma_wait3A_274 = arith.constant 0 : i32
        %dma_wait3A_275 = arith.constant 0 : i32
        %dma_wait3A_276 = arith.constant 0 : i32
        %dma_wait3A_277 = arith.constant 0 : i32
        %dma_wait3A_278 = tpu.memref_slice %arg3[%add3A, %dma_wait3A_274, %dma_wait3A_275, %dma_wait3A_276, %dma_wait3A_277] : memref<32x20x4x2x128xi32, #tpu.memory_space<hbm>> -> memref<1x1x4x2x128xi32, #tpu.memory_space<hbm>>
        %dma_wait3A_279 = tpu.memref_squeeze %dma_wait3A_278 : memref<1x1x4x2x128xi32, #tpu.memory_space<hbm>> -> memref<4x2x128xi32, #tpu.memory_space<hbm>>
        %dma_wait3A_280 = arith.constant 0 : i32
        %dma_wait3A_281 = arith.constant 0 : i32
        %dma_wait3A_282 = arith.constant 0 : i32
        %dma_wait3A_283 = tpu.memref_slice %arg3[%add3A, %dma_wait3A_274, %dma_wait3A_280, %dma_wait3A_281, %dma_wait3A_282] : memref<32x20x4x2x128xi32, #tpu.memory_space<hbm>> -> memref<1x1x4x2x128xi32, #tpu.memory_space<hbm>>
        %dma_wait3A_284 = tpu.memref_squeeze %dma_wait3A_283 : memref<1x1x4x2x128xi32, #tpu.memory_space<hbm>> -> memref<4x2x128xi32, #tpu.memory_space<hbm>>
        tpu.wait_dma2 semaphore(%arg9 : memref<!tpu.dma_semaphore, #tpu.memory_space<semaphore_mem>>) src(%dma_wait3A_284 : memref<4x2x128xi32, #tpu.memory_space<hbm>>) dst(%arg5 : memref<4x2x128xi32, #tpu.memory_space<vmem>>)
        %dma_start3A_285 = arith.constant 0 : i32
        %dma_start3A_286 = arith.constant 0 : i32
        %dma_start3A_287 = arith.constant 0 : i32
        %dma_start3A_288 = tpu.memref_slice %arg5[%dma_start3A_285, %dma_start3A_286, %dma_start3A_287] : memref<4x2x128xi32, #tpu.memory_space<vmem>> -> memref<1x1x128xi32, #tpu.memory_space<vmem>>
        %dma_start3A_289 = tpu.memref_squeeze %dma_start3A_288 : memref<1x1x128xi32, #tpu.memory_space<vmem>> -> memref<128xi32, #tpu.memory_space<vmem>>
        %dma_start3A_290 = arith.constant 0 : i32
        %dma_start3A_291 = arith.constant 0 : i32
        %dma_start3A_292 = tpu.memref_slice %arg2[%dma_start3A_290, %dma_start3A_291] : memref<10240x128xf32, #tpu.memory_space<hbm>> -> memref<10240x128xf32, #tpu.memory_space<hbm>>
        tpu.enqueue_indirect_dma source(%dma_start3A_292 : memref<10240x128xf32, #tpu.memory_space<hbm>>) target(%arg7 : memref<128x128xf32, #tpu.memory_space<vmem>>) offsets(%dma_start3A_289 : memref<128xi32, #tpu.memory_space<vmem>>) semaphore(%arg11 : memref<!tpu.dma_semaphore, #tpu.memory_space<semaphore_mem>>)
      } else {
      }
      %dma_wait3A_259 = arith.constant 3 : i32
      %dma_wait3A_260 = arith.constant 0 : i32
      %dma_wait3A_261 = arith.constant 0 : i32
      %dma_wait3A_262 = tpu.memref_slice %arg6[%dma_wait3A_259, %dma_wait3A_260, %dma_wait3A_261] : memref<4x2x128xi32, #tpu.memory_space<vmem>> -> memref<1x1x128xi32, #tpu.memory_space<vmem>>
      %dma_wait3A_263 = tpu.memref_squeeze %dma_wait3A_262 : memref<1x1x128xi32, #tpu.memory_space<vmem>> -> memref<128xi32, #tpu.memory_space<vmem>>
      %dma_wait3A_264 = arith.constant 0 : i32
      %dma_wait3A_265 = arith.constant 0 : i32
      %dma_wait3A_266 = tpu.memref_slice %arg2[%dma_wait3A_264, %dma_wait3A_265] : memref<10240x128xf32, #tpu.memory_space<hbm>> -> memref<10240x128xf32, #tpu.memory_space<hbm>>
      tpu.wait_indirect_dma semaphore(%arg12 : memref<!tpu.dma_semaphore, #tpu.memory_space<semaphore_mem>>) src(%dma_wait3A_266 : memref<10240x128xf32, #tpu.memory_space<hbm>>) dst(%arg8 : memref<128x128xf32, #tpu.memory_space<vmem>>)
      %run_scoped3A_267 = arith.constant 3 : i32
      %run_scoped3A_268 = arith.constant 1 : i32
      "tpu.region"() ({
        %run_scoped3A_274 = tpu.sem_alloc : memref<!tpu.dma_semaphore, #tpu.memory_space<semaphore_mem>>
        %dma_start3A_275 = arith.constant 0 : i32
        %dma_start3A_276 = tpu.memref_slice %arg6[%run_scoped3A_267, %run_scoped3A_268, %dma_start3A_275] : memref<4x2x128xi32, #tpu.memory_space<vmem>> -> memref<1x1x128xi32, #tpu.memory_space<vmem>>
        %dma_start3A_277 = tpu.memref_squeeze %dma_start3A_276 : memref<1x1x128xi32, #tpu.memory_space<vmem>> -> memref<128xi32, #tpu.memory_space<vmem>>
        %dma_start3A_278 = arith.constant 0 : i32
        %dma_start3A_279 = arith.constant 0 : i32
        %dma_start3A_280 = tpu.memref_slice %arg13[%dma_start3A_278, %dma_start3A_279] : memref<10240x128xf32, #tpu.memory_space<vmem_shared>> -> memref<10240x128xf32, #tpu.memory_space<vmem_shared>>
        tpu.enqueue_indirect_dma source(%arg8 : memref<128x128xf32, #tpu.memory_space<vmem>>) target(%dma_start3A_280 : memref<10240x128xf32, #tpu.memory_space<vmem_shared>>) offsets(%dma_start3A_277 : memref<128xi32, #tpu.memory_space<vmem>>) semaphore(%run_scoped3A_274 : memref<!tpu.dma_semaphore, #tpu.memory_space<semaphore_mem>>) {add = true}
        %dma_wait3A_281 = arith.constant 0 : i32
        %dma_wait3A_282 = tpu.memref_slice %arg6[%run_scoped3A_267, %run_scoped3A_268, %dma_wait3A_281] : memref<4x2x128xi32, #tpu.memory_space<vmem>> -> memref<1x1x128xi32, #tpu.memory_space<vmem>>
        %dma_wait3A_283 = tpu.memref_squeeze %dma_wait3A_282 : memref<1x1x128xi32, #tpu.memory_space<vmem>> -> memref<128xi32, #tpu.memory_space<vmem>>
        %dma_wait3A_284 = arith.constant 0 : i32
        %dma_wait3A_285 = arith.constant 0 : i32
        %dma_wait3A_286 = tpu.memref_slice %arg13[%dma_wait3A_284, %dma_wait3A_285] : memref<10240x128xf32, #tpu.memory_space<vmem_shared>> -> memref<10240x128xf32, #tpu.memory_space<vmem_shared>>
        tpu.wait_indirect_dma semaphore(%run_scoped3A_274 : memref<!tpu.dma_semaphore, #tpu.memory_space<semaphore_mem>>) src(%arg8 : memref<128x128xf32, #tpu.memory_space<vmem>>) dst(%dma_wait3A_286 : memref<10240x128xf32, #tpu.memory_space<vmem_shared>>)
        tpu.yield
      }) : () -> ()
      %lt3A_269 = arith.constant 9 : i32
      %lt3A_270 = arith.cmpi slt, %scan3A_115, %lt3A_269 : i32
      %convert_element_type3A_271 = arith.extui %lt3A_270 : i1 to i32
      %cond3A_272 = arith.constant 0 : i32
      %cond3A_273 = arith.cmpi ne, %convert_element_type3A_271, %cond3A_272 : i32
      scf.if %cond3A_273 {
        %mul3A_274 = arith.constant 2 : i32
        %mul3A_275 = arith.muli %mul3A_274, %scan3A_115 : i32
        %add3A_276 = arith.constant 3 : i32
        %add3A_277 = arith.addi %mul3A_275, %add3A_276 : i32
        %dma_start3A_278 = arith.constant 0 : i32
        %dma_start3A_279 = arith.constant 0 : i32
        %dma_start3A_280 = arith.constant 0 : i32
        %dma_start3A_281 = tpu.memref_slice %arg3[%add3A, %add3A_277, %dma_start3A_278, %dma_start3A_279, %dma_start3A_280] : memref<32x20x4x2x128xi32, #tpu.memory_space<hbm>> -> memref<1x1x4x2x128xi32, #tpu.memory_space<hbm>>
        %dma_start3A_282 = tpu.memref_squeeze %dma_start3A_281 : memref<1x1x4x2x128xi32, #tpu.memory_space<hbm>> -> memref<4x2x128xi32, #tpu.memory_space<hbm>>
        %dma_start3A_283 = arith.constant 0 : i32
        %dma_start3A_284 = arith.constant 0 : i32
        %dma_start3A_285 = arith.constant 0 : i32
        %dma_start3A_286 = tpu.memref_slice %arg3[%add3A, %add3A_277, %dma_start3A_283, %dma_start3A_284, %dma_start3A_285] : memref<32x20x4x2x128xi32, #tpu.memory_space<hbm>> -> memref<1x1x4x2x128xi32, #tpu.memory_space<hbm>>
        %dma_start3A_287 = tpu.memref_squeeze %dma_start3A_286 : memref<1x1x4x2x128xi32, #tpu.memory_space<hbm>> -> memref<4x2x128xi32, #tpu.memory_space<hbm>>
        tpu.enqueue_dma source(%dma_start3A_287 : memref<4x2x128xi32, #tpu.memory_space<hbm>>) target(%arg6 : memref<4x2x128xi32, #tpu.memory_space<vmem>>) target_semaphore(%arg10 : memref<!tpu.dma_semaphore, #tpu.memory_space<semaphore_mem>>)
      } else {
      }
    }
    %scan3A_113 = arith.constant 10 : i32
    %barrier3A_114 = arith.constant 0 : index
    tpu.barrier barrier_id(%barrier3A_114)
    "tpu.region"() ({
      %run_scoped3A = tpu.sem_alloc : memref<!tpu.dma_semaphore, #tpu.memory_space<semaphore_mem>>
      %dma_start3A_115 = arith.constant 0 : i32
      %dma_start3A_116 = tpu.memref_slice %arg4[%arg0, %mul3A_2, %dma_start3A_115] : memref<2x10240x128xf32, #tpu.memory_space<hbm>> -> memref<1x640x128xf32, #tpu.memory_space<hbm>>
      %dma_start3A_117 = tpu.memref_squeeze %dma_start3A_116 : memref<1x640x128xf32, #tpu.memory_space<hbm>> -> memref<640x128xf32, #tpu.memory_space<hbm>>
      %dma_start3A_118 = arith.constant 0 : i32
      %dma_start3A_119 = tpu.memref_slice %arg13[%mul3A_2, %dma_start3A_118] : memref<10240x128xf32, #tpu.memory_space<vmem_shared>> -> memref<640x128xf32, #tpu.memory_space<vmem_shared>>
      tpu.enqueue_dma source(%dma_start3A_119 : memref<640x128xf32, #tpu.memory_space<vmem_shared>>) target(%dma_start3A_117 : memref<640x128xf32, #tpu.memory_space<hbm>>) target_semaphore(%run_scoped3A : memref<!tpu.dma_semaphore, #tpu.memory_space<semaphore_mem>>)
      %dma_wait3A_120 = arith.constant 0 : i32
      %dma_wait3A_121 = tpu.memref_slice %arg4[%arg0, %mul3A_2, %dma_wait3A_120] : memref<2x10240x128xf32, #tpu.memory_space<hbm>> -> memref<1x640x128xf32, #tpu.memory_space<hbm>>
      %dma_wait3A_122 = tpu.memref_squeeze %dma_wait3A_121 : memref<1x640x128xf32, #tpu.memory_space<hbm>> -> memref<640x128xf32, #tpu.memory_space<hbm>>
      %dma_wait3A_123 = arith.constant 0 : i32
      %dma_wait3A_124 = tpu.memref_slice %arg13[%mul3A_2, %dma_wait3A_123] : memref<10240x128xf32, #tpu.memory_space<vmem_shared>> -> memref<640x128xf32, #tpu.memory_space<vmem_shared>>
      tpu.wait_dma2 semaphore(%run_scoped3A : memref<!tpu.dma_semaphore, #tpu.memory_space<semaphore_mem>>) src(%dma_wait3A_124 : memref<640x128xf32, #tpu.memory_space<vmem_shared>>) dst(%dma_wait3A_122 : memref<640x128xf32, #tpu.memory_space<hbm>>)
      tpu.yield
    }) : () -> ()
    return
  }
}

module attributes {stable_mosaic.version = 14 : i64} {
  func.func @_tc0_body(%arg0: i32, %arg1: memref<32x1280xf32, #tpu.memory_space<vmem>>, %arg2: memref<1280x128xf32, #tpu.memory_space<vmem>>, %arg3: memref<128x128xf32, #tpu.memory_space<vmem>>, %arg4: memref<1280x1xi32, #tpu.memory_space<vmem>>, %arg5: memref<1280x1xf32, #tpu.memory_space<vmem>>, %arg6: memref<1280x128xf32, #tpu.memory_space<vmem>>, %arg7: memref<1280x64xf32, #tpu.memory_space<vmem>>) attributes {dimension_semantics = [#tpu.dimension_semantics<arbitrary>], iteration_bounds = array<i64: 8>, scalar_prefetch = 0 : i64, scratch_operands = 0 : i64, tpu.core_type = #tpu.core_type<tc>, window_params = [{transform_indices = @transform_0, window_bounds = array<i64: 32, 1280>}, {transform_indices = @transform_1, window_bounds = array<i64: 1280, 128>}, {pipeline_mode = #tpu.pipeline_mode<synchronous>, transform_indices = @transform_2, window_bounds = array<i64: 128, 128>}, {transform_indices = @transform_3, window_bounds = array<i64: 1280, 1>}, {transform_indices = @transform_4, window_bounds = array<i64: 1280, 1>}, {transform_indices = @transform_5, window_bounds = array<i64: 1280, 128>}, {transform_indices = @transform_6, window_bounds = array<i64: 1280, 64>}]} {
    %get3A = arith.constant 0 : index
    %get3A_0 = arith.constant 0 : index
    %get3A_1 = vector.load %arg1[%get3A, %get3A_0] : memref<32x1280xf32, #tpu.memory_space<vmem>>, vector<32x1280xf32>
    %reduce_sum3A = arith.constant dense<0.000000e+00> : vector<1280xf32>
    %reduce_sum3A_2 = vector.multi_reduction <add>, %get3A_1, %reduce_sum3A [0] : vector<32x1280xf32> to vector<1280xf32>
    %add3A = arith.constant 1.000000e+00 : f32
    %add3A_3 = vector.broadcast %add3A : f32 to vector<1280xf32>
    %add3A_4 = arith.addf %reduce_sum3A_2, %add3A_3 : vector<1280xf32>
    %rsqrt3A = math.rsqrt %add3A_4 : vector<1280xf32>
    %broadcast_in_dim3A = vector.shape_cast %rsqrt3A : vector<1280xf32> to vector<1280x1xf32>
    %swap3A = arith.constant 0 : index
    %swap3A_5 = arith.constant 0 : index
    %swap3A_6 = vector.load %arg5[%swap3A, %swap3A_5] : memref<1280x1xf32, #tpu.memory_space<vmem>>, vector<1280x1xf32>
    tpu.vector_store %arg5[%swap3A, %swap3A_5], %broadcast_in_dim3A {strides = array<i32>} : memref<1280x1xf32, #tpu.memory_space<vmem>>, vector<1280x1xf32>,
    %get3A_7 = arith.constant 0 : index
    %get3A_8 = arith.constant 0 : index
    %get3A_9 = vector.load %arg2[%get3A_7, %get3A_8] : memref<1280x128xf32, #tpu.memory_space<vmem>>, vector<1280x128xf32>
    %get3A_10 = arith.constant 0 : index
    %get3A_11 = arith.constant 0 : index
    %get3A_12 = vector.load %arg3[%get3A_10, %get3A_11] : memref<128x128xf32, #tpu.memory_space<vmem>>, vector<128x128xf32>
    %dot_general3A = arith.constant dense<0.000000e+00> : vector<1280x128xf32>
    %dot_general3A_13 = tpu.matmul %get3A_9, %get3A_12, %dot_general3A {dimension_numbers = #tpu.dot_dimension_numbers<[1], [0], [0], [1], [0, 0, 1, 1], [], []>, precision = #tpu.contract_precision<fp32>, transpose_lhs_hint = false} : vector<1280x128xf32>, vector<128x128xf32>, vector<1280x128xf32> -> vector<1280x128xf32>
    %mul3A = vector.broadcast %broadcast_in_dim3A : vector<1280x1xf32> to vector<1280x128xf32>
    %mul3A_14 = arith.mulf %dot_general3A_13, %mul3A : vector<1280x128xf32>
    %swap3A_15 = arith.constant 0 : index
    %swap3A_16 = arith.constant 0 : index
    %swap3A_17 = vector.load %arg6[%swap3A_15, %swap3A_16] : memref<1280x128xf32, #tpu.memory_space<vmem>>, vector<1280x128xf32>
    tpu.vector_store %arg6[%swap3A_15, %swap3A_16], %mul3A_14 {strides = array<i32>} : memref<1280x128xf32, #tpu.memory_space<vmem>>, vector<1280x128xf32>,
    %iota3A = tpu.iota {dimensions = array<i32: 1>} : vector<1x64xi32>
    %get3A_18 = arith.constant 0 : index
    %get3A_19 = arith.constant 0 : index
    %get3A_20 = vector.load %arg4[%get3A_18, %get3A_19] : memref<1280x1xi32, #tpu.memory_space<vmem>>, vector<1280x1xi32>
    %eq3A = vector.broadcast %get3A_20 : vector<1280x1xi32> to vector<1280x64xi32>
    %eq3A_21 = vector.broadcast %iota3A : vector<1x64xi32> to vector<1280x64xi32>
    %eq3A_22 = arith.cmpi eq, %eq3A, %eq3A_21 : vector<1280x64xi32>
    %convert_element_type3A = arith.extui %eq3A_22 : vector<1280x64xi1> to vector<1280x64xi32>
    %convert_element_type3A_23 = arith.sitofp %convert_element_type3A : vector<1280x64xi32> to vector<1280x64xf32>
    %mul3A_24 = vector.broadcast %broadcast_in_dim3A : vector<1280x1xf32> to vector<1280x64xf32>
    %mul3A_25 = arith.mulf %convert_element_type3A_23, %mul3A_24 : vector<1280x64xf32>
    %swap3A_26 = arith.constant 0 : index
    %swap3A_27 = arith.constant 0 : index
    %swap3A_28 = vector.load %arg7[%swap3A_26, %swap3A_27] : memref<1280x64xf32, #tpu.memory_space<vmem>>, vector<1280x64xf32>
    tpu.vector_store %arg7[%swap3A_26, %swap3A_27], %mul3A_25 {strides = array<i32>} : memref<1280x64xf32, #tpu.memory_space<vmem>>, vector<1280x64xf32>,
    return
  }
  func.func @transform_0(%arg0: i32) -> (i32, i32) {
    %c0_i32 = arith.constant 0 : i32
    %c0_i32_0 = arith.constant 0 : i32
    return %c0_i32, %arg0 : i32, i32
  }
  func.func @transform_1(%arg0: i32) -> (i32, i32) {
    %c0_i32 = arith.constant 0 : i32
    %c0_i32_0 = arith.constant 0 : i32
    return %arg0, %c0_i32 : i32, i32
  }
  func.func @transform_2(%arg0: i32) -> (i32, i32) {
    %c0_i32 = arith.constant 0 : i32
    %c0_i32_0 = arith.constant 0 : i32
    %c0_i32_1 = arith.constant 0 : i32
    return %c0_i32, %c0_i32_0 : i32, i32
  }
  func.func @transform_3(%arg0: i32) -> (i32, i32) {
    %c0_i32 = arith.constant 0 : i32
    %c0_i32_0 = arith.constant 0 : i32
    return %arg0, %c0_i32 : i32, i32
  }
  func.func @transform_4(%arg0: i32) -> (i32, i32) {
    %c0_i32 = arith.constant 0 : i32
    %c0_i32_0 = arith.constant 0 : i32
    return %arg0, %c0_i32 : i32, i32
  }
  func.func @transform_5(%arg0: i32) -> (i32, i32) {
    %c0_i32 = arith.constant 0 : i32
    %c0_i32_0 = arith.constant 0 : i32
    return %arg0, %c0_i32 : i32, i32
  }
  func.func @transform_6(%arg0: i32) -> (i32, i32) {
    %c0_i32 = arith.constant 0 : i32
    %c0_i32_0 = arith.constant 0 : i32
    return %arg0, %c0_i32 : i32, i32
  }
}

module attributes {stable_mosaic.version = 14 : i64} {
  func.func @_tc_layer_body(%arg0: i32, %arg1: memref<2x1280x128xf32, #tpu.memory_space<vmem>>, %arg2: memref<1280x128xf32, #tpu.memory_space<vmem>>, %arg3: memref<1280x1xf32, #tpu.memory_space<vmem>>, %arg4: memref<1x128xf32, #tpu.memory_space<vmem>>, %arg5: memref<128x128xf32, #tpu.memory_space<vmem>>, %arg6: memref<1280x128xf32, #tpu.memory_space<vmem>>) attributes {dimension_semantics = [#tpu.dimension_semantics<arbitrary>], iteration_bounds = array<i64: 8>, scalar_prefetch = 0 : i64, scratch_operands = 0 : i64, tpu.core_type = #tpu.core_type<tc>, window_params = [{transform_indices = @transform_0, window_bounds = array<i64: 2, 1280, 128>}, {transform_indices = @transform_1, window_bounds = array<i64: 1280, 128>}, {transform_indices = @transform_2, window_bounds = array<i64: 1280, 1>}, {pipeline_mode = #tpu.pipeline_mode<synchronous>, transform_indices = @transform_3, window_bounds = array<i64: 1, 128>}, {pipeline_mode = #tpu.pipeline_mode<synchronous>, transform_indices = @transform_4, window_bounds = array<i64: 128, 128>}, {transform_indices = @transform_5, window_bounds = array<i64: 1280, 128>}]} {
    %get3A = arith.constant 0 : index
    %get3A_0 = arith.constant 0 : index
    %get3A_1 = vector.load %arg3[%get3A, %get3A_0] : memref<1280x1xf32, #tpu.memory_space<vmem>>, vector<1280x1xf32>
    %get3A_2 = arith.constant 0 : index
    %get3A_3 = arith.constant 0 : index
    %get3A_4 = arith.constant 0 : index
    %get3A_5 = vector.load %arg1[%get3A_2, %get3A_3, %get3A_4] : memref<2x1280x128xf32, #tpu.memory_space<vmem>>, vector<1x1280x128xf32>
    %get3A_6 = vector.shape_cast %get3A_5 : vector<1x1280x128xf32> to vector<1280x128xf32>
    %get3A_7 = arith.constant 1 : index
    %get3A_8 = arith.constant 0 : index
    %get3A_9 = arith.constant 0 : index
    %get3A_10 = vector.load %arg1[%get3A_7, %get3A_8, %get3A_9] : memref<2x1280x128xf32, #tpu.memory_space<vmem>>, vector<1x1280x128xf32>
    %get3A_11 = vector.shape_cast %get3A_10 : vector<1x1280x128xf32> to vector<1280x128xf32>
    %add3A = arith.addf %get3A_6, %get3A_11 : vector<1280x128xf32>
    %get3A_12 = arith.constant 0 : index
    %get3A_13 = arith.constant 0 : index
    %get3A_14 = vector.load %arg2[%get3A_12, %get3A_13] : memref<1280x128xf32, #tpu.memory_space<vmem>>, vector<1280x128xf32>
    %add3A_15 = arith.addf %add3A, %get3A_14 : vector<1280x128xf32>
    %mul3A = vector.broadcast %get3A_1 : vector<1280x1xf32> to vector<1280x128xf32>
    %mul3A_16 = arith.mulf %add3A_15, %mul3A : vector<1280x128xf32>
    %get3A_17 = arith.constant 0 : index
    %get3A_18 = arith.constant 0 : index
    %get3A_19 = vector.load %arg4[%get3A_17, %get3A_18] : memref<1x128xf32, #tpu.memory_space<vmem>>, vector<1x128xf32>
    %add3A_20 = vector.broadcast %get3A_19 : vector<1x128xf32> to vector<1280x128xf32>
    %add3A_21 = arith.addf %mul3A_16, %add3A_20 : vector<1280x128xf32>
    %max3A = arith.constant 0.000000e+00 : f32
    %max3A_22 = vector.broadcast %max3A : f32 to vector<1280x128xf32>
    %max3A_23 = arith.maximumf %add3A_21, %max3A_22 : vector<1280x128xf32>
    %get3A_24 = arith.constant 0 : index
    %get3A_25 = arith.constant 0 : index
    %get3A_26 = vector.load %arg5[%get3A_24, %get3A_25] : memref<128x128xf32, #tpu.memory_space<vmem>>, vector<128x128xf32>
    %dot_general3A = arith.constant dense<0.000000e+00> : vector<1280x128xf32>
    %dot_general3A_27 = tpu.matmul %max3A_23, %get3A_26, %dot_general3A {dimension_numbers = #tpu.dot_dimension_numbers<[1], [0], [0], [1], [0, 0, 1, 1], [], []>, precision = #tpu.contract_precision<fp32>, transpose_lhs_hint = false} : vector<1280x128xf32>, vector<128x128xf32>, vector<1280x128xf32> -> vector<1280x128xf32>
    %mul3A_28 = vector.broadcast %get3A_1 : vector<1280x1xf32> to vector<1280x128xf32>
    %mul3A_29 = arith.mulf %dot_general3A_27, %mul3A_28 : vector<1280x128xf32>
    %swap3A = arith.constant 0 : index
    %swap3A_30 = arith.constant 0 : index
    %swap3A_31 = vector.load %arg6[%swap3A, %swap3A_30] : memref<1280x128xf32, #tpu.memory_space<vmem>>, vector<1280x128xf32>
    tpu.vector_store %arg6[%swap3A, %swap3A_30], %mul3A_29 {strides = array<i32>} : memref<1280x128xf32, #tpu.memory_space<vmem>>, vector<1280x128xf32>,
    return
  }
  func.func @transform_0(%arg0: i32) -> (i32, i32, i32) {
    %c0_i32 = arith.constant 0 : i32
    %c0_i32_0 = arith.constant 0 : i32
    %c0_i32_1 = arith.constant 0 : i32
    return %c0_i32, %arg0, %c0_i32_0 : i32, i32, i32
  }
  func.func @transform_1(%arg0: i32) -> (i32, i32) {
    %c0_i32 = arith.constant 0 : i32
    %c0_i32_0 = arith.constant 0 : i32
    return %arg0, %c0_i32 : i32, i32
  }
  func.func @transform_2(%arg0: i32) -> (i32, i32) {
    %c0_i32 = arith.constant 0 : i32
    %c0_i32_0 = arith.constant 0 : i32
    return %arg0, %c0_i32 : i32, i32
  }
  func.func @transform_3(%arg0: i32) -> (i32, i32) {
    %c0_i32 = arith.constant 0 : i32
    %c0_i32_0 = arith.constant 0 : i32
    %c0_i32_1 = arith.constant 0 : i32
    return %c0_i32, %c0_i32_0 : i32, i32
  }
  func.func @transform_4(%arg0: i32) -> (i32, i32) {
    %c0_i32 = arith.constant 0 : i32
    %c0_i32_0 = arith.constant 0 : i32
    %c0_i32_1 = arith.constant 0 : i32
    return %c0_i32, %c0_i32_0 : i32, i32
  }
  func.func @transform_5(%arg0: i32) -> (i32, i32) {
    %c0_i32 = arith.constant 0 : i32
    %c0_i32_0 = arith.constant 0 : i32
    return %arg0, %c0_i32 : i32, i32
  }
}

module attributes {stable_mosaic.version = 14 : i64} {
  func.func @_tc_final_body(%arg0: i32, %arg1: memref<2x1280x64xf32, #tpu.memory_space<vmem>>, %arg2: memref<1280x128xf32, #tpu.memory_space<vmem>>, %arg3: memref<1280x1xf32, #tpu.memory_space<vmem>>, %arg4: memref<1x128xf32, #tpu.memory_space<vmem>>, %arg5: memref<1280x1xi32, #tpu.memory_space<vmem>>, %arg6: memref<128x128xf32, #tpu.memory_space<vmem>>, %arg7: memref<1x128xf32, #tpu.memory_space<vmem>>, %arg8: memref<64x128xf32, #tpu.memory_space<vmem>>, %arg9: memref<128x128xf32, #tpu.memory_space<vmem>>, %arg10: memref<64x128xf32, #tpu.memory_space<vmem>>, %arg11: memref<1x128xf32, #tpu.memory_space<vmem>>) attributes {dimension_semantics = [#tpu.dimension_semantics<arbitrary>], iteration_bounds = array<i64: 8>, scalar_prefetch = 0 : i64, scratch_operands = 3 : i64, tpu.core_type = #tpu.core_type<tc>, window_params = [{transform_indices = @transform_0, window_bounds = array<i64: 2, 1280, 64>}, {transform_indices = @transform_1, window_bounds = array<i64: 1280, 128>}, {transform_indices = @transform_2, window_bounds = array<i64: 1280, 1>}, {pipeline_mode = #tpu.pipeline_mode<synchronous>, transform_indices = @transform_3, window_bounds = array<i64: 1, 128>}, {transform_indices = @transform_4, window_bounds = array<i64: 1280, 1>}, {pipeline_mode = #tpu.pipeline_mode<synchronous>, transform_indices = @transform_5, window_bounds = array<i64: 128, 128>}, {pipeline_mode = #tpu.pipeline_mode<synchronous>, transform_indices = @transform_6, window_bounds = array<i64: 1, 128>}, {pipeline_mode = #tpu.pipeline_mode<synchronous>, transform_indices = @transform_7, window_bounds = array<i64: 64, 128>}]} {
    %eq3A = arith.constant 0 : i32
    %eq3A_0 = arith.cmpi eq, %arg0, %eq3A : i32
    %convert_element_type3A = arith.extui %eq3A_0 : i1 to i32
    %cond3A = arith.constant 0 : i32
    %cond3A_1 = arith.cmpi ne, %convert_element_type3A, %cond3A : i32
    scf.if %cond3A_1 {
      %broadcast_in_dim3A_55 = arith.constant 0.000000e+00 : f32
      %broadcast_in_dim3A_56 = vector.broadcast %broadcast_in_dim3A_55 : f32 to vector<128x128xf32>
      %swap3A_57 = arith.constant 0 : index
      %swap3A_58 = arith.constant 0 : index
      %swap3A_59 = vector.load %arg9[%swap3A_57, %swap3A_58] : memref<128x128xf32, #tpu.memory_space<vmem>>, vector<128x128xf32>
      tpu.vector_store %arg9[%swap3A_57, %swap3A_58], %broadcast_in_dim3A_56 {strides = array<i32>} : memref<128x128xf32, #tpu.memory_space<vmem>>, vector<128x128xf32>,
      %broadcast_in_dim3A_60 = arith.constant 0.000000e+00 : f32
      %broadcast_in_dim3A_61 = vector.broadcast %broadcast_in_dim3A_60 : f32 to vector<64x128xf32>
      %swap3A_62 = arith.constant 0 : index
      %swap3A_63 = arith.constant 0 : index
      %swap3A_64 = vector.load %arg10[%swap3A_62, %swap3A_63] : memref<64x128xf32, #tpu.memory_space<vmem>>, vector<64x128xf32>
      tpu.vector_store %arg10[%swap3A_62, %swap3A_63], %broadcast_in_dim3A_61 {strides = array<i32>} : memref<64x128xf32, #tpu.memory_space<vmem>>, vector<64x128xf32>,
      %broadcast_in_dim3A_65 = arith.constant 0.000000e+00 : f32
      %broadcast_in_dim3A_66 = vector.broadcast %broadcast_in_dim3A_65 : f32 to vector<1x128xf32>
      %swap3A_67 = arith.constant 0 : index
      %swap3A_68 = arith.constant 0 : index
      %swap3A_69 = vector.load %arg11[%swap3A_67, %swap3A_68] : memref<1x128xf32, #tpu.memory_space<vmem>>, vector<1x128xf32>
      tpu.vector_store %arg11[%swap3A_67, %swap3A_68], %broadcast_in_dim3A_66 {strides = array<i32>} : memref<1x128xf32, #tpu.memory_space<vmem>>, vector<1x128xf32>,
    } else {
    }
    %get3A = arith.constant 0 : index
    %get3A_2 = arith.constant 0 : index
    %get3A_3 = vector.load %arg3[%get3A, %get3A_2] : memref<1280x1xf32, #tpu.memory_space<vmem>>, vector<1280x1xf32>
    %get3A_4 = arith.constant 0 : index
    %get3A_5 = arith.constant 0 : index
    %get3A_6 = vector.load %arg2[%get3A_4, %get3A_5] : memref<1280x128xf32, #tpu.memory_space<vmem>>, vector<1280x128xf32>
    %mul3A = vector.broadcast %get3A_3 : vector<1280x1xf32> to vector<1280x128xf32>
    %mul3A_7 = arith.mulf %get3A_6, %mul3A : vector<1280x128xf32>
    %iota3A = tpu.iota {dimensions = array<i32: 1>} : vector<1x128xi32>
    %get3A_8 = arith.constant 0 : index
    %get3A_9 = arith.constant 0 : index
    %get3A_10 = vector.load %arg5[%get3A_8, %get3A_9] : memref<1280x1xi32, #tpu.memory_space<vmem>>, vector<1280x1xi32>
    %eq3A_11 = vector.broadcast %get3A_10 : vector<1280x1xi32> to vector<1280x128xi32>
    %eq3A_12 = vector.broadcast %iota3A : vector<1x128xi32> to vector<1280x128xi32>
    %eq3A_13 = arith.cmpi eq, %eq3A_11, %eq3A_12 : vector<1280x128xi32>
    %convert_element_type3A_14 = arith.extui %eq3A_13 : vector<1280x128xi1> to vector<1280x128xi32>
    %convert_element_type3A_15 = arith.sitofp %convert_element_type3A_14 : vector<1280x128xi32> to vector<1280x128xf32>
    %get3A_16 = arith.constant 0 : index
    %get3A_17 = arith.constant 0 : index
    %get3A_18 = vector.load %arg9[%get3A_16, %get3A_17] : memref<128x128xf32, #tpu.memory_space<vmem>>, vector<128x128xf32>
    %dot_general3A = arith.constant dense<0.000000e+00> : vector<128x128xf32>
    %dot_general3A_19 = tpu.matmul %convert_element_type3A_15, %mul3A_7, %dot_general3A {dimension_numbers = #tpu.dot_dimension_numbers<[0], [0], [1], [1], [0, 1, 1, 1], [], []>, precision = #tpu.contract_precision<fp32>, transpose_lhs_hint = false} : vector<1280x128xf32>, vector<1280x128xf32>, vector<128x128xf32> -> vector<128x128xf32>
    %add3A = arith.addf %get3A_18, %dot_general3A_19 : vector<128x128xf32>
    %swap3A = arith.constant 0 : index
    %swap3A_20 = arith.constant 0 : index
    %swap3A_21 = vector.load %arg9[%swap3A, %swap3A_20] : memref<128x128xf32, #tpu.memory_space<vmem>>, vector<128x128xf32>
    tpu.vector_store %arg9[%swap3A, %swap3A_20], %add3A {strides = array<i32>} : memref<128x128xf32, #tpu.memory_space<vmem>>, vector<128x128xf32>,
    %get3A_22 = arith.constant 0 : index
    %get3A_23 = arith.constant 0 : index
    %get3A_24 = arith.constant 0 : index
    %get3A_25 = vector.load %arg1[%get3A_22, %get3A_23, %get3A_24] : memref<2x1280x64xf32, #tpu.memory_space<vmem>>, vector<1x1280x64xf32>
    %get3A_26 = vector.shape_cast %get3A_25 : vector<1x1280x64xf32> to vector<1280x64xf32>
    %get3A_27 = arith.constant 1 : index
    %get3A_28 = arith.constant 0 : index
    %get3A_29 = arith.constant 0 : index
    %get3A_30 = vector.load %arg1[%get3A_27, %get3A_28, %get3A_29] : memref<2x1280x64xf32, #tpu.memory_space<vmem>>, vector<1x1280x64xf32>
    %get3A_31 = vector.shape_cast %get3A_30 : vector<1x1280x64xf32> to vector<1280x64xf32>
    %add3A_32 = arith.addf %get3A_26, %get3A_31 : vector<1280x64xf32>
    %get3A_33 = arith.constant 0 : index
    %get3A_34 = arith.constant 0 : index
    %get3A_35 = vector.load %arg10[%get3A_33, %get3A_34] : memref<64x128xf32, #tpu.memory_space<vmem>>, vector<64x128xf32>
    %dot_general3A_36 = arith.constant dense<0.000000e+00> : vector<64x128xf32>
    %dot_general3A_37 = tpu.matmul %add3A_32, %get3A_6, %dot_general3A_36 {dimension_numbers = #tpu.dot_dimension_numbers<[0], [0], [1], [1], [0, 1, 1, 1], [], []>, precision = #tpu.contract_precision<fp32>, transpose_lhs_hint = false} : vector<1280x64xf32>, vector<1280x128xf32>, vector<64x128xf32> -> vector<64x128xf32>
    %add3A_38 = arith.addf %get3A_35, %dot_general3A_37 : vector<64x128xf32>
    %swap3A_39 = arith.constant 0 : index
    %swap3A_40 = arith.constant 0 : index
    %swap3A_41 = vector.load %arg10[%swap3A_39, %swap3A_40] : memref<64x128xf32, #tpu.memory_space<vmem>>, vector<64x128xf32>
    tpu.vector_store %arg10[%swap3A_39, %swap3A_40], %add3A_38 {strides = array<i32>} : memref<64x128xf32, #tpu.memory_space<vmem>>, vector<64x128xf32>,
    %get3A_42 = arith.constant 0 : index
    %get3A_43 = arith.constant 0 : index
    %get3A_44 = vector.load %arg11[%get3A_42, %get3A_43] : memref<1x128xf32, #tpu.memory_space<vmem>>, vector<1x128xf32>
    %reduce_sum3A = arith.constant dense<0.000000e+00> : vector<128xf32>
    %reduce_sum3A_45 = vector.multi_reduction <add>, %convert_element_type3A_15, %reduce_sum3A [0] : vector<1280x128xf32> to vector<128xf32>
    %broadcast_in_dim3A = vector.shape_cast %reduce_sum3A_45 : vector<128xf32> to vector<1x128xf32>
    %add3A_46 = arith.addf %get3A_44, %broadcast_in_dim3A : vector<1x128xf32>
    %swap3A_47 = arith.constant 0 : index
    %swap3A_48 = arith.constant 0 : index
    %swap3A_49 = vector.load %arg11[%swap3A_47, %swap3A_48] : memref<1x128xf32, #tpu.memory_space<vmem>>, vector<1x128xf32>
    tpu.vector_store %arg11[%swap3A_47, %swap3A_48], %add3A_46 {strides = array<i32>} : memref<1x128xf32, #tpu.memory_space<vmem>>, vector<1x128xf32>,
    %eq3A_50 = arith.constant 7 : i32
    %eq3A_51 = arith.cmpi eq, %arg0, %eq3A_50 : i32
    %convert_element_type3A_52 = arith.extui %eq3A_51 : i1 to i32
    %cond3A_53 = arith.constant 0 : i32
    %cond3A_54 = arith.cmpi ne, %convert_element_type3A_52, %cond3A_53 : i32
    scf.if %cond3A_54 {
      %get3A_55 = arith.constant 0 : index
      %get3A_56 = arith.constant 0 : index
      %get3A_57 = vector.load %arg11[%get3A_55, %get3A_56] : memref<1x128xf32, #tpu.memory_space<vmem>>, vector<1x128xf32>
      %max3A = arith.constant 1.000000e+00 : f32
      %max3A_58 = vector.broadcast %max3A : f32 to vector<1x128xf32>
      %max3A_59 = arith.maximumf %get3A_57, %max3A_58 : vector<1x128xf32>
      %slice3A = vector.extract_strided_slice %max3A_59 {offsets = [0, 0], sizes = [1, 64], strides = [1, 1]} : vector<1x128xf32> to vector<1x64xf32>
      %squeeze3A = vector.shape_cast %slice3A : vector<1x64xf32> to vector<64xf32>
      %broadcast_in_dim3A_60 = vector.shape_cast %squeeze3A : vector<64xf32> to vector<64x1xf32>
      %get3A_61 = arith.constant 0 : index
      %get3A_62 = arith.constant 0 : index
      %get3A_63 = vector.load %arg9[%get3A_61, %get3A_62] : memref<128x128xf32, #tpu.memory_space<vmem>>, vector<128x128xf32>
      %slice3A_64 = vector.extract_strided_slice %get3A_63 {offsets = [0, 0], sizes = [64, 128], strides = [1, 1]} : vector<128x128xf32> to vector<64x128xf32>
      %get3A_65 = arith.constant 0 : index
      %get3A_66 = arith.constant 0 : index
      %get3A_67 = vector.load %arg10[%get3A_65, %get3A_66] : memref<64x128xf32, #tpu.memory_space<vmem>>, vector<64x128xf32>
      %add3A_68 = arith.addf %slice3A_64, %get3A_67 : vector<64x128xf32>
      %get3A_69 = arith.constant 0 : index
      %get3A_70 = arith.constant 0 : index
      %get3A_71 = vector.load %arg4[%get3A_69, %get3A_70] : memref<1x128xf32, #tpu.memory_space<vmem>>, vector<1x128xf32>
      %mul3A_72 = vector.broadcast %broadcast_in_dim3A_60 : vector<64x1xf32> to vector<64x128xf32>
      %mul3A_73 = vector.broadcast %get3A_71 : vector<1x128xf32> to vector<64x128xf32>
      %mul3A_74 = arith.mulf %mul3A_72, %mul3A_73 : vector<64x128xf32>
      %add3A_75 = arith.addf %add3A_68, %mul3A_74 : vector<64x128xf32>
      %div3A = vector.broadcast %broadcast_in_dim3A_60 : vector<64x1xf32> to vector<64x128xf32>
      %div3A_76 = arith.divf %add3A_75, %div3A : vector<64x128xf32>
      %get3A_77 = arith.constant 0 : index
      %get3A_78 = arith.constant 0 : index
      %get3A_79 = vector.load %arg6[%get3A_77, %get3A_78] : memref<128x128xf32, #tpu.memory_space<vmem>>, vector<128x128xf32>
      %dot_general3A_80 = arith.constant dense<0.000000e+00> : vector<64x128xf32>
      %dot_general3A_81 = tpu.matmul %div3A_76, %get3A_79, %dot_general3A_80 {dimension_numbers = #tpu.dot_dimension_numbers<[1], [0], [0], [1], [0, 0, 1, 1], [], []>, precision = #tpu.contract_precision<fp32>, transpose_lhs_hint = false} : vector<64x128xf32>, vector<128x128xf32>, vector<64x128xf32> -> vector<64x128xf32>
      %get3A_82 = arith.constant 0 : index
      %get3A_83 = arith.constant 0 : index
      %get3A_84 = vector.load %arg7[%get3A_82, %get3A_83] : memref<1x128xf32, #tpu.memory_space<vmem>>, vector<1x128xf32>
      %add3A_85 = vector.broadcast %get3A_84 : vector<1x128xf32> to vector<64x128xf32>
      %add3A_86 = arith.addf %dot_general3A_81, %add3A_85 : vector<64x128xf32>
      %swap3A_87 = arith.constant 0 : index
      %swap3A_88 = arith.constant 0 : index
      %swap3A_89 = vector.load %arg8[%swap3A_87, %swap3A_88] : memref<64x128xf32, #tpu.memory_space<vmem>>, vector<64x128xf32>
      tpu.vector_store %arg8[%swap3A_87, %swap3A_88], %add3A_86 {strides = array<i32>} : memref<64x128xf32, #tpu.memory_space<vmem>>, vector<64x128xf32>,
    } else {
    }
    return
  }
  func.func @transform_0(%arg0: i32) -> (i32, i32, i32) {
    %c0_i32 = arith.constant 0 : i32
    %c0_i32_0 = arith.constant 0 : i32
    %c0_i32_1 = arith.constant 0 : i32
    return %c0_i32, %arg0, %c0_i32_0 : i32, i32, i32
  }
  func.func @transform_1(%arg0: i32) -> (i32, i32) {
    %c0_i32 = arith.constant 0 : i32
    %c0_i32_0 = arith.constant 0 : i32
    return %arg0, %c0_i32 : i32, i32
  }
  func.func @transform_2(%arg0: i32) -> (i32, i32) {
    %c0_i32 = arith.constant 0 : i32
    %c0_i32_0 = arith.constant 0 : i32
    return %arg0, %c0_i32 : i32, i32
  }
  func.func @transform_3(%arg0: i32) -> (i32, i32) {
    %c0_i32 = arith.constant 0 : i32
    %c0_i32_0 = arith.constant 0 : i32
    %c0_i32_1 = arith.constant 0 : i32
    return %c0_i32, %c0_i32_0 : i32, i32
  }
  func.func @transform_4(%arg0: i32) -> (i32, i32) {
    %c0_i32 = arith.constant 0 : i32
    %c0_i32_0 = arith.constant 0 : i32
    return %arg0, %c0_i32 : i32, i32
  }
  func.func @transform_5(%arg0: i32) -> (i32, i32) {
    %c0_i32 = arith.constant 0 : i32
    %c0_i32_0 = arith.constant 0 : i32
    %c0_i32_1 = arith.constant 0 : i32
    return %c0_i32, %c0_i32_0 : i32, i32
  }
  func.func @transform_6(%arg0: i32) -> (i32, i32) {
    %c0_i32 = arith.constant 0 : i32
    %c0_i32_0 = arith.constant 0 : i32
    %c0_i32_1 = arith.constant 0 : i32
    return %c0_i32, %c0_i32_0 : i32, i32
  }
  func.func @transform_7(%arg0: i32) -> (i32, i32) {
    %c0_i32 = arith.constant 0 : i32
    %c0_i32_0 = arith.constant 0 : i32
    %c0_i32_1 = arith.constant 0 : i32
    return %c0_i32, %c0_i32_0 : i32, i32
  }
}

</mosaic_0001>

<sc_bundles>
// kernel: kernel.10.cloned.1.call-start
scs
__scs_entry_jumppad:
0x0: {  	(pc) =	sbr.rel $0x88, $3  }
0x1: {  	(tag) =	ssettag $0x0;
	lr =	simm.s32 $0x1  }
0x2: {  	[smem:$0x3F96] =	sst lr;
	_ =	strace $0xD0000000  }
0x3: {  	_ = 	snop  }
0x4: {  	_ = 	snop  }
0x5: {  	_ = 	snop  }
0x6: {  	_ = 	snop  }
0x7: {  	_ = 	snop  }
__scs_overlays_trampoline_lowered:
0x8: {  	[smem:$0x3FA5] =	sst s0  }
0x9: {  	[smem:$0x3FA6] =	sst s1  }
0xa: {  	[smem:$0x3FA7] =	sst s2  }
0xb: {  	[smem:$0x3FA8] =	sst s3  }
0xc: {  	[smem:$0x3FA9] =	sst s4  }
0xd: {  	[smem:$0x3FAA] =	sst s5  }
0xe: {  	[smem:$0x3FAB] =	sst s6  }
0xf: {  	[smem:$0x3FAC] =	sst s7  }
0x10: {  	[smem:$0x3FAD] =	sst s8  }
0x11: {  	[smem:$0x3FAE] =	sst s9;
	s0 =	simm.s32 @!p0 $0x0  }
0x12: {  	s1 =	sld [smem:$0x3F94];
	s0 =	simm.s32 @p0 $0x1  }
0x13: {  	[smem:$0x3FAF] =	sst s0;
	s0 =	simm.s32 @!p1 $0x0  }
0x14: {  	s2 =	sld [smem:$0x3F93];
	s0 =	simm.s32 @p1 $0x1  }
0x15: {  	[smem:$0x3FB0] =	sst s0;
	s0 =	simm.s32 @!p2 $0x0  }
0x16: {  	s3 =	sld [smem:$0x3FDB];
	s0 =	simm.s32 @p2 $0x1  }
0x17: {  	s4 =	simm.s32 $0x1BF5;
	[smem:$0x3FB2] =	sst s0  }
0x18: {  	s0 =	sld [smem:$0x3F95];
	_ =	swait.ge [sflag:s4], $0x0  }
0x19: {  	s7 =	sld [smem:$0x3F96]  }
0x1a: {  	s8 =	sadd.s32 $0xFFFFE003, lr  }
0x1b: {  	s9 =	sadd.s32 $0xFFFFFEF7, lr;
	s5 =	simm.s32 $0xFFFFFFFF;
	p2 =	slt.u32 s8, $0xFFFFF086  }
0x1c: {  	p1 =	slt.u32 s9, $0xF7A;
	s5 =	simm.s32 @!p2 $0x0  }
0x1d: {  	s5 =	simm.s32 @p1 $0x1;
	p0 =	seq.s32 s7, s2  }
0x1e: {  	s7 =	smul.u32 @!p0 $0xF7A, s2;
	p2 =	seq.s32 @!p0 s5, $0x0  }
0x1f: {  	s9 =	smul.u32 $0xF7A, s1;
	s8 =	simm.s32 @!p0 $0x1BF5;
	p2 =	por !p2, p0  }
0x20: {  	[sflag:s8] =	ssyncset.s32 @!p0 $0xFFFFF086;
	s6 =	sadd.s32 @!p0 s3, s7;
	s7 =	simm.s32 @!p0 $0x108  }
0x21: {  	s3 =	sadd.s32 s3, s9;
	s6 =	sadd.s32 @!p0 $0x88, s6;
	s7 =	simm.s32 @p2 $0x1082  }
0x22: {  	[simem:s7], [sflag:s8] =	dma.local @!p0 [hbm:s6], $0xF7A  }
0x23: {  	s9 =	sor.u32 $0xD0000000, s2;
	s6 =	simm.s32 $0x108;
	_ =	swait.ge @!p0 [sflag:s8], $0x0  }
0x24: {  	s3 =	sadd.s32 $0x88, s3;
	s6 =	simm.s32 @!p1 $0x1082;
	[sflag:s4] =	ssyncset.s32 $0xFFFFF086  }
0x25: {  	[simem:s6], [sflag:s4] =	dma.local [hbm:s3], $0xF7A  }
0x26: {  	[smem:$0x3F96] =	sst s1;
	(tag) =	ssettag s2;
	_ =	strace s9  }
0x27: {  	s1 =	sld [smem:$0x3FA6]  }
0x28: {  	s2 =	sld [smem:$0x3FA7]  }
0x29: {  	s4 =	sld [smem:$0x3FA9]  }
0x2a: {  	p0 =	seq.s32 s5, $0x0;
	s5 =	sld [smem:$0x3FAA]  }
0x2b: {  	s6 =	sld [smem:$0x3FAB]  }
0x2c: {  	s7 =	sld [smem:$0x3FAC]  }
0x2d: {  	s3 =	simm.s32 $0x108;
	s8 =	sld [smem:$0x3FAD]  }
0x2e: {  	s3 =	simm.s32 @!p0 $0x1082;
	s9 =	sld [smem:$0x3FAE]  }
0x2f: {  	lr =	sadd.s32 s0, s3;
	s0 =	sld [smem:$0x3FA5]  }
0x30: {  	s3 =	sld [smem:$0x3FA8]  }
0x31: {  	[smem:$0x3FB1] =	sst s10  }
0x32: {  	s10 =	sld [smem:$0x3FAF];
	_ =	sdelay $0x3  }
0x33: {  	p0 =	seq.s32 s10, $0x1;
	s10 =	sld [smem:$0x3FB1];
	_ =	sdelay $0x3  }
0x34: {  	[smem:$0x3FB1] =	sst s10  }
0x35: {  	s10 =	sld [smem:$0x3FB0];
	_ =	sdelay $0x3  }
0x36: {  	p1 =	seq.s32 s10, $0x1;
	s10 =	sld [smem:$0x3FB1];
	_ =	sdelay $0x3  }
0x37: {  	[smem:$0x3FB1] =	sst s10  }
0x38: {  	s10 =	sld [smem:$0x3FB2]  }
0x39: {  	_ = 	snop;
	(pc) =	sbr.ind lr, $3  }
0x3a: {  	_ = 	snop  }
0x3b: {  	_ = 	snop  }
0x3c: {  	p2 =	seq.s32 s10, $0x1;
	s10 =	sld [smem:$0x3FB1]  }
0x3d: {  	_ =	shalt  }
0x3e: {  	_ =	shalt  }
0x3f: {  	_ =	shalt  }
0x40: {  	_ =	shalt  }
0x41: {  	_ =	shalt  }
0x42: {  	_ =	shalt  }
0x43: {  	_ =	shalt  }
0x44: {  	_ =	shalt  }
0x45: {  	_ =	shalt  }
0x46: {  	_ =	shalt  }
0x47: {  	_ =	shalt  }
0x48: {  	_ =	shalt  }
0x49: {  	_ =	shalt  }
0x4a: {  	_ =	shalt  }
0x4b: {  	_ =	shalt  }
0x4c: {  	_ =	shalt  }
0x4d: {  	_ =	shalt  }
0x4e: {  	_ =	shalt  }
0x4f: {  	_ =	shalt  }
0x50: {  	_ =	shalt  }
0x51: {  	_ =	shalt  }
0x52: {  	_ =	shalt  }
0x53: {  	_ =	shalt  }
0x54: {  	_ =	shalt  }
0x55: {  	_ =	shalt  }
0x56: {  	_ =	shalt  }
0x57: {  	_ =	shalt  }
0x58: {  	_ =	shalt  }
0x59: {  	_ =	shalt  }
0x5a: {  	_ =	shalt  }
0x5b: {  	_ =	shalt  }
0x5c: {  	_ =	shalt  }
0x5d: {  	_ =	shalt  }
0x5e: {  	_ =	shalt  }
0x5f: {  	_ =	shalt  }
0x60: {  	_ =	shalt  }
0x61: {  	_ =	shalt  }
0x62: {  	_ =	shalt  }
0x63: {  	_ =	shalt  }
0x64: {  	_ =	shalt  }
0x65: {  	_ =	shalt  }
0x66: {  	_ =	shalt  }
0x67: {  	_ =	shalt  }
0x68: {  	_ =	shalt  }
0x69: {  	_ =	shalt  }
0x6a: {  	_ =	shalt  }
0x6b: {  	_ =	shalt  }
0x6c: {  	_ =	shalt  }
0x6d: {  	_ =	shalt  }
0x6e: {  	_ =	shalt  }
0x6f: {  	_ =	shalt  }
0x70: {  	_ =	shalt  }
0x71: {  	_ =	shalt  }
0x72: {  	_ =	shalt  }
0x73: {  	_ =	shalt  }
0x74: {  	_ =	shalt  }
0x75: {  	_ =	shalt  }
0x76: {  	_ =	shalt  }
0x77: {  	_ =	shalt  }
0x78: {  	_ =	shalt  }
0x79: {  	_ =	shalt  }
0x7a: {  	_ =	shalt  }
0x7b: {  	_ =	shalt  }
0x7c: {  	_ =	shalt  }
0x7d: {  	_ =	shalt  }
0x7e: {  	_ =	shalt  }
0x7f: {  	_ =	shalt  }
0x80: {  	_ =	shalt  }
0x81: {  	_ =	shalt  }
0x82: {  	_ =	shalt  }
0x83: {  	_ =	shalt  }
0x84: {  	_ =	shalt  }
0x85: {  	_ =	shalt  }
0x86: {  	_ =	shalt  }
0x87: {  	_ =	shalt  }
.Lfunc_end0:
.L_simem_size_0:
called_computation_lowered:
.L_overlay_start_0:
0x88: {  	s2 =	sld [smem:$0x3FD9]  }
0x89: {  	s3 =	sld [smem:$0x3FFE];
	_ =	sdelay $0x1  }
0x8a: {  	s1 =	srdreg.scid  }
0x8b: {  	s0 =	sand.u32 $0x1, s1  }
0x8c: {  	s16 =	sshll.u32 s0, $0xA;
	s2 =	sadd.s32 s3, s2  }
0x8d: {  	s2 =	sadd.s32 s2, s16  }
0x8e: {  	[smem:$0x3FBD] =	sst s2  }
0x8f: {  	_ = 	snop  }
0x90: {  	(tm) =	ssettm $0x1  }
0x91: {  	s17 =	sld [smem:$0x3FFB];
	_ =	sdelay $0x3  }
0x92: {  	_ =	strace s17  }
0x93: {  	s2 =	sld [smem:$0x3FFC];
	_ =	sdelay $0x3  }
0x94: {  	_ =	strace s2  }
0x95: {  	s2 =	sld [smem:$0x3FFD];
	_ =	sdelay $0x3  }
0x96: {  	_ =	strace s2  }
0x97: {  	_ =	strace $0x8FFFFFFF  }
0x98: {  	s18 =	sld [smem:$0x3FDB];
	_ =	sdelay $0x1  }
0x99: {  	s19 =	simm.s32 $_scs_section_size  }
0x9a: {  	s4 =	simm.s32 $_size__tile_overlayer_lowered;
	s5 =	simm.s32 $_tile_overlayer_lowered  }
0x9b: {  	s22 =	simm.s32 $0x1BFF;
	s21 =	sshll.u32 s5, $0x1;
	s2 =	sadd.s32 s19, s18  }
0x9c: {  	s6 =	simm.s32 $0x0;
	s20 =	sshll.u32 s4, $0x1;
	s4 =	sadd.s32 s21, s2  }
0x9d: {  	[timem:s6], [sflag:s22] =	dma.local [hbm:s4], s20  }
0x9e: {  	_ =	swait.ge [sflag:s22], s20  }
0x9f: {  	s3 =	ssub.s32 $0x0, s20;
	[sflag:s22] =	ssyncset.done $0x0  }
0xa0: {  	[sflag:s22] =	ssyncadd.s32 s3;
	_ =	sdelay $0x1  }
0xa1: {  	s23 =	simm.s32 $0x1B8B  }
0xa2: {  	_ =	swait.ge [sflag:s23], $0x1  }
0xa3: {  	[sflag:s23] =	ssyncset.done $0x0  }
0xa4: {  	s25 =	simm.s32 $0x1B8E;
	s24 =	sld [smem:$0x3FFE];
	[sflag:s23] =	ssyncadd.s32 $0xFFFFFFFF  }
0xa5: {  	s26 =	simm.s32 $execute0_lowered;
	[smem:$0x3FD2] =	sst s25  }
0xa6: {  	s4 =	sshll.u32 s26, $0x1;
	_ =	strace $0x80000046;
	[dreg:$0x1] =	wrdreg $0xFFFFFFFF  }
0xa7: {  	s28 =	simm.s32 $_size_execute0_lowered;
	s2 =	sadd.s32 s2, s4;
	[dreg:$0x0] =	wrdreg $0x0  }
0xa8: {  	s4 =	sshll.u32 s28, $0x1;
	[dreg:$0x2] =	wrdreg s2  }
0xa9: {  	[dreg:$0x3] =	wrdreg s4  }
0xaa: {  	[dreg:$0x4] =	wrdreg $0xC0  }
0xab: {  	_ =	task [dreg:s6], $0x5FFFF  }
0xac: {  	[dreg:$0x1] =	wrdreg $0xFFFFFFFF  }
0xad: {  	[dreg:$0x0] =	wrdreg $0x60  }
0xae: {  	[dreg:$0x2] =	wrdreg s24  }
0xaf: {  	[dreg:$0x3] =	wrdreg $0x9  }
0xb0: {  	_ =	task.clear_ibuf [dreg:s6], $0x4FFFF;
	_ =	strace $0x90000046  }
0xb1: {  	s29 =	simm.s32 $0x9;
	_ =	strace $0x80000048  }
0xb2: {  	_ =	swait.ge [sflag:s29], $0x1  }
0xb3: {  	[sflag:s29] =	ssyncadd.s32 $0xFFFFFFFF  }
0xb4: {  	_ =	strace $0x90000048  }
0xb5: {  	_ =	sfence  }
0xb6: {  	s30 =	sld [smem:$0x0];
	_ =	sdelay $0x2  }
0xb7: {  	s31 =	sshll.u32 s1, $0xD;
	s1 =	sshrl.u32 s1, $0x2  }
0xb8: {  	s3 =	sand.u32 $0x4000, s31;
	s1 =	sadd.s32 s1, s30  }
0xb9: {  	s0 =	sor.u32 s3, s0;
	s1 =	sshll.u32 s1, $0x11  }
0xba: {  	s0 =	sor.u32 s1, s0  }
0xbb: {  	s0 =	sadd.s32 $0x8F2B, s0  }
0xbc: {  	[sflag:s0] =	ssyncadd.remote.s32 $0x1  }
0xbd: {  	_ =	sfence.sel $0xFFFF  }
0xbe: {  	[dreg:$0x0] =	wrdreg $0xFFFFFFFF;
	(pc) =	sbr.abs _section_cstart, $3  }
0xbf: {  	[dreg:$0x1] =	wrdreg $0xFFFFFFFF  }
0xc0: {  	_ =	task.clear_ibuf [dreg:s6], $0x2FFFF;
	_ =	strace $0x9FFFFFFF  }
0xc1: {  	(tm) =	ssettm $0x7FFFFFFF  }
tec
execute0_lowered:
.L_overlay_start_1:
0x0: {  	(tag) =	ssettag $0x1  }
0x1: {  	s0 =	srdreg.scid  }
0x2: {  	s4 =	rddreg [dreg:$0x0];
	s2 =	simm.s32 $0x0;
	s3 =	sand.u32 $0x1, s0  }
0x3: {  	s8 =	simm.s32 $0x80;
	s0 =	stileid.u32;
	s1 =	sshll.u32 s3, $0x4  }
0x4: {  	s9 =	simm.s32 $0x400;
	s10 =	simm.s32 $0x2;
	s5 =	sor.u32 s0, s1  }
0x5: {  	s11 =	simm.s32 $0x0;
	[smem:$0x7FF] =	sst s2;
	s6 =	sshrl.u32 s5, $0x3  }
0x6: {  	s7 =	sshll.u32 s0, $0x7;
	s3 =	ssub.s32 $0x2, s3;
	s6 =	smul.u32 $0x14000, s6  }
0x7: {  	s1 =	rddreg [dreg:$0x1];
	s7 =	sand.u32 $0x380, s7;
	s5 =	smul.u32 $0x500, s5  }
0x8: {  	_ =	strace $0x80000047;
	s30 =	sshrl.u32 s3, $0x1;
	s6 =	sor.u32 s7, s6  }
0x9: {  	s31 =	ssub.s32 s3, s30;
	s5 =	sadd.s32 s5, s4;
	s6 =	sshrl.u32 s6, $0x3  }
0xa: {  	s3 =	sadd.s32 $0x4600, s5;
	s5 =	smax.u32 s31, $0x1;
	s4 =	sadd.s32 s6, s4  }
0xb: {  	v0 =	vimm.f32 $0.0e+00;
	v1 =	vimm.f32 $1.000000000e+00;
	s7 =	simm.s32 $0x2800;
	s6 =	simm.s32 $0x1;
	s4 =	sadd.s32 $0xE600, s4  }
.LBB2_1:
0xc: {  	[tilespmem:s2], [sflag:$0x1] =	stream.linear.gather [hbm4b:s3+s2], $0x2800, $0x38;
	[tilespmem:$0x5000] =	vst v63  }
0xd: {  	s12 =	simm.s32 $0x40;
	s13 =	simm.s32 $0x0  }
.LBB2_2:
0xe: {  	p0 =	sne.s32 s12, $0x9FC0;
	[tilespmem:s13+$0x2800] =	vst v0;
	s13 =	smov.u32 s12;
	s12 =	sadd.s32 $0x40, s12  }
.Ltmp0:
0xf: {  	(pc) =	sbr.rel @p0 .LBB2_2-.Ltmp0, $2  }
0x10: {  	_ =	sdelay $0x2  }
0x11: {  	s13 =	sshra.s32 s13, $0x2  }
0x12: {  	[tilespmem:s13+$0x2800] =	vst v0  }
0x13: {  	_ =	swait.ge [sflag:s6], $0x2800  }
0x14: {  	[sflag:s6] =	ssyncset.done $0x0  }
0x15: {  	s12 =	simm.s32 $0x0;
	[sflag:s6] =	ssyncadd.s32 $0xFFFFD800  }
.LBB2_4:
0x16: {  	s13 =	sshra.s32 s12, $0x2  }
0x17: {  	v2 =	vld [tilespmem:s13+$0x0];
	_ =	sdelay $0x7  }
0x18: {  	[tilespmem:v2+s7+$0x0] =	vst.idx.add.f32.msk $0xffff, v1  }
0x19: {  	v2 =	vld [tilespmem:s13+$0x10];
	_ =	sdelay $0x7  }
0x1a: {  	[tilespmem:v2+s7+$0x0] =	vst.idx.add.f32.msk $0xffff, v1  }
0x1b: {  	v2 =	vld [tilespmem:s13+$0x20];
	_ =	sdelay $0x7  }
0x1c: {  	[tilespmem:v2+s7+$0x0] =	vst.idx.add.f32.msk $0xffff, v1  }
0x1d: {  	v2 =	vld [tilespmem:s13+$0x30];
	_ =	sdelay $0x7  }
0x1e: {  	[tilespmem:v2+s7+$0x0] =	vst.idx.add.f32.msk $0xffff, v1  }
0x1f: {  	v2 =	vld [tilespmem:s13+$0x40];
	_ =	sdelay $0x7  }
0x20: {  	[tilespmem:v2+s7+$0x0] =	vst.idx.add.f32.msk $0xffff, v1  }
0x21: {  	v2 =	vld [tilespmem:s13+$0x50];
	_ =	sdelay $0x7  }
0x22: {  	[tilespmem:v2+s7+$0x0] =	vst.idx.add.f32.msk $0xffff, v1  }
0x23: {  	v2 =	vld [tilespmem:s13+$0x60];
	_ =	sdelay $0x7  }
0x24: {  	[tilespmem:v2+s7+$0x0] =	vst.idx.add.f32.msk $0xffff, v1  }
0x25: {  	v2 =	vld [tilespmem:s13+$0x70];
	_ =	sdelay $0x2  }
0x26: {  	p0 =	sne.s32 s12, $0x9E00  }
.Ltmp1:
0x27: {  	_ = 	snop;
	(pc) =	sbr.rel @p0 .LBB2_4-.Ltmp1, $2  }
0x28: {  	_ =	sdelay $0x2  }
0x29: {  	s12 =	sadd.s32 $0x200, s12;
	[tilespmem:v2+s7+$0x0] =	vst.idx.add.f32.msk $0xffff, v1  }
0x2a: {  	s11 =	sadd.s32 $0x1, s11  }
0x2b: {  	p0 =	sne.s32 s11, s5  }
.Ltmp2:
0x2c: {  	_ = 	snop;
	(pc) =	sbr.rel @p0 .LBB2_1-.Ltmp2, $4  }
0x2d: {  	[hbm4b:s4+s8] =	stream.strided.scatter [tilespmem:s7], [sflag:$0x2], $0x2800, s9, s8, $0x38;
	[tilespmem:$0x5000] =	vst v63  }
0x2e: {  	_ =	swait.ge [sflag:s10], $0x2800  }
0x2f: {  	[sflag:s10] =	ssyncset.done $0x0  }
0x30: {  	[sflag:s10] =	ssyncadd.s32 $0xFFFFD800  }
0x31: {  	_ =	sfence.sel $0x180000  }
0x32: {  	[bflag:$0x0] =	sbarrier.arrive $0xFFFF  }
0x33: {  	p0 =	sne.s32 s0, $0x0;
	_ =	strace $0x90000047  }
0x34: {  	s0 =	sadd.s32 @!p0 $0x100000, s1;
	[bflag:$0x2] =	sbarrier.arrive $0xFFFF  }
0x35: {  	[sflag:s0] =	ssyncadd.tile.s32 @!p0 $0x1;
	_ =	shalt  }
.Lfunc_end2:
_tile_overlayer_lowered:
.L_overlay_start_2:
0x36: {  	(tag) =	ssettag $0x2  }
0x37: {  	s0 =	rddreg [dreg:$0x0];
	s2 =	stileid.u32  }
0x38: {  	s1 =	rddreg [dreg:$0x1];
	p0 =	sne.s32 s2, $0x0  }
0x39: {  	s3 =	rddreg [dreg:$0x2];
	[bflag:$0x3] =	sbarrier.arrive $0xFFFF;
	s2 =	simm.s32 @!p0 $0x1C02  }
0x3a: {  	[timem:s3], [sflag:s2] =	dma.local @!p0 [hbm:s0], s1  }
0x3b: {  	s0 =	simm.s32 @!p0 $0x2  }
0x3c: {  	_ =	swait.ge @!p0 [sflag:s0], s1  }
0x3d: {  	s1 =	ssub.s32 @!p0 $0x0, s1;
	[sflag:s0] =	ssyncset.done @!p0 $0x0  }
0x3e: {  	[sflag:s0] =	ssyncadd.s32 @!p0 s1  }
0x3f: {  	[bflag:$0x3] =	sbarrier.arrive $0xFFFF  }
0x40: {  	_ =	shalt  }

// kernel: kernel.13.cloned.1.call-start
scs
__scs_entry_jumppad:
0x0: {  	(pc) =	sbr.rel $0x88, $3  }
0x1: {  	(tag) =	ssettag $0x0;
	lr =	simm.s32 $0x1  }
0x2: {  	[smem:$0x3F96] =	sst lr;
	_ =	strace $0xD0000000  }
0x3: {  	_ = 	snop  }
0x4: {  	_ = 	snop  }
0x5: {  	_ = 	snop  }
0x6: {  	_ = 	snop  }
0x7: {  	_ = 	snop  }
__scs_overlays_trampoline_lowered:
0x8: {  	[smem:$0x3FA5] =	sst s0  }
0x9: {  	[smem:$0x3FA6] =	sst s1  }
0xa: {  	[smem:$0x3FA7] =	sst s2  }
0xb: {  	[smem:$0x3FA8] =	sst s3  }
0xc: {  	[smem:$0x3FA9] =	sst s4  }
0xd: {  	[smem:$0x3FAA] =	sst s5  }
0xe: {  	[smem:$0x3FAB] =	sst s6  }
0xf: {  	[smem:$0x3FAC] =	sst s7  }
0x10: {  	[smem:$0x3FAD] =	sst s8  }
0x11: {  	[smem:$0x3FAE] =	sst s9;
	s0 =	simm.s32 @!p0 $0x0  }
0x12: {  	s1 =	sld [smem:$0x3F94];
	s0 =	simm.s32 @p0 $0x1  }
0x13: {  	[smem:$0x3FAF] =	sst s0;
	s0 =	simm.s32 @!p1 $0x0  }
0x14: {  	s2 =	sld [smem:$0x3F93];
	s0 =	simm.s32 @p1 $0x1  }
0x15: {  	[smem:$0x3FB0] =	sst s0;
	s0 =	simm.s32 @!p2 $0x0  }
0x16: {  	s3 =	sld [smem:$0x3FDB];
	s0 =	simm.s32 @p2 $0x1  }
0x17: {  	s4 =	simm.s32 $0x1BF5;
	[smem:$0x3FB2] =	sst s0  }
0x18: {  	s0 =	sld [smem:$0x3F95];
	_ =	swait.ge [sflag:s4], $0x0  }
0x19: {  	s7 =	sld [smem:$0x3F96]  }
0x1a: {  	s8 =	sadd.s32 $0xFFFFE003, lr  }
0x1b: {  	s9 =	sadd.s32 $0xFFFFFEF7, lr;
	s5 =	simm.s32 $0xFFFFFFFF;
	p2 =	slt.u32 s8, $0xFFFFF086  }
0x1c: {  	p1 =	slt.u32 s9, $0xF7A;
	s5 =	simm.s32 @!p2 $0x0  }
0x1d: {  	s5 =	simm.s32 @p1 $0x1;
	p0 =	seq.s32 s7, s2  }
0x1e: {  	s7 =	smul.u32 @!p0 $0xF7A, s2;
	p2 =	seq.s32 @!p0 s5, $0x0  }
0x1f: {  	s9 =	smul.u32 $0xF7A, s1;
	s8 =	simm.s32 @!p0 $0x1BF5;
	p2 =	por !p2, p0  }
0x20: {  	[sflag:s8] =	ssyncset.s32 @!p0 $0xFFFFF086;
	s6 =	sadd.s32 @!p0 s3, s7;
	s7 =	simm.s32 @!p0 $0x108  }
0x21: {  	s3 =	sadd.s32 s3, s9;
	s6 =	sadd.s32 @!p0 $0x88, s6;
	s7 =	simm.s32 @p2 $0x1082  }
0x22: {  	[simem:s7], [sflag:s8] =	dma.local @!p0 [hbm:s6], $0xF7A  }
0x23: {  	s9 =	sor.u32 $0xD0000000, s2;
	s6 =	simm.s32 $0x108;
	_ =	swait.ge @!p0 [sflag:s8], $0x0  }
0x24: {  	s3 =	sadd.s32 $0x88, s3;
	s6 =	simm.s32 @!p1 $0x1082;
	[sflag:s4] =	ssyncset.s32 $0xFFFFF086  }
0x25: {  	[simem:s6], [sflag:s4] =	dma.local [hbm:s3], $0xF7A  }
0x26: {  	[smem:$0x3F96] =	sst s1;
	(tag) =	ssettag s2;
	_ =	strace s9  }
0x27: {  	s1 =	sld [smem:$0x3FA6]  }
0x28: {  	s2 =	sld [smem:$0x3FA7]  }
0x29: {  	s4 =	sld [smem:$0x3FA9]  }
0x2a: {  	p0 =	seq.s32 s5, $0x0;
	s5 =	sld [smem:$0x3FAA]  }
0x2b: {  	s6 =	sld [smem:$0x3FAB]  }
0x2c: {  	s7 =	sld [smem:$0x3FAC]  }
0x2d: {  	s3 =	simm.s32 $0x108;
	s8 =	sld [smem:$0x3FAD]  }
0x2e: {  	s3 =	simm.s32 @!p0 $0x1082;
	s9 =	sld [smem:$0x3FAE]  }
0x2f: {  	lr =	sadd.s32 s0, s3;
	s0 =	sld [smem:$0x3FA5]  }
0x30: {  	s3 =	sld [smem:$0x3FA8]  }
0x31: {  	[smem:$0x3FB1] =	sst s10  }
0x32: {  	s10 =	sld [smem:$0x3FAF];
	_ =	sdelay $0x3  }
0x33: {  	p0 =	seq.s32 s10, $0x1;
	s10 =	sld [smem:$0x3FB1];
	_ =	sdelay $0x3  }
0x34: {  	[smem:$0x3FB1] =	sst s10  }
0x35: {  	s10 =	sld [smem:$0x3FB0];
	_ =	sdelay $0x3  }
0x36: {  	p1 =	seq.s32 s10, $0x1;
	s10 =	sld [smem:$0x3FB1];
	_ =	sdelay $0x3  }
0x37: {  	[smem:$0x3FB1] =	sst s10  }
0x38: {  	s10 =	sld [smem:$0x3FB2]  }
0x39: {  	_ = 	snop;
	(pc) =	sbr.ind lr, $3  }
0x3a: {  	_ = 	snop  }
0x3b: {  	_ = 	snop  }
0x3c: {  	p2 =	seq.s32 s10, $0x1;
	s10 =	sld [smem:$0x3FB1]  }
0x3d: {  	_ =	shalt  }
0x3e: {  	_ =	shalt  }
0x3f: {  	_ =	shalt  }
0x40: {  	_ =	shalt  }
0x41: {  	_ =	shalt  }
0x42: {  	_ =	shalt  }
0x43: {  	_ =	shalt  }
0x44: {  	_ =	shalt  }
0x45: {  	_ =	shalt  }
0x46: {  	_ =	shalt  }
0x47: {  	_ =	shalt  }
0x48: {  	_ =	shalt  }
0x49: {  	_ =	shalt  }
0x4a: {  	_ =	shalt  }
0x4b: {  	_ =	shalt  }
0x4c: {  	_ =	shalt  }
0x4d: {  	_ =	shalt  }
0x4e: {  	_ =	shalt  }
0x4f: {  	_ =	shalt  }
0x50: {  	_ =	shalt  }
0x51: {  	_ =	shalt  }
0x52: {  	_ =	shalt  }
0x53: {  	_ =	shalt  }
0x54: {  	_ =	shalt  }
0x55: {  	_ =	shalt  }
0x56: {  	_ =	shalt  }
0x57: {  	_ =	shalt  }
0x58: {  	_ =	shalt  }
0x59: {  	_ =	shalt  }
0x5a: {  	_ =	shalt  }
0x5b: {  	_ =	shalt  }
0x5c: {  	_ =	shalt  }
0x5d: {  	_ =	shalt  }
0x5e: {  	_ =	shalt  }
0x5f: {  	_ =	shalt  }
0x60: {  	_ =	shalt  }
0x61: {  	_ =	shalt  }
0x62: {  	_ =	shalt  }
0x63: {  	_ =	shalt  }
0x64: {  	_ =	shalt  }
0x65: {  	_ =	shalt  }
0x66: {  	_ =	shalt  }
0x67: {  	_ =	shalt  }
0x68: {  	_ =	shalt  }
0x69: {  	_ =	shalt  }
0x6a: {  	_ =	shalt  }
0x6b: {  	_ =	shalt  }
0x6c: {  	_ =	shalt  }
0x6d: {  	_ =	shalt  }
0x6e: {  	_ =	shalt  }
0x6f: {  	_ =	shalt  }
0x70: {  	_ =	shalt  }
0x71: {  	_ =	shalt  }
0x72: {  	_ =	shalt  }
0x73: {  	_ =	shalt  }
0x74: {  	_ =	shalt  }
0x75: {  	_ =	shalt  }
0x76: {  	_ =	shalt  }
0x77: {  	_ =	shalt  }
0x78: {  	_ =	shalt  }
0x79: {  	_ =	shalt  }
0x7a: {  	_ =	shalt  }
0x7b: {  	_ =	shalt  }
0x7c: {  	_ =	shalt  }
0x7d: {  	_ =	shalt  }
0x7e: {  	_ =	shalt  }
0x7f: {  	_ =	shalt  }
0x80: {  	_ =	shalt  }
0x81: {  	_ =	shalt  }
0x82: {  	_ =	shalt  }
0x83: {  	_ =	shalt  }
0x84: {  	_ =	shalt  }
0x85: {  	_ =	shalt  }
0x86: {  	_ =	shalt  }
0x87: {  	_ =	shalt  }
.Lfunc_end0:
.L_simem_size_0:
called_computation.1_lowered:
.L_overlay_start_0:
0x88: {  	s2 =	sld [smem:$0x3FD9]  }
0x89: {  	s3 =	sld [smem:$0x3FFE];
	_ =	sdelay $0x1  }
0x8a: {  	s1 =	srdreg.scid  }
0x8b: {  	s0 =	sand.u32 $0x1, s1  }
0x8c: {  	s16 =	sshll.u32 s0, $0xA;
	s2 =	sadd.s32 s3, s2  }
0x8d: {  	s2 =	sadd.s32 s2, s16  }
0x8e: {  	[smem:$0x3FBD] =	sst s2  }
0x8f: {  	_ = 	snop  }
0x90: {  	(tm) =	ssettm $0x1  }
0x91: {  	s17 =	sld [smem:$0x3FFB];
	_ =	sdelay $0x3  }
0x92: {  	_ =	strace s17  }
0x93: {  	s2 =	sld [smem:$0x3FFC];
	_ =	sdelay $0x3  }
0x94: {  	_ =	strace s2  }
0x95: {  	s2 =	sld [smem:$0x3FFD];
	_ =	sdelay $0x3  }
0x96: {  	_ =	strace s2  }
0x97: {  	_ =	strace $0x8FFFFFFF  }
0x98: {  	s18 =	sld [smem:$0x3FDB];
	_ =	sdelay $0x1  }
0x99: {  	s19 =	simm.s32 $_scs_section_size  }
0x9a: {  	s4 =	simm.s32 $_size__tile_overlayer_lowered;
	s5 =	simm.s32 $_tile_overlayer_lowered  }
0x9b: {  	s22 =	simm.s32 $0x1BFF;
	s21 =	sshll.u32 s5, $0x1;
	s2 =	sadd.s32 s19, s18  }
0x9c: {  	s6 =	simm.s32 $0x0;
	s20 =	sshll.u32 s4, $0x1;
	s4 =	sadd.s32 s21, s2  }
0x9d: {  	[timem:s6], [sflag:s22] =	dma.local [hbm:s4], s20  }
0x9e: {  	_ =	swait.ge [sflag:s22], s20  }
0x9f: {  	s3 =	ssub.s32 $0x0, s20;
	[sflag:s22] =	ssyncset.done $0x0  }
0xa0: {  	[sflag:s22] =	ssyncadd.s32 s3;
	_ =	sdelay $0x1  }
0xa1: {  	s23 =	simm.s32 $0x1B8B  }
0xa2: {  	_ =	swait.ge [sflag:s23], $0x1  }
0xa3: {  	[sflag:s23] =	ssyncset.done $0x0  }
0xa4: {  	s25 =	simm.s32 $0x1B8E;
	s24 =	sld [smem:$0x3FFE];
	[sflag:s23] =	ssyncadd.s32 $0xFFFFFFFF  }
0xa5: {  	s26 =	simm.s32 $execute0_lowered;
	[smem:$0x3FD2] =	sst s25  }
0xa6: {  	s4 =	sshll.u32 s26, $0x1;
	_ =	strace $0x80000049;
	[dreg:$0x1] =	wrdreg $0xFFFFFFFF  }
0xa7: {  	s28 =	simm.s32 $_size_execute0_lowered;
	s2 =	sadd.s32 s2, s4;
	[dreg:$0x0] =	wrdreg $0x0  }
0xa8: {  	s4 =	sshll.u32 s28, $0x1;
	[dreg:$0x2] =	wrdreg s2  }
0xa9: {  	[dreg:$0x3] =	wrdreg s4  }
0xaa: {  	[dreg:$0x4] =	wrdreg $0xC0  }
0xab: {  	_ =	task [dreg:s6], $0x5FFFF  }
0xac: {  	[dreg:$0x1] =	wrdreg $0xFFFFFFFF  }
0xad: {  	[dreg:$0x0] =	wrdreg $0x60  }
0xae: {  	[dreg:$0x2] =	wrdreg s24  }
0xaf: {  	[dreg:$0x3] =	wrdreg $0x88000  }
0xb0: {  	[dreg:$0x4] =	wrdreg $0xA  }
0xb1: {  	_ =	task.clear_ibuf [dreg:s6], $0x5FFFF;
	_ =	strace $0x90000049  }
0xb2: {  	s29 =	simm.s32 $0xA;
	_ =	strace $0x8000004B  }
0xb3: {  	_ =	swait.ge [sflag:s29], $0x1  }
0xb4: {  	[sflag:s29] =	ssyncadd.s32 $0xFFFFFFFF  }
0xb5: {  	_ =	strace $0x9000004B  }
0xb6: {  	_ =	sfence  }
0xb7: {  	s30 =	sld [smem:$0x0];
	_ =	sdelay $0x2  }
0xb8: {  	s31 =	sshll.u32 s1, $0xD;
	s1 =	sshrl.u32 s1, $0x2  }
0xb9: {  	s3 =	sand.u32 $0x4000, s31;
	s1 =	sadd.s32 s1, s30  }
0xba: {  	s0 =	sor.u32 s3, s0;
	s1 =	sshll.u32 s1, $0x11  }
0xbb: {  	s0 =	sor.u32 s1, s0  }
0xbc: {  	s0 =	sadd.s32 $0x8F2B, s0  }
0xbd: {  	[sflag:s0] =	ssyncadd.remote.s32 $0x1  }
0xbe: {  	_ =	sfence.sel $0xFFFF  }
0xbf: {  	[dreg:$0x0] =	wrdreg $0xFFFFFFFF;
	(pc) =	sbr.abs _section_cstart, $3  }
0xc0: {  	[dreg:$0x1] =	wrdreg $0xFFFFFFFF  }
0xc1: {  	_ =	task.clear_ibuf [dreg:s6], $0x2FFFF;
	_ =	strace $0x9FFFFFFF  }
0xc2: {  	(tm) =	ssettm $0x7FFFFFFF  }
0xc3: {  	_ =	shalt  }
tec
execute0_lowered:
.L_overlay_start_1:
0x0: {  	(tag) =	ssettag $0x1  }
0x1: {  	s0 =	rddreg [dreg:$0x0];
	s1 =	srdreg.scid  }
0x2: {  	s11 =	stileid.u32;
	s2 =	rddreg [dreg:$0x1]  }
0x3: {  	s3 =	simm.s32 $0x0;
	s28 =	simm.s32 $0x300;
	s29 =	simm.s32 $0x280  }
0x4: {  	s30 =	simm.s32 $0x2;
	s31 =	simm.s32 $0x380;
	s5 =	smul.u32 $0x14000, s11  }
0x5: {  	s1 =	sand.u32 $0x1, s1;
	[smem:$0x7FF] =	sst s3;
	s10 =	smul.u32 $0x50000, s11  }
0x6: {  	s4 =	sadd.s32 $0x54600, s0;
	s7 =	sadd.s32 $0x40600, s0;
	s6 =	smul.u32 $0x140000, s1  }
0x7: {  	_ =	strace $0x8000004A;
	s8 =	sshll.u32 s1, $0x4;
	s9 =	ssub.s32 $0x2, s1  }
0x8: {  	s1 =	smul.u32 $0x50000, s1;
	s8 =	sor.u32 s11, s8;
	s15 =	sshrl.u32 s9, $0x1  }
0x9: {  	s16 =	sshrl.u32 s10, $0x2;
	s11 =	smul.u32 $0x5000, s11;
	s6 =	sadd.s32 s5, s6  }
0xa: {  	s8 =	smul.u32 $0x5000, s8;
	s9 =	ssub.s32 s9, s15;
	s10 =	sadd.s32 s16, s2  }
0xb: {  	s5 =	sadd.s32 s5, s2;
	s16 =	simm.s32 $0x800;
	s6 =	sshrl.u32 s6, $0x3  }
0xc: {  	[dreg:$0x4] =	wrdreg s5;
	s18 =	sadd.s32 $0x4000, s10;
	s19 =	sadd.s32 $0x8000, s10  }
0xd: {  	s20 =	sadd.s32 $0xC000, s10;
	s1 =	sadd.s32 s11, s1;
	s21 =	sadd.s32 $0x10000, s10  }
0xe: {  	s25 =	smax.u32 s9, $0x1;
	s9 =	simm.s32 $0x700;
	[dreg:$0x5] =	wrdreg s18  }
0xf: {  	s10 =	simm.s32 $0x680;
	s5 =	simm.s32 $0x780;
	[dreg:$0x6] =	wrdreg s19  }
0x10: {  	s11 =	simm.s32 $0x0;
	s0 =	sadd.s32 s6, s0;
	[dreg:$0x7] =	wrdreg s20  }
0x11: {  	s8 =	sshrl.u32 s8, $0x3;
	[dreg:$0x8] =	wrdreg s21;
	s23 =	sor.u32 $0xC00, s1  }
0x12: {  	s1 =	sor.u32 $0x800, s1;
	[dreg:$0xb] =	wrdreg s25;
	s18 =	simm.s32 $0x1  }
0x13: {  	s19 =	simm.s32 $0x80;
	s20 =	simm.s32 $0x400;
	s21 =	simm.s32 $0x100  }
0x14: {  	s25 =	simm.s32 $0x4;
	s17 =	sadd.s32 s7, s8;
	s0 =	sadd.s32 $0x7C600, s0  }
0x15: {  	s24 =	sshrl.u32 s23, $0x3;
	s26 =	sshrl.u32 s1, $0x3;
	s23 =	simm.s32 $0x5  }
.Ltmp0:
0x16: {  	s1 =	simm.s32 $0x500;
	[dreg:$0x3] =	wrdreg s17;
	(pc) =	sbr.rel .LBB2_1-.Ltmp0, $4  }
0x17: {  	s8 =	simm.s32 $0x580;
	s22 =	sadd.s32 $0x80, s17;
	[dreg:$0xa] =	wrdreg s0  }
0x18: {  	s14 =	sadd.s32 s24, s7;
	s15 =	sadd.s32 s26, s7;
	s17 =	simm.s32 $0x3  }
0x19: {  	s24 =	simm.s32 $0x200;
	s26 =	simm.s32 $0x180;
	s0 =	simm.s32 $0x480  }
0x1a: {  	v0 =	vimm.f32 $0.0e+00;
	s7 =	simm.s32 $0x600;
	[dreg:$0x9] =	wrdreg s22;
	s22 =	simm.s32 $0x4800  }
.LBB2_6:
0x1b: {  	_ =	swait.ge [sflag:s25], $0x4000  }
0x1c: {  	[sflag:s25] =	ssyncset.done $0x0  }
0x1d: {  	[sflag:s25] =	ssyncadd.s32 $0xFFFFC000  }
0x1e: {  	[spmem:s2] =	stream.indirect.scatter.add.f32 [tilespmem:s22], [sflag:$0x5], $0x80, s5, s19, $0xb8;
	[tilespmem:$0x1C800] =	vst v63  }
0x1f: {  	_ =	swait.ge [sflag:s23], $0x4000  }
0x20: {  	[sflag:s23] =	ssyncset.done $0x0  }
0x21: {  	[sflag:s23] =	ssyncadd.s32 $0xFFFFC000  }
0x22: {  	s6 =	stileid.u32;
	[bflag:$0x0] =	sbarrier.arrive $0xFFFF  }
0x23: {  	s6 =	sshll.u32 s6, $0x6;
	s12 =	rddreg [dreg:$0x4]  }
0x24: {  	s6 =	sor.u32 $0x1C05, s6;
	s13 =	rddreg [dreg:$0xa];
	s12 =	sshrl.u32 s12, $0x3  }
0x25: {  	[hbm:s13], [sflag:s6] =	dma.local [spmem:s12], $0x2800  }
0x26: {  	_ =	swait.ge [sflag:s23], $0x2800  }
0x27: {  	s11 =	sadd.s32 $0x1, s11;
	s13 =	rddreg [dreg:$0xb]  }
0x28: {  	p0 =	sne.s32 s11, s13  }
.Ltmp1:
0x29: {  	_ = 	snop;
	(pc) =	sbr.rel @!p0 .LBB2_7-.Ltmp1, $3  }
0x2a: {  	_ =	sdelay $0x1  }
0x2b: {  	[sflag:s23] =	ssyncset.done $0x0  }
0x2c: {  	[sflag:s23] =	ssyncadd.s32 $0xFFFFD800  }
.LBB2_1:
0x2d: {  	s6 =	rddreg [dreg:$0x3];
	s12 =	simm.s32 $0x0;
	s13 =	simm.s32 $0x200  }
0x2e: {  	[tilespmem:s3], [sflag:$0x1] =	stream.linear.gather [hbm4b:s6+s3], $0x400, $0x38;
	[tilespmem:$0x1C800] =	vst v63  }
.LBB2_2:
0x2f: {  	p0 =	sne.s32 s13, $0xFE00;
	[tilespmem:s12+$0x870] =	vst v0  }
0x30: {  	[tilespmem:s12+$0x800] =	vst v0  }
0x31: {  	[tilespmem:s12+$0x810] =	vst v0  }
.Ltmp2:
0x32: {  	[tilespmem:s12+$0x820] =	vst v0;
	(pc) =	sbr.rel @p0 .LBB2_2-.Ltmp2, $4  }
0x33: {  	[tilespmem:s12+$0x830] =	vst v0  }
0x34: {  	[tilespmem:s12+$0x840] =	vst v0  }
0x35: {  	[tilespmem:s12+$0x850] =	vst v0  }
0x36: {  	[tilespmem:s12+$0x860] =	vst v0;
	s12 =	sshra.s32 s13, $0x2;
	s13 =	sadd.s32 $0x200, s13  }
0x37: {  	[tilespmem:s12+$0x870] =	vst v0  }
0x38: {  	[tilespmem:s12+$0x800] =	vst v0  }
0x39: {  	[tilespmem:s12+$0x810] =	vst v0  }
0x3a: {  	[tilespmem:s12+$0x820] =	vst v0  }
0x3b: {  	[tilespmem:s12+$0x830] =	vst v0  }
0x3c: {  	[tilespmem:s12+$0x840] =	vst v0  }
0x3d: {  	[tilespmem:s12+$0x850] =	vst v0  }
0x3e: {  	[tilespmem:s12+$0x860] =	vst v0;
	s6 =	rddreg [dreg:$0x4]  }
0x3f: {  	[spmem:s6] =	stream.linear.scatter [tilespmem:s16], [sflag:$0x3], $0x4000, $0x38;
	[tilespmem:$0x1C800] =	vst v63  }
0x40: {  	s13 =	rddreg [dreg:$0x5]  }
0x41: {  	[spmem:s13] =	stream.linear.scatter [tilespmem:s16], [sflag:$0x3], $0x4000, $0x38;
	[tilespmem:$0x1C800] =	vst v63  }
0x42: {  	s12 =	rddreg [dreg:$0x6]  }
0x43: {  	[spmem:s12] =	stream.linear.scatter [tilespmem:s16], [sflag:$0x3], $0x4000, $0x38;
	[tilespmem:$0x1C800] =	vst v63  }
0x44: {  	s13 =	rddreg [dreg:$0x7]  }
0x45: {  	[spmem:s13] =	stream.linear.scatter [tilespmem:s16], [sflag:$0x3], $0x4000, $0x38;
	[tilespmem:$0x1C800] =	vst v63  }
0x46: {  	s12 =	rddreg [dreg:$0x8]  }
0x47: {  	[spmem:s12] =	stream.linear.scatter [tilespmem:s16], [sflag:$0x3], $0x4000, $0x38;
	[tilespmem:$0x1C800] =	vst v63  }
0x48: {  	_ =	swait.ge [sflag:s17], $0x4000  }
0x49: {  	[sflag:s17] =	ssyncset.done $0x0  }
0x4a: {  	[sflag:s17] =	ssyncadd.s32 $0xFFFFC000  }
0x4b: {  	_ =	swait.ge [sflag:s17], $0x4000  }
0x4c: {  	[sflag:s17] =	ssyncset.done $0x0  }
0x4d: {  	[sflag:s17] =	ssyncadd.s32 $0xFFFFC000  }
0x4e: {  	_ =	swait.ge [sflag:s17], $0x4000  }
0x4f: {  	[sflag:s17] =	ssyncset.done $0x0  }
0x50: {  	[sflag:s17] =	ssyncadd.s32 $0xFFFFC000  }
0x51: {  	_ =	swait.ge [sflag:s17], $0x4000  }
0x52: {  	[sflag:s17] =	ssyncset.done $0x0  }
0x53: {  	[sflag:s17] =	ssyncadd.s32 $0xFFFFC000  }
0x54: {  	_ =	swait.ge [sflag:s17], $0x4000  }
0x55: {  	[sflag:s17] =	ssyncset.done $0x0  }
0x56: {  	[sflag:s17] =	ssyncadd.s32 $0xFFFFC000  }
0x57: {  	[bflag:$0x0] =	sbarrier.arrive $0xFFFF  }
0x58: {  	_ =	swait.ge [sflag:s18], $0x400  }
0x59: {  	[sflag:s18] =	ssyncset.done $0x0  }
0x5a: {  	s12 =	simm.s32 $0x0;
	[sflag:s18] =	ssyncadd.s32 $0xFFFFFC00  }
0x5b: {  	[tilespmem:s16], [sflag:$0x3] =	stream.indirect.gather [hbm4b:s4+s19], $0x80, s12, s19, $0xb8;
	[tilespmem:$0x1C800] =	vst v63  }
0x5c: {  	s13 =	rddreg [dreg:$0x9]  }
0x5d: {  	[tilespmem:s20], [sflag:$0x2] =	stream.linear.gather [hbm4b:s13+s12], $0x400, $0x38;
	[tilespmem:$0x1C800] =	vst v63  }
.LBB2_4:
0x5e: {  	[tilespmem:s22], [sflag:$0x4] =	stream.indirect.gather [hbm4b:s4+s19], $0x80, s21, s19, $0xb8;
	[tilespmem:$0x1C800] =	vst v63  }
0x5f: {  	_ =	swait.ge [sflag:s17], $0x4000  }
0x60: {  	[sflag:s17] =	ssyncset.done $0x0  }
0x61: {  	[sflag:s17] =	ssyncadd.s32 $0xFFFFC000  }
0x62: {  	[spmem:s2] =	stream.indirect.scatter.add.f32 [tilespmem:s16], [sflag:$0x5], $0x80, s19, s19, $0xb8;
	[tilespmem:$0x1C800] =	vst v63  }
0x63: {  	_ =	swait.ge [sflag:s23], $0x4000  }
0x64: {  	[sflag:s23] =	ssyncset.done $0x0  }
0x65: {  	[sflag:s23] =	ssyncadd.s32 $0xFFFFC000  }
0x66: {  	[tilespmem:s16], [sflag:$0x3] =	stream.indirect.gather [hbm4b:s4+s19], $0x80, s24, s19, $0xb8;
	[tilespmem:$0x1C800] =	vst v63  }
0x67: {  	_ =	swait.ge [sflag:s25], $0x4000  }
0x68: {  	[sflag:s25] =	ssyncset.done $0x0  }
0x69: {  	[sflag:s25] =	ssyncadd.s32 $0xFFFFC000  }
0x6a: {  	[spmem:s2] =	stream.indirect.scatter.add.f32 [tilespmem:s22], [sflag:$0x5], $0x80, s26, s19, $0xb8;
	[tilespmem:$0x1C800] =	vst v63  }
0x6b: {  	_ =	swait.ge [sflag:s23], $0x4000  }
0x6c: {  	[sflag:s23] =	ssyncset.done $0x0  }
0x6d: {  	[sflag:s23] =	ssyncadd.s32 $0xFFFFC000  }
0x6e: {  	[tilespmem:s22], [sflag:$0x4] =	stream.indirect.gather [hbm4b:s4+s19], $0x80, s28, s19, $0xb8;
	[tilespmem:$0x1C800] =	vst v63  }
0x6f: {  	_ =	swait.ge [sflag:s17], $0x4000  }
0x70: {  	[sflag:s17] =	ssyncset.done $0x0  }
0x71: {  	[sflag:s17] =	ssyncadd.s32 $0xFFFFC000  }
0x72: {  	[spmem:s2] =	stream.indirect.scatter.add.f32 [tilespmem:s16], [sflag:$0x5], $0x80, s29, s19, $0xb8;
	[tilespmem:$0x1C800] =	vst v63  }
0x73: {  	_ =	swait.ge [sflag:s23], $0x4000  }
0x74: {  	[sflag:s23] =	ssyncset.done $0x0  }
0x75: {  	[sflag:s23] =	ssyncadd.s32 $0xFFFFC000  }
0x76: {  	_ =	swait.ge [sflag:s30], $0x400  }
0x77: {  	[sflag:s30] =	ssyncset.done $0x0  }
0x78: {  	[sflag:s30] =	ssyncadd.s32 $0xFFFFFC00  }
0x79: {  	[tilespmem:s16], [sflag:$0x3] =	stream.indirect.gather [hbm4b:s4+s19], $0x80, s20, s19, $0xb8;
	[tilespmem:$0x1C800] =	vst v63  }
0x7a: {  	_ =	swait.ge [sflag:s25], $0x4000  }
0x7b: {  	[sflag:s25] =	ssyncset.done $0x0  }
0x7c: {  	[sflag:s25] =	ssyncadd.s32 $0xFFFFC000  }
0x7d: {  	[spmem:s2] =	stream.indirect.scatter.add.f32 [tilespmem:s22], [sflag:$0x5], $0x80, s31, s19, $0xb8;
	[tilespmem:$0x1C800] =	vst v63  }
0x7e: {  	_ =	swait.ge [sflag:s23], $0x4000  }
0x7f: {  	p0 =	seq.s32 s12, $0x900;
	[sflag:s23] =	ssyncset.done $0x0  }
0x80: {  	s13 =	sadd.s32 @!p0 s12, s15;
	s6 =	simm.s32 @!p0 $0x0;
	[sflag:s23] =	ssyncadd.s32 $0xFFFFC000  }
0x81: {  	[tilespmem:s6], [sflag:$0x1] =	stream.linear.gather @!p0 [hbm4b:s13+s6], $0x400, $0x38;
	[tilespmem:$0x1C800] =	vst v63  }
0x82: {  	_ = 	snop  }
0x83: {  	[tilespmem:s22], [sflag:$0x4] =	stream.indirect.gather [hbm4b:s4+s19], $0x80, s1, s19, $0xb8;
	[tilespmem:$0x1C800] =	vst v63  }
0x84: {  	_ =	swait.ge [sflag:s17], $0x4000  }
0x85: {  	[sflag:s17] =	ssyncset.done $0x0  }
0x86: {  	[sflag:s17] =	ssyncadd.s32 $0xFFFFC000  }
0x87: {  	[spmem:s2] =	stream.indirect.scatter.add.f32 [tilespmem:s16], [sflag:$0x5], $0x80, s0, s19, $0xb8;
	[tilespmem:$0x1C800] =	vst v63  }
0x88: {  	_ =	swait.ge [sflag:s23], $0x4000  }
0x89: {  	[sflag:s23] =	ssyncset.done $0x0  }
0x8a: {  	[sflag:s23] =	ssyncadd.s32 $0xFFFFC000  }
0x8b: {  	[tilespmem:s16], [sflag:$0x3] =	stream.indirect.gather [hbm4b:s4+s19], $0x80, s7, s19, $0xb8;
	[tilespmem:$0x1C800] =	vst v63  }
0x8c: {  	_ =	swait.ge [sflag:s25], $0x4000  }
0x8d: {  	[sflag:s25] =	ssyncset.done $0x0  }
0x8e: {  	[sflag:s25] =	ssyncadd.s32 $0xFFFFC000  }
0x8f: {  	[spmem:s2] =	stream.indirect.scatter.add.f32 [tilespmem:s22], [sflag:$0x5], $0x80, s8, s19, $0xb8;
	[tilespmem:$0x1C800] =	vst v63  }
0x90: {  	_ =	swait.ge [sflag:s23], $0x4000  }
0x91: {  	[sflag:s23] =	ssyncset.done $0x0  }
0x92: {  	[sflag:s23] =	ssyncadd.s32 $0xFFFFC000  }
0x93: {  	[tilespmem:s22], [sflag:$0x4] =	stream.indirect.gather [hbm4b:s4+s19], $0x80, s9, s19, $0xb8;
	[tilespmem:$0x1C800] =	vst v63  }
0x94: {  	_ =	swait.ge [sflag:s17], $0x4000  }
0x95: {  	[sflag:s17] =	ssyncset.done $0x0  }
.Ltmp3:
0x96: {  	[sflag:s17] =	ssyncadd.s32 $0xFFFFC000;
	(pc) =	sbr.rel @p0 .LBB2_6-.Ltmp3, $4  }
0x97: {  	[spmem:s2] =	stream.indirect.scatter.add.f32 [tilespmem:s16], [sflag:$0x5], $0x80, s10, s19, $0xb8;
	[tilespmem:$0x1C800] =	vst v63  }
0x98: {  	_ =	swait.ge [sflag:s23], $0x4000  }
0x99: {  	[sflag:s23] =	ssyncset.done $0x0  }
0x9a: {  	[sflag:s23] =	ssyncadd.s32 $0xFFFFC000  }
0x9b: {  	_ =	swait.ge [sflag:s18], $0x400  }
0x9c: {  	[sflag:s18] =	ssyncset.done $0x0  }
0x9d: {  	[sflag:s18] =	ssyncadd.s32 $0xFFFFFC00  }
0x9e: {  	[tilespmem:s16], [sflag:$0x3] =	stream.indirect.gather [hbm4b:s4+s19], $0x80, s3, s19, $0xb8;
	[tilespmem:$0x1C800] =	vst v63  }
0x9f: {  	_ =	swait.ge [sflag:s25], $0x4000  }
0xa0: {  	[sflag:s25] =	ssyncset.done $0x0  }
0xa1: {  	[sflag:s25] =	ssyncadd.s32 $0xFFFFC000  }
0xa2: {  	[spmem:s2] =	stream.indirect.scatter.add.f32 [tilespmem:s22], [sflag:$0x5], $0x80, s5, s19, $0xb8;
	[tilespmem:$0x1C800] =	vst v63  }
.Ltmp4:
0xa3: {  	_ = 	snop;
	(pc) =	sbr.rel .LBB2_4-.Ltmp4, $4  }
0xa4: {  	_ =	swait.ge [sflag:s23], $0x4000  }
0xa5: {  	[sflag:s23] =	ssyncset.done $0x0  }
0xa6: {  	s6 =	sadd.s32 s12, s14;
	s12 =	sadd.s32 $0x100, s12;
	[sflag:s23] =	ssyncadd.s32 $0xFFFFC000  }
0xa7: {  	[tilespmem:s20], [sflag:$0x2] =	stream.linear.gather [hbm4b:s6+s3], $0x400, $0x38;
	[tilespmem:$0x1C800] =	vst v63  }
.LBB2_7:
0xa8: {  	_ =	sfence.sel $0x180000  }
0xa9: {  	[bflag:$0x0] =	sbarrier.arrive $0xFFFF  }
0xaa: {  	_ =	strace $0x9000004A  }
0xab: {  	s0 =	stileid.u32;
	[bflag:$0x2] =	sbarrier.arrive $0xFFFF  }
0xac: {  	p0 =	sne.s32 s0, $0x0;
	s0 =	rddreg [dreg:$0x2]  }
0xad: {  	s0 =	sadd.s32 @!p0 $0x100000, s0  }
0xae: {  	[sflag:s0] =	ssyncadd.tile.s32 @!p0 $0x1;
	_ =	shalt  }
.Lfunc_end2:
_tile_overlayer_lowered:
.L_overlay_start_2:
0xaf: {  	(tag) =	ssettag $0x2  }
0xb0: {  	s0 =	rddreg [dreg:$0x0];
	s2 =	stileid.u32  }
0xb1: {  	s1 =	rddreg [dreg:$0x1];
	p0 =	sne.s32 s2, $0x0  }
0xb2: {  	s3 =	rddreg [dreg:$0x2];
	[bflag:$0x3] =	sbarrier.arrive $0xFFFF;
	s2 =	simm.s32 @!p0 $0x1C05  }
0xb3: {  	[timem:s3], [sflag:s2] =	dma.local @!p0 [hbm:s0], s1  }
0xb4: {  	s0 =	simm.s32 @!p0 $0x5  }
0xb5: {  	_ =	swait.ge @!p0 [sflag:s0], s1  }
0xb6: {  	s1 =	ssub.s32 @!p0 $0x0, s1;
	[sflag:s0] =	ssyncset.done @!p0 $0x0  }
0xb7: {  	[sflag:s0] =	ssyncadd.s32 @!p0 s1  }
0xb8: {  	[bflag:$0x3] =	sbarrier.arrive $0xFFFF  }
0xb9: {  	_ =	shalt  }

// kernel: kernel.16.cloned.1.call-start
scs
__scs_entry_jumppad:
0x0: {  	(pc) =	sbr.rel $0x88, $3  }
0x1: {  	(tag) =	ssettag $0x0;
	lr =	simm.s32 $0x1  }
0x2: {  	[smem:$0x3F96] =	sst lr;
	_ =	strace $0xD0000000  }
0x3: {  	_ = 	snop  }
0x4: {  	_ = 	snop  }
0x5: {  	_ = 	snop  }
0x6: {  	_ = 	snop  }
0x7: {  	_ = 	snop  }
__scs_overlays_trampoline_lowered:
0x8: {  	[smem:$0x3FA5] =	sst s0  }
0x9: {  	[smem:$0x3FA6] =	sst s1  }
0xa: {  	[smem:$0x3FA7] =	sst s2  }
0xb: {  	[smem:$0x3FA8] =	sst s3  }
0xc: {  	[smem:$0x3FA9] =	sst s4  }
0xd: {  	[smem:$0x3FAA] =	sst s5  }
0xe: {  	[smem:$0x3FAB] =	sst s6  }
0xf: {  	[smem:$0x3FAC] =	sst s7  }
0x10: {  	[smem:$0x3FAD] =	sst s8  }
0x11: {  	[smem:$0x3FAE] =	sst s9;
	s0 =	simm.s32 @!p0 $0x0  }
0x12: {  	s1 =	sld [smem:$0x3F94];
	s0 =	simm.s32 @p0 $0x1  }
0x13: {  	[smem:$0x3FAF] =	sst s0;
	s0 =	simm.s32 @!p1 $0x0  }
0x14: {  	s2 =	sld [smem:$0x3F93];
	s0 =	simm.s32 @p1 $0x1  }
0x15: {  	[smem:$0x3FB0] =	sst s0;
	s0 =	simm.s32 @!p2 $0x0  }
0x16: {  	s3 =	sld [smem:$0x3FDB];
	s0 =	simm.s32 @p2 $0x1  }
0x17: {  	s4 =	simm.s32 $0x1BF5;
	[smem:$0x3FB2] =	sst s0  }
0x18: {  	s0 =	sld [smem:$0x3F95];
	_ =	swait.ge [sflag:s4], $0x0  }
0x19: {  	s7 =	sld [smem:$0x3F96]  }
0x1a: {  	s8 =	sadd.s32 $0xFFFFE003, lr  }
0x1b: {  	s9 =	sadd.s32 $0xFFFFFEF7, lr;
	s5 =	simm.s32 $0xFFFFFFFF;
	p2 =	slt.u32 s8, $0xFFFFF086  }
0x1c: {  	p1 =	slt.u32 s9, $0xF7A;
	s5 =	simm.s32 @!p2 $0x0  }
0x1d: {  	s5 =	simm.s32 @p1 $0x1;
	p0 =	seq.s32 s7, s2  }
0x1e: {  	s7 =	smul.u32 @!p0 $0xF7A, s2;
	p2 =	seq.s32 @!p0 s5, $0x0  }
0x1f: {  	s9 =	smul.u32 $0xF7A, s1;
	s8 =	simm.s32 @!p0 $0x1BF5;
	p2 =	por !p2, p0  }
0x20: {  	[sflag:s8] =	ssyncset.s32 @!p0 $0xFFFFF086;
	s6 =	sadd.s32 @!p0 s3, s7;
	s7 =	simm.s32 @!p0 $0x108  }
0x21: {  	s3 =	sadd.s32 s3, s9;
	s6 =	sadd.s32 @!p0 $0x88, s6;
	s7 =	simm.s32 @p2 $0x1082  }
0x22: {  	[simem:s7], [sflag:s8] =	dma.local @!p0 [hbm:s6], $0xF7A  }
0x23: {  	s9 =	sor.u32 $0xD0000000, s2;
	s6 =	simm.s32 $0x108;
	_ =	swait.ge @!p0 [sflag:s8], $0x0  }
0x24: {  	s3 =	sadd.s32 $0x88, s3;
	s6 =	simm.s32 @!p1 $0x1082;
	[sflag:s4] =	ssyncset.s32 $0xFFFFF086  }
0x25: {  	[simem:s6], [sflag:s4] =	dma.local [hbm:s3], $0xF7A  }
0x26: {  	[smem:$0x3F96] =	sst s1;
	(tag) =	ssettag s2;
	_ =	strace s9  }
0x27: {  	s1 =	sld [smem:$0x3FA6]  }
0x28: {  	s2 =	sld [smem:$0x3FA7]  }
0x29: {  	s4 =	sld [smem:$0x3FA9]  }
0x2a: {  	p0 =	seq.s32 s5, $0x0;
	s5 =	sld [smem:$0x3FAA]  }
0x2b: {  	s6 =	sld [smem:$0x3FAB]  }
0x2c: {  	s7 =	sld [smem:$0x3FAC]  }
0x2d: {  	s3 =	simm.s32 $0x108;
	s8 =	sld [smem:$0x3FAD]  }
0x2e: {  	s3 =	simm.s32 @!p0 $0x1082;
	s9 =	sld [smem:$0x3FAE]  }
0x2f: {  	lr =	sadd.s32 s0, s3;
	s0 =	sld [smem:$0x3FA5]  }
0x30: {  	s3 =	sld [smem:$0x3FA8]  }
0x31: {  	[smem:$0x3FB1] =	sst s10  }
0x32: {  	s10 =	sld [smem:$0x3FAF];
	_ =	sdelay $0x3  }
0x33: {  	p0 =	seq.s32 s10, $0x1;
	s10 =	sld [smem:$0x3FB1];
	_ =	sdelay $0x3  }
0x34: {  	[smem:$0x3FB1] =	sst s10  }
0x35: {  	s10 =	sld [smem:$0x3FB0];
	_ =	sdelay $0x3  }
0x36: {  	p1 =	seq.s32 s10, $0x1;
	s10 =	sld [smem:$0x3FB1];
	_ =	sdelay $0x3  }
0x37: {  	[smem:$0x3FB1] =	sst s10  }
0x38: {  	s10 =	sld [smem:$0x3FB2]  }
0x39: {  	_ = 	snop;
	(pc) =	sbr.ind lr, $3  }
0x3a: {  	_ = 	snop  }
0x3b: {  	_ = 	snop  }
0x3c: {  	p2 =	seq.s32 s10, $0x1;
	s10 =	sld [smem:$0x3FB1]  }
0x3d: {  	_ =	shalt  }
0x3e: {  	_ =	shalt  }
0x3f: {  	_ =	shalt  }
0x40: {  	_ =	shalt  }
0x41: {  	_ =	shalt  }
0x42: {  	_ =	shalt  }
0x43: {  	_ =	shalt  }
0x44: {  	_ =	shalt  }
0x45: {  	_ =	shalt  }
0x46: {  	_ =	shalt  }
0x47: {  	_ =	shalt  }
0x48: {  	_ =	shalt  }
0x49: {  	_ =	shalt  }
0x4a: {  	_ =	shalt  }
0x4b: {  	_ =	shalt  }
0x4c: {  	_ =	shalt  }
0x4d: {  	_ =	shalt  }
0x4e: {  	_ =	shalt  }
0x4f: {  	_ =	shalt  }
0x50: {  	_ =	shalt  }
0x51: {  	_ =	shalt  }
0x52: {  	_ =	shalt  }
0x53: {  	_ =	shalt  }
0x54: {  	_ =	shalt  }
0x55: {  	_ =	shalt  }
0x56: {  	_ =	shalt  }
0x57: {  	_ =	shalt  }
0x58: {  	_ =	shalt  }
0x59: {  	_ =	shalt  }
0x5a: {  	_ =	shalt  }
0x5b: {  	_ =	shalt  }
0x5c: {  	_ =	shalt  }
0x5d: {  	_ =	shalt  }
0x5e: {  	_ =	shalt  }
0x5f: {  	_ =	shalt  }
0x60: {  	_ =	shalt  }
0x61: {  	_ =	shalt  }
0x62: {  	_ =	shalt  }
0x63: {  	_ =	shalt  }
0x64: {  	_ =	shalt  }
0x65: {  	_ =	shalt  }
0x66: {  	_ =	shalt  }
0x67: {  	_ =	shalt  }
0x68: {  	_ =	shalt  }
0x69: {  	_ =	shalt  }
0x6a: {  	_ =	shalt  }
0x6b: {  	_ =	shalt  }
0x6c: {  	_ =	shalt  }
0x6d: {  	_ =	shalt  }
0x6e: {  	_ =	shalt  }
0x6f: {  	_ =	shalt  }
0x70: {  	_ =	shalt  }
0x71: {  	_ =	shalt  }
0x72: {  	_ =	shalt  }
0x73: {  	_ =	shalt  }
0x74: {  	_ =	shalt  }
0x75: {  	_ =	shalt  }
0x76: {  	_ =	shalt  }
0x77: {  	_ =	shalt  }
0x78: {  	_ =	shalt  }
0x79: {  	_ =	shalt  }
0x7a: {  	_ =	shalt  }
0x7b: {  	_ =	shalt  }
0x7c: {  	_ =	shalt  }
0x7d: {  	_ =	shalt  }
0x7e: {  	_ =	shalt  }
0x7f: {  	_ =	shalt  }
0x80: {  	_ =	shalt  }
0x81: {  	_ =	shalt  }
0x82: {  	_ =	shalt  }
0x83: {  	_ =	shalt  }
0x84: {  	_ =	shalt  }
0x85: {  	_ =	shalt  }
0x86: {  	_ =	shalt  }
0x87: {  	_ =	shalt  }
.Lfunc_end0:
.L_simem_size_0:
called_computation.2_lowered:
.L_overlay_start_0:
0x88: {  	s2 =	sld [smem:$0x3FD9]  }
0x89: {  	s3 =	sld [smem:$0x3FFE];
	_ =	sdelay $0x1  }
0x8a: {  	s1 =	srdreg.scid  }
0x8b: {  	s0 =	sand.u32 $0x1, s1  }
0x8c: {  	s17 =	sshll.u32 s0, $0xA;
	s2 =	sadd.s32 s3, s2  }
0x8d: {  	s2 =	sadd.s32 s2, s17  }
0x8e: {  	[smem:$0x3FBD] =	sst s2  }
0x8f: {  	_ = 	snop  }
0x90: {  	(tm) =	ssettm $0x1  }
0x91: {  	s18 =	sld [smem:$0x3FFB];
	_ =	sdelay $0x3  }
0x92: {  	_ =	strace s18  }
0x93: {  	s2 =	sld [smem:$0x3FFC];
	_ =	sdelay $0x3  }
0x94: {  	_ =	strace s2  }
0x95: {  	s2 =	sld [smem:$0x3FFD];
	_ =	sdelay $0x3  }
0x96: {  	_ =	strace s2  }
0x97: {  	_ =	strace $0x8FFFFFFF  }
0x98: {  	s19 =	sld [smem:$0x3FDB];
	_ =	sdelay $0x1  }
0x99: {  	s20 =	simm.s32 $_scs_section_size  }
0x9a: {  	s4 =	simm.s32 $_size__tile_overlayer_lowered;
	s5 =	simm.s32 $_tile_overlayer_lowered  }
0x9b: {  	s6 =	simm.s32 $0x1BFF;
	s21 =	sshll.u32 s5, $0x1;
	s3 =	sadd.s32 s20, s19  }
0x9c: {  	s22 =	simm.s32 $0x0;
	s4 =	sshll.u32 s4, $0x1;
	s5 =	sadd.s32 s21, s3  }
0x9d: {  	[timem:s22], [sflag:s6] =	dma.local [hbm:s5], s4  }
0x9e: {  	_ =	swait.ge [sflag:s6], s4  }
0x9f: {  	s4 =	ssub.s32 $0x0, s4;
	[sflag:s6] =	ssyncset.done $0x0  }
0xa0: {  	[sflag:s6] =	ssyncadd.s32 s4;
	_ =	sdelay $0x1  }
0xa1: {  	s23 =	simm.s32 $0x1B8B  }
0xa2: {  	_ =	swait.ge [sflag:s23], $0x1  }
0xa3: {  	[sflag:s23] =	ssyncset.done $0x0  }
0xa4: {  	[sflag:s23] =	ssyncadd.s32 $0xFFFFFFFF  }
0xa5: {  	s4 =	sld [smem:$0x0]  }
0xa6: {  	s5 =	sand.u32 $0xFFFFFFFE, s1  }
0xa7: {  	p0 =	sne.s32 s1, s5  }
0xa8: {  	s5 =	sshll.u32 @p0 s5, $0xE  }
0xa9: {  	s5 =	sadd.s32 @p0 $0x11B8D, s5;
	s6 =	sshll.u32 @p0 s4, $0x11  }
0xaa: {  	s5 =	sor.u32 @p0 s6, s5  }
0xab: {  	[sflag:s5] =	ssyncadd.remote.s32 @p0 $0x1;
	_ =	sdelay $0x1  }
0xac: {  	s5 =	simm.s32 @p0 $0x1B8D  }
0xad: {  	_ =	swait.eq @p0 [sflag:s5], $0x1  }
0xae: {  	[sflag:s5] =	ssyncadd.s32 @p0 $0xFFFFFFFF  }
0xaf: {  	s6 =	sshll.u32 @!p0 s1, $0xE  }
0xb0: {  	s6 =	sor.u32 @!p0 $0x4000, s6;
	s5 =	simm.s32 @!p0 $0x1B8D  }
0xb1: {  	s4 =	sshll.u32 @!p0 s4, $0x11;
	s6 =	sadd.s32 @!p0 $0x11B8D, s6;
	_ =	swait.eq @!p0 [sflag:s5], $0x1  }
0xb2: {  	s4 =	sor.u32 @!p0 s4, s6;
	[sflag:s5] =	ssyncadd.s32 @!p0 $0xFFFFFFFF  }
0xb3: {  	s25 =	simm.s32 $0x1B8E;
	s24 =	sld [smem:$0x3FFE];
	[sflag:s4] =	ssyncadd.remote.s32 @!p0 $0x1  }
0xb4: {  	s26 =	simm.s32 $execute0_lowered;
	[smem:$0x3FD2] =	sst s25  }
0xb5: {  	s5 =	sshll.u32 s26, $0x1;
	_ =	strace $0x8000004C;
	[dreg:$0x1] =	wrdreg $0xFFFFFFFF  }
0xb6: {  	s28 =	simm.s32 $_size_execute0_lowered;
	s3 =	sadd.s32 s3, s5;
	[dreg:$0x0] =	wrdreg $0x0  }
0xb7: {  	s5 =	sshll.u32 s28, $0x1;
	[dreg:$0x2] =	wrdreg s3  }
0xb8: {  	[dreg:$0x3] =	wrdreg s5  }
0xb9: {  	[dreg:$0x4] =	wrdreg $0xC0  }
0xba: {  	_ =	task [dreg:s22], $0x5FFFF  }
0xbb: {  	[dreg:$0x1] =	wrdreg $0xFFFFFFFF  }
0xbc: {  	[dreg:$0x0] =	wrdreg $0x60  }
0xbd: {  	[dreg:$0x2] =	wrdreg s24  }
0xbe: {  	[dreg:$0x3] =	wrdreg $0x48000  }
0xbf: {  	[dreg:$0x4] =	wrdreg $0x9  }
0xc0: {  	_ =	task.clear_ibuf [dreg:s22], $0x5FFFF;
	_ =	strace $0x9000004C  }
0xc1: {  	s29 =	simm.s32 $0x9;
	_ =	strace $0x8000004E  }
0xc2: {  	_ =	swait.ge [sflag:s29], $0x1  }
0xc3: {  	[sflag:s29] =	ssyncadd.s32 $0xFFFFFFFF  }
0xc4: {  	_ =	strace $0x9000004E  }
0xc5: {  	_ =	sfence  }
0xc6: {  	s30 =	sld [smem:$0x0];
	_ =	sdelay $0x2  }
0xc7: {  	s31 =	sshll.u32 s1, $0xD;
	s1 =	sshrl.u32 s1, $0x2  }
0xc8: {  	s4 =	sand.u32 $0x4000, s31;
	s1 =	sadd.s32 s1, s30  }
0xc9: {  	s0 =	sor.u32 s4, s0;
	s1 =	sshll.u32 s1, $0x11  }
0xca: {  	s0 =	sor.u32 s1, s0  }
0xcb: {  	s0 =	sadd.s32 $0x8F2B, s0  }
0xcc: {  	[sflag:s0] =	ssyncadd.remote.s32 $0x1  }
0xcd: {  	_ =	sfence.sel $0xFFFF  }
0xce: {  	[dreg:$0x0] =	wrdreg $0xFFFFFFFF;
	(pc) =	sbr.abs _section_cstart, $3  }
0xcf: {  	[dreg:$0x1] =	wrdreg $0xFFFFFFFF  }
0xd0: {  	_ =	task.clear_ibuf [dreg:s22], $0x2FFFF;
	_ =	strace $0x9FFFFFFF  }
0xd1: {  	(tm) =	ssettm $0x7FFFFFFF  }
tec
execute0_lowered:
.L_overlay_start_1:
0x0: {  	(tag) =	ssettag $0x1  }
0x1: {  	s0 =	rddreg [dreg:$0x0];
	s1 =	srdreg.scid  }
0x2: {  	s11 =	stileid.u32;
	s2 =	rddreg [dreg:$0x1]  }
0x3: {  	s3 =	simm.s32 $0x0;
	s28 =	simm.s32 $0x380;
	s29 =	simm.s32 $0x200  }
0x4: {  	s30 =	simm.s32 $0x2;
	s31 =	simm.s32 $0x480;
	s5 =	smul.u32 $0xA000, s11  }
0x5: {  	s1 =	sand.u32 $0x1, s1;
	[smem:$0x7FF] =	sst s3;
	s10 =	smul.u32 $0x28000, s11  }
0x6: {  	s4 =	sadd.s32 $0x4600, s0;
	s7 =	sadd.s32 $0x40600, s0;
	s6 =	smul.u32 $0xA0000, s1  }
0x7: {  	_ =	strace $0x8000004D;
	s8 =	sshll.u32 s1, $0x4;
	s9 =	ssub.s32 $0x2, s1  }
0x8: {  	s1 =	smul.u32 $0x50000, s1;
	s8 =	sor.u32 s11, s8;
	s15 =	sshrl.u32 s9, $0x1  }
0x9: {  	s16 =	sshrl.u32 s10, $0x2;
	s11 =	smul.u32 $0x5000, s11;
	s6 =	sadd.s32 s5, s6  }
0xa: {  	s8 =	smul.u32 $0x5000, s8;
	s9 =	ssub.s32 s9, s15;
	s10 =	sadd.s32 s16, s2  }
0xb: {  	s5 =	sadd.s32 s5, s2;
	s16 =	simm.s32 $0x800;
	s6 =	sshrl.u32 s6, $0x3  }
0xc: {  	[dreg:$0x4] =	wrdreg s5;
	s18 =	sadd.s32 $0x2000, s10;
	s19 =	sadd.s32 $0x4000, s10  }
0xd: {  	s20 =	sadd.s32 $0x6000, s10;
	s1 =	sadd.s32 s11, s1;
	s21 =	sadd.s32 $0x8000, s10  }
0xe: {  	s25 =	smax.u32 s9, $0x1;
	s9 =	simm.s32 $0x780;
	[dreg:$0x5] =	wrdreg s18  }
0xf: {  	s10 =	simm.s32 $0x600;
	s5 =	simm.s32 $0x700;
	[dreg:$0x6] =	wrdreg s19  }
0x10: {  	s11 =	simm.s32 $0x0;
	s0 =	sadd.s32 s6, s0;
	[dreg:$0x7] =	wrdreg s20  }
0x11: {  	s8 =	sshrl.u32 s8, $0x3;
	[dreg:$0x8] =	wrdreg s21;
	s23 =	sor.u32 $0xC00, s1  }
0x12: {  	s1 =	sor.u32 $0x800, s1;
	[dreg:$0xb] =	wrdreg s25;
	s18 =	simm.s32 $0x1  }
0x13: {  	s19 =	simm.s32 $0x80;
	s20 =	simm.s32 $0x400;
	s21 =	simm.s32 $0x180  }
0x14: {  	s25 =	simm.s32 $0x4;
	s17 =	sadd.s32 s7, s8;
	s0 =	sadd.s32 $0xCC600, s0  }
0x15: {  	s24 =	sshrl.u32 s23, $0x3;
	s26 =	sshrl.u32 s1, $0x3;
	s23 =	simm.s32 $0x5  }
.Ltmp0:
0x16: {  	s1 =	simm.s32 $0x300;
	[dreg:$0x3] =	wrdreg s17;
	(pc) =	sbr.rel .LBB2_1-.Ltmp0, $4  }
0x17: {  	s8 =	simm.s32 $0x500;
	s22 =	sadd.s32 $0x80, s17;
	[dreg:$0xa] =	wrdreg s0  }
0x18: {  	s14 =	sadd.s32 s24, s7;
	s15 =	sadd.s32 s26, s7;
	s17 =	simm.s32 $0x3  }
0x19: {  	s24 =	simm.s32 $0x280;
	s26 =	simm.s32 $0x100;
	s0 =	simm.s32 $0x580  }
0x1a: {  	v0 =	vimm.f32 $0.0e+00;
	s7 =	simm.s32 $0x680;
	[dreg:$0x9] =	wrdreg s22;
	s22 =	simm.s32 $0x2800  }
.LBB2_6:
0x1b: {  	_ =	swait.ge [sflag:s25], $0x2000  }
0x1c: {  	[sflag:s25] =	ssyncset.done $0x0  }
0x1d: {  	[sflag:s25] =	ssyncadd.s32 $0xFFFFE000  }
0x1e: {  	[spmem:s2] =	stream.indirect.scatter.add.f32 [tilespmem:s22], [sflag:$0x5], $0x40, s5, s19, $0xb8;
	[tilespmem:$0xE800] =	vst v63  }
0x1f: {  	_ =	swait.ge [sflag:s23], $0x2000  }
0x20: {  	[sflag:s23] =	ssyncset.done $0x0  }
0x21: {  	[sflag:s23] =	ssyncadd.s32 $0xFFFFE000  }
0x22: {  	s6 =	stileid.u32;
	[bflag:$0x0] =	sbarrier.arrive $0xFFFF  }
0x23: {  	s6 =	sshll.u32 s6, $0x6;
	s12 =	rddreg [dreg:$0x4]  }
0x24: {  	s6 =	sor.u32 $0x1C05, s6;
	s13 =	rddreg [dreg:$0xa];
	s12 =	sshrl.u32 s12, $0x3  }
0x25: {  	[hbm:s13], [sflag:s6] =	dma.local [spmem:s12], $0x1400  }
0x26: {  	_ =	swait.ge [sflag:s23], $0x1400  }
0x27: {  	s11 =	sadd.s32 $0x1, s11;
	s13 =	rddreg [dreg:$0xb]  }
0x28: {  	p0 =	sne.s32 s11, s13  }
.Ltmp1:
0x29: {  	_ = 	snop;
	(pc) =	sbr.rel @!p0 .LBB2_7-.Ltmp1, $3  }
0x2a: {  	_ =	sdelay $0x1  }
0x2b: {  	[sflag:s23] =	ssyncset.done $0x0  }
0x2c: {  	[sflag:s23] =	ssyncadd.s32 $0xFFFFEC00  }
.LBB2_1:
0x2d: {  	s6 =	rddreg [dreg:$0x3];
	s13 =	simm.s32 $0x100;
	s12 =	simm.s32 $0x0  }
0x2e: {  	[tilespmem:s3], [sflag:$0x1] =	stream.linear.gather [hbm4b:s6+s3], $0x400, $0x38;
	[tilespmem:$0xE800] =	vst v63  }
.LBB2_2:
0x2f: {  	p0 =	sne.s32 s13, $0x7F00;
	[tilespmem:s12+$0x830] =	vst v0;
	s6 =	smov.u32 s13;
	s13 =	sadd.s32 $0x100, s13  }
.Ltmp2:
0x30: {  	[tilespmem:s12+$0x820] =	vst v0;
	(pc) =	sbr.rel @p0 .LBB2_2-.Ltmp2, $3  }
0x31: {  	[tilespmem:s12+$0x800] =	vst v0  }
0x32: {  	[tilespmem:s12+$0x810] =	vst v0;
	_ =	sdelay $0x1  }
0x33: {  	s12 =	sshra.s32 s6, $0x2  }
0x34: {  	[tilespmem:s12+$0x830] =	vst v0  }
0x35: {  	[tilespmem:s12+$0x820] =	vst v0  }
0x36: {  	[tilespmem:s12+$0x800] =	vst v0  }
0x37: {  	[tilespmem:s12+$0x810] =	vst v0;
	s6 =	rddreg [dreg:$0x4]  }
0x38: {  	[spmem:s6] =	stream.linear.scatter [tilespmem:s16], [sflag:$0x3], $0x2000, $0x38;
	[tilespmem:$0xE800] =	vst v63  }
0x39: {  	s13 =	rddreg [dreg:$0x5]  }
0x3a: {  	[spmem:s13] =	stream.linear.scatter [tilespmem:s16], [sflag:$0x3], $0x2000, $0x38;
	[tilespmem:$0xE800] =	vst v63  }
0x3b: {  	s12 =	rddreg [dreg:$0x6]  }
0x3c: {  	[spmem:s12] =	stream.linear.scatter [tilespmem:s16], [sflag:$0x3], $0x2000, $0x38;
	[tilespmem:$0xE800] =	vst v63  }
0x3d: {  	s13 =	rddreg [dreg:$0x7]  }
0x3e: {  	[spmem:s13] =	stream.linear.scatter [tilespmem:s16], [sflag:$0x3], $0x2000, $0x38;
	[tilespmem:$0xE800] =	vst v63  }
0x3f: {  	s12 =	rddreg [dreg:$0x8]  }
0x40: {  	[spmem:s12] =	stream.linear.scatter [tilespmem:s16], [sflag:$0x3], $0x2000, $0x38;
	[tilespmem:$0xE800] =	vst v63  }
0x41: {  	_ =	swait.ge [sflag:s17], $0x2000  }
0x42: {  	[sflag:s17] =	ssyncset.done $0x0  }
0x43: {  	[sflag:s17] =	ssyncadd.s32 $0xFFFFE000  }
0x44: {  	_ =	swait.ge [sflag:s17], $0x2000  }
0x45: {  	[sflag:s17] =	ssyncset.done $0x0  }
0x46: {  	[sflag:s17] =	ssyncadd.s32 $0xFFFFE000  }
0x47: {  	_ =	swait.ge [sflag:s17], $0x2000  }
0x48: {  	[sflag:s17] =	ssyncset.done $0x0  }
0x49: {  	[sflag:s17] =	ssyncadd.s32 $0xFFFFE000  }
0x4a: {  	_ =	swait.ge [sflag:s17], $0x2000  }
0x4b: {  	[sflag:s17] =	ssyncset.done $0x0  }
0x4c: {  	[sflag:s17] =	ssyncadd.s32 $0xFFFFE000  }
0x4d: {  	_ =	swait.ge [sflag:s17], $0x2000  }
0x4e: {  	[sflag:s17] =	ssyncset.done $0x0  }
0x4f: {  	[sflag:s17] =	ssyncadd.s32 $0xFFFFE000  }
0x50: {  	[bflag:$0x0] =	sbarrier.arrive $0xFFFF  }
0x51: {  	_ =	swait.ge [sflag:s18], $0x400  }
0x52: {  	[sflag:s18] =	ssyncset.done $0x0  }
0x53: {  	[sflag:s18] =	ssyncadd.s32 $0xFFFFFC00  }
0x54: {  	[tilespmem:s16], [sflag:$0x3] =	stream.indirect.gather [hbm4b:s4+s19], $0x40, s19, s19, $0xb8;
	[tilespmem:$0xE800] =	vst v63  }
0x55: {  	s12 =	simm.s32 $0x0;
	s13 =	rddreg [dreg:$0x9]  }
0x56: {  	[tilespmem:s20], [sflag:$0x2] =	stream.linear.gather [hbm4b:s13+s12], $0x400, $0x38;
	[tilespmem:$0xE800] =	vst v63  }
.LBB2_4:
0x57: {  	[tilespmem:s22], [sflag:$0x4] =	stream.indirect.gather [hbm4b:s4+s19], $0x40, s21, s19, $0xb8;
	[tilespmem:$0xE800] =	vst v63  }
0x58: {  	_ =	swait.ge [sflag:s17], $0x2000  }
0x59: {  	[sflag:s17] =	ssyncset.done $0x0  }
0x5a: {  	[sflag:s17] =	ssyncadd.s32 $0xFFFFE000  }
0x5b: {  	[spmem:s2] =	stream.indirect.scatter.add.f32 [tilespmem:s16], [sflag:$0x5], $0x40, s3, s19, $0xb8;
	[tilespmem:$0xE800] =	vst v63  }
0x5c: {  	_ =	swait.ge [sflag:s23], $0x2000  }
0x5d: {  	[sflag:s23] =	ssyncset.done $0x0  }
0x5e: {  	[sflag:s23] =	ssyncadd.s32 $0xFFFFE000  }
0x5f: {  	[tilespmem:s16], [sflag:$0x3] =	stream.indirect.gather [hbm4b:s4+s19], $0x40, s24, s19, $0xb8;
	[tilespmem:$0xE800] =	vst v63  }
0x60: {  	_ =	swait.ge [sflag:s25], $0x2000  }
0x61: {  	[sflag:s25] =	ssyncset.done $0x0  }
0x62: {  	[sflag:s25] =	ssyncadd.s32 $0xFFFFE000  }
0x63: {  	[spmem:s2] =	stream.indirect.scatter.add.f32 [tilespmem:s22], [sflag:$0x5], $0x40, s26, s19, $0xb8;
	[tilespmem:$0xE800] =	vst v63  }
0x64: {  	_ =	swait.ge [sflag:s23], $0x2000  }
0x65: {  	[sflag:s23] =	ssyncset.done $0x0  }
0x66: {  	[sflag:s23] =	ssyncadd.s32 $0xFFFFE000  }
0x67: {  	[tilespmem:s22], [sflag:$0x4] =	stream.indirect.gather [hbm4b:s4+s19], $0x40, s28, s19, $0xb8;
	[tilespmem:$0xE800] =	vst v63  }
0x68: {  	_ =	swait.ge [sflag:s17], $0x2000  }
0x69: {  	[sflag:s17] =	ssyncset.done $0x0  }
0x6a: {  	[sflag:s17] =	ssyncadd.s32 $0xFFFFE000  }
0x6b: {  	[spmem:s2] =	stream.indirect.scatter.add.f32 [tilespmem:s16], [sflag:$0x5], $0x40, s29, s19, $0xb8;
	[tilespmem:$0xE800] =	vst v63  }
0x6c: {  	_ =	swait.ge [sflag:s23], $0x2000  }
0x6d: {  	[sflag:s23] =	ssyncset.done $0x0  }
0x6e: {  	[sflag:s23] =	ssyncadd.s32 $0xFFFFE000  }
0x6f: {  	_ =	swait.ge [sflag:s30], $0x400  }
0x70: {  	[sflag:s30] =	ssyncset.done $0x0  }
0x71: {  	[sflag:s30] =	ssyncadd.s32 $0xFFFFFC00  }
0x72: {  	[tilespmem:s16], [sflag:$0x3] =	stream.indirect.gather [hbm4b:s4+s19], $0x40, s31, s19, $0xb8;
	[tilespmem:$0xE800] =	vst v63  }
0x73: {  	_ =	swait.ge [sflag:s25], $0x2000  }
0x74: {  	[sflag:s25] =	ssyncset.done $0x0  }
0x75: {  	[sflag:s25] =	ssyncadd.s32 $0xFFFFE000  }
0x76: {  	[spmem:s2] =	stream.indirect.scatter.add.f32 [tilespmem:s22], [sflag:$0x5], $0x40, s1, s19, $0xb8;
	[tilespmem:$0xE800] =	vst v63  }
0x77: {  	_ =	swait.ge [sflag:s23], $0x2000  }
0x78: {  	p0 =	seq.s32 s12, $0x900;
	[sflag:s23] =	ssyncset.done $0x0  }
0x79: {  	s6 =	sadd.s32 @!p0 s12, s15;
	s13 =	simm.s32 @!p0 $0x0;
	[sflag:s23] =	ssyncadd.s32 $0xFFFFE000  }
0x7a: {  	[tilespmem:s13], [sflag:$0x1] =	stream.linear.gather @!p0 [hbm4b:s6+s13], $0x400, $0x38;
	[tilespmem:$0xE800] =	vst v63  }
0x7b: {  	_ = 	snop  }
0x7c: {  	[tilespmem:s22], [sflag:$0x4] =	stream.indirect.gather [hbm4b:s4+s19], $0x40, s0, s19, $0xb8;
	[tilespmem:$0xE800] =	vst v63  }
0x7d: {  	_ =	swait.ge [sflag:s17], $0x2000  }
0x7e: {  	[sflag:s17] =	ssyncset.done $0x0  }
0x7f: {  	[sflag:s17] =	ssyncadd.s32 $0xFFFFE000  }
0x80: {  	[spmem:s2] =	stream.indirect.scatter.add.f32 [tilespmem:s16], [sflag:$0x5], $0x40, s20, s19, $0xb8;
	[tilespmem:$0xE800] =	vst v63  }
0x81: {  	_ =	swait.ge [sflag:s23], $0x2000  }
0x82: {  	[sflag:s23] =	ssyncset.done $0x0  }
0x83: {  	[sflag:s23] =	ssyncadd.s32 $0xFFFFE000  }
0x84: {  	[tilespmem:s16], [sflag:$0x3] =	stream.indirect.gather [hbm4b:s4+s19], $0x40, s7, s19, $0xb8;
	[tilespmem:$0xE800] =	vst v63  }
0x85: {  	_ =	swait.ge [sflag:s25], $0x2000  }
0x86: {  	[sflag:s25] =	ssyncset.done $0x0  }
0x87: {  	[sflag:s25] =	ssyncadd.s32 $0xFFFFE000  }
0x88: {  	[spmem:s2] =	stream.indirect.scatter.add.f32 [tilespmem:s22], [sflag:$0x5], $0x40, s8, s19, $0xb8;
	[tilespmem:$0xE800] =	vst v63  }
0x89: {  	_ =	swait.ge [sflag:s23], $0x2000  }
0x8a: {  	[sflag:s23] =	ssyncset.done $0x0  }
0x8b: {  	[sflag:s23] =	ssyncadd.s32 $0xFFFFE000  }
0x8c: {  	[tilespmem:s22], [sflag:$0x4] =	stream.indirect.gather [hbm4b:s4+s19], $0x40, s9, s19, $0xb8;
	[tilespmem:$0xE800] =	vst v63  }
0x8d: {  	_ =	swait.ge [sflag:s17], $0x2000  }
0x8e: {  	[sflag:s17] =	ssyncset.done $0x0  }
.Ltmp3:
0x8f: {  	[sflag:s17] =	ssyncadd.s32 $0xFFFFE000;
	(pc) =	sbr.rel @p0 .LBB2_6-.Ltmp3, $4  }
0x90: {  	[spmem:s2] =	stream.indirect.scatter.add.f32 [tilespmem:s16], [sflag:$0x5], $0x40, s10, s19, $0xb8;
	[tilespmem:$0xE800] =	vst v63  }
0x91: {  	_ =	swait.ge [sflag:s23], $0x2000  }
0x92: {  	[sflag:s23] =	ssyncset.done $0x0  }
0x93: {  	[sflag:s23] =	ssyncadd.s32 $0xFFFFE000  }
0x94: {  	_ =	swait.ge [sflag:s18], $0x400  }
0x95: {  	[sflag:s18] =	ssyncset.done $0x0  }
0x96: {  	[sflag:s18] =	ssyncadd.s32 $0xFFFFFC00  }
0x97: {  	[tilespmem:s16], [sflag:$0x3] =	stream.indirect.gather [hbm4b:s4+s19], $0x40, s19, s19, $0xb8;
	[tilespmem:$0xE800] =	vst v63  }
0x98: {  	_ =	swait.ge [sflag:s25], $0x2000  }
0x99: {  	[sflag:s25] =	ssyncset.done $0x0  }
0x9a: {  	[sflag:s25] =	ssyncadd.s32 $0xFFFFE000  }
0x9b: {  	[spmem:s2] =	stream.indirect.scatter.add.f32 [tilespmem:s22], [sflag:$0x5], $0x40, s5, s19, $0xb8;
	[tilespmem:$0xE800] =	vst v63  }
.Ltmp4:
0x9c: {  	_ = 	snop;
	(pc) =	sbr.rel .LBB2_4-.Ltmp4, $4  }
0x9d: {  	_ =	swait.ge [sflag:s23], $0x2000  }
0x9e: {  	[sflag:s23] =	ssyncset.done $0x0  }
0x9f: {  	s6 =	sadd.s32 s12, s14;
	s12 =	sadd.s32 $0x100, s12;
	[sflag:s23] =	ssyncadd.s32 $0xFFFFE000  }
0xa0: {  	[tilespmem:s20], [sflag:$0x2] =	stream.linear.gather [hbm4b:s6+s3], $0x400, $0x38;
	[tilespmem:$0xE800] =	vst v63  }
.LBB2_7:
0xa1: {  	_ =	sfence.sel $0x180000  }
0xa2: {  	[bflag:$0x0] =	sbarrier.arrive $0xFFFF  }
0xa3: {  	_ =	strace $0x9000004D  }
0xa4: {  	s0 =	stileid.u32;
	[bflag:$0x2] =	sbarrier.arrive $0xFFFF  }
0xa5: {  	p0 =	sne.s32 s0, $0x0;
	s0 =	rddreg [dreg:$0x2]  }
0xa6: {  	s0 =	sadd.s32 @!p0 $0x100000, s0  }
0xa7: {  	[sflag:s0] =	ssyncadd.tile.s32 @!p0 $0x1;
	_ =	shalt  }
.Lfunc_end2:
_tile_overlayer_lowered:
.L_overlay_start_2:
0xa8: {  	(tag) =	ssettag $0x2  }
0xa9: {  	s0 =	rddreg [dreg:$0x0];
	s2 =	stileid.u32  }
0xaa: {  	s1 =	rddreg [dreg:$0x1];
	p0 =	sne.s32 s2, $0x0  }
0xab: {  	s3 =	rddreg [dreg:$0x2];
	[bflag:$0x3] =	sbarrier.arrive $0xFFFF;
	s2 =	simm.s32 @!p0 $0x1C05  }
0xac: {  	[timem:s3], [sflag:s2] =	dma.local @!p0 [hbm:s0], s1  }
0xad: {  	s0 =	simm.s32 @!p0 $0x5  }
0xae: {  	_ =	swait.ge @!p0 [sflag:s0], s1  }
0xaf: {  	s1 =	ssub.s32 @!p0 $0x0, s1;
	[sflag:s0] =	ssyncset.done @!p0 $0x0  }
0xb0: {  	[sflag:s0] =	ssyncadd.s32 @!p0 s1  }
0xb1: {  	[bflag:$0x3] =	sbarrier.arrive $0xFFFF  }
0xb2: {  	_ =	shalt  }

// kernel: kernel.19.cloned.1.call-start
scs
__scs_entry_jumppad:
0x0: {  	(pc) =	sbr.rel $0x88, $3  }
0x1: {  	(tag) =	ssettag $0x0;
	lr =	simm.s32 $0x1  }
0x2: {  	[smem:$0x3F96] =	sst lr;
	_ =	strace $0xD0000000  }
0x3: {  	_ = 	snop  }
0x4: {  	_ = 	snop  }
0x5: {  	_ = 	snop  }
0x6: {  	_ = 	snop  }
0x7: {  	_ = 	snop  }
__scs_overlays_trampoline_lowered:
0x8: {  	[smem:$0x3FA5] =	sst s0  }
0x9: {  	[smem:$0x3FA6] =	sst s1  }
0xa: {  	[smem:$0x3FA7] =	sst s2  }
0xb: {  	[smem:$0x3FA8] =	sst s3  }
0xc: {  	[smem:$0x3FA9] =	sst s4  }
0xd: {  	[smem:$0x3FAA] =	sst s5  }
0xe: {  	[smem:$0x3FAB] =	sst s6  }
0xf: {  	[smem:$0x3FAC] =	sst s7  }
0x10: {  	[smem:$0x3FAD] =	sst s8  }
0x11: {  	[smem:$0x3FAE] =	sst s9;
	s0 =	simm.s32 @!p0 $0x0  }
0x12: {  	s1 =	sld [smem:$0x3F94];
	s0 =	simm.s32 @p0 $0x1  }
0x13: {  	[smem:$0x3FAF] =	sst s0;
	s0 =	simm.s32 @!p1 $0x0  }
0x14: {  	s2 =	sld [smem:$0x3F93];
	s0 =	simm.s32 @p1 $0x1  }
0x15: {  	[smem:$0x3FB0] =	sst s0;
	s0 =	simm.s32 @!p2 $0x0  }
0x16: {  	s3 =	sld [smem:$0x3FDB];
	s0 =	simm.s32 @p2 $0x1  }
0x17: {  	s4 =	simm.s32 $0x1BF5;
	[smem:$0x3FB2] =	sst s0  }
0x18: {  	s0 =	sld [smem:$0x3F95];
	_ =	swait.ge [sflag:s4], $0x0  }
0x19: {  	s7 =	sld [smem:$0x3F96]  }
0x1a: {  	s8 =	sadd.s32 $0xFFFFE003, lr  }
0x1b: {  	s9 =	sadd.s32 $0xFFFFFEF7, lr;
	s5 =	simm.s32 $0xFFFFFFFF;
	p2 =	slt.u32 s8, $0xFFFFF086  }
0x1c: {  	p1 =	slt.u32 s9, $0xF7A;
	s5 =	simm.s32 @!p2 $0x0  }
0x1d: {  	s5 =	simm.s32 @p1 $0x1;
	p0 =	seq.s32 s7, s2  }
0x1e: {  	s7 =	smul.u32 @!p0 $0xF7A, s2;
	p2 =	seq.s32 @!p0 s5, $0x0  }
0x1f: {  	s9 =	smul.u32 $0xF7A, s1;
	s8 =	simm.s32 @!p0 $0x1BF5;
	p2 =	por !p2, p0  }
0x20: {  	[sflag:s8] =	ssyncset.s32 @!p0 $0xFFFFF086;
	s6 =	sadd.s32 @!p0 s3, s7;
	s7 =	simm.s32 @!p0 $0x108  }
0x21: {  	s3 =	sadd.s32 s3, s9;
	s6 =	sadd.s32 @!p0 $0x88, s6;
	s7 =	simm.s32 @p2 $0x1082  }
0x22: {  	[simem:s7], [sflag:s8] =	dma.local @!p0 [hbm:s6], $0xF7A  }
0x23: {  	s9 =	sor.u32 $0xD0000000, s2;
	s6 =	simm.s32 $0x108;
	_ =	swait.ge @!p0 [sflag:s8], $0x0  }
0x24: {  	s3 =	sadd.s32 $0x88, s3;
	s6 =	simm.s32 @!p1 $0x1082;
	[sflag:s4] =	ssyncset.s32 $0xFFFFF086  }
0x25: {  	[simem:s6], [sflag:s4] =	dma.local [hbm:s3], $0xF7A  }
0x26: {  	[smem:$0x3F96] =	sst s1;
	(tag) =	ssettag s2;
	_ =	strace s9  }
0x27: {  	s1 =	sld [smem:$0x3FA6]  }
0x28: {  	s2 =	sld [smem:$0x3FA7]  }
0x29: {  	s4 =	sld [smem:$0x3FA9]  }
0x2a: {  	p0 =	seq.s32 s5, $0x0;
	s5 =	sld [smem:$0x3FAA]  }
0x2b: {  	s6 =	sld [smem:$0x3FAB]  }
0x2c: {  	s7 =	sld [smem:$0x3FAC]  }
0x2d: {  	s3 =	simm.s32 $0x108;
	s8 =	sld [smem:$0x3FAD]  }
0x2e: {  	s3 =	simm.s32 @!p0 $0x1082;
	s9 =	sld [smem:$0x3FAE]  }
0x2f: {  	lr =	sadd.s32 s0, s3;
	s0 =	sld [smem:$0x3FA5]  }
0x30: {  	s3 =	sld [smem:$0x3FA8]  }
0x31: {  	[smem:$0x3FB1] =	sst s10  }
0x32: {  	s10 =	sld [smem:$0x3FAF];
	_ =	sdelay $0x3  }
0x33: {  	p0 =	seq.s32 s10, $0x1;
	s10 =	sld [smem:$0x3FB1];
	_ =	sdelay $0x3  }
0x34: {  	[smem:$0x3FB1] =	sst s10  }
0x35: {  	s10 =	sld [smem:$0x3FB0];
	_ =	sdelay $0x3  }
0x36: {  	p1 =	seq.s32 s10, $0x1;
	s10 =	sld [smem:$0x3FB1];
	_ =	sdelay $0x3  }
0x37: {  	[smem:$0x3FB1] =	sst s10  }
0x38: {  	s10 =	sld [smem:$0x3FB2]  }
0x39: {  	_ = 	snop;
	(pc) =	sbr.ind lr, $3  }
0x3a: {  	_ = 	snop  }
0x3b: {  	_ = 	snop  }
0x3c: {  	p2 =	seq.s32 s10, $0x1;
	s10 =	sld [smem:$0x3FB1]  }
0x3d: {  	_ =	shalt  }
0x3e: {  	_ =	shalt  }
0x3f: {  	_ =	shalt  }
0x40: {  	_ =	shalt  }
0x41: {  	_ =	shalt  }
0x42: {  	_ =	shalt  }
0x43: {  	_ =	shalt  }
0x44: {  	_ =	shalt  }
0x45: {  	_ =	shalt  }
0x46: {  	_ =	shalt  }
0x47: {  	_ =	shalt  }
0x48: {  	_ =	shalt  }
0x49: {  	_ =	shalt  }
0x4a: {  	_ =	shalt  }
0x4b: {  	_ =	shalt  }
0x4c: {  	_ =	shalt  }
0x4d: {  	_ =	shalt  }
0x4e: {  	_ =	shalt  }
0x4f: {  	_ =	shalt  }
0x50: {  	_ =	shalt  }
0x51: {  	_ =	shalt  }
0x52: {  	_ =	shalt  }
0x53: {  	_ =	shalt  }
0x54: {  	_ =	shalt  }
0x55: {  	_ =	shalt  }
0x56: {  	_ =	shalt  }
0x57: {  	_ =	shalt  }
0x58: {  	_ =	shalt  }
0x59: {  	_ =	shalt  }
0x5a: {  	_ =	shalt  }
0x5b: {  	_ =	shalt  }
0x5c: {  	_ =	shalt  }
0x5d: {  	_ =	shalt  }
0x5e: {  	_ =	shalt  }
0x5f: {  	_ =	shalt  }
0x60: {  	_ =	shalt  }
0x61: {  	_ =	shalt  }
0x62: {  	_ =	shalt  }
0x63: {  	_ =	shalt  }
0x64: {  	_ =	shalt  }
0x65: {  	_ =	shalt  }
0x66: {  	_ =	shalt  }
0x67: {  	_ =	shalt  }
0x68: {  	_ =	shalt  }
0x69: {  	_ =	shalt  }
0x6a: {  	_ =	shalt  }
0x6b: {  	_ =	shalt  }
0x6c: {  	_ =	shalt  }
0x6d: {  	_ =	shalt  }
0x6e: {  	_ =	shalt  }
0x6f: {  	_ =	shalt  }
0x70: {  	_ =	shalt  }
0x71: {  	_ =	shalt  }
0x72: {  	_ =	shalt  }
0x73: {  	_ =	shalt  }
0x74: {  	_ =	shalt  }
0x75: {  	_ =	shalt  }
0x76: {  	_ =	shalt  }
0x77: {  	_ =	shalt  }
0x78: {  	_ =	shalt  }
0x79: {  	_ =	shalt  }
0x7a: {  	_ =	shalt  }
0x7b: {  	_ =	shalt  }
0x7c: {  	_ =	shalt  }
0x7d: {  	_ =	shalt  }
0x7e: {  	_ =	shalt  }
0x7f: {  	_ =	shalt  }
0x80: {  	_ =	shalt  }
0x81: {  	_ =	shalt  }
0x82: {  	_ =	shalt  }
0x83: {  	_ =	shalt  }
0x84: {  	_ =	shalt  }
0x85: {  	_ =	shalt  }
0x86: {  	_ =	shalt  }
0x87: {  	_ =	shalt  }
.Lfunc_end0:
.L_simem_size_0:
called_computation.3_lowered:
.L_overlay_start_0:
0x88: {  	s2 =	sld [smem:$0x3FD9]  }
0x89: {  	s3 =	sld [smem:$0x3FFE];
	_ =	sdelay $0x1  }
0x8a: {  	s1 =	srdreg.scid  }
0x8b: {  	s0 =	sand.u32 $0x1, s1  }
0x8c: {  	s17 =	sshll.u32 s0, $0xA;
	s2 =	sadd.s32 s3, s2  }
0x8d: {  	s2 =	sadd.s32 s2, s17  }
0x8e: {  	[smem:$0x3FBD] =	sst s2  }
0x8f: {  	_ = 	snop  }
0x90: {  	(tm) =	ssettm $0x1  }
0x91: {  	s18 =	sld [smem:$0x3FFB];
	_ =	sdelay $0x3  }
0x92: {  	_ =	strace s18  }
0x93: {  	s2 =	sld [smem:$0x3FFC];
	_ =	sdelay $0x3  }
0x94: {  	_ =	strace s2  }
0x95: {  	s2 =	sld [smem:$0x3FFD];
	_ =	sdelay $0x3  }
0x96: {  	_ =	strace s2  }
0x97: {  	_ =	strace $0x8FFFFFFF  }
0x98: {  	s19 =	sld [smem:$0x3FDB];
	_ =	sdelay $0x1  }
0x99: {  	s20 =	simm.s32 $_scs_section_size  }
0x9a: {  	s4 =	simm.s32 $_size__tile_overlayer_lowered;
	s5 =	simm.s32 $_tile_overlayer_lowered  }
0x9b: {  	s6 =	simm.s32 $0x1BFF;
	s21 =	sshll.u32 s5, $0x1;
	s3 =	sadd.s32 s20, s19  }
0x9c: {  	s22 =	simm.s32 $0x0;
	s4 =	sshll.u32 s4, $0x1;
	s5 =	sadd.s32 s21, s3  }
0x9d: {  	[timem:s22], [sflag:s6] =	dma.local [hbm:s5], s4  }
0x9e: {  	_ =	swait.ge [sflag:s6], s4  }
0x9f: {  	s4 =	ssub.s32 $0x0, s4;
	[sflag:s6] =	ssyncset.done $0x0  }
0xa0: {  	[sflag:s6] =	ssyncadd.s32 s4;
	_ =	sdelay $0x1  }
0xa1: {  	s23 =	simm.s32 $0x1B8B  }
0xa2: {  	_ =	swait.ge [sflag:s23], $0x1  }
0xa3: {  	[sflag:s23] =	ssyncset.done $0x0  }
0xa4: {  	[sflag:s23] =	ssyncadd.s32 $0xFFFFFFFF  }
0xa5: {  	s4 =	sld [smem:$0x0]  }
0xa6: {  	s5 =	sand.u32 $0xFFFFFFFE, s1  }
0xa7: {  	p0 =	sne.s32 s1, s5  }
0xa8: {  	s5 =	sshll.u32 @p0 s5, $0xE  }
0xa9: {  	s5 =	sadd.s32 @p0 $0x11B8D, s5;
	s6 =	sshll.u32 @p0 s4, $0x11  }
0xaa: {  	s5 =	sor.u32 @p0 s6, s5  }
0xab: {  	[sflag:s5] =	ssyncadd.remote.s32 @p0 $0x1;
	_ =	sdelay $0x1  }
0xac: {  	s5 =	simm.s32 @p0 $0x1B8D  }
0xad: {  	_ =	swait.eq @p0 [sflag:s5], $0x1  }
0xae: {  	[sflag:s5] =	ssyncadd.s32 @p0 $0xFFFFFFFF  }
0xaf: {  	s6 =	sshll.u32 @!p0 s1, $0xE  }
0xb0: {  	s6 =	sor.u32 @!p0 $0x4000, s6;
	s5 =	simm.s32 @!p0 $0x1B8D  }
0xb1: {  	s4 =	sshll.u32 @!p0 s4, $0x11;
	s6 =	sadd.s32 @!p0 $0x11B8D, s6;
	_ =	swait.eq @!p0 [sflag:s5], $0x1  }
0xb2: {  	s4 =	sor.u32 @!p0 s4, s6;
	[sflag:s5] =	ssyncadd.s32 @!p0 $0xFFFFFFFF  }
0xb3: {  	s25 =	simm.s32 $0x1B8E;
	s24 =	sld [smem:$0x3FFE];
	[sflag:s4] =	ssyncadd.remote.s32 @!p0 $0x1  }
0xb4: {  	s26 =	simm.s32 $execute0_lowered;
	[smem:$0x3FD2] =	sst s25  }
0xb5: {  	s5 =	sshll.u32 s26, $0x1;
	_ =	strace $0x8000004F;
	[dreg:$0x1] =	wrdreg $0xFFFFFFFF  }
0xb6: {  	s28 =	simm.s32 $_size_execute0_lowered;
	s3 =	sadd.s32 s3, s5;
	[dreg:$0x0] =	wrdreg $0x0  }
0xb7: {  	s5 =	sshll.u32 s28, $0x1;
	[dreg:$0x2] =	wrdreg s3  }
0xb8: {  	[dreg:$0x3] =	wrdreg s5  }
0xb9: {  	[dreg:$0x4] =	wrdreg $0xC0  }
0xba: {  	_ =	task [dreg:s22], $0x5FFFF  }
0xbb: {  	[dreg:$0x1] =	wrdreg $0xFFFFFFFF  }
0xbc: {  	[dreg:$0x0] =	wrdreg $0x60  }
0xbd: {  	[dreg:$0x2] =	wrdreg s24  }
0xbe: {  	[dreg:$0x3] =	wrdreg $0x88000  }
0xbf: {  	[dreg:$0x4] =	wrdreg $0xA  }
0xc0: {  	_ =	task.clear_ibuf [dreg:s22], $0x5FFFF;
	_ =	strace $0x9000004F  }
0xc1: {  	s29 =	simm.s32 $0xA;
	_ =	strace $0x80000051  }
0xc2: {  	_ =	swait.ge [sflag:s29], $0x1  }
0xc3: {  	[sflag:s29] =	ssyncadd.s32 $0xFFFFFFFF  }
0xc4: {  	_ =	strace $0x90000051  }
0xc5: {  	_ =	sfence  }
0xc6: {  	s30 =	sld [smem:$0x0];
	_ =	sdelay $0x2  }
0xc7: {  	s31 =	sshll.u32 s1, $0xD;
	s1 =	sshrl.u32 s1, $0x2  }
0xc8: {  	s4 =	sand.u32 $0x4000, s31;
	s1 =	sadd.s32 s1, s30  }
0xc9: {  	s0 =	sor.u32 s4, s0;
	s1 =	sshll.u32 s1, $0x11  }
0xca: {  	s0 =	sor.u32 s1, s0  }
0xcb: {  	s0 =	sadd.s32 $0x8F2B, s0  }
0xcc: {  	[sflag:s0] =	ssyncadd.remote.s32 $0x1  }
0xcd: {  	_ =	sfence.sel $0xFFFF  }
0xce: {  	[dreg:$0x0] =	wrdreg $0xFFFFFFFF;
	(pc) =	sbr.abs _section_cstart, $3  }
0xcf: {  	[dreg:$0x1] =	wrdreg $0xFFFFFFFF  }
0xd0: {  	_ =	task.clear_ibuf [dreg:s22], $0x2FFFF;
	_ =	strace $0x9FFFFFFF  }
0xd1: {  	(tm) =	ssettm $0x7FFFFFFF  }
tec
execute0_lowered:
.L_overlay_start_1:
0x0: {  	(tag) =	ssettag $0x1  }
0x1: {  	s0 =	rddreg [dreg:$0x0];
	s1 =	srdreg.scid  }
0x2: {  	s11 =	stileid.u32;
	s2 =	rddreg [dreg:$0x1]  }
0x3: {  	s3 =	simm.s32 $0x0;
	s28 =	simm.s32 $0x300;
	s29 =	simm.s32 $0x280  }
0x4: {  	s30 =	simm.s32 $0x2;
	s31 =	simm.s32 $0x380;
	s5 =	smul.u32 $0x14000, s11  }
0x5: {  	s1 =	sand.u32 $0x1, s1;
	[smem:$0x7FF] =	sst s3;
	s10 =	smul.u32 $0x50000, s11  }
0x6: {  	s4 =	sadd.s32 $0x54600, s0;
	s7 =	sadd.s32 $0x40600, s0;
	s6 =	smul.u32 $0x140000, s1  }
0x7: {  	_ =	strace $0x80000050;
	s8 =	sshll.u32 s1, $0x4;
	s9 =	ssub.s32 $0x2, s1  }
0x8: {  	s1 =	smul.u32 $0x50000, s1;
	s8 =	sor.u32 s11, s8;
	s15 =	sshrl.u32 s9, $0x1  }
0x9: {  	s16 =	sshrl.u32 s10, $0x2;
	s11 =	smul.u32 $0x5000, s11;
	s6 =	sadd.s32 s5, s6  }
0xa: {  	s8 =	smul.u32 $0x5000, s8;
	s9 =	ssub.s32 s9, s15;
	s10 =	sadd.s32 s16, s2  }
0xb: {  	s5 =	sadd.s32 s5, s2;
	s16 =	simm.s32 $0x800;
	s6 =	sshrl.u32 s6, $0x3  }
0xc: {  	[dreg:$0x4] =	wrdreg s5;
	s18 =	sadd.s32 $0x4000, s10;
	s19 =	sadd.s32 $0x8000, s10  }
0xd: {  	s20 =	sadd.s32 $0xC000, s10;
	s1 =	sadd.s32 s11, s1;
	s21 =	sadd.s32 $0x10000, s10  }
0xe: {  	s25 =	smax.u32 s9, $0x1;
	s9 =	simm.s32 $0x700;
	[dreg:$0x5] =	wrdreg s18  }
0xf: {  	s10 =	simm.s32 $0x680;
	s5 =	simm.s32 $0x780;
	[dreg:$0x6] =	wrdreg s19  }
0x10: {  	s11 =	simm.s32 $0x0;
	s0 =	sadd.s32 s6, s0;
	[dreg:$0x7] =	wrdreg s20  }
0x11: {  	s8 =	sshrl.u32 s8, $0x3;
	[dreg:$0x8] =	wrdreg s21;
	s23 =	sor.u32 $0xC00, s1  }
0x12: {  	s1 =	sor.u32 $0x800, s1;
	[dreg:$0xb] =	wrdreg s25;
	s18 =	simm.s32 $0x1  }
0x13: {  	s19 =	simm.s32 $0x80;
	s20 =	simm.s32 $0x400;
	s21 =	simm.s32 $0x100  }
0x14: {  	s25 =	simm.s32 $0x4;
	s17 =	sadd.s32 s7, s8;
	s0 =	sadd.s32 $0x7C600, s0  }
0x15: {  	s24 =	sshrl.u32 s23, $0x3;
	s26 =	sshrl.u32 s1, $0x3;
	s23 =	simm.s32 $0x5  }
.Ltmp0:
0x16: {  	s1 =	simm.s32 $0x500;
	[dreg:$0x3] =	wrdreg s17;
	(pc) =	sbr.rel .LBB2_1-.Ltmp0, $4  }
0x17: {  	s8 =	simm.s32 $0x580;
	s22 =	sadd.s32 $0x80, s17;
	[dreg:$0xa] =	wrdreg s0  }
0x18: {  	s14 =	sadd.s32 s24, s7;
	s15 =	sadd.s32 s26, s7;
	s17 =	simm.s32 $0x3  }
0x19: {  	s24 =	simm.s32 $0x200;
	s26 =	simm.s32 $0x180;
	s0 =	simm.s32 $0x480  }
0x1a: {  	v0 =	vimm.f32 $0.0e+00;
	s7 =	simm.s32 $0x600;
	[dreg:$0x9] =	wrdreg s22;
	s22 =	simm.s32 $0x4800  }
.LBB2_6:
0x1b: {  	_ =	swait.ge [sflag:s25], $0x4000  }
0x1c: {  	[sflag:s25] =	ssyncset.done $0x0  }
0x1d: {  	[sflag:s25] =	ssyncadd.s32 $0xFFFFC000  }
0x1e: {  	[spmem:s2] =	stream.indirect.scatter.add.f32 [tilespmem:s22], [sflag:$0x5], $0x80, s5, s19, $0xb8;
	[tilespmem:$0x1C800] =	vst v63  }
0x1f: {  	_ =	swait.ge [sflag:s23], $0x4000  }
0x20: {  	[sflag:s23] =	ssyncset.done $0x0  }
0x21: {  	[sflag:s23] =	ssyncadd.s32 $0xFFFFC000  }
0x22: {  	s6 =	stileid.u32;
	[bflag:$0x0] =	sbarrier.arrive $0xFFFF  }
0x23: {  	s6 =	sshll.u32 s6, $0x6;
	s12 =	rddreg [dreg:$0x4]  }
0x24: {  	s6 =	sor.u32 $0x1C05, s6;
	s13 =	rddreg [dreg:$0xa];
	s12 =	sshrl.u32 s12, $0x3  }
0x25: {  	[hbm:s13], [sflag:s6] =	dma.local [spmem:s12], $0x2800  }
0x26: {  	_ =	swait.ge [sflag:s23], $0x2800  }
0x27: {  	s11 =	sadd.s32 $0x1, s11;
	s13 =	rddreg [dreg:$0xb]  }
0x28: {  	p0 =	sne.s32 s11, s13  }
.Ltmp1:
0x29: {  	_ = 	snop;
	(pc) =	sbr.rel @!p0 .LBB2_7-.Ltmp1, $3  }
0x2a: {  	_ =	sdelay $0x1  }
0x2b: {  	[sflag:s23] =	ssyncset.done $0x0  }
0x2c: {  	[sflag:s23] =	ssyncadd.s32 $0xFFFFD800  }
.LBB2_1:
0x2d: {  	s6 =	rddreg [dreg:$0x3];
	s12 =	simm.s32 $0x0;
	s13 =	simm.s32 $0x200  }
0x2e: {  	[tilespmem:s3], [sflag:$0x1] =	stream.linear.gather [hbm4b:s6+s3], $0x400, $0x38;
	[tilespmem:$0x1C800] =	vst v63  }
.LBB2_2:
0x2f: {  	p0 =	sne.s32 s13, $0xFE00;
	[tilespmem:s12+$0x870] =	vst v0  }
0x30: {  	[tilespmem:s12+$0x800] =	vst v0  }
0x31: {  	[tilespmem:s12+$0x810] =	vst v0  }
.Ltmp2:
0x32: {  	[tilespmem:s12+$0x820] =	vst v0;
	(pc) =	sbr.rel @p0 .LBB2_2-.Ltmp2, $4  }
0x33: {  	[tilespmem:s12+$0x830] =	vst v0  }
0x34: {  	[tilespmem:s12+$0x840] =	vst v0  }
0x35: {  	[tilespmem:s12+$0x850] =	vst v0  }
0x36: {  	[tilespmem:s12+$0x860] =	vst v0;
	s12 =	sshra.s32 s13, $0x2;
	s13 =	sadd.s32 $0x200, s13  }
0x37: {  	[tilespmem:s12+$0x870] =	vst v0  }
0x38: {  	[tilespmem:s12+$0x800] =	vst v0  }
0x39: {  	[tilespmem:s12+$0x810] =	vst v0  }
0x3a: {  	[tilespmem:s12+$0x820] =	vst v0  }
0x3b: {  	[tilespmem:s12+$0x830] =	vst v0  }
0x3c: {  	[tilespmem:s12+$0x840] =	vst v0  }
0x3d: {  	[tilespmem:s12+$0x850] =	vst v0  }
0x3e: {  	[tilespmem:s12+$0x860] =	vst v0;
	s6 =	rddreg [dreg:$0x4]  }
0x3f: {  	[spmem:s6] =	stream.linear.scatter [tilespmem:s16], [sflag:$0x3], $0x4000, $0x38;
	[tilespmem:$0x1C800] =	vst v63  }
0x40: {  	s13 =	rddreg [dreg:$0x5]  }
0x41: {  	[spmem:s13] =	stream.linear.scatter [tilespmem:s16], [sflag:$0x3], $0x4000, $0x38;
	[tilespmem:$0x1C800] =	vst v63  }
0x42: {  	s12 =	rddreg [dreg:$0x6]  }
0x43: {  	[spmem:s12] =	stream.linear.scatter [tilespmem:s16], [sflag:$0x3], $0x4000, $0x38;
	[tilespmem:$0x1C800] =	vst v63  }
0x44: {  	s13 =	rddreg [dreg:$0x7]  }
0x45: {  	[spmem:s13] =	stream.linear.scatter [tilespmem:s16], [sflag:$0x3], $0x4000, $0x38;
	[tilespmem:$0x1C800] =	vst v63  }
0x46: {  	s12 =	rddreg [dreg:$0x8]  }
0x47: {  	[spmem:s12] =	stream.linear.scatter [tilespmem:s16], [sflag:$0x3], $0x4000, $0x38;
	[tilespmem:$0x1C800] =	vst v63  }
0x48: {  	_ =	swait.ge [sflag:s17], $0x4000  }
0x49: {  	[sflag:s17] =	ssyncset.done $0x0  }
0x4a: {  	[sflag:s17] =	ssyncadd.s32 $0xFFFFC000  }
0x4b: {  	_ =	swait.ge [sflag:s17], $0x4000  }
0x4c: {  	[sflag:s17] =	ssyncset.done $0x0  }
0x4d: {  	[sflag:s17] =	ssyncadd.s32 $0xFFFFC000  }
0x4e: {  	_ =	swait.ge [sflag:s17], $0x4000  }
0x4f: {  	[sflag:s17] =	ssyncset.done $0x0  }
0x50: {  	[sflag:s17] =	ssyncadd.s32 $0xFFFFC000  }
0x51: {  	_ =	swait.ge [sflag:s17], $0x4000  }
0x52: {  	[sflag:s17] =	ssyncset.done $0x0  }
0x53: {  	[sflag:s17] =	ssyncadd.s32 $0xFFFFC000  }
0x54: {  	_ =	swait.ge [sflag:s17], $0x4000  }
0x55: {  	[sflag:s17] =	ssyncset.done $0x0  }
0x56: {  	[sflag:s17] =	ssyncadd.s32 $0xFFFFC000  }
0x57: {  	[bflag:$0x0] =	sbarrier.arrive $0xFFFF  }
0x58: {  	_ =	swait.ge [sflag:s18], $0x400  }
0x59: {  	[sflag:s18] =	ssyncset.done $0x0  }
0x5a: {  	s12 =	simm.s32 $0x0;
	[sflag:s18] =	ssyncadd.s32 $0xFFFFFC00  }
0x5b: {  	[tilespmem:s16], [sflag:$0x3] =	stream.indirect.gather [hbm4b:s4+s19], $0x80, s12, s19, $0xb8;
	[tilespmem:$0x1C800] =	vst v63  }
0x5c: {  	s13 =	rddreg [dreg:$0x9]  }
0x5d: {  	[tilespmem:s20], [sflag:$0x2] =	stream.linear.gather [hbm4b:s13+s12], $0x400, $0x38;
	[tilespmem:$0x1C800] =	vst v63  }
.LBB2_4:
0x5e: {  	[tilespmem:s22], [sflag:$0x4] =	stream.indirect.gather [hbm4b:s4+s19], $0x80, s21, s19, $0xb8;
	[tilespmem:$0x1C800] =	vst v63  }
0x5f: {  	_ =	swait.ge [sflag:s17], $0x4000  }
0x60: {  	[sflag:s17] =	ssyncset.done $0x0  }
0x61: {  	[sflag:s17] =	ssyncadd.s32 $0xFFFFC000  }
0x62: {  	[spmem:s2] =	stream.indirect.scatter.add.f32 [tilespmem:s16], [sflag:$0x5], $0x80, s19, s19, $0xb8;
	[tilespmem:$0x1C800] =	vst v63  }
0x63: {  	_ =	swait.ge [sflag:s23], $0x4000  }
0x64: {  	[sflag:s23] =	ssyncset.done $0x0  }
0x65: {  	[sflag:s23] =	ssyncadd.s32 $0xFFFFC000  }
0x66: {  	[tilespmem:s16], [sflag:$0x3] =	stream.indirect.gather [hbm4b:s4+s19], $0x80, s24, s19, $0xb8;
	[tilespmem:$0x1C800] =	vst v63  }
0x67: {  	_ =	swait.ge [sflag:s25], $0x4000  }
0x68: {  	[sflag:s25] =	ssyncset.done $0x0  }
0x69: {  	[sflag:s25] =	ssyncadd.s32 $0xFFFFC000  }
0x6a: {  	[spmem:s2] =	stream.indirect.scatter.add.f32 [tilespmem:s22], [sflag:$0x5], $0x80, s26, s19, $0xb8;
	[tilespmem:$0x1C800] =	vst v63  }
0x6b: {  	_ =	swait.ge [sflag:s23], $0x4000  }
0x6c: {  	[sflag:s23] =	ssyncset.done $0x0  }
0x6d: {  	[sflag:s23] =	ssyncadd.s32 $0xFFFFC000  }
0x6e: {  	[tilespmem:s22], [sflag:$0x4] =	stream.indirect.gather [hbm4b:s4+s19], $0x80, s28, s19, $0xb8;
	[tilespmem:$0x1C800] =	vst v63  }
0x6f: {  	_ =	swait.ge [sflag:s17], $0x4000  }
0x70: {  	[sflag:s17] =	ssyncset.done $0x0  }
0x71: {  	[sflag:s17] =	ssyncadd.s32 $0xFFFFC000  }
0x72: {  	[spmem:s2] =	stream.indirect.scatter.add.f32 [tilespmem:s16], [sflag:$0x5], $0x80, s29, s19, $0xb8;
	[tilespmem:$0x1C800] =	vst v63  }
0x73: {  	_ =	swait.ge [sflag:s23], $0x4000  }
0x74: {  	[sflag:s23] =	ssyncset.done $0x0  }
0x75: {  	[sflag:s23] =	ssyncadd.s32 $0xFFFFC000  }
0x76: {  	_ =	swait.ge [sflag:s30], $0x400  }
0x77: {  	[sflag:s30] =	ssyncset.done $0x0  }
0x78: {  	[sflag:s30] =	ssyncadd.s32 $0xFFFFFC00  }
0x79: {  	[tilespmem:s16], [sflag:$0x3] =	stream.indirect.gather [hbm4b:s4+s19], $0x80, s20, s19, $0xb8;
	[tilespmem:$0x1C800] =	vst v63  }
0x7a: {  	_ =	swait.ge [sflag:s25], $0x4000  }
0x7b: {  	[sflag:s25] =	ssyncset.done $0x0  }
0x7c: {  	[sflag:s25] =	ssyncadd.s32 $0xFFFFC000  }
0x7d: {  	[spmem:s2] =	stream.indirect.scatter.add.f32 [tilespmem:s22], [sflag:$0x5], $0x80, s31, s19, $0xb8;
	[tilespmem:$0x1C800] =	vst v63  }
0x7e: {  	_ =	swait.ge [sflag:s23], $0x4000  }
0x7f: {  	p0 =	seq.s32 s12, $0x900;
	[sflag:s23] =	ssyncset.done $0x0  }
0x80: {  	s13 =	sadd.s32 @!p0 s12, s15;
	s6 =	simm.s32 @!p0 $0x0;
	[sflag:s23] =	ssyncadd.s32 $0xFFFFC000  }
0x81: {  	[tilespmem:s6], [sflag:$0x1] =	stream.linear.gather @!p0 [hbm4b:s13+s6], $0x400, $0x38;
	[tilespmem:$0x1C800] =	vst v63  }
0x82: {  	_ = 	snop  }
0x83: {  	[tilespmem:s22], [sflag:$0x4] =	stream.indirect.gather [hbm4b:s4+s19], $0x80, s1, s19, $0xb8;
	[tilespmem:$0x1C800] =	vst v63  }
0x84: {  	_ =	swait.ge [sflag:s17], $0x4000  }
0x85: {  	[sflag:s17] =	ssyncset.done $0x0  }
0x86: {  	[sflag:s17] =	ssyncadd.s32 $0xFFFFC000  }
0x87: {  	[spmem:s2] =	stream.indirect.scatter.add.f32 [tilespmem:s16], [sflag:$0x5], $0x80, s0, s19, $0xb8;
	[tilespmem:$0x1C800] =	vst v63  }
0x88: {  	_ =	swait.ge [sflag:s23], $0x4000  }
0x89: {  	[sflag:s23] =	ssyncset.done $0x0  }
0x8a: {  	[sflag:s23] =	ssyncadd.s32 $0xFFFFC000  }
0x8b: {  	[tilespmem:s16], [sflag:$0x3] =	stream.indirect.gather [hbm4b:s4+s19], $0x80, s7, s19, $0xb8;
	[tilespmem:$0x1C800] =	vst v63  }
0x8c: {  	_ =	swait.ge [sflag:s25], $0x4000  }
0x8d: {  	[sflag:s25] =	ssyncset.done $0x0  }
0x8e: {  	[sflag:s25] =	ssyncadd.s32 $0xFFFFC000  }
0x8f: {  	[spmem:s2] =	stream.indirect.scatter.add.f32 [tilespmem:s22], [sflag:$0x5], $0x80, s8, s19, $0xb8;
	[tilespmem:$0x1C800] =	vst v63  }
0x90: {  	_ =	swait.ge [sflag:s23], $0x4000  }
0x91: {  	[sflag:s23] =	ssyncset.done $0x0  }
0x92: {  	[sflag:s23] =	ssyncadd.s32 $0xFFFFC000  }
0x93: {  	[tilespmem:s22], [sflag:$0x4] =	stream.indirect.gather [hbm4b:s4+s19], $0x80, s9, s19, $0xb8;
	[tilespmem:$0x1C800] =	vst v63  }
0x94: {  	_ =	swait.ge [sflag:s17], $0x4000  }
0x95: {  	[sflag:s17] =	ssyncset.done $0x0  }
.Ltmp3:
0x96: {  	[sflag:s17] =	ssyncadd.s32 $0xFFFFC000;
	(pc) =	sbr.rel @p0 .LBB2_6-.Ltmp3, $4  }
0x97: {  	[spmem:s2] =	stream.indirect.scatter.add.f32 [tilespmem:s16], [sflag:$0x5], $0x80, s10, s19, $0xb8;
	[tilespmem:$0x1C800] =	vst v63  }
0x98: {  	_ =	swait.ge [sflag:s23], $0x4000  }
0x99: {  	[sflag:s23] =	ssyncset.done $0x0  }
0x9a: {  	[sflag:s23] =	ssyncadd.s32 $0xFFFFC000  }
0x9b: {  	_ =	swait.ge [sflag:s18], $0x400  }
0x9c: {  	[sflag:s18] =	ssyncset.done $0x0  }
0x9d: {  	[sflag:s18] =	ssyncadd.s32 $0xFFFFFC00  }
0x9e: {  	[tilespmem:s16], [sflag:$0x3] =	stream.indirect.gather [hbm4b:s4+s19], $0x80, s3, s19, $0xb8;
	[tilespmem:$0x1C800] =	vst v63  }
0x9f: {  	_ =	swait.ge [sflag:s25], $0x4000  }
0xa0: {  	[sflag:s25] =	ssyncset.done $0x0  }
0xa1: {  	[sflag:s25] =	ssyncadd.s32 $0xFFFFC000  }
0xa2: {  	[spmem:s2] =	stream.indirect.scatter.add.f32 [tilespmem:s22], [sflag:$0x5], $0x80, s5, s19, $0xb8;
	[tilespmem:$0x1C800] =	vst v63  }
.Ltmp4:
0xa3: {  	_ = 	snop;
	(pc) =	sbr.rel .LBB2_4-.Ltmp4, $4  }
0xa4: {  	_ =	swait.ge [sflag:s23], $0x4000  }
0xa5: {  	[sflag:s23] =	ssyncset.done $0x0  }
0xa6: {  	s6 =	sadd.s32 s12, s14;
	s12 =	sadd.s32 $0x100, s12;
	[sflag:s23] =	ssyncadd.s32 $0xFFFFC000  }
0xa7: {  	[tilespmem:s20], [sflag:$0x2] =	stream.linear.gather [hbm4b:s6+s3], $0x400, $0x38;
	[tilespmem:$0x1C800] =	vst v63  }
.LBB2_7:
0xa8: {  	_ =	sfence.sel $0x180000  }
0xa9: {  	[bflag:$0x0] =	sbarrier.arrive $0xFFFF  }
0xaa: {  	_ =	strace $0x90000050  }
0xab: {  	s0 =	stileid.u32;
	[bflag:$0x2] =	sbarrier.arrive $0xFFFF  }
0xac: {  	p0 =	sne.s32 s0, $0x0;
	s0 =	rddreg [dreg:$0x2]  }
0xad: {  	s0 =	sadd.s32 @!p0 $0x100000, s0  }
0xae: {  	[sflag:s0] =	ssyncadd.tile.s32 @!p0 $0x1;
	_ =	shalt  }
.Lfunc_end2:
_tile_overlayer_lowered:
.L_overlay_start_2:
0xaf: {  	(tag) =	ssettag $0x2  }
0xb0: {  	s0 =	rddreg [dreg:$0x0];
	s2 =	stileid.u32  }
0xb1: {  	s1 =	rddreg [dreg:$0x1];
	p0 =	sne.s32 s2, $0x0  }
0xb2: {  	s3 =	rddreg [dreg:$0x2];
	[bflag:$0x3] =	sbarrier.arrive $0xFFFF;
	s2 =	simm.s32 @!p0 $0x1C05  }
0xb3: {  	[timem:s3], [sflag:s2] =	dma.local @!p0 [hbm:s0], s1  }
0xb4: {  	s0 =	simm.s32 @!p0 $0x5  }
0xb5: {  	_ =	swait.ge @!p0 [sflag:s0], s1  }
0xb6: {  	s1 =	ssub.s32 @!p0 $0x0, s1;
	[sflag:s0] =	ssyncset.done @!p0 $0x0  }
0xb7: {  	[sflag:s0] =	ssyncadd.s32 @!p0 s1  }
0xb8: {  	[bflag:$0x3] =	sbarrier.arrive $0xFFFF  }
0xb9: {  	_ =	shalt  }

</sc_bundles>
